<compile_context>
chip_gen: v7x
topology: tpu7x:2x2x1
jax: 0.10.2.dev20260603
libtpu: 0.0.44.dev20260713+nightly
codegen_flags: <defaults>
</compile_context>

<pallas_src>
import functools

import jax
import jax.numpy as jnp
from jax import lax
from jax.experimental import pallas as pl
from jax.experimental.pallas import tpu as pltpu
from jax.experimental.pallas import tpu_sc as plsc

NUM_ROWS = 1000000
PAD_COLS = 1000064
EMBED = 64
ROWP = 128
BATCH = 16384

NC = 2
NS = 16
L = 16
NW = NC * NS
B_PER_W = BATCH // NW
CU = 256
NCHUNKS = (PAD_COLS + CU - 1) // CU
TRIPS = (NCHUNKS + NW - 1) // NW
TRIPLE_TRIPS = TRIPS // 3
U0_MAX = PAD_COLS - CU
SENT = 0x7FFFFFF


def _stage_lists(src_hbm, stage, lu, lc, t):
    iota = lax.iota(jnp.int32, L)

    def group(g, cnt):
        uv = stage[pl.ds(g * L, L)]
        m = ((uv >> 8) & (NW - 1)) == t
        cs = plsc.cumsum(m.astype(jnp.int32))
        pos = cnt + cs - 1
        b = g * L + iota
        pk = (uv & 255) | (b << 8)
        plsc.store_scatter(lu, [pos], pk, mask=m)
        plsc.store_scatter(lc, [pos], uv >> 8, mask=m)
        return cnt + cs[15]

    pltpu.sync_copy(src_hbm, stage.at[pl.ds(0, BATCH)])
    cnt = lax.fori_loop(0, BATCH // L, group, jnp.int32(0))
    plsc.store_scatter(lc, [cnt + iota], jnp.full((L,), SENT, jnp.int32))
    return cnt


def _process_chunk(c, cnt, state, tab_hbm, slab, sem_slab, lu, lc, chunkbuf,
                   rowbufs, dst_hbm, sem_row, fire_next_c):
    (fired,) = state
    iota = lax.iota(jnp.int32, L)
    u0 = pl.multiple_of(jnp.minimum(c * CU, U0_MAX), 128)
    adj = c * CU - u0

    def scan(g, k):
        cv = lc[pl.ds(g * L, L)]
        m = cv == c
        cs = plsc.cumsum(m.astype(jnp.int32))
        plsc.store_scatter(chunkbuf, [k + cs - 1], lu[pl.ds(g * L, L)],
                           mask=m)
        return k + cs[15]

    k = lax.fori_loop(0, (cnt + L - 1) // L, scan, jnp.int32(0))

    pltpu.make_async_copy(tab_hbm.at[:, pl.ds(0, CU)],
                          slab.at[:, pl.ds(0, CU)], sem_slab).wait()

    def hit(h, fired):
        pk = chunkbuf[pl.ds(h, L)][0]
        col = (pk & 255) + adj
        bh = pk >> 8
        slot = fired & 15
        colv = jnp.full((L,), col, jnp.int32)
        for q in range(EMBED // L):
            dq = q * L + iota
            vals = plsc.load_gather(slab, [dq, colv])
            rowbufs[pl.ds(slot * ROWP + q * L, L)] = vals
        pltpu.async_copy(rowbufs.at[pl.ds(slot * ROWP, ROWP)],
                         dst_hbm.at[bh], sem_row)
        fired = fired + 1

        @pl.when(fired >= 16)
        def _():
            pltpu.make_async_copy(dst_hbm.at[0], rowbufs.at[pl.ds(0, ROWP)],
                                  sem_row).wait()
        return fired

    fired = lax.fori_loop(0, k, hit, fired)

    u0n = pl.multiple_of(jnp.minimum(fire_next_c * CU, U0_MAX), 128)
    pltpu.async_copy(tab_hbm.at[:, pl.ds(u0n, CU)],
                     slab.at[:, pl.ds(0, CU)], sem_slab)
    return (fired,)


def _table_pass(t, src_hbm, dst_hbm, tab_hbm, stage, lu, lc, chunkbuf,
                slabs, rowbufs, sem_slabs, sem_row):
    cnt = _stage_lists(src_hbm, stage, lu, lc, t)
    for j in range(3):
        cj = t + NW * j
        u0j = pl.multiple_of(jnp.minimum(cj * CU, U0_MAX), 128)
        pltpu.async_copy(tab_hbm.at[:, pl.ds(u0j, CU)],
                         slabs[j].at[:, pl.ds(0, CU)], sem_slabs[j])

    def triple(i, state):
        for j in range(3):
            state = _process_chunk(
                t + NW * (3 * i + j), cnt, state, tab_hbm, slabs[j],
                sem_slabs[j], lu, lc, chunkbuf, rowbufs, dst_hbm,
                sem_row, t + NW * (3 * i + j + 3))
        return state

    (fired,) = lax.fori_loop(0, TRIPLE_TRIPS, triple, (jnp.int32(0),))

    for j in range(3):
        pltpu.make_async_copy(tab_hbm.at[:, pl.ds(0, CU)],
                              slabs[j].at[:, pl.ds(0, CU)], sem_slabs[j]).wait()

    def drain(h, carry):
        pltpu.make_async_copy(dst_hbm.at[0], rowbufs.at[pl.ds(0, ROWP)],
                              sem_row).wait()
        return carry

    lax.fori_loop(0, jnp.minimum(fired, 15), drain, 0)


def _streamer_body(user_hbm, item_hbm, tu_hbm, ti_hbm, a_hbm, b_hbm,
                   lu, lc, chunkbuf, slab0, slab1, slab2, rowbufs,
                   sem_s0, sem_s1, sem_s2, sem_row):
    t = lax.axis_index("s") * NC + lax.axis_index("c")
    slabs = [slab0, slab1, slab2]
    sem_slabs = [sem_s0, sem_s1, sem_s2]
    _table_pass(t, user_hbm, a_hbm, tu_hbm, chunkbuf, lu, lc, chunkbuf,
                slabs, rowbufs, sem_slabs, sem_row)
    _table_pass(t, item_hbm, b_hbm, ti_hbm, chunkbuf, lu, lc, chunkbuf,
                slabs, rowbufs, sem_slabs, sem_row)


def _finish_body(a_hbm, b_hbm, w_hbm, out_hbm, rows_a, rows_b, w_v, out_v, sem):
    t = lax.axis_index("s") * NC + lax.axis_index("c")
    base = t * B_PER_W
    ca = pltpu.async_copy(
        a_hbm.at[pl.ds(base, B_PER_W), pl.ds(0, EMBED)], rows_a, sem)
    cb = pltpu.async_copy(
        b_hbm.at[pl.ds(base, B_PER_W), pl.ds(0, EMBED)], rows_b, sem)
    pltpu.sync_copy(w_hbm, w_v)
    ca.wait()
    cb.wait()
    wq = [w_v[pl.ds(q * L, L)] for q in range(EMBED // L)]
    lane = lax.iota(jnp.int32, L)

    def elem(b, carry):
        ur = rows_a.at[b]
        ir = rows_b.at[b]
        s = ur[pl.ds(0, L)] * ir[pl.ds(0, L)] * wq[0]
        for q in range(1, EMBED // L):
            s = s + ur[pl.ds(q * L, L)] * ir[pl.ds(q * L, L)] * wq[q]
        tot = jnp.sum(s)
        plsc.store_scatter(out_v, [jnp.full((L,), b, jnp.int32)],
                           jnp.full((L,), 0.0, jnp.float32) + tot,
                           mask=lane < 1)
        return carry

    lax.fori_loop(0, B_PER_W, elem, 0, unroll=4)

    def group(g, carry):
        v = out_v[pl.ds(g * L, L)]
        out_v[pl.ds(g * L, L)] = 1.0 / (1.0 + jnp.exp(-v))
        return carry

    lax.fori_loop(0, B_PER_W // L, group, 0, unroll=4)
    pltpu.sync_copy(out_v, out_hbm.at[pl.ds(base, B_PER_W)])


def kernel(user, item, user_table, item_table, edge_weight):
    mesh = plsc.VectorSubcoreMesh(
        core_axis_name="c", subcore_axis_name="s", num_cores=NC, num_subcores=NS)
    streamer = functools.partial(
        pl.kernel,
        out_type=(jax.ShapeDtypeStruct((BATCH, ROWP), jnp.float32),
                  jax.ShapeDtypeStruct((BATCH, ROWP), jnp.float32)),
        mesh=mesh,
        compiler_params=pltpu.CompilerParams(
            needs_layout_passes=False, use_tc_tiling_on_sc=True),
        scratch_types=[
            pltpu.VMEM((BATCH + L,), jnp.int32),
            pltpu.VMEM((BATCH + L,), jnp.int32),
            pltpu.VMEM((BATCH + L,), jnp.int32),
            pltpu.VMEM((EMBED, CU + 1), jnp.float32),
            pltpu.VMEM((EMBED, CU + 1), jnp.float32),
            pltpu.VMEM((EMBED, CU + 1), jnp.float32),
            pltpu.VMEM((16 * ROWP,), jnp.float32),
            pltpu.SemaphoreType.DMA,
            pltpu.SemaphoreType.DMA,
            pltpu.SemaphoreType.DMA,
            pltpu.SemaphoreType.DMA,
        ],
    )(_streamer_body)
    finisher = functools.partial(
        pl.kernel,
        out_type=jax.ShapeDtypeStruct((BATCH,), jnp.float32),
        mesh=mesh,
        compiler_params=pltpu.CompilerParams(
            needs_layout_passes=False, use_tc_tiling_on_sc=False),
        scratch_types=[
            pltpu.VMEM((B_PER_W, EMBED), jnp.float32),
            pltpu.VMEM((B_PER_W, EMBED), jnp.float32),
            pltpu.VMEM((EMBED,), jnp.float32),
            pltpu.VMEM((B_PER_W,), jnp.float32),
            pltpu.SemaphoreType.DMA,
        ],
    )(_finish_body)

    a, b = streamer(user.astype(jnp.int32), item.astype(jnp.int32),
                    user_table.T, item_table.T)
    return finisher(a, b, edge_weight.reshape(EMBED))

# --- scband reference (transcript-rebuilt; emitter-appended) ---
"""Pipeline reference for scband-generalized-matrix-factorization-model-24464133718081 (READ-ONLY COPY).

The authoritative reference and input builder live on the scoring server;
editing this copy changes nothing except your own understanding.
"""

import jax, jax.numpy as jnp
import numpy as np

NUM_USERS = 1000000
NUM_ITEMS = 1000000
EMBED = 64
BATCH = 16384

def setup_inputs(seed: int = 0) -> dict:
    key = jax.random.key(seed)
    k1, k2, k3, k4, k5 = jax.random.split(key, 5)
    user = jax.random.randint(k1, (BATCH,), 0, NUM_USERS, dtype=jnp.int64 if jax.config.jax_enable_x64 else jnp.int32)
    item = jax.random.randint(k2, (BATCH,), 0, NUM_ITEMS, dtype=jnp.int64 if jax.config.jax_enable_x64 else jnp.int32)
    # Glorot-uniform style init for embedding tables and edge weight
    lim_u = np.sqrt(6.0 / (NUM_USERS + EMBED))
    lim_i = np.sqrt(6.0 / (NUM_ITEMS + EMBED))
    lim_h = np.sqrt(6.0 / (EMBED + 1))
    user_table = jax.random.uniform(k3, (NUM_USERS, EMBED), minval=-lim_u, maxval=lim_u, dtype=jnp.float32)
    item_table = jax.random.uniform(k4, (NUM_ITEMS, EMBED), minval=-lim_i, maxval=lim_i, dtype=jnp.float32)
    edge_weight = jax.random.uniform(k5, (EMBED, 1), minval=-lim_h, maxval=lim_h, dtype=jnp.float32)
    return {"user": user, "item": item, "user_table": user_table, "item_table": item_table, "edge_weight": edge_weight}

def reference(user, item, user_table, item_table, edge_weight):
    # Embedding lookups (SparseCore gathers)
    user_mf_e = jnp.take(user_table, user, axis=0)   # [B, D]
    item_mf_e = jnp.take(item_table, item, axis=0)   # [B, D]
    mf_output = user_mf_e * item_mf_e                # [B, D]
    logits = jnp.matmul(mf_output, edge_weight)      # [B, 1]
    out = jax.nn.sigmoid(logits)                     # is_edge_weight_train=True -> sigmoid
    return jnp.squeeze(out, axis=-1)                 # [B]

if __name__ == "__main__":
    import jax
    _d = setup_inputs()
    print(jax.jit(kernel)(*tuple(_d.values())))

</pallas_src>

<mosaic_0001>
#map = affine_map<(d0, d1) -> (0)>
#map1 = affine_map<(d0, d1) -> (0, 0)>
module attributes {stable_mosaic.version = 14 : i64} {
  func.func @_streamer_body(%arg0: i32, %arg1: i32, %arg2: memref<16384xi32, #tpu.memory_space<hbm>>, %arg3: memref<16384xi32, #tpu.memory_space<hbm>>, %arg4: memref<64x1000000xf32, #tpu.memory_space<hbm>>, %arg5: memref<64x1000000xf32, #tpu.memory_space<hbm>>, %arg6: memref<16384x128xf32, #tpu.memory_space<hbm>>, %arg7: memref<16384x128xf32, #tpu.memory_space<hbm>>, %arg8: memref<16400xi32, #tpu.memory_space<vmem>>, %arg9: memref<16400xi32, #tpu.memory_space<vmem>>, %arg10: memref<16400xi32, #tpu.memory_space<vmem>>, %arg11: memref<64x257xf32, #tpu.memory_space<vmem>>, %arg12: memref<64x257xf32, #tpu.memory_space<vmem>>, %arg13: memref<64x257xf32, #tpu.memory_space<vmem>>, %arg14: memref<2048xf32, #tpu.memory_space<vmem>>, %arg15: memref<!tpu.dma_semaphore, #tpu.memory_space<semaphore_mem>>, %arg16: memref<!tpu.dma_semaphore, #tpu.memory_space<semaphore_mem>>, %arg17: memref<!tpu.dma_semaphore, #tpu.memory_space<semaphore_mem>>, %arg18: memref<!tpu.dma_semaphore, #tpu.memory_space<semaphore_mem>>) attributes {dimension_semantics = [#tpu.dimension_semantics<core_parallel>, #tpu.dimension_semantics<subcore_parallel>], iteration_bounds = array<i64: 2, 16>, scalar_prefetch = 0 : i64, scratch_operands = 11 : i64, tpu.core_type = #tpu.core_type<sc_vector_subcore>, window_params = [{transform_indices = #map}, {transform_indices = #map}, {transform_indices = #map1}, {transform_indices = #map1}, {transform_indices = #map1}, {transform_indices = #map1}]} {
    %mul3A = arith.constant 2 : i32
    %mul3A_0 = arith.muli %arg1, %mul3A : i32
    %add3A = arith.addi %mul3A_0, %arg0 : i32
    %iota3A = tpu.iota {dimensions = array<i32: 0>} : vector<16xi32>
    "tpu.region"() ({
      %run_scoped3A = tpu.sem_alloc : memref<!tpu.dma_semaphore, #tpu.memory_space<semaphore_mem>>
      %dma_start3A_229 = arith.constant 0 : i32
      %dma_start3A_230 = tpu.memref_slice %arg10[%dma_start3A_229] : memref<16400xi32, #tpu.memory_space<vmem>> -> memref<16384xi32, #tpu.memory_space<vmem>>
      %dma_start3A_231 = arith.constant 0 : i32
      %dma_start3A_232 = tpu.memref_slice %arg10[%dma_start3A_231] : memref<16400xi32, #tpu.memory_space<vmem>> -> memref<16384xi32, #tpu.memory_space<vmem>>
      tpu.enqueue_dma source(%arg2 : memref<16384xi32, #tpu.memory_space<hbm>>) target(%dma_start3A_232 : memref<16384xi32, #tpu.memory_space<vmem>>) target_semaphore(%run_scoped3A : memref<!tpu.dma_semaphore, #tpu.memory_space<semaphore_mem>>)
      %dma_wait3A_233 = arith.constant 0 : i32
      %dma_wait3A_234 = tpu.memref_slice %arg10[%dma_wait3A_233] : memref<16400xi32, #tpu.memory_space<vmem>> -> memref<16384xi32, #tpu.memory_space<vmem>>
      %dma_wait3A_235 = arith.constant 0 : i32
      %dma_wait3A_236 = tpu.memref_slice %arg10[%dma_wait3A_235] : memref<16400xi32, #tpu.memory_space<vmem>> -> memref<16384xi32, #tpu.memory_space<vmem>>
      tpu.wait_dma2 semaphore(%run_scoped3A : memref<!tpu.dma_semaphore, #tpu.memory_space<semaphore_mem>>) src(%arg2 : memref<16384xi32, #tpu.memory_space<hbm>>) dst(%dma_wait3A_236 : memref<16384xi32, #tpu.memory_space<vmem>>)
      tpu.yield
    }) : () -> ()
    %scan3A = arith.constant 0 : i32
    %scan3A_1 = arith.constant 0 : i32
    %scan3A_2 = arith.constant 1024 : i32
    %scan3A_3 = arith.addi %scan3A_1, %scan3A_2 : i32
    %scan3A_4 = arith.constant 1 : i32
    %scan3A_5 = scf.for %scan3A_229 = %scan3A_1 to %scan3A_3 step %scan3A_4 iter_args(%scan3A_230 = %scan3A) -> (i32)  : i32 {
      %mul3A_231 = arith.constant 16 : i32
      %mul3A_232 = arith.muli %scan3A_229, %mul3A_231 : i32
      %get3A = arith.index_cast %mul3A_232 : i32 to index
      %get3A_233 = tpu.vector_load %arg10[%get3A] {strides = array<i32>} : memref<16400xi32, #tpu.memory_space<vmem>>, vector<16xi32>,
      %shift_right_arithmetic3A = arith.constant 8 : i32
      %shift_right_arithmetic3A_234 = vector.broadcast %shift_right_arithmetic3A : i32 to vector<16xi32>
      %shift_right_arithmetic3A_235 = arith.shrsi %get3A_233, %shift_right_arithmetic3A_234 : vector<16xi32>
      %and3A = arith.constant 31 : i32
      %and3A_236 = vector.broadcast %and3A : i32 to vector<16xi32>
      %and3A_237 = arith.andi %shift_right_arithmetic3A_235, %and3A_236 : vector<16xi32>
      %eq3A = vector.broadcast %add3A : i32 to vector<16xi32>
      %eq3A_238 = arith.cmpi eq, %and3A_237, %eq3A : vector<16xi32>
      %convert_element_type3A = arith.extui %eq3A_238 : vector<16xi1> to vector<16xi32>
      %broadcast_in_dim3A_239 = arith.constant true
      %broadcast_in_dim3A_240 = vector.broadcast %broadcast_in_dim3A_239 : i1 to vector<16xi1>
      %masked_cumsum3A = tpu.scan <sum>, %convert_element_type3A masked %broadcast_in_dim3A_240 : vector<16xi32>, vector<16xi1> -> vector<16xi32>
      %add3A_241 = vector.broadcast %scan3A_230 : i32 to vector<16xi32>
      %add3A_242 = arith.addi %add3A_241, %masked_cumsum3A : vector<16xi32>
      %sub3A = arith.constant 1 : i32
      %sub3A_243 = vector.broadcast %sub3A : i32 to vector<16xi32>
      %sub3A_244 = arith.subi %add3A_242, %sub3A_243 : vector<16xi32>
      %mul3A_245 = arith.constant 16 : i32
      %mul3A_246 = arith.muli %scan3A_229, %mul3A_245 : i32
      %add3A_247 = vector.broadcast %mul3A_246 : i32 to vector<16xi32>
      %add3A_248 = arith.addi %add3A_247, %iota3A : vector<16xi32>
      %and3A_249 = arith.constant 255 : i32
      %and3A_250 = vector.broadcast %and3A_249 : i32 to vector<16xi32>
      %and3A_251 = arith.andi %get3A_233, %and3A_250 : vector<16xi32>
      %shift_left3A = arith.constant 8 : i32
      %shift_left3A_252 = vector.broadcast %shift_left3A : i32 to vector<16xi32>
      %shift_left3A_253 = arith.shli %add3A_248, %shift_left3A_252 : vector<16xi32>
      %or3A = arith.ori %and3A_251, %shift_left3A_253 : vector<16xi32>
      tpu.vector_store_idx %arg8[%sub3A_244], %or3A masked %eq3A_238 : memref<16400xi32, #tpu.memory_space<vmem>>[vector<16xi32>], vector<16xi32>, vector<16xi1>
      %shift_right_arithmetic3A_254 = arith.constant 8 : i32
      %shift_right_arithmetic3A_255 = vector.broadcast %shift_right_arithmetic3A_254 : i32 to vector<16xi32>
      %shift_right_arithmetic3A_256 = arith.shrsi %get3A_233, %shift_right_arithmetic3A_255 : vector<16xi32>
      tpu.vector_store_idx %arg9[%sub3A_244], %shift_right_arithmetic3A_256 masked %eq3A_238 : memref<16400xi32, #tpu.memory_space<vmem>>[vector<16xi32>], vector<16xi32>, vector<16xi1>
      %slice3A = vector.extract_strided_slice %masked_cumsum3A {offsets = [15], sizes = [1], strides = [1]} : vector<16xi32> to vector<1xi32>
      %squeeze3A = vector.extract %slice3A[0] : i32 from vector<1xi32>
      %add3A_257 = arith.addi %scan3A_230, %squeeze3A : i32
      scf.yield %add3A_257 : i32
    }
    %scan3A_6 = arith.constant 1024 : i32
    %add3A_7 = vector.broadcast %scan3A_5 : i32 to vector<16xi32>
    %add3A_8 = arith.addi %add3A_7, %iota3A : vector<16xi32>
    %broadcast_in_dim3A = arith.constant 134217727 : i32
    %broadcast_in_dim3A_9 = vector.broadcast %broadcast_in_dim3A : i32 to vector<16xi32>
    tpu.vector_store_idx %arg9[%add3A_8], %broadcast_in_dim3A_9 : memref<16400xi32, #tpu.memory_space<vmem>>[vector<16xi32>], vector<16xi32>,
    %add3A_10 = arith.constant 0 : i32
    %add3A_11 = arith.addi %add3A, %add3A_10 : i32
    %mul3A_12 = arith.constant 256 : i32
    %mul3A_13 = arith.muli %add3A_11, %mul3A_12 : i32
    %min3A = arith.constant 999808 : i32
    %min3A_14 = arith.minsi %mul3A_13, %min3A : i32
    %multiple_of3A = tpu.assume_multiple %min3A_14, 128 : i32
    %dma_start3A = arith.constant 0 : i32
    %dma_start3A_15 = arith.constant 0 : i32
    %dma_start3A_16 = tpu.memref_slice %arg11[%dma_start3A, %dma_start3A_15] : memref<64x257xf32, #tpu.memory_space<vmem>> -> memref<64x256xf32, #tpu.memory_space<vmem>>
    %dma_start3A_17 = arith.constant 0 : i32
    %dma_start3A_18 = tpu.memref_slice %arg4[%dma_start3A_17, %multiple_of3A] : memref<64x1000000xf32, #tpu.memory_space<hbm>> -> memref<64x256xf32, #tpu.memory_space<hbm>>
    %dma_start3A_19 = arith.constant 0 : i32
    %dma_start3A_20 = arith.constant 0 : i32
    %dma_start3A_21 = tpu.memref_slice %arg11[%dma_start3A_19, %dma_start3A_20] : memref<64x257xf32, #tpu.memory_space<vmem>> -> memref<64x256xf32, #tpu.memory_space<vmem>>
    %dma_start3A_22 = arith.constant 0 : i32
    %dma_start3A_23 = tpu.memref_slice %arg4[%dma_start3A_22, %multiple_of3A] : memref<64x1000000xf32, #tpu.memory_space<hbm>> -> memref<64x256xf32, #tpu.memory_space<hbm>>
    tpu.enqueue_dma source(%dma_start3A_23 : memref<64x256xf32, #tpu.memory_space<hbm>>) target(%dma_start3A_21 : memref<64x256xf32, #tpu.memory_space<vmem>>) target_semaphore(%arg15 : memref<!tpu.dma_semaphore, #tpu.memory_space<semaphore_mem>>)
    %add3A_24 = arith.constant 32 : i32
    %add3A_25 = arith.addi %add3A, %add3A_24 : i32
    %mul3A_26 = arith.constant 256 : i32
    %mul3A_27 = arith.muli %add3A_25, %mul3A_26 : i32
    %min3A_28 = arith.constant 999808 : i32
    %min3A_29 = arith.minsi %mul3A_27, %min3A_28 : i32
    %multiple_of3A_30 = tpu.assume_multiple %min3A_29, 128 : i32
    %dma_start3A_31 = arith.constant 0 : i32
    %dma_start3A_32 = arith.constant 0 : i32
    %dma_start3A_33 = tpu.memref_slice %arg12[%dma_start3A_31, %dma_start3A_32] : memref<64x257xf32, #tpu.memory_space<vmem>> -> memref<64x256xf32, #tpu.memory_space<vmem>>
    %dma_start3A_34 = arith.constant 0 : i32
    %dma_start3A_35 = tpu.memref_slice %arg4[%dma_start3A_34, %multiple_of3A_30] : memref<64x1000000xf32, #tpu.memory_space<hbm>> -> memref<64x256xf32, #tpu.memory_space<hbm>>
    %dma_start3A_36 = arith.constant 0 : i32
    %dma_start3A_37 = arith.constant 0 : i32
    %dma_start3A_38 = tpu.memref_slice %arg12[%dma_start3A_36, %dma_start3A_37] : memref<64x257xf32, #tpu.memory_space<vmem>> -> memref<64x256xf32, #tpu.memory_space<vmem>>
    %dma_start3A_39 = arith.constant 0 : i32
    %dma_start3A_40 = tpu.memref_slice %arg4[%dma_start3A_39, %multiple_of3A_30] : memref<64x1000000xf32, #tpu.memory_space<hbm>> -> memref<64x256xf32, #tpu.memory_space<hbm>>
    tpu.enqueue_dma source(%dma_start3A_40 : memref<64x256xf32, #tpu.memory_space<hbm>>) target(%dma_start3A_38 : memref<64x256xf32, #tpu.memory_space<vmem>>) target_semaphore(%arg16 : memref<!tpu.dma_semaphore, #tpu.memory_space<semaphore_mem>>)
    %add3A_41 = arith.constant 64 : i32
    %add3A_42 = arith.addi %add3A, %add3A_41 : i32
    %mul3A_43 = arith.constant 256 : i32
    %mul3A_44 = arith.muli %add3A_42, %mul3A_43 : i32
    %min3A_45 = arith.constant 999808 : i32
    %min3A_46 = arith.minsi %mul3A_44, %min3A_45 : i32
    %multiple_of3A_47 = tpu.assume_multiple %min3A_46, 128 : i32
    %dma_start3A_48 = arith.constant 0 : i32
    %dma_start3A_49 = arith.constant 0 : i32
    %dma_start3A_50 = tpu.memref_slice %arg13[%dma_start3A_48, %dma_start3A_49] : memref<64x257xf32, #tpu.memory_space<vmem>> -> memref<64x256xf32, #tpu.memory_space<vmem>>
    %dma_start3A_51 = arith.constant 0 : i32
    %dma_start3A_52 = tpu.memref_slice %arg4[%dma_start3A_51, %multiple_of3A_47] : memref<64x1000000xf32, #tpu.memory_space<hbm>> -> memref<64x256xf32, #tpu.memory_space<hbm>>
    %dma_start3A_53 = arith.constant 0 : i32
    %dma_start3A_54 = arith.constant 0 : i32
    %dma_start3A_55 = tpu.memref_slice %arg13[%dma_start3A_53, %dma_start3A_54] : memref<64x257xf32, #tpu.memory_space<vmem>> -> memref<64x256xf32, #tpu.memory_space<vmem>>
    %dma_start3A_56 = arith.constant 0 : i32
    %dma_start3A_57 = tpu.memref_slice %arg4[%dma_start3A_56, %multiple_of3A_47] : memref<64x1000000xf32, #tpu.memory_space<hbm>> -> memref<64x256xf32, #tpu.memory_space<hbm>>
    tpu.enqueue_dma source(%dma_start3A_57 : memref<64x256xf32, #tpu.memory_space<hbm>>) target(%dma_start3A_55 : memref<64x256xf32, #tpu.memory_space<vmem>>) target_semaphore(%arg17 : memref<!tpu.dma_semaphore, #tpu.memory_space<semaphore_mem>>)
    %scan3A_58 = arith.constant 0 : i32
    %scan3A_59 = arith.constant 0 : i32
    %scan3A_60 = arith.constant 41 : i32
    %scan3A_61 = arith.addi %scan3A_59, %scan3A_60 : i32
    %scan3A_62 = arith.constant 1 : i32
    %scan3A_63 = scf.for %scan3A_229 = %scan3A_59 to %scan3A_61 step %scan3A_62 iter_args(%scan3A_230 = %scan3A_58) -> (i32)  : i32 {
      %mul3A_231 = arith.constant 3 : i32
      %mul3A_232 = arith.muli %mul3A_231, %scan3A_229 : i32
      %add3A_233 = arith.constant 0 : i32
      %add3A_234 = arith.addi %mul3A_232, %add3A_233 : i32
      %mul3A_235 = arith.constant 32 : i32
      %mul3A_236 = arith.muli %mul3A_235, %add3A_234 : i32
      %add3A_237 = arith.addi %add3A, %mul3A_236 : i32
      %mul3A_238 = arith.constant 3 : i32
      %mul3A_239 = arith.muli %mul3A_238, %scan3A_229 : i32
      %add3A_240 = arith.constant 0 : i32
      %add3A_241 = arith.addi %mul3A_239, %add3A_240 : i32
      %add3A_242 = arith.constant 3 : i32
      %add3A_243 = arith.addi %add3A_241, %add3A_242 : i32
      %mul3A_244 = arith.constant 32 : i32
      %mul3A_245 = arith.muli %mul3A_244, %add3A_243 : i32
      %add3A_246 = arith.addi %add3A, %mul3A_245 : i32
      %iota3A_247 = tpu.iota {dimensions = array<i32: 0>} : vector<16xi32>
      %mul3A_248 = arith.constant 256 : i32
      %mul3A_249 = arith.muli %add3A_237, %mul3A_248 : i32
      %min3A_250 = arith.constant 999808 : i32
      %min3A_251 = arith.minsi %mul3A_249, %min3A_250 : i32
      %multiple_of3A_252 = tpu.assume_multiple %min3A_251, 128 : i32
      %mul3A_253 = arith.constant 256 : i32
      %mul3A_254 = arith.muli %add3A_237, %mul3A_253 : i32
      %sub3A = arith.subi %mul3A_254, %multiple_of3A_252 : i32
      %add3A_255 = arith.constant 16 : i32
      %add3A_256 = arith.addi %scan3A_5, %add3A_255 : i32
      %sub3A_257 = arith.constant 1 : i32
      %sub3A_258 = arith.subi %add3A_256, %sub3A_257 : i32
      %jit3A = arith.constant 16 : i32
      %div3A = arith.divsi %sub3A_258, %jit3A : i32
      %sign3A = arith.constant 0 : i32
      %sign3A_259 = arith.cmpi sgt, %sub3A_258, %sign3A : i32
      %sign3A_260 = arith.extui %sign3A_259 : i1 to i32
      %sign3A_261 = arith.constant 0 : i32
      %sign3A_262 = arith.cmpi slt, %sub3A_258, %sign3A_261 : i32
      %sign3A_263 = arith.extui %sign3A_262 : i1 to i32
      %sign3A_264 = arith.subi %sign3A_260, %sign3A_263 : i32
      %sign3A_265 = arith.constant 0 : i32
      %sign3A_266 = arith.cmpi sgt, %jit3A, %sign3A_265 : i32
      %sign3A_267 = arith.extui %sign3A_266 : i1 to i32
      %sign3A_268 = arith.constant 0 : i32
      %sign3A_269 = arith.cmpi slt, %jit3A, %sign3A_268 : i32
      %sign3A_270 = arith.extui %sign3A_269 : i1 to i32
      %sign3A_271 = arith.subi %sign3A_267, %sign3A_270 : i32
      %ne3A = arith.cmpi ne, %sign3A_264, %sign3A_271 : i32
      %rem3A = arith.remsi %sub3A_258, %jit3A : i32
      %ne3A_272 = arith.constant 0 : i32
      %ne3A_273 = arith.cmpi ne, %rem3A, %ne3A_272 : i32
      %and3A = arith.andi %ne3A, %ne3A_273 : i1
      %sub3A_274 = arith.constant 1 : i32
      %sub3A_275 = arith.subi %div3A, %sub3A_274 : i32
      %select_n3A = arith.select %and3A, %sub3A_275, %div3A : i32
      %while3A_276 = arith.constant 0 : i32
      %while3A_277 = arith.constant 0 : i32
      %while3A_278 = arith.subi %select_n3A, %while3A_276 : i32
      %while3A_279 = arith.addi %while3A_276, %while3A_278 : i32
      %while3A_280 = arith.constant 1 : i32
      %while3A_281 = arith.divsi %while3A_278, %while3A_280 : i32
      %while3A_282 = arith.muli %while3A_281, %while3A_280 : i32
      %while3A_283 = arith.addi %while3A_276, %while3A_282 : i32
      %while3A_284 = arith.constant 1 : i32
      %while3A_285 = scf.for %while3A_532 = %while3A_276 to %while3A_283 step %while3A_284 iter_args(%while3A_533 = %while3A_277) -> (i32)  : i32 {
        %mul3A_534 = arith.constant 16 : i32
        %mul3A_535 = arith.muli %while3A_532, %mul3A_534 : i32
        %get3A = arith.index_cast %mul3A_535 : i32 to index
        %get3A_536 = tpu.vector_load %arg9[%get3A] {strides = array<i32>} : memref<16400xi32, #tpu.memory_space<vmem>>, vector<16xi32>,
        %eq3A = vector.broadcast %add3A_237 : i32 to vector<16xi32>
        %eq3A_537 = arith.cmpi eq, %get3A_536, %eq3A : vector<16xi32>
        %convert_element_type3A = arith.extui %eq3A_537 : vector<16xi1> to vector<16xi32>
        %broadcast_in_dim3A_538 = arith.constant true
        %broadcast_in_dim3A_539 = vector.broadcast %broadcast_in_dim3A_538 : i1 to vector<16xi1>
        %masked_cumsum3A = tpu.scan <sum>, %convert_element_type3A masked %broadcast_in_dim3A_539 : vector<16xi32>, vector<16xi1> -> vector<16xi32>
        %add3A_540 = vector.broadcast %while3A_533 : i32 to vector<16xi32>
        %add3A_541 = arith.addi %add3A_540, %masked_cumsum3A : vector<16xi32>
        %sub3A_542 = arith.constant 1 : i32
        %sub3A_543 = vector.broadcast %sub3A_542 : i32 to vector<16xi32>
        %sub3A_544 = arith.subi %add3A_541, %sub3A_543 : vector<16xi32>
        %mul3A_545 = arith.constant 16 : i32
        %mul3A_546 = arith.muli %while3A_532, %mul3A_545 : i32
        %get3A_547 = arith.index_cast %mul3A_546 : i32 to index
        %get3A_548 = tpu.vector_load %arg8[%get3A_547] {strides = array<i32>} : memref<16400xi32, #tpu.memory_space<vmem>>, vector<16xi32>,
        tpu.vector_store_idx %arg10[%sub3A_544], %get3A_548 masked %eq3A_537 : memref<16400xi32, #tpu.memory_space<vmem>>[vector<16xi32>], vector<16xi32>, vector<16xi1>
        %slice3A = vector.extract_strided_slice %masked_cumsum3A {offsets = [15], sizes = [1], strides = [1]} : vector<16xi32> to vector<1xi32>
        %squeeze3A = vector.extract %slice3A[0] : i32 from vector<1xi32>
        %add3A_549 = arith.addi %while3A_533, %squeeze3A : i32
        scf.yield %add3A_549 : i32
      }
      %while3A_286 = arith.constant 1 : i32
      %while3A_287 = scf.for %while3A_532 = %while3A_283 to %while3A_279 step %while3A_286 iter_args(%while3A_533 = %while3A_285) -> (i32)  : i32 {
        %mul3A_534 = arith.constant 16 : i32
        %mul3A_535 = arith.muli %while3A_532, %mul3A_534 : i32
        %get3A = arith.index_cast %mul3A_535 : i32 to index
        %get3A_536 = tpu.vector_load %arg9[%get3A] {strides = array<i32>} : memref<16400xi32, #tpu.memory_space<vmem>>, vector<16xi32>,
        %eq3A = vector.broadcast %add3A_237 : i32 to vector<16xi32>
        %eq3A_537 = arith.cmpi eq, %get3A_536, %eq3A : vector<16xi32>
        %convert_element_type3A = arith.extui %eq3A_537 : vector<16xi1> to vector<16xi32>
        %broadcast_in_dim3A_538 = arith.constant true
        %broadcast_in_dim3A_539 = vector.broadcast %broadcast_in_dim3A_538 : i1 to vector<16xi1>
        %masked_cumsum3A = tpu.scan <sum>, %convert_element_type3A masked %broadcast_in_dim3A_539 : vector<16xi32>, vector<16xi1> -> vector<16xi32>
        %add3A_540 = vector.broadcast %while3A_533 : i32 to vector<16xi32>
        %add3A_541 = arith.addi %add3A_540, %masked_cumsum3A : vector<16xi32>
        %sub3A_542 = arith.constant 1 : i32
        %sub3A_543 = vector.broadcast %sub3A_542 : i32 to vector<16xi32>
        %sub3A_544 = arith.subi %add3A_541, %sub3A_543 : vector<16xi32>
        %mul3A_545 = arith.constant 16 : i32
        %mul3A_546 = arith.muli %while3A_532, %mul3A_545 : i32
        %get3A_547 = arith.index_cast %mul3A_546 : i32 to index
        %get3A_548 = tpu.vector_load %arg8[%get3A_547] {strides = array<i32>} : memref<16400xi32, #tpu.memory_space<vmem>>, vector<16xi32>,
        tpu.vector_store_idx %arg10[%sub3A_544], %get3A_548 masked %eq3A_537 : memref<16400xi32, #tpu.memory_space<vmem>>[vector<16xi32>], vector<16xi32>, vector<16xi1>
        %slice3A = vector.extract_strided_slice %masked_cumsum3A {offsets = [15], sizes = [1], strides = [1]} : vector<16xi32> to vector<1xi32>
        %squeeze3A = vector.extract %slice3A[0] : i32 from vector<1xi32>
        %add3A_549 = arith.addi %while3A_533, %squeeze3A : i32
        scf.yield %add3A_549 : i32
      }
      %dma_wait3A_288 = arith.constant 0 : i32
      %dma_wait3A_289 = arith.constant 0 : i32
      %dma_wait3A_290 = tpu.memref_slice %arg11[%dma_wait3A_288, %dma_wait3A_289] : memref<64x257xf32, #tpu.memory_space<vmem>> -> memref<64x256xf32, #tpu.memory_space<vmem>>
      %dma_wait3A_291 = arith.constant 0 : i32
      %dma_wait3A_292 = arith.constant 0 : i32
      %dma_wait3A_293 = tpu.memref_slice %arg4[%dma_wait3A_291, %dma_wait3A_292] : memref<64x1000000xf32, #tpu.memory_space<hbm>> -> memref<64x256xf32, #tpu.memory_space<hbm>>
      %dma_wait3A_294 = arith.constant 0 : i32
      %dma_wait3A_295 = arith.constant 0 : i32
      %dma_wait3A_296 = tpu.memref_slice %arg11[%dma_wait3A_294, %dma_wait3A_295] : memref<64x257xf32, #tpu.memory_space<vmem>> -> memref<64x256xf32, #tpu.memory_space<vmem>>
      %dma_wait3A_297 = arith.constant 0 : i32
      %dma_wait3A_298 = arith.constant 0 : i32
      %dma_wait3A_299 = tpu.memref_slice %arg4[%dma_wait3A_297, %dma_wait3A_298] : memref<64x1000000xf32, #tpu.memory_space<hbm>> -> memref<64x256xf32, #tpu.memory_space<hbm>>
      tpu.wait_dma2 semaphore(%arg15 : memref<!tpu.dma_semaphore, #tpu.memory_space<semaphore_mem>>) src(%dma_wait3A_299 : memref<64x256xf32, #tpu.memory_space<hbm>>) dst(%dma_wait3A_296 : memref<64x256xf32, #tpu.memory_space<vmem>>)
      %while3A_300 = arith.constant 0 : i32
      %while3A_301 = arith.subi %while3A_287, %while3A_300 : i32
      %while3A_302 = arith.addi %while3A_300, %while3A_301 : i32
      %while3A_303 = arith.constant 1 : i32
      %while3A_304 = arith.divsi %while3A_301, %while3A_303 : i32
      %while3A_305 = arith.muli %while3A_304, %while3A_303 : i32
      %while3A_306 = arith.addi %while3A_300, %while3A_305 : i32
      %while3A_307 = arith.constant 1 : i32
      %while3A_308 = scf.for %while3A_532 = %while3A_300 to %while3A_306 step %while3A_307 iter_args(%while3A_533 = %scan3A_230) -> (i32)  : i32 {
        %get3A = arith.index_cast %while3A_532 : i32 to index
        %get3A_534 = tpu.vector_load %arg10[%get3A] {strides = array<i32>} : memref<16400xi32, #tpu.memory_space<vmem>>, vector<16xi32>,
        %slice3A = vector.extract_strided_slice %get3A_534 {offsets = [0], sizes = [1], strides = [1]} : vector<16xi32> to vector<1xi32>
        %squeeze3A = vector.extract %slice3A[0] : i32 from vector<1xi32>
        %and3A_535 = arith.constant 255 : i32
        %and3A_536 = arith.andi %squeeze3A, %and3A_535 : i32
        %add3A_537 = arith.addi %and3A_536, %sub3A : i32
        %shift_right_arithmetic3A = arith.constant 8 : i32
        %shift_right_arithmetic3A_538 = arith.shrsi %squeeze3A, %shift_right_arithmetic3A : i32
        %and3A_539 = arith.constant 15 : i32
        %and3A_540 = arith.andi %while3A_533, %and3A_539 : i32
        %broadcast_in_dim3A_541 = vector.broadcast %add3A_537 : i32 to vector<16xi32>
        %add3A_542 = arith.constant 0 : i32
        %add3A_543 = vector.broadcast %add3A_542 : i32 to vector<16xi32>
        %add3A_544 = arith.addi %add3A_543, %iota3A_247 : vector<16xi32>
        %gather3A = tpu.vector_load_idx %arg11[%add3A_544, %broadcast_in_dim3A_541] : memref<64x257xf32, #tpu.memory_space<vmem>>[vector<16xi32>, vector<16xi32>], vector<16xf32>,
        %mul3A_545 = arith.constant 128 : i32
        %mul3A_546 = arith.muli %and3A_540, %mul3A_545 : i32
        %add3A_547 = arith.constant 0 : i32
        %add3A_548 = arith.addi %mul3A_546, %add3A_547 : i32
        %swap3A = arith.index_cast %add3A_548 : i32 to index
        %swap3A_549 = tpu.vector_load %arg14[%swap3A] {strides = array<i32>} : memref<2048xf32, #tpu.memory_space<vmem>>, vector<16xf32>,
        tpu.vector_store %arg14[%swap3A], %gather3A {strides = array<i32>} : memref<2048xf32, #tpu.memory_space<vmem>>, vector<16xf32>,
        %add3A_550 = arith.constant 16 : i32
        %add3A_551 = vector.broadcast %add3A_550 : i32 to vector<16xi32>
        %add3A_552 = arith.addi %add3A_551, %iota3A_247 : vector<16xi32>
        %gather3A_553 = tpu.vector_load_idx %arg11[%add3A_552, %broadcast_in_dim3A_541] : memref<64x257xf32, #tpu.memory_space<vmem>>[vector<16xi32>, vector<16xi32>], vector<16xf32>,
        %mul3A_554 = arith.constant 128 : i32
        %mul3A_555 = arith.muli %and3A_540, %mul3A_554 : i32
        %add3A_556 = arith.constant 16 : i32
        %add3A_557 = arith.addi %mul3A_555, %add3A_556 : i32
        %swap3A_558 = arith.index_cast %add3A_557 : i32 to index
        %swap3A_559 = tpu.vector_load %arg14[%swap3A_558] {strides = array<i32>} : memref<2048xf32, #tpu.memory_space<vmem>>, vector<16xf32>,
        tpu.vector_store %arg14[%swap3A_558], %gather3A_553 {strides = array<i32>} : memref<2048xf32, #tpu.memory_space<vmem>>, vector<16xf32>,
        %add3A_560 = arith.constant 32 : i32
        %add3A_561 = vector.broadcast %add3A_560 : i32 to vector<16xi32>
        %add3A_562 = arith.addi %add3A_561, %iota3A_247 : vector<16xi32>
        %gather3A_563 = tpu.vector_load_idx %arg11[%add3A_562, %broadcast_in_dim3A_541] : memref<64x257xf32, #tpu.memory_space<vmem>>[vector<16xi32>, vector<16xi32>], vector<16xf32>,
        %mul3A_564 = arith.constant 128 : i32
        %mul3A_565 = arith.muli %and3A_540, %mul3A_564 : i32
        %add3A_566 = arith.constant 32 : i32
        %add3A_567 = arith.addi %mul3A_565, %add3A_566 : i32
        %swap3A_568 = arith.index_cast %add3A_567 : i32 to index
        %swap3A_569 = tpu.vector_load %arg14[%swap3A_568] {strides = array<i32>} : memref<2048xf32, #tpu.memory_space<vmem>>, vector<16xf32>,
        tpu.vector_store %arg14[%swap3A_568], %gather3A_563 {strides = array<i32>} : memref<2048xf32, #tpu.memory_space<vmem>>, vector<16xf32>,
        %add3A_570 = arith.constant 48 : i32
        %add3A_571 = vector.broadcast %add3A_570 : i32 to vector<16xi32>
        %add3A_572 = arith.addi %add3A_571, %iota3A_247 : vector<16xi32>
        %gather3A_573 = tpu.vector_load_idx %arg11[%add3A_572, %broadcast_in_dim3A_541] : memref<64x257xf32, #tpu.memory_space<vmem>>[vector<16xi32>, vector<16xi32>], vector<16xf32>,
        %mul3A_574 = arith.constant 128 : i32
        %mul3A_575 = arith.muli %and3A_540, %mul3A_574 : i32
        %add3A_576 = arith.constant 48 : i32
        %add3A_577 = arith.addi %mul3A_575, %add3A_576 : i32
        %swap3A_578 = arith.index_cast %add3A_577 : i32 to index
        %swap3A_579 = tpu.vector_load %arg14[%swap3A_578] {strides = array<i32>} : memref<2048xf32, #tpu.memory_space<vmem>>, vector<16xf32>,
        tpu.vector_store %arg14[%swap3A_578], %gather3A_573 {strides = array<i32>} : memref<2048xf32, #tpu.memory_space<vmem>>, vector<16xf32>,
        %mul3A_580 = arith.constant 128 : i32
        %mul3A_581 = arith.muli %and3A_540, %mul3A_580 : i32
        %dma_start3A_582 = tpu.memref_slice %arg14[%mul3A_581] : memref<2048xf32, #tpu.memory_space<vmem>> -> memref<128xf32, #tpu.memory_space<vmem>>
        %dma_start3A_583 = arith.constant 0 : i32
        %dma_start3A_584 = tpu.memref_slice %arg6[%shift_right_arithmetic3A_538, %dma_start3A_583] : memref<16384x128xf32, #tpu.memory_space<hbm>> -> memref<1x128xf32, #tpu.memory_space<hbm>>
        %dma_start3A_585 = tpu.memref_squeeze %dma_start3A_584 : memref<1x128xf32, #tpu.memory_space<hbm>> -> memref<128xf32, #tpu.memory_space<hbm>>
        %dma_start3A_586 = arith.constant 0 : i32
        %dma_start3A_587 = tpu.memref_slice %arg6[%shift_right_arithmetic3A_538, %dma_start3A_586] : memref<16384x128xf32, #tpu.memory_space<hbm>> -> memref<1x128xf32, #tpu.memory_space<hbm>>
        %dma_start3A_588 = tpu.memref_squeeze %dma_start3A_587 : memref<1x128xf32, #tpu.memory_space<hbm>> -> memref<128xf32, #tpu.memory_space<hbm>>
        %dma_start3A_589 = tpu.memref_slice %arg14[%mul3A_581] : memref<2048xf32, #tpu.memory_space<vmem>> -> memref<128xf32, #tpu.memory_space<vmem>>
        tpu.enqueue_dma source(%dma_start3A_589 : memref<128xf32, #tpu.memory_space<vmem>>) target(%dma_start3A_588 : memref<128xf32, #tpu.memory_space<hbm>>) target_semaphore(%arg18 : memref<!tpu.dma_semaphore, #tpu.memory_space<semaphore_mem>>)
        %add3A_590 = arith.constant 1 : i32
        %add3A_591 = arith.addi %while3A_533, %add3A_590 : i32
        %ge3A = arith.constant 16 : i32
        %ge3A_592 = arith.cmpi sge, %add3A_591, %ge3A : i32
        %convert_element_type3A = arith.extui %ge3A_592 : i1 to i32
        %cond3A = arith.constant 0 : i32
        %cond3A_593 = arith.cmpi ne, %convert_element_type3A, %cond3A : i32
        scf.if %cond3A_593 {
          %dma_wait3A_594 = arith.constant 0 : i32
          %dma_wait3A_595 = arith.constant 0 : i32
          %dma_wait3A_596 = tpu.memref_slice %arg14[%dma_wait3A_595] : memref<2048xf32, #tpu.memory_space<vmem>> -> memref<128xf32, #tpu.memory_space<vmem>>
          %dma_wait3A_597 = arith.constant 0 : i32
          %dma_wait3A_598 = tpu.memref_slice %arg6[%dma_wait3A_594, %dma_wait3A_597] : memref<16384x128xf32, #tpu.memory_space<hbm>> -> memref<1x128xf32, #tpu.memory_space<hbm>>
          %dma_wait3A_599 = tpu.memref_squeeze %dma_wait3A_598 : memref<1x128xf32, #tpu.memory_space<hbm>> -> memref<128xf32, #tpu.memory_space<hbm>>
          %dma_wait3A_600 = arith.constant 0 : i32
          %dma_wait3A_601 = tpu.memref_slice %arg14[%dma_wait3A_600] : memref<2048xf32, #tpu.memory_space<vmem>> -> memref<128xf32, #tpu.memory_space<vmem>>
          %dma_wait3A_602 = arith.constant 0 : i32
          %dma_wait3A_603 = tpu.memref_slice %arg6[%dma_wait3A_594, %dma_wait3A_602] : memref<16384x128xf32, #tpu.memory_space<hbm>> -> memref<1x128xf32, #tpu.memory_space<hbm>>
          %dma_wait3A_604 = tpu.memref_squeeze %dma_wait3A_603 : memref<1x128xf32, #tpu.memory_space<hbm>> -> memref<128xf32, #tpu.memory_space<hbm>>
          tpu.wait_dma2 semaphore(%arg18 : memref<!tpu.dma_semaphore, #tpu.memory_space<semaphore_mem>>) src(%dma_wait3A_604 : memref<128xf32, #tpu.memory_space<hbm>>) dst(%dma_wait3A_601 : memref<128xf32, #tpu.memory_space<vmem>>)
        } else {
        }
        scf.yield %add3A_591 : i32
      }
      %while3A_309 = arith.constant 1 : i32
      %while3A_310 = scf.for %while3A_532 = %while3A_306 to %while3A_302 step %while3A_309 iter_args(%while3A_533 = %while3A_308) -> (i32)  : i32 {
        %get3A = arith.index_cast %while3A_532 : i32 to index
        %get3A_534 = tpu.vector_load %arg10[%get3A] {strides = array<i32>} : memref<16400xi32, #tpu.memory_space<vmem>>, vector<16xi32>,
        %slice3A = vector.extract_strided_slice %get3A_534 {offsets = [0], sizes = [1], strides = [1]} : vector<16xi32> to vector<1xi32>
        %squeeze3A = vector.extract %slice3A[0] : i32 from vector<1xi32>
        %and3A_535 = arith.constant 255 : i32
        %and3A_536 = arith.andi %squeeze3A, %and3A_535 : i32
        %add3A_537 = arith.addi %and3A_536, %sub3A : i32
        %shift_right_arithmetic3A = arith.constant 8 : i32
        %shift_right_arithmetic3A_538 = arith.shrsi %squeeze3A, %shift_right_arithmetic3A : i32
        %and3A_539 = arith.constant 15 : i32
        %and3A_540 = arith.andi %while3A_533, %and3A_539 : i32
        %broadcast_in_dim3A_541 = vector.broadcast %add3A_537 : i32 to vector<16xi32>
        %add3A_542 = arith.constant 0 : i32
        %add3A_543 = vector.broadcast %add3A_542 : i32 to vector<16xi32>
        %add3A_544 = arith.addi %add3A_543, %iota3A_247 : vector<16xi32>
        %gather3A = tpu.vector_load_idx %arg11[%add3A_544, %broadcast_in_dim3A_541] : memref<64x257xf32, #tpu.memory_space<vmem>>[vector<16xi32>, vector<16xi32>], vector<16xf32>,
        %mul3A_545 = arith.constant 128 : i32
        %mul3A_546 = arith.muli %and3A_540, %mul3A_545 : i32
        %add3A_547 = arith.constant 0 : i32
        %add3A_548 = arith.addi %mul3A_546, %add3A_547 : i32
        %swap3A = arith.index_cast %add3A_548 : i32 to index
        %swap3A_549 = tpu.vector_load %arg14[%swap3A] {strides = array<i32>} : memref<2048xf32, #tpu.memory_space<vmem>>, vector<16xf32>,
        tpu.vector_store %arg14[%swap3A], %gather3A {strides = array<i32>} : memref<2048xf32, #tpu.memory_space<vmem>>, vector<16xf32>,
        %add3A_550 = arith.constant 16 : i32
        %add3A_551 = vector.broadcast %add3A_550 : i32 to vector<16xi32>
        %add3A_552 = arith.addi %add3A_551, %iota3A_247 : vector<16xi32>
        %gather3A_553 = tpu.vector_load_idx %arg11[%add3A_552, %broadcast_in_dim3A_541] : memref<64x257xf32, #tpu.memory_space<vmem>>[vector<16xi32>, vector<16xi32>], vector<16xf32>,
        %mul3A_554 = arith.constant 128 : i32
        %mul3A_555 = arith.muli %and3A_540, %mul3A_554 : i32
        %add3A_556 = arith.constant 16 : i32
        %add3A_557 = arith.addi %mul3A_555, %add3A_556 : i32
        %swap3A_558 = arith.index_cast %add3A_557 : i32 to index
        %swap3A_559 = tpu.vector_load %arg14[%swap3A_558] {strides = array<i32>} : memref<2048xf32, #tpu.memory_space<vmem>>, vector<16xf32>,
        tpu.vector_store %arg14[%swap3A_558], %gather3A_553 {strides = array<i32>} : memref<2048xf32, #tpu.memory_space<vmem>>, vector<16xf32>,
        %add3A_560 = arith.constant 32 : i32
        %add3A_561 = vector.broadcast %add3A_560 : i32 to vector<16xi32>
        %add3A_562 = arith.addi %add3A_561, %iota3A_247 : vector<16xi32>
        %gather3A_563 = tpu.vector_load_idx %arg11[%add3A_562, %broadcast_in_dim3A_541] : memref<64x257xf32, #tpu.memory_space<vmem>>[vector<16xi32>, vector<16xi32>], vector<16xf32>,
        %mul3A_564 = arith.constant 128 : i32
        %mul3A_565 = arith.muli %and3A_540, %mul3A_564 : i32
        %add3A_566 = arith.constant 32 : i32
        %add3A_567 = arith.addi %mul3A_565, %add3A_566 : i32
        %swap3A_568 = arith.index_cast %add3A_567 : i32 to index
        %swap3A_569 = tpu.vector_load %arg14[%swap3A_568] {strides = array<i32>} : memref<2048xf32, #tpu.memory_space<vmem>>, vector<16xf32>,
        tpu.vector_store %arg14[%swap3A_568], %gather3A_563 {strides = array<i32>} : memref<2048xf32, #tpu.memory_space<vmem>>, vector<16xf32>,
        %add3A_570 = arith.constant 48 : i32
        %add3A_571 = vector.broadcast %add3A_570 : i32 to vector<16xi32>
        %add3A_572 = arith.addi %add3A_571, %iota3A_247 : vector<16xi32>
        %gather3A_573 = tpu.vector_load_idx %arg11[%add3A_572, %broadcast_in_dim3A_541] : memref<64x257xf32, #tpu.memory_space<vmem>>[vector<16xi32>, vector<16xi32>], vector<16xf32>,
        %mul3A_574 = arith.constant 128 : i32
        %mul3A_575 = arith.muli %and3A_540, %mul3A_574 : i32
        %add3A_576 = arith.constant 48 : i32
        %add3A_577 = arith.addi %mul3A_575, %add3A_576 : i32
        %swap3A_578 = arith.index_cast %add3A_577 : i32 to index
        %swap3A_579 = tpu.vector_load %arg14[%swap3A_578] {strides = array<i32>} : memref<2048xf32, #tpu.memory_space<vmem>>, vector<16xf32>,
        tpu.vector_store %arg14[%swap3A_578], %gather3A_573 {strides = array<i32>} : memref<2048xf32, #tpu.memory_space<vmem>>, vector<16xf32>,
        %mul3A_580 = arith.constant 128 : i32
        %mul3A_581 = arith.muli %and3A_540, %mul3A_580 : i32
        %dma_start3A_582 = tpu.memref_slice %arg14[%mul3A_581] : memref<2048xf32, #tpu.memory_space<vmem>> -> memref<128xf32, #tpu.memory_space<vmem>>
        %dma_start3A_583 = arith.constant 0 : i32
        %dma_start3A_584 = tpu.memref_slice %arg6[%shift_right_arithmetic3A_538, %dma_start3A_583] : memref<16384x128xf32, #tpu.memory_space<hbm>> -> memref<1x128xf32, #tpu.memory_space<hbm>>
        %dma_start3A_585 = tpu.memref_squeeze %dma_start3A_584 : memref<1x128xf32, #tpu.memory_space<hbm>> -> memref<128xf32, #tpu.memory_space<hbm>>
        %dma_start3A_586 = arith.constant 0 : i32
        %dma_start3A_587 = tpu.memref_slice %arg6[%shift_right_arithmetic3A_538, %dma_start3A_586] : memref<16384x128xf32, #tpu.memory_space<hbm>> -> memref<1x128xf32, #tpu.memory_space<hbm>>
        %dma_start3A_588 = tpu.memref_squeeze %dma_start3A_587 : memref<1x128xf32, #tpu.memory_space<hbm>> -> memref<128xf32, #tpu.memory_space<hbm>>
        %dma_start3A_589 = tpu.memref_slice %arg14[%mul3A_581] : memref<2048xf32, #tpu.memory_space<vmem>> -> memref<128xf32, #tpu.memory_space<vmem>>
        tpu.enqueue_dma source(%dma_start3A_589 : memref<128xf32, #tpu.memory_space<vmem>>) target(%dma_start3A_588 : memref<128xf32, #tpu.memory_space<hbm>>) target_semaphore(%arg18 : memref<!tpu.dma_semaphore, #tpu.memory_space<semaphore_mem>>)
        %add3A_590 = arith.constant 1 : i32
        %add3A_591 = arith.addi %while3A_533, %add3A_590 : i32
        %ge3A = arith.constant 16 : i32
        %ge3A_592 = arith.cmpi sge, %add3A_591, %ge3A : i32
        %convert_element_type3A = arith.extui %ge3A_592 : i1 to i32
        %cond3A = arith.constant 0 : i32
        %cond3A_593 = arith.cmpi ne, %convert_element_type3A, %cond3A : i32
        scf.if %cond3A_593 {
          %dma_wait3A_594 = arith.constant 0 : i32
          %dma_wait3A_595 = arith.constant 0 : i32
          %dma_wait3A_596 = tpu.memref_slice %arg14[%dma_wait3A_595] : memref<2048xf32, #tpu.memory_space<vmem>> -> memref<128xf32, #tpu.memory_space<vmem>>
          %dma_wait3A_597 = arith.constant 0 : i32
          %dma_wait3A_598 = tpu.memref_slice %arg6[%dma_wait3A_594, %dma_wait3A_597] : memref<16384x128xf32, #tpu.memory_space<hbm>> -> memref<1x128xf32, #tpu.memory_space<hbm>>
          %dma_wait3A_599 = tpu.memref_squeeze %dma_wait3A_598 : memref<1x128xf32, #tpu.memory_space<hbm>> -> memref<128xf32, #tpu.memory_space<hbm>>
          %dma_wait3A_600 = arith.constant 0 : i32
          %dma_wait3A_601 = tpu.memref_slice %arg14[%dma_wait3A_600] : memref<2048xf32, #tpu.memory_space<vmem>> -> memref<128xf32, #tpu.memory_space<vmem>>
          %dma_wait3A_602 = arith.constant 0 : i32
          %dma_wait3A_603 = tpu.memref_slice %arg6[%dma_wait3A_594, %dma_wait3A_602] : memref<16384x128xf32, #tpu.memory_space<hbm>> -> memref<1x128xf32, #tpu.memory_space<hbm>>
          %dma_wait3A_604 = tpu.memref_squeeze %dma_wait3A_603 : memref<1x128xf32, #tpu.memory_space<hbm>> -> memref<128xf32, #tpu.memory_space<hbm>>
          tpu.wait_dma2 semaphore(%arg18 : memref<!tpu.dma_semaphore, #tpu.memory_space<semaphore_mem>>) src(%dma_wait3A_604 : memref<128xf32, #tpu.memory_space<hbm>>) dst(%dma_wait3A_601 : memref<128xf32, #tpu.memory_space<vmem>>)
        } else {
        }
        scf.yield %add3A_591 : i32
      }
      %mul3A_311 = arith.constant 256 : i32
      %mul3A_312 = arith.muli %add3A_246, %mul3A_311 : i32
      %min3A_313 = arith.constant 999808 : i32
      %min3A_314 = arith.minsi %mul3A_312, %min3A_313 : i32
      %multiple_of3A_315 = tpu.assume_multiple %min3A_314, 128 : i32
      %dma_start3A_316 = arith.constant 0 : i32
      %dma_start3A_317 = arith.constant 0 : i32
      %dma_start3A_318 = tpu.memref_slice %arg11[%dma_start3A_316, %dma_start3A_317] : memref<64x257xf32, #tpu.memory_space<vmem>> -> memref<64x256xf32, #tpu.memory_space<vmem>>
      %dma_start3A_319 = arith.constant 0 : i32
      %dma_start3A_320 = tpu.memref_slice %arg4[%dma_start3A_319, %multiple_of3A_315] : memref<64x1000000xf32, #tpu.memory_space<hbm>> -> memref<64x256xf32, #tpu.memory_space<hbm>>
      %dma_start3A_321 = arith.constant 0 : i32
      %dma_start3A_322 = arith.constant 0 : i32
      %dma_start3A_323 = tpu.memref_slice %arg11[%dma_start3A_321, %dma_start3A_322] : memref<64x257xf32, #tpu.memory_space<vmem>> -> memref<64x256xf32, #tpu.memory_space<vmem>>
      %dma_start3A_324 = arith.constant 0 : i32
      %dma_start3A_325 = tpu.memref_slice %arg4[%dma_start3A_324, %multiple_of3A_315] : memref<64x1000000xf32, #tpu.memory_space<hbm>> -> memref<64x256xf32, #tpu.memory_space<hbm>>
      tpu.enqueue_dma source(%dma_start3A_325 : memref<64x256xf32, #tpu.memory_space<hbm>>) target(%dma_start3A_323 : memref<64x256xf32, #tpu.memory_space<vmem>>) target_semaphore(%arg15 : memref<!tpu.dma_semaphore, #tpu.memory_space<semaphore_mem>>)
      %mul3A_326 = arith.constant 3 : i32
      %mul3A_327 = arith.muli %mul3A_326, %scan3A_229 : i32
      %add3A_328 = arith.constant 1 : i32
      %add3A_329 = arith.addi %mul3A_327, %add3A_328 : i32
      %mul3A_330 = arith.constant 32 : i32
      %mul3A_331 = arith.muli %mul3A_330, %add3A_329 : i32
      %add3A_332 = arith.addi %add3A, %mul3A_331 : i32
      %mul3A_333 = arith.constant 3 : i32
      %mul3A_334 = arith.muli %mul3A_333, %scan3A_229 : i32
      %add3A_335 = arith.constant 1 : i32
      %add3A_336 = arith.addi %mul3A_334, %add3A_335 : i32
      %add3A_337 = arith.constant 3 : i32
      %add3A_338 = arith.addi %add3A_336, %add3A_337 : i32
      %mul3A_339 = arith.constant 32 : i32
      %mul3A_340 = arith.muli %mul3A_339, %add3A_338 : i32
      %add3A_341 = arith.addi %add3A, %mul3A_340 : i32
      %iota3A_342 = tpu.iota {dimensions = array<i32: 0>} : vector<16xi32>
      %mul3A_343 = arith.constant 256 : i32
      %mul3A_344 = arith.muli %add3A_332, %mul3A_343 : i32
      %min3A_345 = arith.constant 999808 : i32
      %min3A_346 = arith.minsi %mul3A_344, %min3A_345 : i32
      %multiple_of3A_347 = tpu.assume_multiple %min3A_346, 128 : i32
      %mul3A_348 = arith.constant 256 : i32
      %mul3A_349 = arith.muli %add3A_332, %mul3A_348 : i32
      %sub3A_350 = arith.subi %mul3A_349, %multiple_of3A_347 : i32
      %add3A_351 = arith.constant 16 : i32
      %add3A_352 = arith.addi %scan3A_5, %add3A_351 : i32
      %sub3A_353 = arith.constant 1 : i32
      %sub3A_354 = arith.subi %add3A_352, %sub3A_353 : i32
      %jit3A_355 = arith.constant 16 : i32
      %div3A_356 = arith.divsi %sub3A_354, %jit3A_355 : i32
      %sign3A_357 = arith.constant 0 : i32
      %sign3A_358 = arith.cmpi sgt, %sub3A_354, %sign3A_357 : i32
      %sign3A_359 = arith.extui %sign3A_358 : i1 to i32
      %sign3A_360 = arith.constant 0 : i32
      %sign3A_361 = arith.cmpi slt, %sub3A_354, %sign3A_360 : i32
      %sign3A_362 = arith.extui %sign3A_361 : i1 to i32
      %sign3A_363 = arith.subi %sign3A_359, %sign3A_362 : i32
      %sign3A_364 = arith.constant 0 : i32
      %sign3A_365 = arith.cmpi sgt, %jit3A_355, %sign3A_364 : i32
      %sign3A_366 = arith.extui %sign3A_365 : i1 to i32
      %sign3A_367 = arith.constant 0 : i32
      %sign3A_368 = arith.cmpi slt, %jit3A_355, %sign3A_367 : i32
      %sign3A_369 = arith.extui %sign3A_368 : i1 to i32
      %sign3A_370 = arith.subi %sign3A_366, %sign3A_369 : i32
      %ne3A_371 = arith.cmpi ne, %sign3A_363, %sign3A_370 : i32
      %rem3A_372 = arith.remsi %sub3A_354, %jit3A_355 : i32
      %ne3A_373 = arith.constant 0 : i32
      %ne3A_374 = arith.cmpi ne, %rem3A_372, %ne3A_373 : i32
      %and3A_375 = arith.andi %ne3A_371, %ne3A_374 : i1
      %sub3A_376 = arith.constant 1 : i32
      %sub3A_377 = arith.subi %div3A_356, %sub3A_376 : i32
      %select_n3A_378 = arith.select %and3A_375, %sub3A_377, %div3A_356 : i32
      %while3A_379 = arith.constant 0 : i32
      %while3A_380 = arith.constant 0 : i32
      %while3A_381 = arith.subi %select_n3A_378, %while3A_379 : i32
      %while3A_382 = arith.addi %while3A_379, %while3A_381 : i32
      %while3A_383 = arith.constant 1 : i32
      %while3A_384 = arith.divsi %while3A_381, %while3A_383 : i32
      %while3A_385 = arith.muli %while3A_384, %while3A_383 : i32
      %while3A_386 = arith.addi %while3A_379, %while3A_385 : i32
      %while3A_387 = arith.constant 1 : i32
      %while3A_388 = scf.for %while3A_532 = %while3A_379 to %while3A_386 step %while3A_387 iter_args(%while3A_533 = %while3A_380) -> (i32)  : i32 {
        %mul3A_534 = arith.constant 16 : i32
        %mul3A_535 = arith.muli %while3A_532, %mul3A_534 : i32
        %get3A = arith.index_cast %mul3A_535 : i32 to index
        %get3A_536 = tpu.vector_load %arg9[%get3A] {strides = array<i32>} : memref<16400xi32, #tpu.memory_space<vmem>>, vector<16xi32>,
        %eq3A = vector.broadcast %add3A_332 : i32 to vector<16xi32>
        %eq3A_537 = arith.cmpi eq, %get3A_536, %eq3A : vector<16xi32>
        %convert_element_type3A = arith.extui %eq3A_537 : vector<16xi1> to vector<16xi32>
        %broadcast_in_dim3A_538 = arith.constant true
        %broadcast_in_dim3A_539 = vector.broadcast %broadcast_in_dim3A_538 : i1 to vector<16xi1>
        %masked_cumsum3A = tpu.scan <sum>, %convert_element_type3A masked %broadcast_in_dim3A_539 : vector<16xi32>, vector<16xi1> -> vector<16xi32>
        %add3A_540 = vector.broadcast %while3A_533 : i32 to vector<16xi32>
        %add3A_541 = arith.addi %add3A_540, %masked_cumsum3A : vector<16xi32>
        %sub3A_542 = arith.constant 1 : i32
        %sub3A_543 = vector.broadcast %sub3A_542 : i32 to vector<16xi32>
        %sub3A_544 = arith.subi %add3A_541, %sub3A_543 : vector<16xi32>
        %mul3A_545 = arith.constant 16 : i32
        %mul3A_546 = arith.muli %while3A_532, %mul3A_545 : i32
        %get3A_547 = arith.index_cast %mul3A_546 : i32 to index
        %get3A_548 = tpu.vector_load %arg8[%get3A_547] {strides = array<i32>} : memref<16400xi32, #tpu.memory_space<vmem>>, vector<16xi32>,
        tpu.vector_store_idx %arg10[%sub3A_544], %get3A_548 masked %eq3A_537 : memref<16400xi32, #tpu.memory_space<vmem>>[vector<16xi32>], vector<16xi32>, vector<16xi1>
        %slice3A = vector.extract_strided_slice %masked_cumsum3A {offsets = [15], sizes = [1], strides = [1]} : vector<16xi32> to vector<1xi32>
        %squeeze3A = vector.extract %slice3A[0] : i32 from vector<1xi32>
        %add3A_549 = arith.addi %while3A_533, %squeeze3A : i32
        scf.yield %add3A_549 : i32
      }
      %while3A_389 = arith.constant 1 : i32
      %while3A_390 = scf.for %while3A_532 = %while3A_386 to %while3A_382 step %while3A_389 iter_args(%while3A_533 = %while3A_388) -> (i32)  : i32 {
        %mul3A_534 = arith.constant 16 : i32
        %mul3A_535 = arith.muli %while3A_532, %mul3A_534 : i32
        %get3A = arith.index_cast %mul3A_535 : i32 to index
        %get3A_536 = tpu.vector_load %arg9[%get3A] {strides = array<i32>} : memref<16400xi32, #tpu.memory_space<vmem>>, vector<16xi32>,
        %eq3A = vector.broadcast %add3A_332 : i32 to vector<16xi32>
        %eq3A_537 = arith.cmpi eq, %get3A_536, %eq3A : vector<16xi32>
        %convert_element_type3A = arith.extui %eq3A_537 : vector<16xi1> to vector<16xi32>
        %broadcast_in_dim3A_538 = arith.constant true
        %broadcast_in_dim3A_539 = vector.broadcast %broadcast_in_dim3A_538 : i1 to vector<16xi1>
        %masked_cumsum3A = tpu.scan <sum>, %convert_element_type3A masked %broadcast_in_dim3A_539 : vector<16xi32>, vector<16xi1> -> vector<16xi32>
        %add3A_540 = vector.broadcast %while3A_533 : i32 to vector<16xi32>
        %add3A_541 = arith.addi %add3A_540, %masked_cumsum3A : vector<16xi32>
        %sub3A_542 = arith.constant 1 : i32
        %sub3A_543 = vector.broadcast %sub3A_542 : i32 to vector<16xi32>
        %sub3A_544 = arith.subi %add3A_541, %sub3A_543 : vector<16xi32>
        %mul3A_545 = arith.constant 16 : i32
        %mul3A_546 = arith.muli %while3A_532, %mul3A_545 : i32
        %get3A_547 = arith.index_cast %mul3A_546 : i32 to index
        %get3A_548 = tpu.vector_load %arg8[%get3A_547] {strides = array<i32>} : memref<16400xi32, #tpu.memory_space<vmem>>, vector<16xi32>,
        tpu.vector_store_idx %arg10[%sub3A_544], %get3A_548 masked %eq3A_537 : memref<16400xi32, #tpu.memory_space<vmem>>[vector<16xi32>], vector<16xi32>, vector<16xi1>
        %slice3A = vector.extract_strided_slice %masked_cumsum3A {offsets = [15], sizes = [1], strides = [1]} : vector<16xi32> to vector<1xi32>
        %squeeze3A = vector.extract %slice3A[0] : i32 from vector<1xi32>
        %add3A_549 = arith.addi %while3A_533, %squeeze3A : i32
        scf.yield %add3A_549 : i32
      }
      %dma_wait3A_391 = arith.constant 0 : i32
      %dma_wait3A_392 = arith.constant 0 : i32
      %dma_wait3A_393 = tpu.memref_slice %arg12[%dma_wait3A_391, %dma_wait3A_392] : memref<64x257xf32, #tpu.memory_space<vmem>> -> memref<64x256xf32, #tpu.memory_space<vmem>>
      %dma_wait3A_394 = arith.constant 0 : i32
      %dma_wait3A_395 = arith.constant 0 : i32
      %dma_wait3A_396 = tpu.memref_slice %arg4[%dma_wait3A_394, %dma_wait3A_395] : memref<64x1000000xf32, #tpu.memory_space<hbm>> -> memref<64x256xf32, #tpu.memory_space<hbm>>
      %dma_wait3A_397 = arith.constant 0 : i32
      %dma_wait3A_398 = arith.constant 0 : i32
      %dma_wait3A_399 = tpu.memref_slice %arg12[%dma_wait3A_397, %dma_wait3A_398] : memref<64x257xf32, #tpu.memory_space<vmem>> -> memref<64x256xf32, #tpu.memory_space<vmem>>
      %dma_wait3A_400 = arith.constant 0 : i32
      %dma_wait3A_401 = arith.constant 0 : i32
      %dma_wait3A_402 = tpu.memref_slice %arg4[%dma_wait3A_400, %dma_wait3A_401] : memref<64x1000000xf32, #tpu.memory_space<hbm>> -> memref<64x256xf32, #tpu.memory_space<hbm>>
      tpu.wait_dma2 semaphore(%arg16 : memref<!tpu.dma_semaphore, #tpu.memory_space<semaphore_mem>>) src(%dma_wait3A_402 : memref<64x256xf32, #tpu.memory_space<hbm>>) dst(%dma_wait3A_399 : memref<64x256xf32, #tpu.memory_space<vmem>>)
      %while3A_403 = arith.constant 0 : i32
      %while3A_404 = arith.subi %while3A_390, %while3A_403 : i32
      %while3A_405 = arith.addi %while3A_403, %while3A_404 : i32
      %while3A_406 = arith.constant 1 : i32
      %while3A_407 = arith.divsi %while3A_404, %while3A_406 : i32
      %while3A_408 = arith.muli %while3A_407, %while3A_406 : i32
      %while3A_409 = arith.addi %while3A_403, %while3A_408 : i32
      %while3A_410 = arith.constant 1 : i32
      %while3A_411 = scf.for %while3A_532 = %while3A_403 to %while3A_409 step %while3A_410 iter_args(%while3A_533 = %while3A_310) -> (i32)  : i32 {
        %get3A = arith.index_cast %while3A_532 : i32 to index
        %get3A_534 = tpu.vector_load %arg10[%get3A] {strides = array<i32>} : memref<16400xi32, #tpu.memory_space<vmem>>, vector<16xi32>,
        %slice3A = vector.extract_strided_slice %get3A_534 {offsets = [0], sizes = [1], strides = [1]} : vector<16xi32> to vector<1xi32>
        %squeeze3A = vector.extract %slice3A[0] : i32 from vector<1xi32>
        %and3A_535 = arith.constant 255 : i32
        %and3A_536 = arith.andi %squeeze3A, %and3A_535 : i32
        %add3A_537 = arith.addi %and3A_536, %sub3A_350 : i32
        %shift_right_arithmetic3A = arith.constant 8 : i32
        %shift_right_arithmetic3A_538 = arith.shrsi %squeeze3A, %shift_right_arithmetic3A : i32
        %and3A_539 = arith.constant 15 : i32
        %and3A_540 = arith.andi %while3A_533, %and3A_539 : i32
        %broadcast_in_dim3A_541 = vector.broadcast %add3A_537 : i32 to vector<16xi32>
        %add3A_542 = arith.constant 0 : i32
        %add3A_543 = vector.broadcast %add3A_542 : i32 to vector<16xi32>
        %add3A_544 = arith.addi %add3A_543, %iota3A_342 : vector<16xi32>
        %gather3A = tpu.vector_load_idx %arg12[%add3A_544, %broadcast_in_dim3A_541] : memref<64x257xf32, #tpu.memory_space<vmem>>[vector<16xi32>, vector<16xi32>], vector<16xf32>,
        %mul3A_545 = arith.constant 128 : i32
        %mul3A_546 = arith.muli %and3A_540, %mul3A_545 : i32
        %add3A_547 = arith.constant 0 : i32
        %add3A_548 = arith.addi %mul3A_546, %add3A_547 : i32
        %swap3A = arith.index_cast %add3A_548 : i32 to index
        %swap3A_549 = tpu.vector_load %arg14[%swap3A] {strides = array<i32>} : memref<2048xf32, #tpu.memory_space<vmem>>, vector<16xf32>,
        tpu.vector_store %arg14[%swap3A], %gather3A {strides = array<i32>} : memref<2048xf32, #tpu.memory_space<vmem>>, vector<16xf32>,
        %add3A_550 = arith.constant 16 : i32
        %add3A_551 = vector.broadcast %add3A_550 : i32 to vector<16xi32>
        %add3A_552 = arith.addi %add3A_551, %iota3A_342 : vector<16xi32>
        %gather3A_553 = tpu.vector_load_idx %arg12[%add3A_552, %broadcast_in_dim3A_541] : memref<64x257xf32, #tpu.memory_space<vmem>>[vector<16xi32>, vector<16xi32>], vector<16xf32>,
        %mul3A_554 = arith.constant 128 : i32
        %mul3A_555 = arith.muli %and3A_540, %mul3A_554 : i32
        %add3A_556 = arith.constant 16 : i32
        %add3A_557 = arith.addi %mul3A_555, %add3A_556 : i32
        %swap3A_558 = arith.index_cast %add3A_557 : i32 to index
        %swap3A_559 = tpu.vector_load %arg14[%swap3A_558] {strides = array<i32>} : memref<2048xf32, #tpu.memory_space<vmem>>, vector<16xf32>,
        tpu.vector_store %arg14[%swap3A_558], %gather3A_553 {strides = array<i32>} : memref<2048xf32, #tpu.memory_space<vmem>>, vector<16xf32>,
        %add3A_560 = arith.constant 32 : i32
        %add3A_561 = vector.broadcast %add3A_560 : i32 to vector<16xi32>
        %add3A_562 = arith.addi %add3A_561, %iota3A_342 : vector<16xi32>
        %gather3A_563 = tpu.vector_load_idx %arg12[%add3A_562, %broadcast_in_dim3A_541] : memref<64x257xf32, #tpu.memory_space<vmem>>[vector<16xi32>, vector<16xi32>], vector<16xf32>,
        %mul3A_564 = arith.constant 128 : i32
        %mul3A_565 = arith.muli %and3A_540, %mul3A_564 : i32
        %add3A_566 = arith.constant 32 : i32
        %add3A_567 = arith.addi %mul3A_565, %add3A_566 : i32
        %swap3A_568 = arith.index_cast %add3A_567 : i32 to index
        %swap3A_569 = tpu.vector_load %arg14[%swap3A_568] {strides = array<i32>} : memref<2048xf32, #tpu.memory_space<vmem>>, vector<16xf32>,
        tpu.vector_store %arg14[%swap3A_568], %gather3A_563 {strides = array<i32>} : memref<2048xf32, #tpu.memory_space<vmem>>, vector<16xf32>,
        %add3A_570 = arith.constant 48 : i32
        %add3A_571 = vector.broadcast %add3A_570 : i32 to vector<16xi32>
        %add3A_572 = arith.addi %add3A_571, %iota3A_342 : vector<16xi32>
        %gather3A_573 = tpu.vector_load_idx %arg12[%add3A_572, %broadcast_in_dim3A_541] : memref<64x257xf32, #tpu.memory_space<vmem>>[vector<16xi32>, vector<16xi32>], vector<16xf32>,
        %mul3A_574 = arith.constant 128 : i32
        %mul3A_575 = arith.muli %and3A_540, %mul3A_574 : i32
        %add3A_576 = arith.constant 48 : i32
        %add3A_577 = arith.addi %mul3A_575, %add3A_576 : i32
        %swap3A_578 = arith.index_cast %add3A_577 : i32 to index
        %swap3A_579 = tpu.vector_load %arg14[%swap3A_578] {strides = array<i32>} : memref<2048xf32, #tpu.memory_space<vmem>>, vector<16xf32>,
        tpu.vector_store %arg14[%swap3A_578], %gather3A_573 {strides = array<i32>} : memref<2048xf32, #tpu.memory_space<vmem>>, vector<16xf32>,
        %mul3A_580 = arith.constant 128 : i32
        %mul3A_581 = arith.muli %and3A_540, %mul3A_580 : i32
        %dma_start3A_582 = tpu.memref_slice %arg14[%mul3A_581] : memref<2048xf32, #tpu.memory_space<vmem>> -> memref<128xf32, #tpu.memory_space<vmem>>
        %dma_start3A_583 = arith.constant 0 : i32
        %dma_start3A_584 = tpu.memref_slice %arg6[%shift_right_arithmetic3A_538, %dma_start3A_583] : memref<16384x128xf32, #tpu.memory_space<hbm>> -> memref<1x128xf32, #tpu.memory_space<hbm>>
        %dma_start3A_585 = tpu.memref_squeeze %dma_start3A_584 : memref<1x128xf32, #tpu.memory_space<hbm>> -> memref<128xf32, #tpu.memory_space<hbm>>
        %dma_start3A_586 = arith.constant 0 : i32
        %dma_start3A_587 = tpu.memref_slice %arg6[%shift_right_arithmetic3A_538, %dma_start3A_586] : memref<16384x128xf32, #tpu.memory_space<hbm>> -> memref<1x128xf32, #tpu.memory_space<hbm>>
        %dma_start3A_588 = tpu.memref_squeeze %dma_start3A_587 : memref<1x128xf32, #tpu.memory_space<hbm>> -> memref<128xf32, #tpu.memory_space<hbm>>
        %dma_start3A_589 = tpu.memref_slice %arg14[%mul3A_581] : memref<2048xf32, #tpu.memory_space<vmem>> -> memref<128xf32, #tpu.memory_space<vmem>>
        tpu.enqueue_dma source(%dma_start3A_589 : memref<128xf32, #tpu.memory_space<vmem>>) target(%dma_start3A_588 : memref<128xf32, #tpu.memory_space<hbm>>) target_semaphore(%arg18 : memref<!tpu.dma_semaphore, #tpu.memory_space<semaphore_mem>>)
        %add3A_590 = arith.constant 1 : i32
        %add3A_591 = arith.addi %while3A_533, %add3A_590 : i32
        %ge3A = arith.constant 16 : i32
        %ge3A_592 = arith.cmpi sge, %add3A_591, %ge3A : i32
        %convert_element_type3A = arith.extui %ge3A_592 : i1 to i32
        %cond3A = arith.constant 0 : i32
        %cond3A_593 = arith.cmpi ne, %convert_element_type3A, %cond3A : i32
        scf.if %cond3A_593 {
          %dma_wait3A_594 = arith.constant 0 : i32
          %dma_wait3A_595 = arith.constant 0 : i32
          %dma_wait3A_596 = tpu.memref_slice %arg14[%dma_wait3A_595] : memref<2048xf32, #tpu.memory_space<vmem>> -> memref<128xf32, #tpu.memory_space<vmem>>
          %dma_wait3A_597 = arith.constant 0 : i32
          %dma_wait3A_598 = tpu.memref_slice %arg6[%dma_wait3A_594, %dma_wait3A_597] : memref<16384x128xf32, #tpu.memory_space<hbm>> -> memref<1x128xf32, #tpu.memory_space<hbm>>
          %dma_wait3A_599 = tpu.memref_squeeze %dma_wait3A_598 : memref<1x128xf32, #tpu.memory_space<hbm>> -> memref<128xf32, #tpu.memory_space<hbm>>
          %dma_wait3A_600 = arith.constant 0 : i32
          %dma_wait3A_601 = tpu.memref_slice %arg14[%dma_wait3A_600] : memref<2048xf32, #tpu.memory_space<vmem>> -> memref<128xf32, #tpu.memory_space<vmem>>
          %dma_wait3A_602 = arith.constant 0 : i32
          %dma_wait3A_603 = tpu.memref_slice %arg6[%dma_wait3A_594, %dma_wait3A_602] : memref<16384x128xf32, #tpu.memory_space<hbm>> -> memref<1x128xf32, #tpu.memory_space<hbm>>
          %dma_wait3A_604 = tpu.memref_squeeze %dma_wait3A_603 : memref<1x128xf32, #tpu.memory_space<hbm>> -> memref<128xf32, #tpu.memory_space<hbm>>
          tpu.wait_dma2 semaphore(%arg18 : memref<!tpu.dma_semaphore, #tpu.memory_space<semaphore_mem>>) src(%dma_wait3A_604 : memref<128xf32, #tpu.memory_space<hbm>>) dst(%dma_wait3A_601 : memref<128xf32, #tpu.memory_space<vmem>>)
        } else {
        }
        scf.yield %add3A_591 : i32
      }
      %while3A_412 = arith.constant 1 : i32
      %while3A_413 = scf.for %while3A_532 = %while3A_409 to %while3A_405 step %while3A_412 iter_args(%while3A_533 = %while3A_411) -> (i32)  : i32 {
        %get3A = arith.index_cast %while3A_532 : i32 to index
        %get3A_534 = tpu.vector_load %arg10[%get3A] {strides = array<i32>} : memref<16400xi32, #tpu.memory_space<vmem>>, vector<16xi32>,
        %slice3A = vector.extract_strided_slice %get3A_534 {offsets = [0], sizes = [1], strides = [1]} : vector<16xi32> to vector<1xi32>
        %squeeze3A = vector.extract %slice3A[0] : i32 from vector<1xi32>
        %and3A_535 = arith.constant 255 : i32
        %and3A_536 = arith.andi %squeeze3A, %and3A_535 : i32
        %add3A_537 = arith.addi %and3A_536, %sub3A_350 : i32
        %shift_right_arithmetic3A = arith.constant 8 : i32
        %shift_right_arithmetic3A_538 = arith.shrsi %squeeze3A, %shift_right_arithmetic3A : i32
        %and3A_539 = arith.constant 15 : i32
        %and3A_540 = arith.andi %while3A_533, %and3A_539 : i32
        %broadcast_in_dim3A_541 = vector.broadcast %add3A_537 : i32 to vector<16xi32>
        %add3A_542 = arith.constant 0 : i32
        %add3A_543 = vector.broadcast %add3A_542 : i32 to vector<16xi32>
        %add3A_544 = arith.addi %add3A_543, %iota3A_342 : vector<16xi32>
        %gather3A = tpu.vector_load_idx %arg12[%add3A_544, %broadcast_in_dim3A_541] : memref<64x257xf32, #tpu.memory_space<vmem>>[vector<16xi32>, vector<16xi32>], vector<16xf32>,
        %mul3A_545 = arith.constant 128 : i32
        %mul3A_546 = arith.muli %and3A_540, %mul3A_545 : i32
        %add3A_547 = arith.constant 0 : i32
        %add3A_548 = arith.addi %mul3A_546, %add3A_547 : i32
        %swap3A = arith.index_cast %add3A_548 : i32 to index
        %swap3A_549 = tpu.vector_load %arg14[%swap3A] {strides = array<i32>} : memref<2048xf32, #tpu.memory_space<vmem>>, vector<16xf32>,
        tpu.vector_store %arg14[%swap3A], %gather3A {strides = array<i32>} : memref<2048xf32, #tpu.memory_space<vmem>>, vector<16xf32>,
        %add3A_550 = arith.constant 16 : i32
        %add3A_551 = vector.broadcast %add3A_550 : i32 to vector<16xi32>
        %add3A_552 = arith.addi %add3A_551, %iota3A_342 : vector<16xi32>
        %gather3A_553 = tpu.vector_load_idx %arg12[%add3A_552, %broadcast_in_dim3A_541] : memref<64x257xf32, #tpu.memory_space<vmem>>[vector<16xi32>, vector<16xi32>], vector<16xf32>,
        %mul3A_554 = arith.constant 128 : i32
        %mul3A_555 = arith.muli %and3A_540, %mul3A_554 : i32
        %add3A_556 = arith.constant 16 : i32
        %add3A_557 = arith.addi %mul3A_555, %add3A_556 : i32
        %swap3A_558 = arith.index_cast %add3A_557 : i32 to index
        %swap3A_559 = tpu.vector_load %arg14[%swap3A_558] {strides = array<i32>} : memref<2048xf32, #tpu.memory_space<vmem>>, vector<16xf32>,
        tpu.vector_store %arg14[%swap3A_558], %gather3A_553 {strides = array<i32>} : memref<2048xf32, #tpu.memory_space<vmem>>, vector<16xf32>,
        %add3A_560 = arith.constant 32 : i32
        %add3A_561 = vector.broadcast %add3A_560 : i32 to vector<16xi32>
        %add3A_562 = arith.addi %add3A_561, %iota3A_342 : vector<16xi32>
        %gather3A_563 = tpu.vector_load_idx %arg12[%add3A_562, %broadcast_in_dim3A_541] : memref<64x257xf32, #tpu.memory_space<vmem>>[vector<16xi32>, vector<16xi32>], vector<16xf32>,
        %mul3A_564 = arith.constant 128 : i32
        %mul3A_565 = arith.muli %and3A_540, %mul3A_564 : i32
        %add3A_566 = arith.constant 32 : i32
        %add3A_567 = arith.addi %mul3A_565, %add3A_566 : i32
        %swap3A_568 = arith.index_cast %add3A_567 : i32 to index
        %swap3A_569 = tpu.vector_load %arg14[%swap3A_568] {strides = array<i32>} : memref<2048xf32, #tpu.memory_space<vmem>>, vector<16xf32>,
        tpu.vector_store %arg14[%swap3A_568], %gather3A_563 {strides = array<i32>} : memref<2048xf32, #tpu.memory_space<vmem>>, vector<16xf32>,
        %add3A_570 = arith.constant 48 : i32
        %add3A_571 = vector.broadcast %add3A_570 : i32 to vector<16xi32>
        %add3A_572 = arith.addi %add3A_571, %iota3A_342 : vector<16xi32>
        %gather3A_573 = tpu.vector_load_idx %arg12[%add3A_572, %broadcast_in_dim3A_541] : memref<64x257xf32, #tpu.memory_space<vmem>>[vector<16xi32>, vector<16xi32>], vector<16xf32>,
        %mul3A_574 = arith.constant 128 : i32
        %mul3A_575 = arith.muli %and3A_540, %mul3A_574 : i32
        %add3A_576 = arith.constant 48 : i32
        %add3A_577 = arith.addi %mul3A_575, %add3A_576 : i32
        %swap3A_578 = arith.index_cast %add3A_577 : i32 to index
        %swap3A_579 = tpu.vector_load %arg14[%swap3A_578] {strides = array<i32>} : memref<2048xf32, #tpu.memory_space<vmem>>, vector<16xf32>,
        tpu.vector_store %arg14[%swap3A_578], %gather3A_573 {strides = array<i32>} : memref<2048xf32, #tpu.memory_space<vmem>>, vector<16xf32>,
        %mul3A_580 = arith.constant 128 : i32
        %mul3A_581 = arith.muli %and3A_540, %mul3A_580 : i32
        %dma_start3A_582 = tpu.memref_slice %arg14[%mul3A_581] : memref<2048xf32, #tpu.memory_space<vmem>> -> memref<128xf32, #tpu.memory_space<vmem>>
        %dma_start3A_583 = arith.constant 0 : i32
        %dma_start3A_584 = tpu.memref_slice %arg6[%shift_right_arithmetic3A_538, %dma_start3A_583] : memref<16384x128xf32, #tpu.memory_space<hbm>> -> memref<1x128xf32, #tpu.memory_space<hbm>>
        %dma_start3A_585 = tpu.memref_squeeze %dma_start3A_584 : memref<1x128xf32, #tpu.memory_space<hbm>> -> memref<128xf32, #tpu.memory_space<hbm>>
        %dma_start3A_586 = arith.constant 0 : i32
        %dma_start3A_587 = tpu.memref_slice %arg6[%shift_right_arithmetic3A_538, %dma_start3A_586] : memref<16384x128xf32, #tpu.memory_space<hbm>> -> memref<1x128xf32, #tpu.memory_space<hbm>>
        %dma_start3A_588 = tpu.memref_squeeze %dma_start3A_587 : memref<1x128xf32, #tpu.memory_space<hbm>> -> memref<128xf32, #tpu.memory_space<hbm>>
        %dma_start3A_589 = tpu.memref_slice %arg14[%mul3A_581] : memref<2048xf32, #tpu.memory_space<vmem>> -> memref<128xf32, #tpu.memory_space<vmem>>
        tpu.enqueue_dma source(%dma_start3A_589 : memref<128xf32, #tpu.memory_space<vmem>>) target(%dma_start3A_588 : memref<128xf32, #tpu.memory_space<hbm>>) target_semaphore(%arg18 : memref<!tpu.dma_semaphore, #tpu.memory_space<semaphore_mem>>)
        %add3A_590 = arith.constant 1 : i32
        %add3A_591 = arith.addi %while3A_533, %add3A_590 : i32
        %ge3A = arith.constant 16 : i32
        %ge3A_592 = arith.cmpi sge, %add3A_591, %ge3A : i32
        %convert_element_type3A = arith.extui %ge3A_592 : i1 to i32
        %cond3A = arith.constant 0 : i32
        %cond3A_593 = arith.cmpi ne, %convert_element_type3A, %cond3A : i32
        scf.if %cond3A_593 {
          %dma_wait3A_594 = arith.constant 0 : i32
          %dma_wait3A_595 = arith.constant 0 : i32
          %dma_wait3A_596 = tpu.memref_slice %arg14[%dma_wait3A_595] : memref<2048xf32, #tpu.memory_space<vmem>> -> memref<128xf32, #tpu.memory_space<vmem>>
          %dma_wait3A_597 = arith.constant 0 : i32
          %dma_wait3A_598 = tpu.memref_slice %arg6[%dma_wait3A_594, %dma_wait3A_597] : memref<16384x128xf32, #tpu.memory_space<hbm>> -> memref<1x128xf32, #tpu.memory_space<hbm>>
          %dma_wait3A_599 = tpu.memref_squeeze %dma_wait3A_598 : memref<1x128xf32, #tpu.memory_space<hbm>> -> memref<128xf32, #tpu.memory_space<hbm>>
          %dma_wait3A_600 = arith.constant 0 : i32
          %dma_wait3A_601 = tpu.memref_slice %arg14[%dma_wait3A_600] : memref<2048xf32, #tpu.memory_space<vmem>> -> memref<128xf32, #tpu.memory_space<vmem>>
          %dma_wait3A_602 = arith.constant 0 : i32
          %dma_wait3A_603 = tpu.memref_slice %arg6[%dma_wait3A_594, %dma_wait3A_602] : memref<16384x128xf32, #tpu.memory_space<hbm>> -> memref<1x128xf32, #tpu.memory_space<hbm>>
          %dma_wait3A_604 = tpu.memref_squeeze %dma_wait3A_603 : memref<1x128xf32, #tpu.memory_space<hbm>> -> memref<128xf32, #tpu.memory_space<hbm>>
          tpu.wait_dma2 semaphore(%arg18 : memref<!tpu.dma_semaphore, #tpu.memory_space<semaphore_mem>>) src(%dma_wait3A_604 : memref<128xf32, #tpu.memory_space<hbm>>) dst(%dma_wait3A_601 : memref<128xf32, #tpu.memory_space<vmem>>)
        } else {
        }
        scf.yield %add3A_591 : i32
      }
      %mul3A_414 = arith.constant 256 : i32
      %mul3A_415 = arith.muli %add3A_341, %mul3A_414 : i32
      %min3A_416 = arith.constant 999808 : i32
      %min3A_417 = arith.minsi %mul3A_415, %min3A_416 : i32
      %multiple_of3A_418 = tpu.assume_multiple %min3A_417, 128 : i32
      %dma_start3A_419 = arith.constant 0 : i32
      %dma_start3A_420 = arith.constant 0 : i32
      %dma_start3A_421 = tpu.memref_slice %arg12[%dma_start3A_419, %dma_start3A_420] : memref<64x257xf32, #tpu.memory_space<vmem>> -> memref<64x256xf32, #tpu.memory_space<vmem>>
      %dma_start3A_422 = arith.constant 0 : i32
      %dma_start3A_423 = tpu.memref_slice %arg4[%dma_start3A_422, %multiple_of3A_418] : memref<64x1000000xf32, #tpu.memory_space<hbm>> -> memref<64x256xf32, #tpu.memory_space<hbm>>
      %dma_start3A_424 = arith.constant 0 : i32
      %dma_start3A_425 = arith.constant 0 : i32
      %dma_start3A_426 = tpu.memref_slice %arg12[%dma_start3A_424, %dma_start3A_425] : memref<64x257xf32, #tpu.memory_space<vmem>> -> memref<64x256xf32, #tpu.memory_space<vmem>>
      %dma_start3A_427 = arith.constant 0 : i32
      %dma_start3A_428 = tpu.memref_slice %arg4[%dma_start3A_427, %multiple_of3A_418] : memref<64x1000000xf32, #tpu.memory_space<hbm>> -> memref<64x256xf32, #tpu.memory_space<hbm>>
      tpu.enqueue_dma source(%dma_start3A_428 : memref<64x256xf32, #tpu.memory_space<hbm>>) target(%dma_start3A_426 : memref<64x256xf32, #tpu.memory_space<vmem>>) target_semaphore(%arg16 : memref<!tpu.dma_semaphore, #tpu.memory_space<semaphore_mem>>)
      %mul3A_429 = arith.constant 3 : i32
      %mul3A_430 = arith.muli %mul3A_429, %scan3A_229 : i32
      %add3A_431 = arith.constant 2 : i32
      %add3A_432 = arith.addi %mul3A_430, %add3A_431 : i32
      %mul3A_433 = arith.constant 32 : i32
      %mul3A_434 = arith.muli %mul3A_433, %add3A_432 : i32
      %add3A_435 = arith.addi %add3A, %mul3A_434 : i32
      %mul3A_436 = arith.constant 3 : i32
      %mul3A_437 = arith.muli %mul3A_436, %scan3A_229 : i32
      %add3A_438 = arith.constant 2 : i32
      %add3A_439 = arith.addi %mul3A_437, %add3A_438 : i32
      %add3A_440 = arith.constant 3 : i32
      %add3A_441 = arith.addi %add3A_439, %add3A_440 : i32
      %mul3A_442 = arith.constant 32 : i32
      %mul3A_443 = arith.muli %mul3A_442, %add3A_441 : i32
      %add3A_444 = arith.addi %add3A, %mul3A_443 : i32
      %iota3A_445 = tpu.iota {dimensions = array<i32: 0>} : vector<16xi32>
      %mul3A_446 = arith.constant 256 : i32
      %mul3A_447 = arith.muli %add3A_435, %mul3A_446 : i32
      %min3A_448 = arith.constant 999808 : i32
      %min3A_449 = arith.minsi %mul3A_447, %min3A_448 : i32
      %multiple_of3A_450 = tpu.assume_multiple %min3A_449, 128 : i32
      %mul3A_451 = arith.constant 256 : i32
      %mul3A_452 = arith.muli %add3A_435, %mul3A_451 : i32
      %sub3A_453 = arith.subi %mul3A_452, %multiple_of3A_450 : i32
      %add3A_454 = arith.constant 16 : i32
      %add3A_455 = arith.addi %scan3A_5, %add3A_454 : i32
      %sub3A_456 = arith.constant 1 : i32
      %sub3A_457 = arith.subi %add3A_455, %sub3A_456 : i32
      %jit3A_458 = arith.constant 16 : i32
      %div3A_459 = arith.divsi %sub3A_457, %jit3A_458 : i32
      %sign3A_460 = arith.constant 0 : i32
      %sign3A_461 = arith.cmpi sgt, %sub3A_457, %sign3A_460 : i32
      %sign3A_462 = arith.extui %sign3A_461 : i1 to i32
      %sign3A_463 = arith.constant 0 : i32
      %sign3A_464 = arith.cmpi slt, %sub3A_457, %sign3A_463 : i32
      %sign3A_465 = arith.extui %sign3A_464 : i1 to i32
      %sign3A_466 = arith.subi %sign3A_462, %sign3A_465 : i32
      %sign3A_467 = arith.constant 0 : i32
      %sign3A_468 = arith.cmpi sgt, %jit3A_458, %sign3A_467 : i32
      %sign3A_469 = arith.extui %sign3A_468 : i1 to i32
      %sign3A_470 = arith.constant 0 : i32
      %sign3A_471 = arith.cmpi slt, %jit3A_458, %sign3A_470 : i32
      %sign3A_472 = arith.extui %sign3A_471 : i1 to i32
      %sign3A_473 = arith.subi %sign3A_469, %sign3A_472 : i32
      %ne3A_474 = arith.cmpi ne, %sign3A_466, %sign3A_473 : i32
      %rem3A_475 = arith.remsi %sub3A_457, %jit3A_458 : i32
      %ne3A_476 = arith.constant 0 : i32
      %ne3A_477 = arith.cmpi ne, %rem3A_475, %ne3A_476 : i32
      %and3A_478 = arith.andi %ne3A_474, %ne3A_477 : i1
      %sub3A_479 = arith.constant 1 : i32
      %sub3A_480 = arith.subi %div3A_459, %sub3A_479 : i32
      %select_n3A_481 = arith.select %and3A_478, %sub3A_480, %div3A_459 : i32
      %while3A_482 = arith.constant 0 : i32
      %while3A_483 = arith.constant 0 : i32
      %while3A_484 = arith.subi %select_n3A_481, %while3A_482 : i32
      %while3A_485 = arith.addi %while3A_482, %while3A_484 : i32
      %while3A_486 = arith.constant 1 : i32
      %while3A_487 = arith.divsi %while3A_484, %while3A_486 : i32
      %while3A_488 = arith.muli %while3A_487, %while3A_486 : i32
      %while3A_489 = arith.addi %while3A_482, %while3A_488 : i32
      %while3A_490 = arith.constant 1 : i32
      %while3A_491 = scf.for %while3A_532 = %while3A_482 to %while3A_489 step %while3A_490 iter_args(%while3A_533 = %while3A_483) -> (i32)  : i32 {
        %mul3A_534 = arith.constant 16 : i32
        %mul3A_535 = arith.muli %while3A_532, %mul3A_534 : i32
        %get3A = arith.index_cast %mul3A_535 : i32 to index
        %get3A_536 = tpu.vector_load %arg9[%get3A] {strides = array<i32>} : memref<16400xi32, #tpu.memory_space<vmem>>, vector<16xi32>,
        %eq3A = vector.broadcast %add3A_435 : i32 to vector<16xi32>
        %eq3A_537 = arith.cmpi eq, %get3A_536, %eq3A : vector<16xi32>
        %convert_element_type3A = arith.extui %eq3A_537 : vector<16xi1> to vector<16xi32>
        %broadcast_in_dim3A_538 = arith.constant true
        %broadcast_in_dim3A_539 = vector.broadcast %broadcast_in_dim3A_538 : i1 to vector<16xi1>
        %masked_cumsum3A = tpu.scan <sum>, %convert_element_type3A masked %broadcast_in_dim3A_539 : vector<16xi32>, vector<16xi1> -> vector<16xi32>
        %add3A_540 = vector.broadcast %while3A_533 : i32 to vector<16xi32>
        %add3A_541 = arith.addi %add3A_540, %masked_cumsum3A : vector<16xi32>
        %sub3A_542 = arith.constant 1 : i32
        %sub3A_543 = vector.broadcast %sub3A_542 : i32 to vector<16xi32>
        %sub3A_544 = arith.subi %add3A_541, %sub3A_543 : vector<16xi32>
        %mul3A_545 = arith.constant 16 : i32
        %mul3A_546 = arith.muli %while3A_532, %mul3A_545 : i32
        %get3A_547 = arith.index_cast %mul3A_546 : i32 to index
        %get3A_548 = tpu.vector_load %arg8[%get3A_547] {strides = array<i32>} : memref<16400xi32, #tpu.memory_space<vmem>>, vector<16xi32>,
        tpu.vector_store_idx %arg10[%sub3A_544], %get3A_548 masked %eq3A_537 : memref<16400xi32, #tpu.memory_space<vmem>>[vector<16xi32>], vector<16xi32>, vector<16xi1>
        %slice3A = vector.extract_strided_slice %masked_cumsum3A {offsets = [15], sizes = [1], strides = [1]} : vector<16xi32> to vector<1xi32>
        %squeeze3A = vector.extract %slice3A[0] : i32 from vector<1xi32>
        %add3A_549 = arith.addi %while3A_533, %squeeze3A : i32
        scf.yield %add3A_549 : i32
      }
      %while3A_492 = arith.constant 1 : i32
      %while3A_493 = scf.for %while3A_532 = %while3A_489 to %while3A_485 step %while3A_492 iter_args(%while3A_533 = %while3A_491) -> (i32)  : i32 {
        %mul3A_534 = arith.constant 16 : i32
        %mul3A_535 = arith.muli %while3A_532, %mul3A_534 : i32
        %get3A = arith.index_cast %mul3A_535 : i32 to index
        %get3A_536 = tpu.vector_load %arg9[%get3A] {strides = array<i32>} : memref<16400xi32, #tpu.memory_space<vmem>>, vector<16xi32>,
        %eq3A = vector.broadcast %add3A_435 : i32 to vector<16xi32>
        %eq3A_537 = arith.cmpi eq, %get3A_536, %eq3A : vector<16xi32>
        %convert_element_type3A = arith.extui %eq3A_537 : vector<16xi1> to vector<16xi32>
        %broadcast_in_dim3A_538 = arith.constant true
        %broadcast_in_dim3A_539 = vector.broadcast %broadcast_in_dim3A_538 : i1 to vector<16xi1>
        %masked_cumsum3A = tpu.scan <sum>, %convert_element_type3A masked %broadcast_in_dim3A_539 : vector<16xi32>, vector<16xi1> -> vector<16xi32>
        %add3A_540 = vector.broadcast %while3A_533 : i32 to vector<16xi32>
        %add3A_541 = arith.addi %add3A_540, %masked_cumsum3A : vector<16xi32>
        %sub3A_542 = arith.constant 1 : i32
        %sub3A_543 = vector.broadcast %sub3A_542 : i32 to vector<16xi32>
        %sub3A_544 = arith.subi %add3A_541, %sub3A_543 : vector<16xi32>
        %mul3A_545 = arith.constant 16 : i32
        %mul3A_546 = arith.muli %while3A_532, %mul3A_545 : i32
        %get3A_547 = arith.index_cast %mul3A_546 : i32 to index
        %get3A_548 = tpu.vector_load %arg8[%get3A_547] {strides = array<i32>} : memref<16400xi32, #tpu.memory_space<vmem>>, vector<16xi32>,
        tpu.vector_store_idx %arg10[%sub3A_544], %get3A_548 masked %eq3A_537 : memref<16400xi32, #tpu.memory_space<vmem>>[vector<16xi32>], vector<16xi32>, vector<16xi1>
        %slice3A = vector.extract_strided_slice %masked_cumsum3A {offsets = [15], sizes = [1], strides = [1]} : vector<16xi32> to vector<1xi32>
        %squeeze3A = vector.extract %slice3A[0] : i32 from vector<1xi32>
        %add3A_549 = arith.addi %while3A_533, %squeeze3A : i32
        scf.yield %add3A_549 : i32
      }
      %dma_wait3A_494 = arith.constant 0 : i32
      %dma_wait3A_495 = arith.constant 0 : i32
      %dma_wait3A_496 = tpu.memref_slice %arg13[%dma_wait3A_494, %dma_wait3A_495] : memref<64x257xf32, #tpu.memory_space<vmem>> -> memref<64x256xf32, #tpu.memory_space<vmem>>
      %dma_wait3A_497 = arith.constant 0 : i32
      %dma_wait3A_498 = arith.constant 0 : i32
      %dma_wait3A_499 = tpu.memref_slice %arg4[%dma_wait3A_497, %dma_wait3A_498] : memref<64x1000000xf32, #tpu.memory_space<hbm>> -> memref<64x256xf32, #tpu.memory_space<hbm>>
      %dma_wait3A_500 = arith.constant 0 : i32
      %dma_wait3A_501 = arith.constant 0 : i32
      %dma_wait3A_502 = tpu.memref_slice %arg13[%dma_wait3A_500, %dma_wait3A_501] : memref<64x257xf32, #tpu.memory_space<vmem>> -> memref<64x256xf32, #tpu.memory_space<vmem>>
      %dma_wait3A_503 = arith.constant 0 : i32
      %dma_wait3A_504 = arith.constant 0 : i32
      %dma_wait3A_505 = tpu.memref_slice %arg4[%dma_wait3A_503, %dma_wait3A_504] : memref<64x1000000xf32, #tpu.memory_space<hbm>> -> memref<64x256xf32, #tpu.memory_space<hbm>>
      tpu.wait_dma2 semaphore(%arg17 : memref<!tpu.dma_semaphore, #tpu.memory_space<semaphore_mem>>) src(%dma_wait3A_505 : memref<64x256xf32, #tpu.memory_space<hbm>>) dst(%dma_wait3A_502 : memref<64x256xf32, #tpu.memory_space<vmem>>)
      %while3A_506 = arith.constant 0 : i32
      %while3A_507 = arith.subi %while3A_493, %while3A_506 : i32
      %while3A_508 = arith.addi %while3A_506, %while3A_507 : i32
      %while3A_509 = arith.constant 1 : i32
      %while3A_510 = arith.divsi %while3A_507, %while3A_509 : i32
      %while3A_511 = arith.muli %while3A_510, %while3A_509 : i32
      %while3A_512 = arith.addi %while3A_506, %while3A_511 : i32
      %while3A_513 = arith.constant 1 : i32
      %while3A_514 = scf.for %while3A_532 = %while3A_506 to %while3A_512 step %while3A_513 iter_args(%while3A_533 = %while3A_413) -> (i32)  : i32 {
        %get3A = arith.index_cast %while3A_532 : i32 to index
        %get3A_534 = tpu.vector_load %arg10[%get3A] {strides = array<i32>} : memref<16400xi32, #tpu.memory_space<vmem>>, vector<16xi32>,
        %slice3A = vector.extract_strided_slice %get3A_534 {offsets = [0], sizes = [1], strides = [1]} : vector<16xi32> to vector<1xi32>
        %squeeze3A = vector.extract %slice3A[0] : i32 from vector<1xi32>
        %and3A_535 = arith.constant 255 : i32
        %and3A_536 = arith.andi %squeeze3A, %and3A_535 : i32
        %add3A_537 = arith.addi %and3A_536, %sub3A_453 : i32
        %shift_right_arithmetic3A = arith.constant 8 : i32
        %shift_right_arithmetic3A_538 = arith.shrsi %squeeze3A, %shift_right_arithmetic3A : i32
        %and3A_539 = arith.constant 15 : i32
        %and3A_540 = arith.andi %while3A_533, %and3A_539 : i32
        %broadcast_in_dim3A_541 = vector.broadcast %add3A_537 : i32 to vector<16xi32>
        %add3A_542 = arith.constant 0 : i32
        %add3A_543 = vector.broadcast %add3A_542 : i32 to vector<16xi32>
        %add3A_544 = arith.addi %add3A_543, %iota3A_445 : vector<16xi32>
        %gather3A = tpu.vector_load_idx %arg13[%add3A_544, %broadcast_in_dim3A_541] : memref<64x257xf32, #tpu.memory_space<vmem>>[vector<16xi32>, vector<16xi32>], vector<16xf32>,
        %mul3A_545 = arith.constant 128 : i32
        %mul3A_546 = arith.muli %and3A_540, %mul3A_545 : i32
        %add3A_547 = arith.constant 0 : i32
        %add3A_548 = arith.addi %mul3A_546, %add3A_547 : i32
        %swap3A = arith.index_cast %add3A_548 : i32 to index
        %swap3A_549 = tpu.vector_load %arg14[%swap3A] {strides = array<i32>} : memref<2048xf32, #tpu.memory_space<vmem>>, vector<16xf32>,
        tpu.vector_store %arg14[%swap3A], %gather3A {strides = array<i32>} : memref<2048xf32, #tpu.memory_space<vmem>>, vector<16xf32>,
        %add3A_550 = arith.constant 16 : i32
        %add3A_551 = vector.broadcast %add3A_550 : i32 to vector<16xi32>
        %add3A_552 = arith.addi %add3A_551, %iota3A_445 : vector<16xi32>
        %gather3A_553 = tpu.vector_load_idx %arg13[%add3A_552, %broadcast_in_dim3A_541] : memref<64x257xf32, #tpu.memory_space<vmem>>[vector<16xi32>, vector<16xi32>], vector<16xf32>,
        %mul3A_554 = arith.constant 128 : i32
        %mul3A_555 = arith.muli %and3A_540, %mul3A_554 : i32
        %add3A_556 = arith.constant 16 : i32
        %add3A_557 = arith.addi %mul3A_555, %add3A_556 : i32
        %swap3A_558 = arith.index_cast %add3A_557 : i32 to index
        %swap3A_559 = tpu.vector_load %arg14[%swap3A_558] {strides = array<i32>} : memref<2048xf32, #tpu.memory_space<vmem>>, vector<16xf32>,
        tpu.vector_store %arg14[%swap3A_558], %gather3A_553 {strides = array<i32>} : memref<2048xf32, #tpu.memory_space<vmem>>, vector<16xf32>,
        %add3A_560 = arith.constant 32 : i32
        %add3A_561 = vector.broadcast %add3A_560 : i32 to vector<16xi32>
        %add3A_562 = arith.addi %add3A_561, %iota3A_445 : vector<16xi32>
        %gather3A_563 = tpu.vector_load_idx %arg13[%add3A_562, %broadcast_in_dim3A_541] : memref<64x257xf32, #tpu.memory_space<vmem>>[vector<16xi32>, vector<16xi32>], vector<16xf32>,
        %mul3A_564 = arith.constant 128 : i32
        %mul3A_565 = arith.muli %and3A_540, %mul3A_564 : i32
        %add3A_566 = arith.constant 32 : i32
        %add3A_567 = arith.addi %mul3A_565, %add3A_566 : i32
        %swap3A_568 = arith.index_cast %add3A_567 : i32 to index
        %swap3A_569 = tpu.vector_load %arg14[%swap3A_568] {strides = array<i32>} : memref<2048xf32, #tpu.memory_space<vmem>>, vector<16xf32>,
        tpu.vector_store %arg14[%swap3A_568], %gather3A_563 {strides = array<i32>} : memref<2048xf32, #tpu.memory_space<vmem>>, vector<16xf32>,
        %add3A_570 = arith.constant 48 : i32
        %add3A_571 = vector.broadcast %add3A_570 : i32 to vector<16xi32>
        %add3A_572 = arith.addi %add3A_571, %iota3A_445 : vector<16xi32>
        %gather3A_573 = tpu.vector_load_idx %arg13[%add3A_572, %broadcast_in_dim3A_541] : memref<64x257xf32, #tpu.memory_space<vmem>>[vector<16xi32>, vector<16xi32>], vector<16xf32>,
        %mul3A_574 = arith.constant 128 : i32
        %mul3A_575 = arith.muli %and3A_540, %mul3A_574 : i32
        %add3A_576 = arith.constant 48 : i32
        %add3A_577 = arith.addi %mul3A_575, %add3A_576 : i32
        %swap3A_578 = arith.index_cast %add3A_577 : i32 to index
        %swap3A_579 = tpu.vector_load %arg14[%swap3A_578] {strides = array<i32>} : memref<2048xf32, #tpu.memory_space<vmem>>, vector<16xf32>,
        tpu.vector_store %arg14[%swap3A_578], %gather3A_573 {strides = array<i32>} : memref<2048xf32, #tpu.memory_space<vmem>>, vector<16xf32>,
        %mul3A_580 = arith.constant 128 : i32
        %mul3A_581 = arith.muli %and3A_540, %mul3A_580 : i32
        %dma_start3A_582 = tpu.memref_slice %arg14[%mul3A_581] : memref<2048xf32, #tpu.memory_space<vmem>> -> memref<128xf32, #tpu.memory_space<vmem>>
        %dma_start3A_583 = arith.constant 0 : i32
        %dma_start3A_584 = tpu.memref_slice %arg6[%shift_right_arithmetic3A_538, %dma_start3A_583] : memref<16384x128xf32, #tpu.memory_space<hbm>> -> memref<1x128xf32, #tpu.memory_space<hbm>>
        %dma_start3A_585 = tpu.memref_squeeze %dma_start3A_584 : memref<1x128xf32, #tpu.memory_space<hbm>> -> memref<128xf32, #tpu.memory_space<hbm>>
        %dma_start3A_586 = arith.constant 0 : i32
        %dma_start3A_587 = tpu.memref_slice %arg6[%shift_right_arithmetic3A_538, %dma_start3A_586] : memref<16384x128xf32, #tpu.memory_space<hbm>> -> memref<1x128xf32, #tpu.memory_space<hbm>>
        %dma_start3A_588 = tpu.memref_squeeze %dma_start3A_587 : memref<1x128xf32, #tpu.memory_space<hbm>> -> memref<128xf32, #tpu.memory_space<hbm>>
        %dma_start3A_589 = tpu.memref_slice %arg14[%mul3A_581] : memref<2048xf32, #tpu.memory_space<vmem>> -> memref<128xf32, #tpu.memory_space<vmem>>
        tpu.enqueue_dma source(%dma_start3A_589 : memref<128xf32, #tpu.memory_space<vmem>>) target(%dma_start3A_588 : memref<128xf32, #tpu.memory_space<hbm>>) target_semaphore(%arg18 : memref<!tpu.dma_semaphore, #tpu.memory_space<semaphore_mem>>)
        %add3A_590 = arith.constant 1 : i32
        %add3A_591 = arith.addi %while3A_533, %add3A_590 : i32
        %ge3A = arith.constant 16 : i32
        %ge3A_592 = arith.cmpi sge, %add3A_591, %ge3A : i32
        %convert_element_type3A = arith.extui %ge3A_592 : i1 to i32
        %cond3A = arith.constant 0 : i32
        %cond3A_593 = arith.cmpi ne, %convert_element_type3A, %cond3A : i32
        scf.if %cond3A_593 {
          %dma_wait3A_594 = arith.constant 0 : i32
          %dma_wait3A_595 = arith.constant 0 : i32
          %dma_wait3A_596 = tpu.memref_slice %arg14[%dma_wait3A_595] : memref<2048xf32, #tpu.memory_space<vmem>> -> memref<128xf32, #tpu.memory_space<vmem>>
          %dma_wait3A_597 = arith.constant 0 : i32
          %dma_wait3A_598 = tpu.memref_slice %arg6[%dma_wait3A_594, %dma_wait3A_597] : memref<16384x128xf32, #tpu.memory_space<hbm>> -> memref<1x128xf32, #tpu.memory_space<hbm>>
          %dma_wait3A_599 = tpu.memref_squeeze %dma_wait3A_598 : memref<1x128xf32, #tpu.memory_space<hbm>> -> memref<128xf32, #tpu.memory_space<hbm>>
          %dma_wait3A_600 = arith.constant 0 : i32
          %dma_wait3A_601 = tpu.memref_slice %arg14[%dma_wait3A_600] : memref<2048xf32, #tpu.memory_space<vmem>> -> memref<128xf32, #tpu.memory_space<vmem>>
          %dma_wait3A_602 = arith.constant 0 : i32
          %dma_wait3A_603 = tpu.memref_slice %arg6[%dma_wait3A_594, %dma_wait3A_602] : memref<16384x128xf32, #tpu.memory_space<hbm>> -> memref<1x128xf32, #tpu.memory_space<hbm>>
          %dma_wait3A_604 = tpu.memref_squeeze %dma_wait3A_603 : memref<1x128xf32, #tpu.memory_space<hbm>> -> memref<128xf32, #tpu.memory_space<hbm>>
          tpu.wait_dma2 semaphore(%arg18 : memref<!tpu.dma_semaphore, #tpu.memory_space<semaphore_mem>>) src(%dma_wait3A_604 : memref<128xf32, #tpu.memory_space<hbm>>) dst(%dma_wait3A_601 : memref<128xf32, #tpu.memory_space<vmem>>)
        } else {
        }
        scf.yield %add3A_591 : i32
      }
      %while3A_515 = arith.constant 1 : i32
      %while3A_516 = scf.for %while3A_532 = %while3A_512 to %while3A_508 step %while3A_515 iter_args(%while3A_533 = %while3A_514) -> (i32)  : i32 {
        %get3A = arith.index_cast %while3A_532 : i32 to index
        %get3A_534 = tpu.vector_load %arg10[%get3A] {strides = array<i32>} : memref<16400xi32, #tpu.memory_space<vmem>>, vector<16xi32>,
        %slice3A = vector.extract_strided_slice %get3A_534 {offsets = [0], sizes = [1], strides = [1]} : vector<16xi32> to vector<1xi32>
        %squeeze3A = vector.extract %slice3A[0] : i32 from vector<1xi32>
        %and3A_535 = arith.constant 255 : i32
        %and3A_536 = arith.andi %squeeze3A, %and3A_535 : i32
        %add3A_537 = arith.addi %and3A_536, %sub3A_453 : i32
        %shift_right_arithmetic3A = arith.constant 8 : i32
        %shift_right_arithmetic3A_538 = arith.shrsi %squeeze3A, %shift_right_arithmetic3A : i32
        %and3A_539 = arith.constant 15 : i32
        %and3A_540 = arith.andi %while3A_533, %and3A_539 : i32
        %broadcast_in_dim3A_541 = vector.broadcast %add3A_537 : i32 to vector<16xi32>
        %add3A_542 = arith.constant 0 : i32
        %add3A_543 = vector.broadcast %add3A_542 : i32 to vector<16xi32>
        %add3A_544 = arith.addi %add3A_543, %iota3A_445 : vector<16xi32>
        %gather3A = tpu.vector_load_idx %arg13[%add3A_544, %broadcast_in_dim3A_541] : memref<64x257xf32, #tpu.memory_space<vmem>>[vector<16xi32>, vector<16xi32>], vector<16xf32>,
        %mul3A_545 = arith.constant 128 : i32
        %mul3A_546 = arith.muli %and3A_540, %mul3A_545 : i32
        %add3A_547 = arith.constant 0 : i32
        %add3A_548 = arith.addi %mul3A_546, %add3A_547 : i32
        %swap3A = arith.index_cast %add3A_548 : i32 to index
        %swap3A_549 = tpu.vector_load %arg14[%swap3A] {strides = array<i32>} : memref<2048xf32, #tpu.memory_space<vmem>>, vector<16xf32>,
        tpu.vector_store %arg14[%swap3A], %gather3A {strides = array<i32>} : memref<2048xf32, #tpu.memory_space<vmem>>, vector<16xf32>,
        %add3A_550 = arith.constant 16 : i32
        %add3A_551 = vector.broadcast %add3A_550 : i32 to vector<16xi32>
        %add3A_552 = arith.addi %add3A_551, %iota3A_445 : vector<16xi32>
        %gather3A_553 = tpu.vector_load_idx %arg13[%add3A_552, %broadcast_in_dim3A_541] : memref<64x257xf32, #tpu.memory_space<vmem>>[vector<16xi32>, vector<16xi32>], vector<16xf32>,
        %mul3A_554 = arith.constant 128 : i32
        %mul3A_555 = arith.muli %and3A_540, %mul3A_554 : i32
        %add3A_556 = arith.constant 16 : i32
        %add3A_557 = arith.addi %mul3A_555, %add3A_556 : i32
        %swap3A_558 = arith.index_cast %add3A_557 : i32 to index
        %swap3A_559 = tpu.vector_load %arg14[%swap3A_558] {strides = array<i32>} : memref<2048xf32, #tpu.memory_space<vmem>>, vector<16xf32>,
        tpu.vector_store %arg14[%swap3A_558], %gather3A_553 {strides = array<i32>} : memref<2048xf32, #tpu.memory_space<vmem>>, vector<16xf32>,
        %add3A_560 = arith.constant 32 : i32
        %add3A_561 = vector.broadcast %add3A_560 : i32 to vector<16xi32>
        %add3A_562 = arith.addi %add3A_561, %iota3A_445 : vector<16xi32>
        %gather3A_563 = tpu.vector_load_idx %arg13[%add3A_562, %broadcast_in_dim3A_541] : memref<64x257xf32, #tpu.memory_space<vmem>>[vector<16xi32>, vector<16xi32>], vector<16xf32>,
        %mul3A_564 = arith.constant 128 : i32
        %mul3A_565 = arith.muli %and3A_540, %mul3A_564 : i32
        %add3A_566 = arith.constant 32 : i32
        %add3A_567 = arith.addi %mul3A_565, %add3A_566 : i32
        %swap3A_568 = arith.index_cast %add3A_567 : i32 to index
        %swap3A_569 = tpu.vector_load %arg14[%swap3A_568] {strides = array<i32>} : memref<2048xf32, #tpu.memory_space<vmem>>, vector<16xf32>,
        tpu.vector_store %arg14[%swap3A_568], %gather3A_563 {strides = array<i32>} : memref<2048xf32, #tpu.memory_space<vmem>>, vector<16xf32>,
        %add3A_570 = arith.constant 48 : i32
        %add3A_571 = vector.broadcast %add3A_570 : i32 to vector<16xi32>
        %add3A_572 = arith.addi %add3A_571, %iota3A_445 : vector<16xi32>
        %gather3A_573 = tpu.vector_load_idx %arg13[%add3A_572, %broadcast_in_dim3A_541] : memref<64x257xf32, #tpu.memory_space<vmem>>[vector<16xi32>, vector<16xi32>], vector<16xf32>,
        %mul3A_574 = arith.constant 128 : i32
        %mul3A_575 = arith.muli %and3A_540, %mul3A_574 : i32
        %add3A_576 = arith.constant 48 : i32
        %add3A_577 = arith.addi %mul3A_575, %add3A_576 : i32
        %swap3A_578 = arith.index_cast %add3A_577 : i32 to index
        %swap3A_579 = tpu.vector_load %arg14[%swap3A_578] {strides = array<i32>} : memref<2048xf32, #tpu.memory_space<vmem>>, vector<16xf32>,
        tpu.vector_store %arg14[%swap3A_578], %gather3A_573 {strides = array<i32>} : memref<2048xf32, #tpu.memory_space<vmem>>, vector<16xf32>,
        %mul3A_580 = arith.constant 128 : i32
        %mul3A_581 = arith.muli %and3A_540, %mul3A_580 : i32
        %dma_start3A_582 = tpu.memref_slice %arg14[%mul3A_581] : memref<2048xf32, #tpu.memory_space<vmem>> -> memref<128xf32, #tpu.memory_space<vmem>>
        %dma_start3A_583 = arith.constant 0 : i32
        %dma_start3A_584 = tpu.memref_slice %arg6[%shift_right_arithmetic3A_538, %dma_start3A_583] : memref<16384x128xf32, #tpu.memory_space<hbm>> -> memref<1x128xf32, #tpu.memory_space<hbm>>
        %dma_start3A_585 = tpu.memref_squeeze %dma_start3A_584 : memref<1x128xf32, #tpu.memory_space<hbm>> -> memref<128xf32, #tpu.memory_space<hbm>>
        %dma_start3A_586 = arith.constant 0 : i32
        %dma_start3A_587 = tpu.memref_slice %arg6[%shift_right_arithmetic3A_538, %dma_start3A_586] : memref<16384x128xf32, #tpu.memory_space<hbm>> -> memref<1x128xf32, #tpu.memory_space<hbm>>
        %dma_start3A_588 = tpu.memref_squeeze %dma_start3A_587 : memref<1x128xf32, #tpu.memory_space<hbm>> -> memref<128xf32, #tpu.memory_space<hbm>>
        %dma_start3A_589 = tpu.memref_slice %arg14[%mul3A_581] : memref<2048xf32, #tpu.memory_space<vmem>> -> memref<128xf32, #tpu.memory_space<vmem>>
        tpu.enqueue_dma source(%dma_start3A_589 : memref<128xf32, #tpu.memory_space<vmem>>) target(%dma_start3A_588 : memref<128xf32, #tpu.memory_space<hbm>>) target_semaphore(%arg18 : memref<!tpu.dma_semaphore, #tpu.memory_space<semaphore_mem>>)
        %add3A_590 = arith.constant 1 : i32
        %add3A_591 = arith.addi %while3A_533, %add3A_590 : i32
        %ge3A = arith.constant 16 : i32
        %ge3A_592 = arith.cmpi sge, %add3A_591, %ge3A : i32
        %convert_element_type3A = arith.extui %ge3A_592 : i1 to i32
        %cond3A = arith.constant 0 : i32
        %cond3A_593 = arith.cmpi ne, %convert_element_type3A, %cond3A : i32
        scf.if %cond3A_593 {
          %dma_wait3A_594 = arith.constant 0 : i32
          %dma_wait3A_595 = arith.constant 0 : i32
          %dma_wait3A_596 = tpu.memref_slice %arg14[%dma_wait3A_595] : memref<2048xf32, #tpu.memory_space<vmem>> -> memref<128xf32, #tpu.memory_space<vmem>>
          %dma_wait3A_597 = arith.constant 0 : i32
          %dma_wait3A_598 = tpu.memref_slice %arg6[%dma_wait3A_594, %dma_wait3A_597] : memref<16384x128xf32, #tpu.memory_space<hbm>> -> memref<1x128xf32, #tpu.memory_space<hbm>>
          %dma_wait3A_599 = tpu.memref_squeeze %dma_wait3A_598 : memref<1x128xf32, #tpu.memory_space<hbm>> -> memref<128xf32, #tpu.memory_space<hbm>>
          %dma_wait3A_600 = arith.constant 0 : i32
          %dma_wait3A_601 = tpu.memref_slice %arg14[%dma_wait3A_600] : memref<2048xf32, #tpu.memory_space<vmem>> -> memref<128xf32, #tpu.memory_space<vmem>>
          %dma_wait3A_602 = arith.constant 0 : i32
          %dma_wait3A_603 = tpu.memref_slice %arg6[%dma_wait3A_594, %dma_wait3A_602] : memref<16384x128xf32, #tpu.memory_space<hbm>> -> memref<1x128xf32, #tpu.memory_space<hbm>>
          %dma_wait3A_604 = tpu.memref_squeeze %dma_wait3A_603 : memref<1x128xf32, #tpu.memory_space<hbm>> -> memref<128xf32, #tpu.memory_space<hbm>>
          tpu.wait_dma2 semaphore(%arg18 : memref<!tpu.dma_semaphore, #tpu.memory_space<semaphore_mem>>) src(%dma_wait3A_604 : memref<128xf32, #tpu.memory_space<hbm>>) dst(%dma_wait3A_601 : memref<128xf32, #tpu.memory_space<vmem>>)
        } else {
        }
        scf.yield %add3A_591 : i32
      }
      %mul3A_517 = arith.constant 256 : i32
      %mul3A_518 = arith.muli %add3A_444, %mul3A_517 : i32
      %min3A_519 = arith.constant 999808 : i32
      %min3A_520 = arith.minsi %mul3A_518, %min3A_519 : i32
      %multiple_of3A_521 = tpu.assume_multiple %min3A_520, 128 : i32
      %dma_start3A_522 = arith.constant 0 : i32
      %dma_start3A_523 = arith.constant 0 : i32
      %dma_start3A_524 = tpu.memref_slice %arg13[%dma_start3A_522, %dma_start3A_523] : memref<64x257xf32, #tpu.memory_space<vmem>> -> memref<64x256xf32, #tpu.memory_space<vmem>>
      %dma_start3A_525 = arith.constant 0 : i32
      %dma_start3A_526 = tpu.memref_slice %arg4[%dma_start3A_525, %multiple_of3A_521] : memref<64x1000000xf32, #tpu.memory_space<hbm>> -> memref<64x256xf32, #tpu.memory_space<hbm>>
      %dma_start3A_527 = arith.constant 0 : i32
      %dma_start3A_528 = arith.constant 0 : i32
      %dma_start3A_529 = tpu.memref_slice %arg13[%dma_start3A_527, %dma_start3A_528] : memref<64x257xf32, #tpu.memory_space<vmem>> -> memref<64x256xf32, #tpu.memory_space<vmem>>
      %dma_start3A_530 = arith.constant 0 : i32
      %dma_start3A_531 = tpu.memref_slice %arg4[%dma_start3A_530, %multiple_of3A_521] : memref<64x1000000xf32, #tpu.memory_space<hbm>> -> memref<64x256xf32, #tpu.memory_space<hbm>>
      tpu.enqueue_dma source(%dma_start3A_531 : memref<64x256xf32, #tpu.memory_space<hbm>>) target(%dma_start3A_529 : memref<64x256xf32, #tpu.memory_space<vmem>>) target_semaphore(%arg17 : memref<!tpu.dma_semaphore, #tpu.memory_space<semaphore_mem>>)
      scf.yield %while3A_516 : i32
    }
    %scan3A_64 = arith.constant 41 : i32
    %dma_wait3A = arith.constant 0 : i32
    %dma_wait3A_65 = arith.constant 0 : i32
    %dma_wait3A_66 = tpu.memref_slice %arg11[%dma_wait3A, %dma_wait3A_65] : memref<64x257xf32, #tpu.memory_space<vmem>> -> memref<64x256xf32, #tpu.memory_space<vmem>>
    %dma_wait3A_67 = arith.constant 0 : i32
    %dma_wait3A_68 = arith.constant 0 : i32
    %dma_wait3A_69 = tpu.memref_slice %arg4[%dma_wait3A_67, %dma_wait3A_68] : memref<64x1000000xf32, #tpu.memory_space<hbm>> -> memref<64x256xf32, #tpu.memory_space<hbm>>
    %dma_wait3A_70 = arith.constant 0 : i32
    %dma_wait3A_71 = arith.constant 0 : i32
    %dma_wait3A_72 = tpu.memref_slice %arg11[%dma_wait3A_70, %dma_wait3A_71] : memref<64x257xf32, #tpu.memory_space<vmem>> -> memref<64x256xf32, #tpu.memory_space<vmem>>
    %dma_wait3A_73 = arith.constant 0 : i32
    %dma_wait3A_74 = arith.constant 0 : i32
    %dma_wait3A_75 = tpu.memref_slice %arg4[%dma_wait3A_73, %dma_wait3A_74] : memref<64x1000000xf32, #tpu.memory_space<hbm>> -> memref<64x256xf32, #tpu.memory_space<hbm>>
    tpu.wait_dma2 semaphore(%arg15 : memref<!tpu.dma_semaphore, #tpu.memory_space<semaphore_mem>>) src(%dma_wait3A_75 : memref<64x256xf32, #tpu.memory_space<hbm>>) dst(%dma_wait3A_72 : memref<64x256xf32, #tpu.memory_space<vmem>>)
    %dma_wait3A_76 = arith.constant 0 : i32
    %dma_wait3A_77 = arith.constant 0 : i32
    %dma_wait3A_78 = tpu.memref_slice %arg12[%dma_wait3A_76, %dma_wait3A_77] : memref<64x257xf32, #tpu.memory_space<vmem>> -> memref<64x256xf32, #tpu.memory_space<vmem>>
    %dma_wait3A_79 = arith.constant 0 : i32
    %dma_wait3A_80 = arith.constant 0 : i32
    %dma_wait3A_81 = tpu.memref_slice %arg4[%dma_wait3A_79, %dma_wait3A_80] : memref<64x1000000xf32, #tpu.memory_space<hbm>> -> memref<64x256xf32, #tpu.memory_space<hbm>>
    %dma_wait3A_82 = arith.constant 0 : i32
    %dma_wait3A_83 = arith.constant 0 : i32
    %dma_wait3A_84 = tpu.memref_slice %arg12[%dma_wait3A_82, %dma_wait3A_83] : memref<64x257xf32, #tpu.memory_space<vmem>> -> memref<64x256xf32, #tpu.memory_space<vmem>>
    %dma_wait3A_85 = arith.constant 0 : i32
    %dma_wait3A_86 = arith.constant 0 : i32
    %dma_wait3A_87 = tpu.memref_slice %arg4[%dma_wait3A_85, %dma_wait3A_86] : memref<64x1000000xf32, #tpu.memory_space<hbm>> -> memref<64x256xf32, #tpu.memory_space<hbm>>
    tpu.wait_dma2 semaphore(%arg16 : memref<!tpu.dma_semaphore, #tpu.memory_space<semaphore_mem>>) src(%dma_wait3A_87 : memref<64x256xf32, #tpu.memory_space<hbm>>) dst(%dma_wait3A_84 : memref<64x256xf32, #tpu.memory_space<vmem>>)
    %dma_wait3A_88 = arith.constant 0 : i32
    %dma_wait3A_89 = arith.constant 0 : i32
    %dma_wait3A_90 = tpu.memref_slice %arg13[%dma_wait3A_88, %dma_wait3A_89] : memref<64x257xf32, #tpu.memory_space<vmem>> -> memref<64x256xf32, #tpu.memory_space<vmem>>
    %dma_wait3A_91 = arith.constant 0 : i32
    %dma_wait3A_92 = arith.constant 0 : i32
    %dma_wait3A_93 = tpu.memref_slice %arg4[%dma_wait3A_91, %dma_wait3A_92] : memref<64x1000000xf32, #tpu.memory_space<hbm>> -> memref<64x256xf32, #tpu.memory_space<hbm>>
    %dma_wait3A_94 = arith.constant 0 : i32
    %dma_wait3A_95 = arith.constant 0 : i32
    %dma_wait3A_96 = tpu.memref_slice %arg13[%dma_wait3A_94, %dma_wait3A_95] : memref<64x257xf32, #tpu.memory_space<vmem>> -> memref<64x256xf32, #tpu.memory_space<vmem>>
    %dma_wait3A_97 = arith.constant 0 : i32
    %dma_wait3A_98 = arith.constant 0 : i32
    %dma_wait3A_99 = tpu.memref_slice %arg4[%dma_wait3A_97, %dma_wait3A_98] : memref<64x1000000xf32, #tpu.memory_space<hbm>> -> memref<64x256xf32, #tpu.memory_space<hbm>>
    tpu.wait_dma2 semaphore(%arg17 : memref<!tpu.dma_semaphore, #tpu.memory_space<semaphore_mem>>) src(%dma_wait3A_99 : memref<64x256xf32, #tpu.memory_space<hbm>>) dst(%dma_wait3A_96 : memref<64x256xf32, #tpu.memory_space<vmem>>)
    %min3A_100 = arith.constant 15 : i32
    %min3A_101 = arith.minsi %scan3A_63, %min3A_100 : i32
    %while3A = arith.constant 0 : i32
    %while3A_102 = arith.constant 0 : i32
    %while3A_103 = arith.subi %min3A_101, %while3A_102 : i32
    %while3A_104 = arith.addi %while3A_102, %while3A_103 : i32
    %while3A_105 = arith.constant 1 : i32
    %while3A_106 = arith.divsi %while3A_103, %while3A_105 : i32
    %while3A_107 = arith.muli %while3A_106, %while3A_105 : i32
    %while3A_108 = arith.addi %while3A_102, %while3A_107 : i32
    %while3A_109 = arith.constant 1 : i32
    scf.for %while3A_229 = %while3A_102 to %while3A_108 step %while3A_109  : i32 {
      %dma_wait3A_230 = arith.constant 0 : i32
      %dma_wait3A_231 = arith.constant 0 : i32
      %dma_wait3A_232 = tpu.memref_slice %arg14[%dma_wait3A_231] : memref<2048xf32, #tpu.memory_space<vmem>> -> memref<128xf32, #tpu.memory_space<vmem>>
      %dma_wait3A_233 = arith.constant 0 : i32
      %dma_wait3A_234 = tpu.memref_slice %arg6[%dma_wait3A_230, %dma_wait3A_233] : memref<16384x128xf32, #tpu.memory_space<hbm>> -> memref<1x128xf32, #tpu.memory_space<hbm>>
      %dma_wait3A_235 = tpu.memref_squeeze %dma_wait3A_234 : memref<1x128xf32, #tpu.memory_space<hbm>> -> memref<128xf32, #tpu.memory_space<hbm>>
      %dma_wait3A_236 = arith.constant 0 : i32
      %dma_wait3A_237 = tpu.memref_slice %arg14[%dma_wait3A_236] : memref<2048xf32, #tpu.memory_space<vmem>> -> memref<128xf32, #tpu.memory_space<vmem>>
      %dma_wait3A_238 = arith.constant 0 : i32
      %dma_wait3A_239 = tpu.memref_slice %arg6[%dma_wait3A_230, %dma_wait3A_238] : memref<16384x128xf32, #tpu.memory_space<hbm>> -> memref<1x128xf32, #tpu.memory_space<hbm>>
      %dma_wait3A_240 = tpu.memref_squeeze %dma_wait3A_239 : memref<1x128xf32, #tpu.memory_space<hbm>> -> memref<128xf32, #tpu.memory_space<hbm>>
      tpu.wait_dma2 semaphore(%arg18 : memref<!tpu.dma_semaphore, #tpu.memory_space<semaphore_mem>>) src(%dma_wait3A_240 : memref<128xf32, #tpu.memory_space<hbm>>) dst(%dma_wait3A_237 : memref<128xf32, #tpu.memory_space<vmem>>)
    }
    %while3A_110 = arith.constant 1 : i32
    scf.for %while3A_229 = %while3A_108 to %while3A_104 step %while3A_110  : i32 {
      %dma_wait3A_230 = arith.constant 0 : i32
      %dma_wait3A_231 = arith.constant 0 : i32
      %dma_wait3A_232 = tpu.memref_slice %arg14[%dma_wait3A_231] : memref<2048xf32, #tpu.memory_space<vmem>> -> memref<128xf32, #tpu.memory_space<vmem>>
      %dma_wait3A_233 = arith.constant 0 : i32
      %dma_wait3A_234 = tpu.memref_slice %arg6[%dma_wait3A_230, %dma_wait3A_233] : memref<16384x128xf32, #tpu.memory_space<hbm>> -> memref<1x128xf32, #tpu.memory_space<hbm>>
      %dma_wait3A_235 = tpu.memref_squeeze %dma_wait3A_234 : memref<1x128xf32, #tpu.memory_space<hbm>> -> memref<128xf32, #tpu.memory_space<hbm>>
      %dma_wait3A_236 = arith.constant 0 : i32
      %dma_wait3A_237 = tpu.memref_slice %arg14[%dma_wait3A_236] : memref<2048xf32, #tpu.memory_space<vmem>> -> memref<128xf32, #tpu.memory_space<vmem>>
      %dma_wait3A_238 = arith.constant 0 : i32
      %dma_wait3A_239 = tpu.memref_slice %arg6[%dma_wait3A_230, %dma_wait3A_238] : memref<16384x128xf32, #tpu.memory_space<hbm>> -> memref<1x128xf32, #tpu.memory_space<hbm>>
      %dma_wait3A_240 = tpu.memref_squeeze %dma_wait3A_239 : memref<1x128xf32, #tpu.memory_space<hbm>> -> memref<128xf32, #tpu.memory_space<hbm>>
      tpu.wait_dma2 semaphore(%arg18 : memref<!tpu.dma_semaphore, #tpu.memory_space<semaphore_mem>>) src(%dma_wait3A_240 : memref<128xf32, #tpu.memory_space<hbm>>) dst(%dma_wait3A_237 : memref<128xf32, #tpu.memory_space<vmem>>)
    }
    %iota3A_111 = tpu.iota {dimensions = array<i32: 0>} : vector<16xi32>
    "tpu.region"() ({
      %run_scoped3A = tpu.sem_alloc : memref<!tpu.dma_semaphore, #tpu.memory_space<semaphore_mem>>
      %dma_start3A_229 = arith.constant 0 : i32
      %dma_start3A_230 = tpu.memref_slice %arg10[%dma_start3A_229] : memref<16400xi32, #tpu.memory_space<vmem>> -> memref<16384xi32, #tpu.memory_space<vmem>>
      %dma_start3A_231 = arith.constant 0 : i32
      %dma_start3A_232 = tpu.memref_slice %arg10[%dma_start3A_231] : memref<16400xi32, #tpu.memory_space<vmem>> -> memref<16384xi32, #tpu.memory_space<vmem>>
      tpu.enqueue_dma source(%arg3 : memref<16384xi32, #tpu.memory_space<hbm>>) target(%dma_start3A_232 : memref<16384xi32, #tpu.memory_space<vmem>>) target_semaphore(%run_scoped3A : memref<!tpu.dma_semaphore, #tpu.memory_space<semaphore_mem>>)
      %dma_wait3A_233 = arith.constant 0 : i32
      %dma_wait3A_234 = tpu.memref_slice %arg10[%dma_wait3A_233] : memref<16400xi32, #tpu.memory_space<vmem>> -> memref<16384xi32, #tpu.memory_space<vmem>>
      %dma_wait3A_235 = arith.constant 0 : i32
      %dma_wait3A_236 = tpu.memref_slice %arg10[%dma_wait3A_235] : memref<16400xi32, #tpu.memory_space<vmem>> -> memref<16384xi32, #tpu.memory_space<vmem>>
      tpu.wait_dma2 semaphore(%run_scoped3A : memref<!tpu.dma_semaphore, #tpu.memory_space<semaphore_mem>>) src(%arg3 : memref<16384xi32, #tpu.memory_space<hbm>>) dst(%dma_wait3A_236 : memref<16384xi32, #tpu.memory_space<vmem>>)
      tpu.yield
    }) : () -> ()
    %scan3A_112 = arith.constant 0 : i32
    %scan3A_113 = arith.constant 0 : i32
    %scan3A_114 = arith.constant 1024 : i32
    %scan3A_115 = arith.addi %scan3A_113, %scan3A_114 : i32
    %scan3A_116 = arith.constant 1 : i32
    %scan3A_117 = scf.for %scan3A_229 = %scan3A_113 to %scan3A_115 step %scan3A_116 iter_args(%scan3A_230 = %scan3A_112) -> (i32)  : i32 {
      %mul3A_231 = arith.constant 16 : i32
      %mul3A_232 = arith.muli %scan3A_229, %mul3A_231 : i32
      %get3A = arith.index_cast %mul3A_232 : i32 to index
      %get3A_233 = tpu.vector_load %arg10[%get3A] {strides = array<i32>} : memref<16400xi32, #tpu.memory_space<vmem>>, vector<16xi32>,
      %shift_right_arithmetic3A = arith.constant 8 : i32
      %shift_right_arithmetic3A_234 = vector.broadcast %shift_right_arithmetic3A : i32 to vector<16xi32>
      %shift_right_arithmetic3A_235 = arith.shrsi %get3A_233, %shift_right_arithmetic3A_234 : vector<16xi32>
      %and3A = arith.constant 31 : i32
      %and3A_236 = vector.broadcast %and3A : i32 to vector<16xi32>
      %and3A_237 = arith.andi %shift_right_arithmetic3A_235, %and3A_236 : vector<16xi32>
      %eq3A = vector.broadcast %add3A : i32 to vector<16xi32>
      %eq3A_238 = arith.cmpi eq, %and3A_237, %eq3A : vector<16xi32>
      %convert_element_type3A = arith.extui %eq3A_238 : vector<16xi1> to vector<16xi32>
      %broadcast_in_dim3A_239 = arith.constant true
      %broadcast_in_dim3A_240 = vector.broadcast %broadcast_in_dim3A_239 : i1 to vector<16xi1>
      %masked_cumsum3A = tpu.scan <sum>, %convert_element_type3A masked %broadcast_in_dim3A_240 : vector<16xi32>, vector<16xi1> -> vector<16xi32>
      %add3A_241 = vector.broadcast %scan3A_230 : i32 to vector<16xi32>
      %add3A_242 = arith.addi %add3A_241, %masked_cumsum3A : vector<16xi32>
      %sub3A = arith.constant 1 : i32
      %sub3A_243 = vector.broadcast %sub3A : i32 to vector<16xi32>
      %sub3A_244 = arith.subi %add3A_242, %sub3A_243 : vector<16xi32>
      %mul3A_245 = arith.constant 16 : i32
      %mul3A_246 = arith.muli %scan3A_229, %mul3A_245 : i32
      %add3A_247 = vector.broadcast %mul3A_246 : i32 to vector<16xi32>
      %add3A_248 = arith.addi %add3A_247, %iota3A_111 : vector<16xi32>
      %and3A_249 = arith.constant 255 : i32
      %and3A_250 = vector.broadcast %and3A_249 : i32 to vector<16xi32>
      %and3A_251 = arith.andi %get3A_233, %and3A_250 : vector<16xi32>
      %shift_left3A = arith.constant 8 : i32
      %shift_left3A_252 = vector.broadcast %shift_left3A : i32 to vector<16xi32>
      %shift_left3A_253 = arith.shli %add3A_248, %shift_left3A_252 : vector<16xi32>
      %or3A = arith.ori %and3A_251, %shift_left3A_253 : vector<16xi32>
      tpu.vector_store_idx %arg8[%sub3A_244], %or3A masked %eq3A_238 : memref<16400xi32, #tpu.memory_space<vmem>>[vector<16xi32>], vector<16xi32>, vector<16xi1>
      %shift_right_arithmetic3A_254 = arith.constant 8 : i32
      %shift_right_arithmetic3A_255 = vector.broadcast %shift_right_arithmetic3A_254 : i32 to vector<16xi32>
      %shift_right_arithmetic3A_256 = arith.shrsi %get3A_233, %shift_right_arithmetic3A_255 : vector<16xi32>
      tpu.vector_store_idx %arg9[%sub3A_244], %shift_right_arithmetic3A_256 masked %eq3A_238 : memref<16400xi32, #tpu.memory_space<vmem>>[vector<16xi32>], vector<16xi32>, vector<16xi1>
      %slice3A = vector.extract_strided_slice %masked_cumsum3A {offsets = [15], sizes = [1], strides = [1]} : vector<16xi32> to vector<1xi32>
      %squeeze3A = vector.extract %slice3A[0] : i32 from vector<1xi32>
      %add3A_257 = arith.addi %scan3A_230, %squeeze3A : i32
      scf.yield %add3A_257 : i32
    }
    %scan3A_118 = arith.constant 1024 : i32
    %add3A_119 = vector.broadcast %scan3A_117 : i32 to vector<16xi32>
    %add3A_120 = arith.addi %add3A_119, %iota3A_111 : vector<16xi32>
    %broadcast_in_dim3A_121 = arith.constant 134217727 : i32
    %broadcast_in_dim3A_122 = vector.broadcast %broadcast_in_dim3A_121 : i32 to vector<16xi32>
    tpu.vector_store_idx %arg9[%add3A_120], %broadcast_in_dim3A_122 : memref<16400xi32, #tpu.memory_space<vmem>>[vector<16xi32>], vector<16xi32>,
    %add3A_123 = arith.constant 0 : i32
    %add3A_124 = arith.addi %add3A, %add3A_123 : i32
    %mul3A_125 = arith.constant 256 : i32
    %mul3A_126 = arith.muli %add3A_124, %mul3A_125 : i32
    %min3A_127 = arith.constant 999808 : i32
    %min3A_128 = arith.minsi %mul3A_126, %min3A_127 : i32
    %multiple_of3A_129 = tpu.assume_multiple %min3A_128, 128 : i32
    %dma_start3A_130 = arith.constant 0 : i32
    %dma_start3A_131 = arith.constant 0 : i32
    %dma_start3A_132 = tpu.memref_slice %arg11[%dma_start3A_130, %dma_start3A_131] : memref<64x257xf32, #tpu.memory_space<vmem>> -> memref<64x256xf32, #tpu.memory_space<vmem>>
    %dma_start3A_133 = arith.constant 0 : i32
    %dma_start3A_134 = tpu.memref_slice %arg5[%dma_start3A_133, %multiple_of3A_129] : memref<64x1000000xf32, #tpu.memory_space<hbm>> -> memref<64x256xf32, #tpu.memory_space<hbm>>
    %dma_start3A_135 = arith.constant 0 : i32
    %dma_start3A_136 = arith.constant 0 : i32
    %dma_start3A_137 = tpu.memref_slice %arg11[%dma_start3A_135, %dma_start3A_136] : memref<64x257xf32, #tpu.memory_space<vmem>> -> memref<64x256xf32, #tpu.memory_space<vmem>>
    %dma_start3A_138 = arith.constant 0 : i32
    %dma_start3A_139 = tpu.memref_slice %arg5[%dma_start3A_138, %multiple_of3A_129] : memref<64x1000000xf32, #tpu.memory_space<hbm>> -> memref<64x256xf32, #tpu.memory_space<hbm>>
    tpu.enqueue_dma source(%dma_start3A_139 : memref<64x256xf32, #tpu.memory_space<hbm>>) target(%dma_start3A_137 : memref<64x256xf32, #tpu.memory_space<vmem>>) target_semaphore(%arg15 : memref<!tpu.dma_semaphore, #tpu.memory_space<semaphore_mem>>)
    %add3A_140 = arith.constant 32 : i32
    %add3A_141 = arith.addi %add3A, %add3A_140 : i32
    %mul3A_142 = arith.constant 256 : i32
    %mul3A_143 = arith.muli %add3A_141, %mul3A_142 : i32
    %min3A_144 = arith.constant 999808 : i32
    %min3A_145 = arith.minsi %mul3A_143, %min3A_144 : i32
    %multiple_of3A_146 = tpu.assume_multiple %min3A_145, 128 : i32
    %dma_start3A_147 = arith.constant 0 : i32
    %dma_start3A_148 = arith.constant 0 : i32
    %dma_start3A_149 = tpu.memref_slice %arg12[%dma_start3A_147, %dma_start3A_148] : memref<64x257xf32, #tpu.memory_space<vmem>> -> memref<64x256xf32, #tpu.memory_space<vmem>>
    %dma_start3A_150 = arith.constant 0 : i32
    %dma_start3A_151 = tpu.memref_slice %arg5[%dma_start3A_150, %multiple_of3A_146] : memref<64x1000000xf32, #tpu.memory_space<hbm>> -> memref<64x256xf32, #tpu.memory_space<hbm>>
    %dma_start3A_152 = arith.constant 0 : i32
    %dma_start3A_153 = arith.constant 0 : i32
    %dma_start3A_154 = tpu.memref_slice %arg12[%dma_start3A_152, %dma_start3A_153] : memref<64x257xf32, #tpu.memory_space<vmem>> -> memref<64x256xf32, #tpu.memory_space<vmem>>
    %dma_start3A_155 = arith.constant 0 : i32
    %dma_start3A_156 = tpu.memref_slice %arg5[%dma_start3A_155, %multiple_of3A_146] : memref<64x1000000xf32, #tpu.memory_space<hbm>> -> memref<64x256xf32, #tpu.memory_space<hbm>>
    tpu.enqueue_dma source(%dma_start3A_156 : memref<64x256xf32, #tpu.memory_space<hbm>>) target(%dma_start3A_154 : memref<64x256xf32, #tpu.memory_space<vmem>>) target_semaphore(%arg16 : memref<!tpu.dma_semaphore, #tpu.memory_space<semaphore_mem>>)
    %add3A_157 = arith.constant 64 : i32
    %add3A_158 = arith.addi %add3A, %add3A_157 : i32
    %mul3A_159 = arith.constant 256 : i32
    %mul3A_160 = arith.muli %add3A_158, %mul3A_159 : i32
    %min3A_161 = arith.constant 999808 : i32
    %min3A_162 = arith.minsi %mul3A_160, %min3A_161 : i32
    %multiple_of3A_163 = tpu.assume_multiple %min3A_162, 128 : i32
    %dma_start3A_164 = arith.constant 0 : i32
    %dma_start3A_165 = arith.constant 0 : i32
    %dma_start3A_166 = tpu.memref_slice %arg13[%dma_start3A_164, %dma_start3A_165] : memref<64x257xf32, #tpu.memory_space<vmem>> -> memref<64x256xf32, #tpu.memory_space<vmem>>
    %dma_start3A_167 = arith.constant 0 : i32
    %dma_start3A_168 = tpu.memref_slice %arg5[%dma_start3A_167, %multiple_of3A_163] : memref<64x1000000xf32, #tpu.memory_space<hbm>> -> memref<64x256xf32, #tpu.memory_space<hbm>>
    %dma_start3A_169 = arith.constant 0 : i32
    %dma_start3A_170 = arith.constant 0 : i32
    %dma_start3A_171 = tpu.memref_slice %arg13[%dma_start3A_169, %dma_start3A_170] : memref<64x257xf32, #tpu.memory_space<vmem>> -> memref<64x256xf32, #tpu.memory_space<vmem>>
    %dma_start3A_172 = arith.constant 0 : i32
    %dma_start3A_173 = tpu.memref_slice %arg5[%dma_start3A_172, %multiple_of3A_163] : memref<64x1000000xf32, #tpu.memory_space<hbm>> -> memref<64x256xf32, #tpu.memory_space<hbm>>
    tpu.enqueue_dma source(%dma_start3A_173 : memref<64x256xf32, #tpu.memory_space<hbm>>) target(%dma_start3A_171 : memref<64x256xf32, #tpu.memory_space<vmem>>) target_semaphore(%arg17 : memref<!tpu.dma_semaphore, #tpu.memory_space<semaphore_mem>>)
    %scan3A_174 = arith.constant 0 : i32
    %scan3A_175 = arith.constant 0 : i32
    %scan3A_176 = arith.constant 41 : i32
    %scan3A_177 = arith.addi %scan3A_175, %scan3A_176 : i32
    %scan3A_178 = arith.constant 1 : i32
    %scan3A_179 = scf.for %scan3A_229 = %scan3A_175 to %scan3A_177 step %scan3A_178 iter_args(%scan3A_230 = %scan3A_174) -> (i32)  : i32 {
      %mul3A_231 = arith.constant 3 : i32
      %mul3A_232 = arith.muli %mul3A_231, %scan3A_229 : i32
      %add3A_233 = arith.constant 0 : i32
      %add3A_234 = arith.addi %mul3A_232, %add3A_233 : i32
      %mul3A_235 = arith.constant 32 : i32
      %mul3A_236 = arith.muli %mul3A_235, %add3A_234 : i32
      %add3A_237 = arith.addi %add3A, %mul3A_236 : i32
      %mul3A_238 = arith.constant 3 : i32
      %mul3A_239 = arith.muli %mul3A_238, %scan3A_229 : i32
      %add3A_240 = arith.constant 0 : i32
      %add3A_241 = arith.addi %mul3A_239, %add3A_240 : i32
      %add3A_242 = arith.constant 3 : i32
      %add3A_243 = arith.addi %add3A_241, %add3A_242 : i32
      %mul3A_244 = arith.constant 32 : i32
      %mul3A_245 = arith.muli %mul3A_244, %add3A_243 : i32
      %add3A_246 = arith.addi %add3A, %mul3A_245 : i32
      %iota3A_247 = tpu.iota {dimensions = array<i32: 0>} : vector<16xi32>
      %mul3A_248 = arith.constant 256 : i32
      %mul3A_249 = arith.muli %add3A_237, %mul3A_248 : i32
      %min3A_250 = arith.constant 999808 : i32
      %min3A_251 = arith.minsi %mul3A_249, %min3A_250 : i32
      %multiple_of3A_252 = tpu.assume_multiple %min3A_251, 128 : i32
      %mul3A_253 = arith.constant 256 : i32
      %mul3A_254 = arith.muli %add3A_237, %mul3A_253 : i32
      %sub3A = arith.subi %mul3A_254, %multiple_of3A_252 : i32
      %add3A_255 = arith.constant 16 : i32
      %add3A_256 = arith.addi %scan3A_117, %add3A_255 : i32
      %sub3A_257 = arith.constant 1 : i32
      %sub3A_258 = arith.subi %add3A_256, %sub3A_257 : i32
      %jit3A = arith.constant 16 : i32
      %div3A = arith.divsi %sub3A_258, %jit3A : i32
      %sign3A = arith.constant 0 : i32
      %sign3A_259 = arith.cmpi sgt, %sub3A_258, %sign3A : i32
      %sign3A_260 = arith.extui %sign3A_259 : i1 to i32
      %sign3A_261 = arith.constant 0 : i32
      %sign3A_262 = arith.cmpi slt, %sub3A_258, %sign3A_261 : i32
      %sign3A_263 = arith.extui %sign3A_262 : i1 to i32
      %sign3A_264 = arith.subi %sign3A_260, %sign3A_263 : i32
      %sign3A_265 = arith.constant 0 : i32
      %sign3A_266 = arith.cmpi sgt, %jit3A, %sign3A_265 : i32
      %sign3A_267 = arith.extui %sign3A_266 : i1 to i32
      %sign3A_268 = arith.constant 0 : i32
      %sign3A_269 = arith.cmpi slt, %jit3A, %sign3A_268 : i32
      %sign3A_270 = arith.extui %sign3A_269 : i1 to i32
      %sign3A_271 = arith.subi %sign3A_267, %sign3A_270 : i32
      %ne3A = arith.cmpi ne, %sign3A_264, %sign3A_271 : i32
      %rem3A = arith.remsi %sub3A_258, %jit3A : i32
      %ne3A_272 = arith.constant 0 : i32
      %ne3A_273 = arith.cmpi ne, %rem3A, %ne3A_272 : i32
      %and3A = arith.andi %ne3A, %ne3A_273 : i1
      %sub3A_274 = arith.constant 1 : i32
      %sub3A_275 = arith.subi %div3A, %sub3A_274 : i32
      %select_n3A = arith.select %and3A, %sub3A_275, %div3A : i32
      %while3A_276 = arith.constant 0 : i32
      %while3A_277 = arith.constant 0 : i32
      %while3A_278 = arith.subi %select_n3A, %while3A_276 : i32
      %while3A_279 = arith.addi %while3A_276, %while3A_278 : i32
      %while3A_280 = arith.constant 1 : i32
      %while3A_281 = arith.divsi %while3A_278, %while3A_280 : i32
      %while3A_282 = arith.muli %while3A_281, %while3A_280 : i32
      %while3A_283 = arith.addi %while3A_276, %while3A_282 : i32
      %while3A_284 = arith.constant 1 : i32
      %while3A_285 = scf.for %while3A_532 = %while3A_276 to %while3A_283 step %while3A_284 iter_args(%while3A_533 = %while3A_277) -> (i32)  : i32 {
        %mul3A_534 = arith.constant 16 : i32
        %mul3A_535 = arith.muli %while3A_532, %mul3A_534 : i32
        %get3A = arith.index_cast %mul3A_535 : i32 to index
        %get3A_536 = tpu.vector_load %arg9[%get3A] {strides = array<i32>} : memref<16400xi32, #tpu.memory_space<vmem>>, vector<16xi32>,
        %eq3A = vector.broadcast %add3A_237 : i32 to vector<16xi32>
        %eq3A_537 = arith.cmpi eq, %get3A_536, %eq3A : vector<16xi32>
        %convert_element_type3A = arith.extui %eq3A_537 : vector<16xi1> to vector<16xi32>
        %broadcast_in_dim3A_538 = arith.constant true
        %broadcast_in_dim3A_539 = vector.broadcast %broadcast_in_dim3A_538 : i1 to vector<16xi1>
        %masked_cumsum3A = tpu.scan <sum>, %convert_element_type3A masked %broadcast_in_dim3A_539 : vector<16xi32>, vector<16xi1> -> vector<16xi32>
        %add3A_540 = vector.broadcast %while3A_533 : i32 to vector<16xi32>
        %add3A_541 = arith.addi %add3A_540, %masked_cumsum3A : vector<16xi32>
        %sub3A_542 = arith.constant 1 : i32
        %sub3A_543 = vector.broadcast %sub3A_542 : i32 to vector<16xi32>
        %sub3A_544 = arith.subi %add3A_541, %sub3A_543 : vector<16xi32>
        %mul3A_545 = arith.constant 16 : i32
        %mul3A_546 = arith.muli %while3A_532, %mul3A_545 : i32
        %get3A_547 = arith.index_cast %mul3A_546 : i32 to index
        %get3A_548 = tpu.vector_load %arg8[%get3A_547] {strides = array<i32>} : memref<16400xi32, #tpu.memory_space<vmem>>, vector<16xi32>,
        tpu.vector_store_idx %arg10[%sub3A_544], %get3A_548 masked %eq3A_537 : memref<16400xi32, #tpu.memory_space<vmem>>[vector<16xi32>], vector<16xi32>, vector<16xi1>
        %slice3A = vector.extract_strided_slice %masked_cumsum3A {offsets = [15], sizes = [1], strides = [1]} : vector<16xi32> to vector<1xi32>
        %squeeze3A = vector.extract %slice3A[0] : i32 from vector<1xi32>
        %add3A_549 = arith.addi %while3A_533, %squeeze3A : i32
        scf.yield %add3A_549 : i32
      }
      %while3A_286 = arith.constant 1 : i32
      %while3A_287 = scf.for %while3A_532 = %while3A_283 to %while3A_279 step %while3A_286 iter_args(%while3A_533 = %while3A_285) -> (i32)  : i32 {
        %mul3A_534 = arith.constant 16 : i32
        %mul3A_535 = arith.muli %while3A_532, %mul3A_534 : i32
        %get3A = arith.index_cast %mul3A_535 : i32 to index
        %get3A_536 = tpu.vector_load %arg9[%get3A] {strides = array<i32>} : memref<16400xi32, #tpu.memory_space<vmem>>, vector<16xi32>,
        %eq3A = vector.broadcast %add3A_237 : i32 to vector<16xi32>
        %eq3A_537 = arith.cmpi eq, %get3A_536, %eq3A : vector<16xi32>
        %convert_element_type3A = arith.extui %eq3A_537 : vector<16xi1> to vector<16xi32>
        %broadcast_in_dim3A_538 = arith.constant true
        %broadcast_in_dim3A_539 = vector.broadcast %broadcast_in_dim3A_538 : i1 to vector<16xi1>
        %masked_cumsum3A = tpu.scan <sum>, %convert_element_type3A masked %broadcast_in_dim3A_539 : vector<16xi32>, vector<16xi1> -> vector<16xi32>
        %add3A_540 = vector.broadcast %while3A_533 : i32 to vector<16xi32>
        %add3A_541 = arith.addi %add3A_540, %masked_cumsum3A : vector<16xi32>
        %sub3A_542 = arith.constant 1 : i32
        %sub3A_543 = vector.broadcast %sub3A_542 : i32 to vector<16xi32>
        %sub3A_544 = arith.subi %add3A_541, %sub3A_543 : vector<16xi32>
        %mul3A_545 = arith.constant 16 : i32
        %mul3A_546 = arith.muli %while3A_532, %mul3A_545 : i32
        %get3A_547 = arith.index_cast %mul3A_546 : i32 to index
        %get3A_548 = tpu.vector_load %arg8[%get3A_547] {strides = array<i32>} : memref<16400xi32, #tpu.memory_space<vmem>>, vector<16xi32>,
        tpu.vector_store_idx %arg10[%sub3A_544], %get3A_548 masked %eq3A_537 : memref<16400xi32, #tpu.memory_space<vmem>>[vector<16xi32>], vector<16xi32>, vector<16xi1>
        %slice3A = vector.extract_strided_slice %masked_cumsum3A {offsets = [15], sizes = [1], strides = [1]} : vector<16xi32> to vector<1xi32>
        %squeeze3A = vector.extract %slice3A[0] : i32 from vector<1xi32>
        %add3A_549 = arith.addi %while3A_533, %squeeze3A : i32
        scf.yield %add3A_549 : i32
      }
      %dma_wait3A_288 = arith.constant 0 : i32
      %dma_wait3A_289 = arith.constant 0 : i32
      %dma_wait3A_290 = tpu.memref_slice %arg11[%dma_wait3A_288, %dma_wait3A_289] : memref<64x257xf32, #tpu.memory_space<vmem>> -> memref<64x256xf32, #tpu.memory_space<vmem>>
      %dma_wait3A_291 = arith.constant 0 : i32
      %dma_wait3A_292 = arith.constant 0 : i32
      %dma_wait3A_293 = tpu.memref_slice %arg5[%dma_wait3A_291, %dma_wait3A_292] : memref<64x1000000xf32, #tpu.memory_space<hbm>> -> memref<64x256xf32, #tpu.memory_space<hbm>>
      %dma_wait3A_294 = arith.constant 0 : i32
      %dma_wait3A_295 = arith.constant 0 : i32
      %dma_wait3A_296 = tpu.memref_slice %arg11[%dma_wait3A_294, %dma_wait3A_295] : memref<64x257xf32, #tpu.memory_space<vmem>> -> memref<64x256xf32, #tpu.memory_space<vmem>>
      %dma_wait3A_297 = arith.constant 0 : i32
      %dma_wait3A_298 = arith.constant 0 : i32
      %dma_wait3A_299 = tpu.memref_slice %arg5[%dma_wait3A_297, %dma_wait3A_298] : memref<64x1000000xf32, #tpu.memory_space<hbm>> -> memref<64x256xf32, #tpu.memory_space<hbm>>
      tpu.wait_dma2 semaphore(%arg15 : memref<!tpu.dma_semaphore, #tpu.memory_space<semaphore_mem>>) src(%dma_wait3A_299 : memref<64x256xf32, #tpu.memory_space<hbm>>) dst(%dma_wait3A_296 : memref<64x256xf32, #tpu.memory_space<vmem>>)
      %while3A_300 = arith.constant 0 : i32
      %while3A_301 = arith.subi %while3A_287, %while3A_300 : i32
      %while3A_302 = arith.addi %while3A_300, %while3A_301 : i32
      %while3A_303 = arith.constant 1 : i32
      %while3A_304 = arith.divsi %while3A_301, %while3A_303 : i32
      %while3A_305 = arith.muli %while3A_304, %while3A_303 : i32
      %while3A_306 = arith.addi %while3A_300, %while3A_305 : i32
      %while3A_307 = arith.constant 1 : i32
      %while3A_308 = scf.for %while3A_532 = %while3A_300 to %while3A_306 step %while3A_307 iter_args(%while3A_533 = %scan3A_230) -> (i32)  : i32 {
        %get3A = arith.index_cast %while3A_532 : i32 to index
        %get3A_534 = tpu.vector_load %arg10[%get3A] {strides = array<i32>} : memref<16400xi32, #tpu.memory_space<vmem>>, vector<16xi32>,
        %slice3A = vector.extract_strided_slice %get3A_534 {offsets = [0], sizes = [1], strides = [1]} : vector<16xi32> to vector<1xi32>
        %squeeze3A = vector.extract %slice3A[0] : i32 from vector<1xi32>
        %and3A_535 = arith.constant 255 : i32
        %and3A_536 = arith.andi %squeeze3A, %and3A_535 : i32
        %add3A_537 = arith.addi %and3A_536, %sub3A : i32
        %shift_right_arithmetic3A = arith.constant 8 : i32
        %shift_right_arithmetic3A_538 = arith.shrsi %squeeze3A, %shift_right_arithmetic3A : i32
        %and3A_539 = arith.constant 15 : i32
        %and3A_540 = arith.andi %while3A_533, %and3A_539 : i32
        %broadcast_in_dim3A_541 = vector.broadcast %add3A_537 : i32 to vector<16xi32>
        %add3A_542 = arith.constant 0 : i32
        %add3A_543 = vector.broadcast %add3A_542 : i32 to vector<16xi32>
        %add3A_544 = arith.addi %add3A_543, %iota3A_247 : vector<16xi32>
        %gather3A = tpu.vector_load_idx %arg11[%add3A_544, %broadcast_in_dim3A_541] : memref<64x257xf32, #tpu.memory_space<vmem>>[vector<16xi32>, vector<16xi32>], vector<16xf32>,
        %mul3A_545 = arith.constant 128 : i32
        %mul3A_546 = arith.muli %and3A_540, %mul3A_545 : i32
        %add3A_547 = arith.constant 0 : i32
        %add3A_548 = arith.addi %mul3A_546, %add3A_547 : i32
        %swap3A = arith.index_cast %add3A_548 : i32 to index
        %swap3A_549 = tpu.vector_load %arg14[%swap3A] {strides = array<i32>} : memref<2048xf32, #tpu.memory_space<vmem>>, vector<16xf32>,
        tpu.vector_store %arg14[%swap3A], %gather3A {strides = array<i32>} : memref<2048xf32, #tpu.memory_space<vmem>>, vector<16xf32>,
        %add3A_550 = arith.constant 16 : i32
        %add3A_551 = vector.broadcast %add3A_550 : i32 to vector<16xi32>
        %add3A_552 = arith.addi %add3A_551, %iota3A_247 : vector<16xi32>
        %gather3A_553 = tpu.vector_load_idx %arg11[%add3A_552, %broadcast_in_dim3A_541] : memref<64x257xf32, #tpu.memory_space<vmem>>[vector<16xi32>, vector<16xi32>], vector<16xf32>,
        %mul3A_554 = arith.constant 128 : i32
        %mul3A_555 = arith.muli %and3A_540, %mul3A_554 : i32
        %add3A_556 = arith.constant 16 : i32
        %add3A_557 = arith.addi %mul3A_555, %add3A_556 : i32
        %swap3A_558 = arith.index_cast %add3A_557 : i32 to index
        %swap3A_559 = tpu.vector_load %arg14[%swap3A_558] {strides = array<i32>} : memref<2048xf32, #tpu.memory_space<vmem>>, vector<16xf32>,
        tpu.vector_store %arg14[%swap3A_558], %gather3A_553 {strides = array<i32>} : memref<2048xf32, #tpu.memory_space<vmem>>, vector<16xf32>,
        %add3A_560 = arith.constant 32 : i32
        %add3A_561 = vector.broadcast %add3A_560 : i32 to vector<16xi32>
        %add3A_562 = arith.addi %add3A_561, %iota3A_247 : vector<16xi32>
        %gather3A_563 = tpu.vector_load_idx %arg11[%add3A_562, %broadcast_in_dim3A_541] : memref<64x257xf32, #tpu.memory_space<vmem>>[vector<16xi32>, vector<16xi32>], vector<16xf32>,
        %mul3A_564 = arith.constant 128 : i32
        %mul3A_565 = arith.muli %and3A_540, %mul3A_564 : i32
        %add3A_566 = arith.constant 32 : i32
        %add3A_567 = arith.addi %mul3A_565, %add3A_566 : i32
        %swap3A_568 = arith.index_cast %add3A_567 : i32 to index
        %swap3A_569 = tpu.vector_load %arg14[%swap3A_568] {strides = array<i32>} : memref<2048xf32, #tpu.memory_space<vmem>>, vector<16xf32>,
        tpu.vector_store %arg14[%swap3A_568], %gather3A_563 {strides = array<i32>} : memref<2048xf32, #tpu.memory_space<vmem>>, vector<16xf32>,
        %add3A_570 = arith.constant 48 : i32
        %add3A_571 = vector.broadcast %add3A_570 : i32 to vector<16xi32>
        %add3A_572 = arith.addi %add3A_571, %iota3A_247 : vector<16xi32>
        %gather3A_573 = tpu.vector_load_idx %arg11[%add3A_572, %broadcast_in_dim3A_541] : memref<64x257xf32, #tpu.memory_space<vmem>>[vector<16xi32>, vector<16xi32>], vector<16xf32>,
        %mul3A_574 = arith.constant 128 : i32
        %mul3A_575 = arith.muli %and3A_540, %mul3A_574 : i32
        %add3A_576 = arith.constant 48 : i32
        %add3A_577 = arith.addi %mul3A_575, %add3A_576 : i32
        %swap3A_578 = arith.index_cast %add3A_577 : i32 to index
        %swap3A_579 = tpu.vector_load %arg14[%swap3A_578] {strides = array<i32>} : memref<2048xf32, #tpu.memory_space<vmem>>, vector<16xf32>,
        tpu.vector_store %arg14[%swap3A_578], %gather3A_573 {strides = array<i32>} : memref<2048xf32, #tpu.memory_space<vmem>>, vector<16xf32>,
        %mul3A_580 = arith.constant 128 : i32
        %mul3A_581 = arith.muli %and3A_540, %mul3A_580 : i32
        %dma_start3A_582 = tpu.memref_slice %arg14[%mul3A_581] : memref<2048xf32, #tpu.memory_space<vmem>> -> memref<128xf32, #tpu.memory_space<vmem>>
        %dma_start3A_583 = arith.constant 0 : i32
        %dma_start3A_584 = tpu.memref_slice %arg7[%shift_right_arithmetic3A_538, %dma_start3A_583] : memref<16384x128xf32, #tpu.memory_space<hbm>> -> memref<1x128xf32, #tpu.memory_space<hbm>>
        %dma_start3A_585 = tpu.memref_squeeze %dma_start3A_584 : memref<1x128xf32, #tpu.memory_space<hbm>> -> memref<128xf32, #tpu.memory_space<hbm>>
        %dma_start3A_586 = arith.constant 0 : i32
        %dma_start3A_587 = tpu.memref_slice %arg7[%shift_right_arithmetic3A_538, %dma_start3A_586] : memref<16384x128xf32, #tpu.memory_space<hbm>> -> memref<1x128xf32, #tpu.memory_space<hbm>>
        %dma_start3A_588 = tpu.memref_squeeze %dma_start3A_587 : memref<1x128xf32, #tpu.memory_space<hbm>> -> memref<128xf32, #tpu.memory_space<hbm>>
        %dma_start3A_589 = tpu.memref_slice %arg14[%mul3A_581] : memref<2048xf32, #tpu.memory_space<vmem>> -> memref<128xf32, #tpu.memory_space<vmem>>
        tpu.enqueue_dma source(%dma_start3A_589 : memref<128xf32, #tpu.memory_space<vmem>>) target(%dma_start3A_588 : memref<128xf32, #tpu.memory_space<hbm>>) target_semaphore(%arg18 : memref<!tpu.dma_semaphore, #tpu.memory_space<semaphore_mem>>)
        %add3A_590 = arith.constant 1 : i32
        %add3A_591 = arith.addi %while3A_533, %add3A_590 : i32
        %ge3A = arith.constant 16 : i32
        %ge3A_592 = arith.cmpi sge, %add3A_591, %ge3A : i32
        %convert_element_type3A = arith.extui %ge3A_592 : i1 to i32
        %cond3A = arith.constant 0 : i32
        %cond3A_593 = arith.cmpi ne, %convert_element_type3A, %cond3A : i32
        scf.if %cond3A_593 {
          %dma_wait3A_594 = arith.constant 0 : i32
          %dma_wait3A_595 = arith.constant 0 : i32
          %dma_wait3A_596 = tpu.memref_slice %arg14[%dma_wait3A_595] : memref<2048xf32, #tpu.memory_space<vmem>> -> memref<128xf32, #tpu.memory_space<vmem>>
          %dma_wait3A_597 = arith.constant 0 : i32
          %dma_wait3A_598 = tpu.memref_slice %arg7[%dma_wait3A_594, %dma_wait3A_597] : memref<16384x128xf32, #tpu.memory_space<hbm>> -> memref<1x128xf32, #tpu.memory_space<hbm>>
          %dma_wait3A_599 = tpu.memref_squeeze %dma_wait3A_598 : memref<1x128xf32, #tpu.memory_space<hbm>> -> memref<128xf32, #tpu.memory_space<hbm>>
          %dma_wait3A_600 = arith.constant 0 : i32
          %dma_wait3A_601 = tpu.memref_slice %arg14[%dma_wait3A_600] : memref<2048xf32, #tpu.memory_space<vmem>> -> memref<128xf32, #tpu.memory_space<vmem>>
          %dma_wait3A_602 = arith.constant 0 : i32
          %dma_wait3A_603 = tpu.memref_slice %arg7[%dma_wait3A_594, %dma_wait3A_602] : memref<16384x128xf32, #tpu.memory_space<hbm>> -> memref<1x128xf32, #tpu.memory_space<hbm>>
          %dma_wait3A_604 = tpu.memref_squeeze %dma_wait3A_603 : memref<1x128xf32, #tpu.memory_space<hbm>> -> memref<128xf32, #tpu.memory_space<hbm>>
          tpu.wait_dma2 semaphore(%arg18 : memref<!tpu.dma_semaphore, #tpu.memory_space<semaphore_mem>>) src(%dma_wait3A_604 : memref<128xf32, #tpu.memory_space<hbm>>) dst(%dma_wait3A_601 : memref<128xf32, #tpu.memory_space<vmem>>)
        } else {
        }
        scf.yield %add3A_591 : i32
      }
      %while3A_309 = arith.constant 1 : i32
      %while3A_310 = scf.for %while3A_532 = %while3A_306 to %while3A_302 step %while3A_309 iter_args(%while3A_533 = %while3A_308) -> (i32)  : i32 {
        %get3A = arith.index_cast %while3A_532 : i32 to index
        %get3A_534 = tpu.vector_load %arg10[%get3A] {strides = array<i32>} : memref<16400xi32, #tpu.memory_space<vmem>>, vector<16xi32>,
        %slice3A = vector.extract_strided_slice %get3A_534 {offsets = [0], sizes = [1], strides = [1]} : vector<16xi32> to vector<1xi32>
        %squeeze3A = vector.extract %slice3A[0] : i32 from vector<1xi32>
        %and3A_535 = arith.constant 255 : i32
        %and3A_536 = arith.andi %squeeze3A, %and3A_535 : i32
        %add3A_537 = arith.addi %and3A_536, %sub3A : i32
        %shift_right_arithmetic3A = arith.constant 8 : i32
        %shift_right_arithmetic3A_538 = arith.shrsi %squeeze3A, %shift_right_arithmetic3A : i32
        %and3A_539 = arith.constant 15 : i32
        %and3A_540 = arith.andi %while3A_533, %and3A_539 : i32
        %broadcast_in_dim3A_541 = vector.broadcast %add3A_537 : i32 to vector<16xi32>
        %add3A_542 = arith.constant 0 : i32
        %add3A_543 = vector.broadcast %add3A_542 : i32 to vector<16xi32>
        %add3A_544 = arith.addi %add3A_543, %iota3A_247 : vector<16xi32>
        %gather3A = tpu.vector_load_idx %arg11[%add3A_544, %broadcast_in_dim3A_541] : memref<64x257xf32, #tpu.memory_space<vmem>>[vector<16xi32>, vector<16xi32>], vector<16xf32>,
        %mul3A_545 = arith.constant 128 : i32
        %mul3A_546 = arith.muli %and3A_540, %mul3A_545 : i32
        %add3A_547 = arith.constant 0 : i32
        %add3A_548 = arith.addi %mul3A_546, %add3A_547 : i32
        %swap3A = arith.index_cast %add3A_548 : i32 to index
        %swap3A_549 = tpu.vector_load %arg14[%swap3A] {strides = array<i32>} : memref<2048xf32, #tpu.memory_space<vmem>>, vector<16xf32>,
        tpu.vector_store %arg14[%swap3A], %gather3A {strides = array<i32>} : memref<2048xf32, #tpu.memory_space<vmem>>, vector<16xf32>,
        %add3A_550 = arith.constant 16 : i32
        %add3A_551 = vector.broadcast %add3A_550 : i32 to vector<16xi32>
        %add3A_552 = arith.addi %add3A_551, %iota3A_247 : vector<16xi32>
        %gather3A_553 = tpu.vector_load_idx %arg11[%add3A_552, %broadcast_in_dim3A_541] : memref<64x257xf32, #tpu.memory_space<vmem>>[vector<16xi32>, vector<16xi32>], vector<16xf32>,
        %mul3A_554 = arith.constant 128 : i32
        %mul3A_555 = arith.muli %and3A_540, %mul3A_554 : i32
        %add3A_556 = arith.constant 16 : i32
        %add3A_557 = arith.addi %mul3A_555, %add3A_556 : i32
        %swap3A_558 = arith.index_cast %add3A_557 : i32 to index
        %swap3A_559 = tpu.vector_load %arg14[%swap3A_558] {strides = array<i32>} : memref<2048xf32, #tpu.memory_space<vmem>>, vector<16xf32>,
        tpu.vector_store %arg14[%swap3A_558], %gather3A_553 {strides = array<i32>} : memref<2048xf32, #tpu.memory_space<vmem>>, vector<16xf32>,
        %add3A_560 = arith.constant 32 : i32
        %add3A_561 = vector.broadcast %add3A_560 : i32 to vector<16xi32>
        %add3A_562 = arith.addi %add3A_561, %iota3A_247 : vector<16xi32>
        %gather3A_563 = tpu.vector_load_idx %arg11[%add3A_562, %broadcast_in_dim3A_541] : memref<64x257xf32, #tpu.memory_space<vmem>>[vector<16xi32>, vector<16xi32>], vector<16xf32>,
        %mul3A_564 = arith.constant 128 : i32
        %mul3A_565 = arith.muli %and3A_540, %mul3A_564 : i32
        %add3A_566 = arith.constant 32 : i32
        %add3A_567 = arith.addi %mul3A_565, %add3A_566 : i32
        %swap3A_568 = arith.index_cast %add3A_567 : i32 to index
        %swap3A_569 = tpu.vector_load %arg14[%swap3A_568] {strides = array<i32>} : memref<2048xf32, #tpu.memory_space<vmem>>, vector<16xf32>,
        tpu.vector_store %arg14[%swap3A_568], %gather3A_563 {strides = array<i32>} : memref<2048xf32, #tpu.memory_space<vmem>>, vector<16xf32>,
        %add3A_570 = arith.constant 48 : i32
        %add3A_571 = vector.broadcast %add3A_570 : i32 to vector<16xi32>
        %add3A_572 = arith.addi %add3A_571, %iota3A_247 : vector<16xi32>
        %gather3A_573 = tpu.vector_load_idx %arg11[%add3A_572, %broadcast_in_dim3A_541] : memref<64x257xf32, #tpu.memory_space<vmem>>[vector<16xi32>, vector<16xi32>], vector<16xf32>,
        %mul3A_574 = arith.constant 128 : i32
        %mul3A_575 = arith.muli %and3A_540, %mul3A_574 : i32
        %add3A_576 = arith.constant 48 : i32
        %add3A_577 = arith.addi %mul3A_575, %add3A_576 : i32
        %swap3A_578 = arith.index_cast %add3A_577 : i32 to index
        %swap3A_579 = tpu.vector_load %arg14[%swap3A_578] {strides = array<i32>} : memref<2048xf32, #tpu.memory_space<vmem>>, vector<16xf32>,
        tpu.vector_store %arg14[%swap3A_578], %gather3A_573 {strides = array<i32>} : memref<2048xf32, #tpu.memory_space<vmem>>, vector<16xf32>,
        %mul3A_580 = arith.constant 128 : i32
        %mul3A_581 = arith.muli %and3A_540, %mul3A_580 : i32
        %dma_start3A_582 = tpu.memref_slice %arg14[%mul3A_581] : memref<2048xf32, #tpu.memory_space<vmem>> -> memref<128xf32, #tpu.memory_space<vmem>>
        %dma_start3A_583 = arith.constant 0 : i32
        %dma_start3A_584 = tpu.memref_slice %arg7[%shift_right_arithmetic3A_538, %dma_start3A_583] : memref<16384x128xf32, #tpu.memory_space<hbm>> -> memref<1x128xf32, #tpu.memory_space<hbm>>
        %dma_start3A_585 = tpu.memref_squeeze %dma_start3A_584 : memref<1x128xf32, #tpu.memory_space<hbm>> -> memref<128xf32, #tpu.memory_space<hbm>>
        %dma_start3A_586 = arith.constant 0 : i32
        %dma_start3A_587 = tpu.memref_slice %arg7[%shift_right_arithmetic3A_538, %dma_start3A_586] : memref<16384x128xf32, #tpu.memory_space<hbm>> -> memref<1x128xf32, #tpu.memory_space<hbm>>
        %dma_start3A_588 = tpu.memref_squeeze %dma_start3A_587 : memref<1x128xf32, #tpu.memory_space<hbm>> -> memref<128xf32, #tpu.memory_space<hbm>>
        %dma_start3A_589 = tpu.memref_slice %arg14[%mul3A_581] : memref<2048xf32, #tpu.memory_space<vmem>> -> memref<128xf32, #tpu.memory_space<vmem>>
        tpu.enqueue_dma source(%dma_start3A_589 : memref<128xf32, #tpu.memory_space<vmem>>) target(%dma_start3A_588 : memref<128xf32, #tpu.memory_space<hbm>>) target_semaphore(%arg18 : memref<!tpu.dma_semaphore, #tpu.memory_space<semaphore_mem>>)
        %add3A_590 = arith.constant 1 : i32
        %add3A_591 = arith.addi %while3A_533, %add3A_590 : i32
        %ge3A = arith.constant 16 : i32
        %ge3A_592 = arith.cmpi sge, %add3A_591, %ge3A : i32
        %convert_element_type3A = arith.extui %ge3A_592 : i1 to i32
        %cond3A = arith.constant 0 : i32
        %cond3A_593 = arith.cmpi ne, %convert_element_type3A, %cond3A : i32
        scf.if %cond3A_593 {
          %dma_wait3A_594 = arith.constant 0 : i32
          %dma_wait3A_595 = arith.constant 0 : i32
          %dma_wait3A_596 = tpu.memref_slice %arg14[%dma_wait3A_595] : memref<2048xf32, #tpu.memory_space<vmem>> -> memref<128xf32, #tpu.memory_space<vmem>>
          %dma_wait3A_597 = arith.constant 0 : i32
          %dma_wait3A_598 = tpu.memref_slice %arg7[%dma_wait3A_594, %dma_wait3A_597] : memref<16384x128xf32, #tpu.memory_space<hbm>> -> memref<1x128xf32, #tpu.memory_space<hbm>>
          %dma_wait3A_599 = tpu.memref_squeeze %dma_wait3A_598 : memref<1x128xf32, #tpu.memory_space<hbm>> -> memref<128xf32, #tpu.memory_space<hbm>>
          %dma_wait3A_600 = arith.constant 0 : i32
          %dma_wait3A_601 = tpu.memref_slice %arg14[%dma_wait3A_600] : memref<2048xf32, #tpu.memory_space<vmem>> -> memref<128xf32, #tpu.memory_space<vmem>>
          %dma_wait3A_602 = arith.constant 0 : i32
          %dma_wait3A_603 = tpu.memref_slice %arg7[%dma_wait3A_594, %dma_wait3A_602] : memref<16384x128xf32, #tpu.memory_space<hbm>> -> memref<1x128xf32, #tpu.memory_space<hbm>>
          %dma_wait3A_604 = tpu.memref_squeeze %dma_wait3A_603 : memref<1x128xf32, #tpu.memory_space<hbm>> -> memref<128xf32, #tpu.memory_space<hbm>>
          tpu.wait_dma2 semaphore(%arg18 : memref<!tpu.dma_semaphore, #tpu.memory_space<semaphore_mem>>) src(%dma_wait3A_604 : memref<128xf32, #tpu.memory_space<hbm>>) dst(%dma_wait3A_601 : memref<128xf32, #tpu.memory_space<vmem>>)
        } else {
        }
        scf.yield %add3A_591 : i32
      }
      %mul3A_311 = arith.constant 256 : i32
      %mul3A_312 = arith.muli %add3A_246, %mul3A_311 : i32
      %min3A_313 = arith.constant 999808 : i32
      %min3A_314 = arith.minsi %mul3A_312, %min3A_313 : i32
      %multiple_of3A_315 = tpu.assume_multiple %min3A_314, 128 : i32
      %dma_start3A_316 = arith.constant 0 : i32
      %dma_start3A_317 = arith.constant 0 : i32
      %dma_start3A_318 = tpu.memref_slice %arg11[%dma_start3A_316, %dma_start3A_317] : memref<64x257xf32, #tpu.memory_space<vmem>> -> memref<64x256xf32, #tpu.memory_space<vmem>>
      %dma_start3A_319 = arith.constant 0 : i32
      %dma_start3A_320 = tpu.memref_slice %arg5[%dma_start3A_319, %multiple_of3A_315] : memref<64x1000000xf32, #tpu.memory_space<hbm>> -> memref<64x256xf32, #tpu.memory_space<hbm>>
      %dma_start3A_321 = arith.constant 0 : i32
      %dma_start3A_322 = arith.constant 0 : i32
      %dma_start3A_323 = tpu.memref_slice %arg11[%dma_start3A_321, %dma_start3A_322] : memref<64x257xf32, #tpu.memory_space<vmem>> -> memref<64x256xf32, #tpu.memory_space<vmem>>
      %dma_start3A_324 = arith.constant 0 : i32
      %dma_start3A_325 = tpu.memref_slice %arg5[%dma_start3A_324, %multiple_of3A_315] : memref<64x1000000xf32, #tpu.memory_space<hbm>> -> memref<64x256xf32, #tpu.memory_space<hbm>>
      tpu.enqueue_dma source(%dma_start3A_325 : memref<64x256xf32, #tpu.memory_space<hbm>>) target(%dma_start3A_323 : memref<64x256xf32, #tpu.memory_space<vmem>>) target_semaphore(%arg15 : memref<!tpu.dma_semaphore, #tpu.memory_space<semaphore_mem>>)
      %mul3A_326 = arith.constant 3 : i32
      %mul3A_327 = arith.muli %mul3A_326, %scan3A_229 : i32
      %add3A_328 = arith.constant 1 : i32
      %add3A_329 = arith.addi %mul3A_327, %add3A_328 : i32
      %mul3A_330 = arith.constant 32 : i32
      %mul3A_331 = arith.muli %mul3A_330, %add3A_329 : i32
      %add3A_332 = arith.addi %add3A, %mul3A_331 : i32
      %mul3A_333 = arith.constant 3 : i32
      %mul3A_334 = arith.muli %mul3A_333, %scan3A_229 : i32
      %add3A_335 = arith.constant 1 : i32
      %add3A_336 = arith.addi %mul3A_334, %add3A_335 : i32
      %add3A_337 = arith.constant 3 : i32
      %add3A_338 = arith.addi %add3A_336, %add3A_337 : i32
      %mul3A_339 = arith.constant 32 : i32
      %mul3A_340 = arith.muli %mul3A_339, %add3A_338 : i32
      %add3A_341 = arith.addi %add3A, %mul3A_340 : i32
      %iota3A_342 = tpu.iota {dimensions = array<i32: 0>} : vector<16xi32>
      %mul3A_343 = arith.constant 256 : i32
      %mul3A_344 = arith.muli %add3A_332, %mul3A_343 : i32
      %min3A_345 = arith.constant 999808 : i32
      %min3A_346 = arith.minsi %mul3A_344, %min3A_345 : i32
      %multiple_of3A_347 = tpu.assume_multiple %min3A_346, 128 : i32
      %mul3A_348 = arith.constant 256 : i32
      %mul3A_349 = arith.muli %add3A_332, %mul3A_348 : i32
      %sub3A_350 = arith.subi %mul3A_349, %multiple_of3A_347 : i32
      %add3A_351 = arith.constant 16 : i32
      %add3A_352 = arith.addi %scan3A_117, %add3A_351 : i32
      %sub3A_353 = arith.constant 1 : i32
      %sub3A_354 = arith.subi %add3A_352, %sub3A_353 : i32
      %jit3A_355 = arith.constant 16 : i32
      %div3A_356 = arith.divsi %sub3A_354, %jit3A_355 : i32
      %sign3A_357 = arith.constant 0 : i32
      %sign3A_358 = arith.cmpi sgt, %sub3A_354, %sign3A_357 : i32
      %sign3A_359 = arith.extui %sign3A_358 : i1 to i32
      %sign3A_360 = arith.constant 0 : i32
      %sign3A_361 = arith.cmpi slt, %sub3A_354, %sign3A_360 : i32
      %sign3A_362 = arith.extui %sign3A_361 : i1 to i32
      %sign3A_363 = arith.subi %sign3A_359, %sign3A_362 : i32
      %sign3A_364 = arith.constant 0 : i32
      %sign3A_365 = arith.cmpi sgt, %jit3A_355, %sign3A_364 : i32
      %sign3A_366 = arith.extui %sign3A_365 : i1 to i32
      %sign3A_367 = arith.constant 0 : i32
      %sign3A_368 = arith.cmpi slt, %jit3A_355, %sign3A_367 : i32
      %sign3A_369 = arith.extui %sign3A_368 : i1 to i32
      %sign3A_370 = arith.subi %sign3A_366, %sign3A_369 : i32
      %ne3A_371 = arith.cmpi ne, %sign3A_363, %sign3A_370 : i32
      %rem3A_372 = arith.remsi %sub3A_354, %jit3A_355 : i32
      %ne3A_373 = arith.constant 0 : i32
      %ne3A_374 = arith.cmpi ne, %rem3A_372, %ne3A_373 : i32
      %and3A_375 = arith.andi %ne3A_371, %ne3A_374 : i1
      %sub3A_376 = arith.constant 1 : i32
      %sub3A_377 = arith.subi %div3A_356, %sub3A_376 : i32
      %select_n3A_378 = arith.select %and3A_375, %sub3A_377, %div3A_356 : i32
      %while3A_379 = arith.constant 0 : i32
      %while3A_380 = arith.constant 0 : i32
      %while3A_381 = arith.subi %select_n3A_378, %while3A_379 : i32
      %while3A_382 = arith.addi %while3A_379, %while3A_381 : i32
      %while3A_383 = arith.constant 1 : i32
      %while3A_384 = arith.divsi %while3A_381, %while3A_383 : i32
      %while3A_385 = arith.muli %while3A_384, %while3A_383 : i32
      %while3A_386 = arith.addi %while3A_379, %while3A_385 : i32
      %while3A_387 = arith.constant 1 : i32
      %while3A_388 = scf.for %while3A_532 = %while3A_379 to %while3A_386 step %while3A_387 iter_args(%while3A_533 = %while3A_380) -> (i32)  : i32 {
        %mul3A_534 = arith.constant 16 : i32
        %mul3A_535 = arith.muli %while3A_532, %mul3A_534 : i32
        %get3A = arith.index_cast %mul3A_535 : i32 to index
        %get3A_536 = tpu.vector_load %arg9[%get3A] {strides = array<i32>} : memref<16400xi32, #tpu.memory_space<vmem>>, vector<16xi32>,
        %eq3A = vector.broadcast %add3A_332 : i32 to vector<16xi32>
        %eq3A_537 = arith.cmpi eq, %get3A_536, %eq3A : vector<16xi32>
        %convert_element_type3A = arith.extui %eq3A_537 : vector<16xi1> to vector<16xi32>
        %broadcast_in_dim3A_538 = arith.constant true
        %broadcast_in_dim3A_539 = vector.broadcast %broadcast_in_dim3A_538 : i1 to vector<16xi1>
        %masked_cumsum3A = tpu.scan <sum>, %convert_element_type3A masked %broadcast_in_dim3A_539 : vector<16xi32>, vector<16xi1> -> vector<16xi32>
        %add3A_540 = vector.broadcast %while3A_533 : i32 to vector<16xi32>
        %add3A_541 = arith.addi %add3A_540, %masked_cumsum3A : vector<16xi32>
        %sub3A_542 = arith.constant 1 : i32
        %sub3A_543 = vector.broadcast %sub3A_542 : i32 to vector<16xi32>
        %sub3A_544 = arith.subi %add3A_541, %sub3A_543 : vector<16xi32>
        %mul3A_545 = arith.constant 16 : i32
        %mul3A_546 = arith.muli %while3A_532, %mul3A_545 : i32
        %get3A_547 = arith.index_cast %mul3A_546 : i32 to index
        %get3A_548 = tpu.vector_load %arg8[%get3A_547] {strides = array<i32>} : memref<16400xi32, #tpu.memory_space<vmem>>, vector<16xi32>,
        tpu.vector_store_idx %arg10[%sub3A_544], %get3A_548 masked %eq3A_537 : memref<16400xi32, #tpu.memory_space<vmem>>[vector<16xi32>], vector<16xi32>, vector<16xi1>
        %slice3A = vector.extract_strided_slice %masked_cumsum3A {offsets = [15], sizes = [1], strides = [1]} : vector<16xi32> to vector<1xi32>
        %squeeze3A = vector.extract %slice3A[0] : i32 from vector<1xi32>
        %add3A_549 = arith.addi %while3A_533, %squeeze3A : i32
        scf.yield %add3A_549 : i32
      }
      %while3A_389 = arith.constant 1 : i32
      %while3A_390 = scf.for %while3A_532 = %while3A_386 to %while3A_382 step %while3A_389 iter_args(%while3A_533 = %while3A_388) -> (i32)  : i32 {
        %mul3A_534 = arith.constant 16 : i32
        %mul3A_535 = arith.muli %while3A_532, %mul3A_534 : i32
        %get3A = arith.index_cast %mul3A_535 : i32 to index
        %get3A_536 = tpu.vector_load %arg9[%get3A] {strides = array<i32>} : memref<16400xi32, #tpu.memory_space<vmem>>, vector<16xi32>,
        %eq3A = vector.broadcast %add3A_332 : i32 to vector<16xi32>
        %eq3A_537 = arith.cmpi eq, %get3A_536, %eq3A : vector<16xi32>
        %convert_element_type3A = arith.extui %eq3A_537 : vector<16xi1> to vector<16xi32>
        %broadcast_in_dim3A_538 = arith.constant true
        %broadcast_in_dim3A_539 = vector.broadcast %broadcast_in_dim3A_538 : i1 to vector<16xi1>
        %masked_cumsum3A = tpu.scan <sum>, %convert_element_type3A masked %broadcast_in_dim3A_539 : vector<16xi32>, vector<16xi1> -> vector<16xi32>
        %add3A_540 = vector.broadcast %while3A_533 : i32 to vector<16xi32>
        %add3A_541 = arith.addi %add3A_540, %masked_cumsum3A : vector<16xi32>
        %sub3A_542 = arith.constant 1 : i32
        %sub3A_543 = vector.broadcast %sub3A_542 : i32 to vector<16xi32>
        %sub3A_544 = arith.subi %add3A_541, %sub3A_543 : vector<16xi32>
        %mul3A_545 = arith.constant 16 : i32
        %mul3A_546 = arith.muli %while3A_532, %mul3A_545 : i32
        %get3A_547 = arith.index_cast %mul3A_546 : i32 to index
        %get3A_548 = tpu.vector_load %arg8[%get3A_547] {strides = array<i32>} : memref<16400xi32, #tpu.memory_space<vmem>>, vector<16xi32>,
        tpu.vector_store_idx %arg10[%sub3A_544], %get3A_548 masked %eq3A_537 : memref<16400xi32, #tpu.memory_space<vmem>>[vector<16xi32>], vector<16xi32>, vector<16xi1>
        %slice3A = vector.extract_strided_slice %masked_cumsum3A {offsets = [15], sizes = [1], strides = [1]} : vector<16xi32> to vector<1xi32>
        %squeeze3A = vector.extract %slice3A[0] : i32 from vector<1xi32>
        %add3A_549 = arith.addi %while3A_533, %squeeze3A : i32
        scf.yield %add3A_549 : i32
      }
      %dma_wait3A_391 = arith.constant 0 : i32
      %dma_wait3A_392 = arith.constant 0 : i32
      %dma_wait3A_393 = tpu.memref_slice %arg12[%dma_wait3A_391, %dma_wait3A_392] : memref<64x257xf32, #tpu.memory_space<vmem>> -> memref<64x256xf32, #tpu.memory_space<vmem>>
      %dma_wait3A_394 = arith.constant 0 : i32
      %dma_wait3A_395 = arith.constant 0 : i32
      %dma_wait3A_396 = tpu.memref_slice %arg5[%dma_wait3A_394, %dma_wait3A_395] : memref<64x1000000xf32, #tpu.memory_space<hbm>> -> memref<64x256xf32, #tpu.memory_space<hbm>>
      %dma_wait3A_397 = arith.constant 0 : i32
      %dma_wait3A_398 = arith.constant 0 : i32
      %dma_wait3A_399 = tpu.memref_slice %arg12[%dma_wait3A_397, %dma_wait3A_398] : memref<64x257xf32, #tpu.memory_space<vmem>> -> memref<64x256xf32, #tpu.memory_space<vmem>>
      %dma_wait3A_400 = arith.constant 0 : i32
      %dma_wait3A_401 = arith.constant 0 : i32
      %dma_wait3A_402 = tpu.memref_slice %arg5[%dma_wait3A_400, %dma_wait3A_401] : memref<64x1000000xf32, #tpu.memory_space<hbm>> -> memref<64x256xf32, #tpu.memory_space<hbm>>
      tpu.wait_dma2 semaphore(%arg16 : memref<!tpu.dma_semaphore, #tpu.memory_space<semaphore_mem>>) src(%dma_wait3A_402 : memref<64x256xf32, #tpu.memory_space<hbm>>) dst(%dma_wait3A_399 : memref<64x256xf32, #tpu.memory_space<vmem>>)
      %while3A_403 = arith.constant 0 : i32
      %while3A_404 = arith.subi %while3A_390, %while3A_403 : i32
      %while3A_405 = arith.addi %while3A_403, %while3A_404 : i32
      %while3A_406 = arith.constant 1 : i32
      %while3A_407 = arith.divsi %while3A_404, %while3A_406 : i32
      %while3A_408 = arith.muli %while3A_407, %while3A_406 : i32
      %while3A_409 = arith.addi %while3A_403, %while3A_408 : i32
      %while3A_410 = arith.constant 1 : i32
      %while3A_411 = scf.for %while3A_532 = %while3A_403 to %while3A_409 step %while3A_410 iter_args(%while3A_533 = %while3A_310) -> (i32)  : i32 {
        %get3A = arith.index_cast %while3A_532 : i32 to index
        %get3A_534 = tpu.vector_load %arg10[%get3A] {strides = array<i32>} : memref<16400xi32, #tpu.memory_space<vmem>>, vector<16xi32>,
        %slice3A = vector.extract_strided_slice %get3A_534 {offsets = [0], sizes = [1], strides = [1]} : vector<16xi32> to vector<1xi32>
        %squeeze3A = vector.extract %slice3A[0] : i32 from vector<1xi32>
        %and3A_535 = arith.constant 255 : i32
        %and3A_536 = arith.andi %squeeze3A, %and3A_535 : i32
        %add3A_537 = arith.addi %and3A_536, %sub3A_350 : i32
        %shift_right_arithmetic3A = arith.constant 8 : i32
        %shift_right_arithmetic3A_538 = arith.shrsi %squeeze3A, %shift_right_arithmetic3A : i32
        %and3A_539 = arith.constant 15 : i32
        %and3A_540 = arith.andi %while3A_533, %and3A_539 : i32
        %broadcast_in_dim3A_541 = vector.broadcast %add3A_537 : i32 to vector<16xi32>
        %add3A_542 = arith.constant 0 : i32
        %add3A_543 = vector.broadcast %add3A_542 : i32 to vector<16xi32>
        %add3A_544 = arith.addi %add3A_543, %iota3A_342 : vector<16xi32>
        %gather3A = tpu.vector_load_idx %arg12[%add3A_544, %broadcast_in_dim3A_541] : memref<64x257xf32, #tpu.memory_space<vmem>>[vector<16xi32>, vector<16xi32>], vector<16xf32>,
        %mul3A_545 = arith.constant 128 : i32
        %mul3A_546 = arith.muli %and3A_540, %mul3A_545 : i32
        %add3A_547 = arith.constant 0 : i32
        %add3A_548 = arith.addi %mul3A_546, %add3A_547 : i32
        %swap3A = arith.index_cast %add3A_548 : i32 to index
        %swap3A_549 = tpu.vector_load %arg14[%swap3A] {strides = array<i32>} : memref<2048xf32, #tpu.memory_space<vmem>>, vector<16xf32>,
        tpu.vector_store %arg14[%swap3A], %gather3A {strides = array<i32>} : memref<2048xf32, #tpu.memory_space<vmem>>, vector<16xf32>,
        %add3A_550 = arith.constant 16 : i32
        %add3A_551 = vector.broadcast %add3A_550 : i32 to vector<16xi32>
        %add3A_552 = arith.addi %add3A_551, %iota3A_342 : vector<16xi32>
        %gather3A_553 = tpu.vector_load_idx %arg12[%add3A_552, %broadcast_in_dim3A_541] : memref<64x257xf32, #tpu.memory_space<vmem>>[vector<16xi32>, vector<16xi32>], vector<16xf32>,
        %mul3A_554 = arith.constant 128 : i32
        %mul3A_555 = arith.muli %and3A_540, %mul3A_554 : i32
        %add3A_556 = arith.constant 16 : i32
        %add3A_557 = arith.addi %mul3A_555, %add3A_556 : i32
        %swap3A_558 = arith.index_cast %add3A_557 : i32 to index
        %swap3A_559 = tpu.vector_load %arg14[%swap3A_558] {strides = array<i32>} : memref<2048xf32, #tpu.memory_space<vmem>>, vector<16xf32>,
        tpu.vector_store %arg14[%swap3A_558], %gather3A_553 {strides = array<i32>} : memref<2048xf32, #tpu.memory_space<vmem>>, vector<16xf32>,
        %add3A_560 = arith.constant 32 : i32
        %add3A_561 = vector.broadcast %add3A_560 : i32 to vector<16xi32>
        %add3A_562 = arith.addi %add3A_561, %iota3A_342 : vector<16xi32>
        %gather3A_563 = tpu.vector_load_idx %arg12[%add3A_562, %broadcast_in_dim3A_541] : memref<64x257xf32, #tpu.memory_space<vmem>>[vector<16xi32>, vector<16xi32>], vector<16xf32>,
        %mul3A_564 = arith.constant 128 : i32
        %mul3A_565 = arith.muli %and3A_540, %mul3A_564 : i32
        %add3A_566 = arith.constant 32 : i32
        %add3A_567 = arith.addi %mul3A_565, %add3A_566 : i32
        %swap3A_568 = arith.index_cast %add3A_567 : i32 to index
        %swap3A_569 = tpu.vector_load %arg14[%swap3A_568] {strides = array<i32>} : memref<2048xf32, #tpu.memory_space<vmem>>, vector<16xf32>,
        tpu.vector_store %arg14[%swap3A_568], %gather3A_563 {strides = array<i32>} : memref<2048xf32, #tpu.memory_space<vmem>>, vector<16xf32>,
        %add3A_570 = arith.constant 48 : i32
        %add3A_571 = vector.broadcast %add3A_570 : i32 to vector<16xi32>
        %add3A_572 = arith.addi %add3A_571, %iota3A_342 : vector<16xi32>
        %gather3A_573 = tpu.vector_load_idx %arg12[%add3A_572, %broadcast_in_dim3A_541] : memref<64x257xf32, #tpu.memory_space<vmem>>[vector<16xi32>, vector<16xi32>], vector<16xf32>,
        %mul3A_574 = arith.constant 128 : i32
        %mul3A_575 = arith.muli %and3A_540, %mul3A_574 : i32
        %add3A_576 = arith.constant 48 : i32
        %add3A_577 = arith.addi %mul3A_575, %add3A_576 : i32
        %swap3A_578 = arith.index_cast %add3A_577 : i32 to index
        %swap3A_579 = tpu.vector_load %arg14[%swap3A_578] {strides = array<i32>} : memref<2048xf32, #tpu.memory_space<vmem>>, vector<16xf32>,
        tpu.vector_store %arg14[%swap3A_578], %gather3A_573 {strides = array<i32>} : memref<2048xf32, #tpu.memory_space<vmem>>, vector<16xf32>,
        %mul3A_580 = arith.constant 128 : i32
        %mul3A_581 = arith.muli %and3A_540, %mul3A_580 : i32
        %dma_start3A_582 = tpu.memref_slice %arg14[%mul3A_581] : memref<2048xf32, #tpu.memory_space<vmem>> -> memref<128xf32, #tpu.memory_space<vmem>>
        %dma_start3A_583 = arith.constant 0 : i32
        %dma_start3A_584 = tpu.memref_slice %arg7[%shift_right_arithmetic3A_538, %dma_start3A_583] : memref<16384x128xf32, #tpu.memory_space<hbm>> -> memref<1x128xf32, #tpu.memory_space<hbm>>
        %dma_start3A_585 = tpu.memref_squeeze %dma_start3A_584 : memref<1x128xf32, #tpu.memory_space<hbm>> -> memref<128xf32, #tpu.memory_space<hbm>>
        %dma_start3A_586 = arith.constant 0 : i32
        %dma_start3A_587 = tpu.memref_slice %arg7[%shift_right_arithmetic3A_538, %dma_start3A_586] : memref<16384x128xf32, #tpu.memory_space<hbm>> -> memref<1x128xf32, #tpu.memory_space<hbm>>
        %dma_start3A_588 = tpu.memref_squeeze %dma_start3A_587 : memref<1x128xf32, #tpu.memory_space<hbm>> -> memref<128xf32, #tpu.memory_space<hbm>>
        %dma_start3A_589 = tpu.memref_slice %arg14[%mul3A_581] : memref<2048xf32, #tpu.memory_space<vmem>> -> memref<128xf32, #tpu.memory_space<vmem>>
        tpu.enqueue_dma source(%dma_start3A_589 : memref<128xf32, #tpu.memory_space<vmem>>) target(%dma_start3A_588 : memref<128xf32, #tpu.memory_space<hbm>>) target_semaphore(%arg18 : memref<!tpu.dma_semaphore, #tpu.memory_space<semaphore_mem>>)
        %add3A_590 = arith.constant 1 : i32
        %add3A_591 = arith.addi %while3A_533, %add3A_590 : i32
        %ge3A = arith.constant 16 : i32
        %ge3A_592 = arith.cmpi sge, %add3A_591, %ge3A : i32
        %convert_element_type3A = arith.extui %ge3A_592 : i1 to i32
        %cond3A = arith.constant 0 : i32
        %cond3A_593 = arith.cmpi ne, %convert_element_type3A, %cond3A : i32
        scf.if %cond3A_593 {
          %dma_wait3A_594 = arith.constant 0 : i32
          %dma_wait3A_595 = arith.constant 0 : i32
          %dma_wait3A_596 = tpu.memref_slice %arg14[%dma_wait3A_595] : memref<2048xf32, #tpu.memory_space<vmem>> -> memref<128xf32, #tpu.memory_space<vmem>>
          %dma_wait3A_597 = arith.constant 0 : i32
          %dma_wait3A_598 = tpu.memref_slice %arg7[%dma_wait3A_594, %dma_wait3A_597] : memref<16384x128xf32, #tpu.memory_space<hbm>> -> memref<1x128xf32, #tpu.memory_space<hbm>>
          %dma_wait3A_599 = tpu.memref_squeeze %dma_wait3A_598 : memref<1x128xf32, #tpu.memory_space<hbm>> -> memref<128xf32, #tpu.memory_space<hbm>>
          %dma_wait3A_600 = arith.constant 0 : i32
          %dma_wait3A_601 = tpu.memref_slice %arg14[%dma_wait3A_600] : memref<2048xf32, #tpu.memory_space<vmem>> -> memref<128xf32, #tpu.memory_space<vmem>>
          %dma_wait3A_602 = arith.constant 0 : i32
          %dma_wait3A_603 = tpu.memref_slice %arg7[%dma_wait3A_594, %dma_wait3A_602] : memref<16384x128xf32, #tpu.memory_space<hbm>> -> memref<1x128xf32, #tpu.memory_space<hbm>>
          %dma_wait3A_604 = tpu.memref_squeeze %dma_wait3A_603 : memref<1x128xf32, #tpu.memory_space<hbm>> -> memref<128xf32, #tpu.memory_space<hbm>>
          tpu.wait_dma2 semaphore(%arg18 : memref<!tpu.dma_semaphore, #tpu.memory_space<semaphore_mem>>) src(%dma_wait3A_604 : memref<128xf32, #tpu.memory_space<hbm>>) dst(%dma_wait3A_601 : memref<128xf32, #tpu.memory_space<vmem>>)
        } else {
        }
        scf.yield %add3A_591 : i32
      }
      %while3A_412 = arith.constant 1 : i32
      %while3A_413 = scf.for %while3A_532 = %while3A_409 to %while3A_405 step %while3A_412 iter_args(%while3A_533 = %while3A_411) -> (i32)  : i32 {
        %get3A = arith.index_cast %while3A_532 : i32 to index
        %get3A_534 = tpu.vector_load %arg10[%get3A] {strides = array<i32>} : memref<16400xi32, #tpu.memory_space<vmem>>, vector<16xi32>,
        %slice3A = vector.extract_strided_slice %get3A_534 {offsets = [0], sizes = [1], strides = [1]} : vector<16xi32> to vector<1xi32>
        %squeeze3A = vector.extract %slice3A[0] : i32 from vector<1xi32>
        %and3A_535 = arith.constant 255 : i32
        %and3A_536 = arith.andi %squeeze3A, %and3A_535 : i32
        %add3A_537 = arith.addi %and3A_536, %sub3A_350 : i32
        %shift_right_arithmetic3A = arith.constant 8 : i32
        %shift_right_arithmetic3A_538 = arith.shrsi %squeeze3A, %shift_right_arithmetic3A : i32
        %and3A_539 = arith.constant 15 : i32
        %and3A_540 = arith.andi %while3A_533, %and3A_539 : i32
        %broadcast_in_dim3A_541 = vector.broadcast %add3A_537 : i32 to vector<16xi32>
        %add3A_542 = arith.constant 0 : i32
        %add3A_543 = vector.broadcast %add3A_542 : i32 to vector<16xi32>
        %add3A_544 = arith.addi %add3A_543, %iota3A_342 : vector<16xi32>
        %gather3A = tpu.vector_load_idx %arg12[%add3A_544, %broadcast_in_dim3A_541] : memref<64x257xf32, #tpu.memory_space<vmem>>[vector<16xi32>, vector<16xi32>], vector<16xf32>,
        %mul3A_545 = arith.constant 128 : i32
        %mul3A_546 = arith.muli %and3A_540, %mul3A_545 : i32
        %add3A_547 = arith.constant 0 : i32
        %add3A_548 = arith.addi %mul3A_546, %add3A_547 : i32
        %swap3A = arith.index_cast %add3A_548 : i32 to index
        %swap3A_549 = tpu.vector_load %arg14[%swap3A] {strides = array<i32>} : memref<2048xf32, #tpu.memory_space<vmem>>, vector<16xf32>,
        tpu.vector_store %arg14[%swap3A], %gather3A {strides = array<i32>} : memref<2048xf32, #tpu.memory_space<vmem>>, vector<16xf32>,
        %add3A_550 = arith.constant 16 : i32
        %add3A_551 = vector.broadcast %add3A_550 : i32 to vector<16xi32>
        %add3A_552 = arith.addi %add3A_551, %iota3A_342 : vector<16xi32>
        %gather3A_553 = tpu.vector_load_idx %arg12[%add3A_552, %broadcast_in_dim3A_541] : memref<64x257xf32, #tpu.memory_space<vmem>>[vector<16xi32>, vector<16xi32>], vector<16xf32>,
        %mul3A_554 = arith.constant 128 : i32
        %mul3A_555 = arith.muli %and3A_540, %mul3A_554 : i32
        %add3A_556 = arith.constant 16 : i32
        %add3A_557 = arith.addi %mul3A_555, %add3A_556 : i32
        %swap3A_558 = arith.index_cast %add3A_557 : i32 to index
        %swap3A_559 = tpu.vector_load %arg14[%swap3A_558] {strides = array<i32>} : memref<2048xf32, #tpu.memory_space<vmem>>, vector<16xf32>,
        tpu.vector_store %arg14[%swap3A_558], %gather3A_553 {strides = array<i32>} : memref<2048xf32, #tpu.memory_space<vmem>>, vector<16xf32>,
        %add3A_560 = arith.constant 32 : i32
        %add3A_561 = vector.broadcast %add3A_560 : i32 to vector<16xi32>
        %add3A_562 = arith.addi %add3A_561, %iota3A_342 : vector<16xi32>
        %gather3A_563 = tpu.vector_load_idx %arg12[%add3A_562, %broadcast_in_dim3A_541] : memref<64x257xf32, #tpu.memory_space<vmem>>[vector<16xi32>, vector<16xi32>], vector<16xf32>,
        %mul3A_564 = arith.constant 128 : i32
        %mul3A_565 = arith.muli %and3A_540, %mul3A_564 : i32
        %add3A_566 = arith.constant 32 : i32
        %add3A_567 = arith.addi %mul3A_565, %add3A_566 : i32
        %swap3A_568 = arith.index_cast %add3A_567 : i32 to index
        %swap3A_569 = tpu.vector_load %arg14[%swap3A_568] {strides = array<i32>} : memref<2048xf32, #tpu.memory_space<vmem>>, vector<16xf32>,
        tpu.vector_store %arg14[%swap3A_568], %gather3A_563 {strides = array<i32>} : memref<2048xf32, #tpu.memory_space<vmem>>, vector<16xf32>,
        %add3A_570 = arith.constant 48 : i32
        %add3A_571 = vector.broadcast %add3A_570 : i32 to vector<16xi32>
        %add3A_572 = arith.addi %add3A_571, %iota3A_342 : vector<16xi32>
        %gather3A_573 = tpu.vector_load_idx %arg12[%add3A_572, %broadcast_in_dim3A_541] : memref<64x257xf32, #tpu.memory_space<vmem>>[vector<16xi32>, vector<16xi32>], vector<16xf32>,
        %mul3A_574 = arith.constant 128 : i32
        %mul3A_575 = arith.muli %and3A_540, %mul3A_574 : i32
        %add3A_576 = arith.constant 48 : i32
        %add3A_577 = arith.addi %mul3A_575, %add3A_576 : i32
        %swap3A_578 = arith.index_cast %add3A_577 : i32 to index
        %swap3A_579 = tpu.vector_load %arg14[%swap3A_578] {strides = array<i32>} : memref<2048xf32, #tpu.memory_space<vmem>>, vector<16xf32>,
        tpu.vector_store %arg14[%swap3A_578], %gather3A_573 {strides = array<i32>} : memref<2048xf32, #tpu.memory_space<vmem>>, vector<16xf32>,
        %mul3A_580 = arith.constant 128 : i32
        %mul3A_581 = arith.muli %and3A_540, %mul3A_580 : i32
        %dma_start3A_582 = tpu.memref_slice %arg14[%mul3A_581] : memref<2048xf32, #tpu.memory_space<vmem>> -> memref<128xf32, #tpu.memory_space<vmem>>
        %dma_start3A_583 = arith.constant 0 : i32
        %dma_start3A_584 = tpu.memref_slice %arg7[%shift_right_arithmetic3A_538, %dma_start3A_583] : memref<16384x128xf32, #tpu.memory_space<hbm>> -> memref<1x128xf32, #tpu.memory_space<hbm>>
        %dma_start3A_585 = tpu.memref_squeeze %dma_start3A_584 : memref<1x128xf32, #tpu.memory_space<hbm>> -> memref<128xf32, #tpu.memory_space<hbm>>
        %dma_start3A_586 = arith.constant 0 : i32
        %dma_start3A_587 = tpu.memref_slice %arg7[%shift_right_arithmetic3A_538, %dma_start3A_586] : memref<16384x128xf32, #tpu.memory_space<hbm>> -> memref<1x128xf32, #tpu.memory_space<hbm>>
        %dma_start3A_588 = tpu.memref_squeeze %dma_start3A_587 : memref<1x128xf32, #tpu.memory_space<hbm>> -> memref<128xf32, #tpu.memory_space<hbm>>
        %dma_start3A_589 = tpu.memref_slice %arg14[%mul3A_581] : memref<2048xf32, #tpu.memory_space<vmem>> -> memref<128xf32, #tpu.memory_space<vmem>>
        tpu.enqueue_dma source(%dma_start3A_589 : memref<128xf32, #tpu.memory_space<vmem>>) target(%dma_start3A_588 : memref<128xf32, #tpu.memory_space<hbm>>) target_semaphore(%arg18 : memref<!tpu.dma_semaphore, #tpu.memory_space<semaphore_mem>>)
        %add3A_590 = arith.constant 1 : i32
        %add3A_591 = arith.addi %while3A_533, %add3A_590 : i32
        %ge3A = arith.constant 16 : i32
        %ge3A_592 = arith.cmpi sge, %add3A_591, %ge3A : i32
        %convert_element_type3A = arith.extui %ge3A_592 : i1 to i32
        %cond3A = arith.constant 0 : i32
        %cond3A_593 = arith.cmpi ne, %convert_element_type3A, %cond3A : i32
        scf.if %cond3A_593 {
          %dma_wait3A_594 = arith.constant 0 : i32
          %dma_wait3A_595 = arith.constant 0 : i32
          %dma_wait3A_596 = tpu.memref_slice %arg14[%dma_wait3A_595] : memref<2048xf32, #tpu.memory_space<vmem>> -> memref<128xf32, #tpu.memory_space<vmem>>
          %dma_wait3A_597 = arith.constant 0 : i32
          %dma_wait3A_598 = tpu.memref_slice %arg7[%dma_wait3A_594, %dma_wait3A_597] : memref<16384x128xf32, #tpu.memory_space<hbm>> -> memref<1x128xf32, #tpu.memory_space<hbm>>
          %dma_wait3A_599 = tpu.memref_squeeze %dma_wait3A_598 : memref<1x128xf32, #tpu.memory_space<hbm>> -> memref<128xf32, #tpu.memory_space<hbm>>
          %dma_wait3A_600 = arith.constant 0 : i32
          %dma_wait3A_601 = tpu.memref_slice %arg14[%dma_wait3A_600] : memref<2048xf32, #tpu.memory_space<vmem>> -> memref<128xf32, #tpu.memory_space<vmem>>
          %dma_wait3A_602 = arith.constant 0 : i32
          %dma_wait3A_603 = tpu.memref_slice %arg7[%dma_wait3A_594, %dma_wait3A_602] : memref<16384x128xf32, #tpu.memory_space<hbm>> -> memref<1x128xf32, #tpu.memory_space<hbm>>
          %dma_wait3A_604 = tpu.memref_squeeze %dma_wait3A_603 : memref<1x128xf32, #tpu.memory_space<hbm>> -> memref<128xf32, #tpu.memory_space<hbm>>
          tpu.wait_dma2 semaphore(%arg18 : memref<!tpu.dma_semaphore, #tpu.memory_space<semaphore_mem>>) src(%dma_wait3A_604 : memref<128xf32, #tpu.memory_space<hbm>>) dst(%dma_wait3A_601 : memref<128xf32, #tpu.memory_space<vmem>>)
        } else {
        }
        scf.yield %add3A_591 : i32
      }
      %mul3A_414 = arith.constant 256 : i32
      %mul3A_415 = arith.muli %add3A_341, %mul3A_414 : i32
      %min3A_416 = arith.constant 999808 : i32
      %min3A_417 = arith.minsi %mul3A_415, %min3A_416 : i32
      %multiple_of3A_418 = tpu.assume_multiple %min3A_417, 128 : i32
      %dma_start3A_419 = arith.constant 0 : i32
      %dma_start3A_420 = arith.constant 0 : i32
      %dma_start3A_421 = tpu.memref_slice %arg12[%dma_start3A_419, %dma_start3A_420] : memref<64x257xf32, #tpu.memory_space<vmem>> -> memref<64x256xf32, #tpu.memory_space<vmem>>
      %dma_start3A_422 = arith.constant 0 : i32
      %dma_start3A_423 = tpu.memref_slice %arg5[%dma_start3A_422, %multiple_of3A_418] : memref<64x1000000xf32, #tpu.memory_space<hbm>> -> memref<64x256xf32, #tpu.memory_space<hbm>>
      %dma_start3A_424 = arith.constant 0 : i32
      %dma_start3A_425 = arith.constant 0 : i32
      %dma_start3A_426 = tpu.memref_slice %arg12[%dma_start3A_424, %dma_start3A_425] : memref<64x257xf32, #tpu.memory_space<vmem>> -> memref<64x256xf32, #tpu.memory_space<vmem>>
      %dma_start3A_427 = arith.constant 0 : i32
      %dma_start3A_428 = tpu.memref_slice %arg5[%dma_start3A_427, %multiple_of3A_418] : memref<64x1000000xf32, #tpu.memory_space<hbm>> -> memref<64x256xf32, #tpu.memory_space<hbm>>
      tpu.enqueue_dma source(%dma_start3A_428 : memref<64x256xf32, #tpu.memory_space<hbm>>) target(%dma_start3A_426 : memref<64x256xf32, #tpu.memory_space<vmem>>) target_semaphore(%arg16 : memref<!tpu.dma_semaphore, #tpu.memory_space<semaphore_mem>>)
      %mul3A_429 = arith.constant 3 : i32
      %mul3A_430 = arith.muli %mul3A_429, %scan3A_229 : i32
      %add3A_431 = arith.constant 2 : i32
      %add3A_432 = arith.addi %mul3A_430, %add3A_431 : i32
      %mul3A_433 = arith.constant 32 : i32
      %mul3A_434 = arith.muli %mul3A_433, %add3A_432 : i32
      %add3A_435 = arith.addi %add3A, %mul3A_434 : i32
      %mul3A_436 = arith.constant 3 : i32
      %mul3A_437 = arith.muli %mul3A_436, %scan3A_229 : i32
      %add3A_438 = arith.constant 2 : i32
      %add3A_439 = arith.addi %mul3A_437, %add3A_438 : i32
      %add3A_440 = arith.constant 3 : i32
      %add3A_441 = arith.addi %add3A_439, %add3A_440 : i32
      %mul3A_442 = arith.constant 32 : i32
      %mul3A_443 = arith.muli %mul3A_442, %add3A_441 : i32
      %add3A_444 = arith.addi %add3A, %mul3A_443 : i32
      %iota3A_445 = tpu.iota {dimensions = array<i32: 0>} : vector<16xi32>
      %mul3A_446 = arith.constant 256 : i32
      %mul3A_447 = arith.muli %add3A_435, %mul3A_446 : i32
      %min3A_448 = arith.constant 999808 : i32
      %min3A_449 = arith.minsi %mul3A_447, %min3A_448 : i32
      %multiple_of3A_450 = tpu.assume_multiple %min3A_449, 128 : i32
      %mul3A_451 = arith.constant 256 : i32
      %mul3A_452 = arith.muli %add3A_435, %mul3A_451 : i32
      %sub3A_453 = arith.subi %mul3A_452, %multiple_of3A_450 : i32
      %add3A_454 = arith.constant 16 : i32
      %add3A_455 = arith.addi %scan3A_117, %add3A_454 : i32
      %sub3A_456 = arith.constant 1 : i32
      %sub3A_457 = arith.subi %add3A_455, %sub3A_456 : i32
      %jit3A_458 = arith.constant 16 : i32
      %div3A_459 = arith.divsi %sub3A_457, %jit3A_458 : i32
      %sign3A_460 = arith.constant 0 : i32
      %sign3A_461 = arith.cmpi sgt, %sub3A_457, %sign3A_460 : i32
      %sign3A_462 = arith.extui %sign3A_461 : i1 to i32
      %sign3A_463 = arith.constant 0 : i32
      %sign3A_464 = arith.cmpi slt, %sub3A_457, %sign3A_463 : i32
      %sign3A_465 = arith.extui %sign3A_464 : i1 to i32
      %sign3A_466 = arith.subi %sign3A_462, %sign3A_465 : i32
      %sign3A_467 = arith.constant 0 : i32
      %sign3A_468 = arith.cmpi sgt, %jit3A_458, %sign3A_467 : i32
      %sign3A_469 = arith.extui %sign3A_468 : i1 to i32
      %sign3A_470 = arith.constant 0 : i32
      %sign3A_471 = arith.cmpi slt, %jit3A_458, %sign3A_470 : i32
      %sign3A_472 = arith.extui %sign3A_471 : i1 to i32
      %sign3A_473 = arith.subi %sign3A_469, %sign3A_472 : i32
      %ne3A_474 = arith.cmpi ne, %sign3A_466, %sign3A_473 : i32
      %rem3A_475 = arith.remsi %sub3A_457, %jit3A_458 : i32
      %ne3A_476 = arith.constant 0 : i32
      %ne3A_477 = arith.cmpi ne, %rem3A_475, %ne3A_476 : i32
      %and3A_478 = arith.andi %ne3A_474, %ne3A_477 : i1
      %sub3A_479 = arith.constant 1 : i32
      %sub3A_480 = arith.subi %div3A_459, %sub3A_479 : i32
      %select_n3A_481 = arith.select %and3A_478, %sub3A_480, %div3A_459 : i32
      %while3A_482 = arith.constant 0 : i32
      %while3A_483 = arith.constant 0 : i32
      %while3A_484 = arith.subi %select_n3A_481, %while3A_482 : i32
      %while3A_485 = arith.addi %while3A_482, %while3A_484 : i32
      %while3A_486 = arith.constant 1 : i32
      %while3A_487 = arith.divsi %while3A_484, %while3A_486 : i32
      %while3A_488 = arith.muli %while3A_487, %while3A_486 : i32
      %while3A_489 = arith.addi %while3A_482, %while3A_488 : i32
      %while3A_490 = arith.constant 1 : i32
      %while3A_491 = scf.for %while3A_532 = %while3A_482 to %while3A_489 step %while3A_490 iter_args(%while3A_533 = %while3A_483) -> (i32)  : i32 {
        %mul3A_534 = arith.constant 16 : i32
        %mul3A_535 = arith.muli %while3A_532, %mul3A_534 : i32
        %get3A = arith.index_cast %mul3A_535 : i32 to index
        %get3A_536 = tpu.vector_load %arg9[%get3A] {strides = array<i32>} : memref<16400xi32, #tpu.memory_space<vmem>>, vector<16xi32>,
        %eq3A = vector.broadcast %add3A_435 : i32 to vector<16xi32>
        %eq3A_537 = arith.cmpi eq, %get3A_536, %eq3A : vector<16xi32>
        %convert_element_type3A = arith.extui %eq3A_537 : vector<16xi1> to vector<16xi32>
        %broadcast_in_dim3A_538 = arith.constant true
        %broadcast_in_dim3A_539 = vector.broadcast %broadcast_in_dim3A_538 : i1 to vector<16xi1>
        %masked_cumsum3A = tpu.scan <sum>, %convert_element_type3A masked %broadcast_in_dim3A_539 : vector<16xi32>, vector<16xi1> -> vector<16xi32>
        %add3A_540 = vector.broadcast %while3A_533 : i32 to vector<16xi32>
        %add3A_541 = arith.addi %add3A_540, %masked_cumsum3A : vector<16xi32>
        %sub3A_542 = arith.constant 1 : i32
        %sub3A_543 = vector.broadcast %sub3A_542 : i32 to vector<16xi32>
        %sub3A_544 = arith.subi %add3A_541, %sub3A_543 : vector<16xi32>
        %mul3A_545 = arith.constant 16 : i32
        %mul3A_546 = arith.muli %while3A_532, %mul3A_545 : i32
        %get3A_547 = arith.index_cast %mul3A_546 : i32 to index
        %get3A_548 = tpu.vector_load %arg8[%get3A_547] {strides = array<i32>} : memref<16400xi32, #tpu.memory_space<vmem>>, vector<16xi32>,
        tpu.vector_store_idx %arg10[%sub3A_544], %get3A_548 masked %eq3A_537 : memref<16400xi32, #tpu.memory_space<vmem>>[vector<16xi32>], vector<16xi32>, vector<16xi1>
        %slice3A = vector.extract_strided_slice %masked_cumsum3A {offsets = [15], sizes = [1], strides = [1]} : vector<16xi32> to vector<1xi32>
        %squeeze3A = vector.extract %slice3A[0] : i32 from vector<1xi32>
        %add3A_549 = arith.addi %while3A_533, %squeeze3A : i32
        scf.yield %add3A_549 : i32
      }
      %while3A_492 = arith.constant 1 : i32
      %while3A_493 = scf.for %while3A_532 = %while3A_489 to %while3A_485 step %while3A_492 iter_args(%while3A_533 = %while3A_491) -> (i32)  : i32 {
        %mul3A_534 = arith.constant 16 : i32
        %mul3A_535 = arith.muli %while3A_532, %mul3A_534 : i32
        %get3A = arith.index_cast %mul3A_535 : i32 to index
        %get3A_536 = tpu.vector_load %arg9[%get3A] {strides = array<i32>} : memref<16400xi32, #tpu.memory_space<vmem>>, vector<16xi32>,
        %eq3A = vector.broadcast %add3A_435 : i32 to vector<16xi32>
        %eq3A_537 = arith.cmpi eq, %get3A_536, %eq3A : vector<16xi32>
        %convert_element_type3A = arith.extui %eq3A_537 : vector<16xi1> to vector<16xi32>
        %broadcast_in_dim3A_538 = arith.constant true
        %broadcast_in_dim3A_539 = vector.broadcast %broadcast_in_dim3A_538 : i1 to vector<16xi1>
        %masked_cumsum3A = tpu.scan <sum>, %convert_element_type3A masked %broadcast_in_dim3A_539 : vector<16xi32>, vector<16xi1> -> vector<16xi32>
        %add3A_540 = vector.broadcast %while3A_533 : i32 to vector<16xi32>
        %add3A_541 = arith.addi %add3A_540, %masked_cumsum3A : vector<16xi32>
        %sub3A_542 = arith.constant 1 : i32
        %sub3A_543 = vector.broadcast %sub3A_542 : i32 to vector<16xi32>
        %sub3A_544 = arith.subi %add3A_541, %sub3A_543 : vector<16xi32>
        %mul3A_545 = arith.constant 16 : i32
        %mul3A_546 = arith.muli %while3A_532, %mul3A_545 : i32
        %get3A_547 = arith.index_cast %mul3A_546 : i32 to index
        %get3A_548 = tpu.vector_load %arg8[%get3A_547] {strides = array<i32>} : memref<16400xi32, #tpu.memory_space<vmem>>, vector<16xi32>,
        tpu.vector_store_idx %arg10[%sub3A_544], %get3A_548 masked %eq3A_537 : memref<16400xi32, #tpu.memory_space<vmem>>[vector<16xi32>], vector<16xi32>, vector<16xi1>
        %slice3A = vector.extract_strided_slice %masked_cumsum3A {offsets = [15], sizes = [1], strides = [1]} : vector<16xi32> to vector<1xi32>
        %squeeze3A = vector.extract %slice3A[0] : i32 from vector<1xi32>
        %add3A_549 = arith.addi %while3A_533, %squeeze3A : i32
        scf.yield %add3A_549 : i32
      }
      %dma_wait3A_494 = arith.constant 0 : i32
      %dma_wait3A_495 = arith.constant 0 : i32
      %dma_wait3A_496 = tpu.memref_slice %arg13[%dma_wait3A_494, %dma_wait3A_495] : memref<64x257xf32, #tpu.memory_space<vmem>> -> memref<64x256xf32, #tpu.memory_space<vmem>>
      %dma_wait3A_497 = arith.constant 0 : i32
      %dma_wait3A_498 = arith.constant 0 : i32
      %dma_wait3A_499 = tpu.memref_slice %arg5[%dma_wait3A_497, %dma_wait3A_498] : memref<64x1000000xf32, #tpu.memory_space<hbm>> -> memref<64x256xf32, #tpu.memory_space<hbm>>
      %dma_wait3A_500 = arith.constant 0 : i32
      %dma_wait3A_501 = arith.constant 0 : i32
      %dma_wait3A_502 = tpu.memref_slice %arg13[%dma_wait3A_500, %dma_wait3A_501] : memref<64x257xf32, #tpu.memory_space<vmem>> -> memref<64x256xf32, #tpu.memory_space<vmem>>
      %dma_wait3A_503 = arith.constant 0 : i32
      %dma_wait3A_504 = arith.constant 0 : i32
      %dma_wait3A_505 = tpu.memref_slice %arg5[%dma_wait3A_503, %dma_wait3A_504] : memref<64x1000000xf32, #tpu.memory_space<hbm>> -> memref<64x256xf32, #tpu.memory_space<hbm>>
      tpu.wait_dma2 semaphore(%arg17 : memref<!tpu.dma_semaphore, #tpu.memory_space<semaphore_mem>>) src(%dma_wait3A_505 : memref<64x256xf32, #tpu.memory_space<hbm>>) dst(%dma_wait3A_502 : memref<64x256xf32, #tpu.memory_space<vmem>>)
      %while3A_506 = arith.constant 0 : i32
      %while3A_507 = arith.subi %while3A_493, %while3A_506 : i32
      %while3A_508 = arith.addi %while3A_506, %while3A_507 : i32
      %while3A_509 = arith.constant 1 : i32
      %while3A_510 = arith.divsi %while3A_507, %while3A_509 : i32
      %while3A_511 = arith.muli %while3A_510, %while3A_509 : i32
      %while3A_512 = arith.addi %while3A_506, %while3A_511 : i32
      %while3A_513 = arith.constant 1 : i32
      %while3A_514 = scf.for %while3A_532 = %while3A_506 to %while3A_512 step %while3A_513 iter_args(%while3A_533 = %while3A_413) -> (i32)  : i32 {
        %get3A = arith.index_cast %while3A_532 : i32 to index
        %get3A_534 = tpu.vector_load %arg10[%get3A] {strides = array<i32>} : memref<16400xi32, #tpu.memory_space<vmem>>, vector<16xi32>,
        %slice3A = vector.extract_strided_slice %get3A_534 {offsets = [0], sizes = [1], strides = [1]} : vector<16xi32> to vector<1xi32>
        %squeeze3A = vector.extract %slice3A[0] : i32 from vector<1xi32>
        %and3A_535 = arith.constant 255 : i32
        %and3A_536 = arith.andi %squeeze3A, %and3A_535 : i32
        %add3A_537 = arith.addi %and3A_536, %sub3A_453 : i32
        %shift_right_arithmetic3A = arith.constant 8 : i32
        %shift_right_arithmetic3A_538 = arith.shrsi %squeeze3A, %shift_right_arithmetic3A : i32
        %and3A_539 = arith.constant 15 : i32
        %and3A_540 = arith.andi %while3A_533, %and3A_539 : i32
        %broadcast_in_dim3A_541 = vector.broadcast %add3A_537 : i32 to vector<16xi32>
        %add3A_542 = arith.constant 0 : i32
        %add3A_543 = vector.broadcast %add3A_542 : i32 to vector<16xi32>
        %add3A_544 = arith.addi %add3A_543, %iota3A_445 : vector<16xi32>
        %gather3A = tpu.vector_load_idx %arg13[%add3A_544, %broadcast_in_dim3A_541] : memref<64x257xf32, #tpu.memory_space<vmem>>[vector<16xi32>, vector<16xi32>], vector<16xf32>,
        %mul3A_545 = arith.constant 128 : i32
        %mul3A_546 = arith.muli %and3A_540, %mul3A_545 : i32
        %add3A_547 = arith.constant 0 : i32
        %add3A_548 = arith.addi %mul3A_546, %add3A_547 : i32
        %swap3A = arith.index_cast %add3A_548 : i32 to index
        %swap3A_549 = tpu.vector_load %arg14[%swap3A] {strides = array<i32>} : memref<2048xf32, #tpu.memory_space<vmem>>, vector<16xf32>,
        tpu.vector_store %arg14[%swap3A], %gather3A {strides = array<i32>} : memref<2048xf32, #tpu.memory_space<vmem>>, vector<16xf32>,
        %add3A_550 = arith.constant 16 : i32
        %add3A_551 = vector.broadcast %add3A_550 : i32 to vector<16xi32>
        %add3A_552 = arith.addi %add3A_551, %iota3A_445 : vector<16xi32>
        %gather3A_553 = tpu.vector_load_idx %arg13[%add3A_552, %broadcast_in_dim3A_541] : memref<64x257xf32, #tpu.memory_space<vmem>>[vector<16xi32>, vector<16xi32>], vector<16xf32>,
        %mul3A_554 = arith.constant 128 : i32
        %mul3A_555 = arith.muli %and3A_540, %mul3A_554 : i32
        %add3A_556 = arith.constant 16 : i32
        %add3A_557 = arith.addi %mul3A_555, %add3A_556 : i32
        %swap3A_558 = arith.index_cast %add3A_557 : i32 to index
        %swap3A_559 = tpu.vector_load %arg14[%swap3A_558] {strides = array<i32>} : memref<2048xf32, #tpu.memory_space<vmem>>, vector<16xf32>,
        tpu.vector_store %arg14[%swap3A_558], %gather3A_553 {strides = array<i32>} : memref<2048xf32, #tpu.memory_space<vmem>>, vector<16xf32>,
        %add3A_560 = arith.constant 32 : i32
        %add3A_561 = vector.broadcast %add3A_560 : i32 to vector<16xi32>
        %add3A_562 = arith.addi %add3A_561, %iota3A_445 : vector<16xi32>
        %gather3A_563 = tpu.vector_load_idx %arg13[%add3A_562, %broadcast_in_dim3A_541] : memref<64x257xf32, #tpu.memory_space<vmem>>[vector<16xi32>, vector<16xi32>], vector<16xf32>,
        %mul3A_564 = arith.constant 128 : i32
        %mul3A_565 = arith.muli %and3A_540, %mul3A_564 : i32
        %add3A_566 = arith.constant 32 : i32
        %add3A_567 = arith.addi %mul3A_565, %add3A_566 : i32
        %swap3A_568 = arith.index_cast %add3A_567 : i32 to index
        %swap3A_569 = tpu.vector_load %arg14[%swap3A_568] {strides = array<i32>} : memref<2048xf32, #tpu.memory_space<vmem>>, vector<16xf32>,
        tpu.vector_store %arg14[%swap3A_568], %gather3A_563 {strides = array<i32>} : memref<2048xf32, #tpu.memory_space<vmem>>, vector<16xf32>,
        %add3A_570 = arith.constant 48 : i32
        %add3A_571 = vector.broadcast %add3A_570 : i32 to vector<16xi32>
        %add3A_572 = arith.addi %add3A_571, %iota3A_445 : vector<16xi32>
        %gather3A_573 = tpu.vector_load_idx %arg13[%add3A_572, %broadcast_in_dim3A_541] : memref<64x257xf32, #tpu.memory_space<vmem>>[vector<16xi32>, vector<16xi32>], vector<16xf32>,
        %mul3A_574 = arith.constant 128 : i32
        %mul3A_575 = arith.muli %and3A_540, %mul3A_574 : i32
        %add3A_576 = arith.constant 48 : i32
        %add3A_577 = arith.addi %mul3A_575, %add3A_576 : i32
        %swap3A_578 = arith.index_cast %add3A_577 : i32 to index
        %swap3A_579 = tpu.vector_load %arg14[%swap3A_578] {strides = array<i32>} : memref<2048xf32, #tpu.memory_space<vmem>>, vector<16xf32>,
        tpu.vector_store %arg14[%swap3A_578], %gather3A_573 {strides = array<i32>} : memref<2048xf32, #tpu.memory_space<vmem>>, vector<16xf32>,
        %mul3A_580 = arith.constant 128 : i32
        %mul3A_581 = arith.muli %and3A_540, %mul3A_580 : i32
        %dma_start3A_582 = tpu.memref_slice %arg14[%mul3A_581] : memref<2048xf32, #tpu.memory_space<vmem>> -> memref<128xf32, #tpu.memory_space<vmem>>
        %dma_start3A_583 = arith.constant 0 : i32
        %dma_start3A_584 = tpu.memref_slice %arg7[%shift_right_arithmetic3A_538, %dma_start3A_583] : memref<16384x128xf32, #tpu.memory_space<hbm>> -> memref<1x128xf32, #tpu.memory_space<hbm>>
        %dma_start3A_585 = tpu.memref_squeeze %dma_start3A_584 : memref<1x128xf32, #tpu.memory_space<hbm>> -> memref<128xf32, #tpu.memory_space<hbm>>
        %dma_start3A_586 = arith.constant 0 : i32
        %dma_start3A_587 = tpu.memref_slice %arg7[%shift_right_arithmetic3A_538, %dma_start3A_586] : memref<16384x128xf32, #tpu.memory_space<hbm>> -> memref<1x128xf32, #tpu.memory_space<hbm>>
        %dma_start3A_588 = tpu.memref_squeeze %dma_start3A_587 : memref<1x128xf32, #tpu.memory_space<hbm>> -> memref<128xf32, #tpu.memory_space<hbm>>
        %dma_start3A_589 = tpu.memref_slice %arg14[%mul3A_581] : memref<2048xf32, #tpu.memory_space<vmem>> -> memref<128xf32, #tpu.memory_space<vmem>>
        tpu.enqueue_dma source(%dma_start3A_589 : memref<128xf32, #tpu.memory_space<vmem>>) target(%dma_start3A_588 : memref<128xf32, #tpu.memory_space<hbm>>) target_semaphore(%arg18 : memref<!tpu.dma_semaphore, #tpu.memory_space<semaphore_mem>>)
        %add3A_590 = arith.constant 1 : i32
        %add3A_591 = arith.addi %while3A_533, %add3A_590 : i32
        %ge3A = arith.constant 16 : i32
        %ge3A_592 = arith.cmpi sge, %add3A_591, %ge3A : i32
        %convert_element_type3A = arith.extui %ge3A_592 : i1 to i32
        %cond3A = arith.constant 0 : i32
        %cond3A_593 = arith.cmpi ne, %convert_element_type3A, %cond3A : i32
        scf.if %cond3A_593 {
          %dma_wait3A_594 = arith.constant 0 : i32
          %dma_wait3A_595 = arith.constant 0 : i32
          %dma_wait3A_596 = tpu.memref_slice %arg14[%dma_wait3A_595] : memref<2048xf32, #tpu.memory_space<vmem>> -> memref<128xf32, #tpu.memory_space<vmem>>
          %dma_wait3A_597 = arith.constant 0 : i32
          %dma_wait3A_598 = tpu.memref_slice %arg7[%dma_wait3A_594, %dma_wait3A_597] : memref<16384x128xf32, #tpu.memory_space<hbm>> -> memref<1x128xf32, #tpu.memory_space<hbm>>
          %dma_wait3A_599 = tpu.memref_squeeze %dma_wait3A_598 : memref<1x128xf32, #tpu.memory_space<hbm>> -> memref<128xf32, #tpu.memory_space<hbm>>
          %dma_wait3A_600 = arith.constant 0 : i32
          %dma_wait3A_601 = tpu.memref_slice %arg14[%dma_wait3A_600] : memref<2048xf32, #tpu.memory_space<vmem>> -> memref<128xf32, #tpu.memory_space<vmem>>
          %dma_wait3A_602 = arith.constant 0 : i32
          %dma_wait3A_603 = tpu.memref_slice %arg7[%dma_wait3A_594, %dma_wait3A_602] : memref<16384x128xf32, #tpu.memory_space<hbm>> -> memref<1x128xf32, #tpu.memory_space<hbm>>
          %dma_wait3A_604 = tpu.memref_squeeze %dma_wait3A_603 : memref<1x128xf32, #tpu.memory_space<hbm>> -> memref<128xf32, #tpu.memory_space<hbm>>
          tpu.wait_dma2 semaphore(%arg18 : memref<!tpu.dma_semaphore, #tpu.memory_space<semaphore_mem>>) src(%dma_wait3A_604 : memref<128xf32, #tpu.memory_space<hbm>>) dst(%dma_wait3A_601 : memref<128xf32, #tpu.memory_space<vmem>>)
        } else {
        }
        scf.yield %add3A_591 : i32
      }
      %while3A_515 = arith.constant 1 : i32
      %while3A_516 = scf.for %while3A_532 = %while3A_512 to %while3A_508 step %while3A_515 iter_args(%while3A_533 = %while3A_514) -> (i32)  : i32 {
        %get3A = arith.index_cast %while3A_532 : i32 to index
        %get3A_534 = tpu.vector_load %arg10[%get3A] {strides = array<i32>} : memref<16400xi32, #tpu.memory_space<vmem>>, vector<16xi32>,
        %slice3A = vector.extract_strided_slice %get3A_534 {offsets = [0], sizes = [1], strides = [1]} : vector<16xi32> to vector<1xi32>
        %squeeze3A = vector.extract %slice3A[0] : i32 from vector<1xi32>
        %and3A_535 = arith.constant 255 : i32
        %and3A_536 = arith.andi %squeeze3A, %and3A_535 : i32
        %add3A_537 = arith.addi %and3A_536, %sub3A_453 : i32
        %shift_right_arithmetic3A = arith.constant 8 : i32
        %shift_right_arithmetic3A_538 = arith.shrsi %squeeze3A, %shift_right_arithmetic3A : i32
        %and3A_539 = arith.constant 15 : i32
        %and3A_540 = arith.andi %while3A_533, %and3A_539 : i32
        %broadcast_in_dim3A_541 = vector.broadcast %add3A_537 : i32 to vector<16xi32>
        %add3A_542 = arith.constant 0 : i32
        %add3A_543 = vector.broadcast %add3A_542 : i32 to vector<16xi32>
        %add3A_544 = arith.addi %add3A_543, %iota3A_445 : vector<16xi32>
        %gather3A = tpu.vector_load_idx %arg13[%add3A_544, %broadcast_in_dim3A_541] : memref<64x257xf32, #tpu.memory_space<vmem>>[vector<16xi32>, vector<16xi32>], vector<16xf32>,
        %mul3A_545 = arith.constant 128 : i32
        %mul3A_546 = arith.muli %and3A_540, %mul3A_545 : i32
        %add3A_547 = arith.constant 0 : i32
        %add3A_548 = arith.addi %mul3A_546, %add3A_547 : i32
        %swap3A = arith.index_cast %add3A_548 : i32 to index
        %swap3A_549 = tpu.vector_load %arg14[%swap3A] {strides = array<i32>} : memref<2048xf32, #tpu.memory_space<vmem>>, vector<16xf32>,
        tpu.vector_store %arg14[%swap3A], %gather3A {strides = array<i32>} : memref<2048xf32, #tpu.memory_space<vmem>>, vector<16xf32>,
        %add3A_550 = arith.constant 16 : i32
        %add3A_551 = vector.broadcast %add3A_550 : i32 to vector<16xi32>
        %add3A_552 = arith.addi %add3A_551, %iota3A_445 : vector<16xi32>
        %gather3A_553 = tpu.vector_load_idx %arg13[%add3A_552, %broadcast_in_dim3A_541] : memref<64x257xf32, #tpu.memory_space<vmem>>[vector<16xi32>, vector<16xi32>], vector<16xf32>,
        %mul3A_554 = arith.constant 128 : i32
        %mul3A_555 = arith.muli %and3A_540, %mul3A_554 : i32
        %add3A_556 = arith.constant 16 : i32
        %add3A_557 = arith.addi %mul3A_555, %add3A_556 : i32
        %swap3A_558 = arith.index_cast %add3A_557 : i32 to index
        %swap3A_559 = tpu.vector_load %arg14[%swap3A_558] {strides = array<i32>} : memref<2048xf32, #tpu.memory_space<vmem>>, vector<16xf32>,
        tpu.vector_store %arg14[%swap3A_558], %gather3A_553 {strides = array<i32>} : memref<2048xf32, #tpu.memory_space<vmem>>, vector<16xf32>,
        %add3A_560 = arith.constant 32 : i32
        %add3A_561 = vector.broadcast %add3A_560 : i32 to vector<16xi32>
        %add3A_562 = arith.addi %add3A_561, %iota3A_445 : vector<16xi32>
        %gather3A_563 = tpu.vector_load_idx %arg13[%add3A_562, %broadcast_in_dim3A_541] : memref<64x257xf32, #tpu.memory_space<vmem>>[vector<16xi32>, vector<16xi32>], vector<16xf32>,
        %mul3A_564 = arith.constant 128 : i32
        %mul3A_565 = arith.muli %and3A_540, %mul3A_564 : i32
        %add3A_566 = arith.constant 32 : i32
        %add3A_567 = arith.addi %mul3A_565, %add3A_566 : i32
        %swap3A_568 = arith.index_cast %add3A_567 : i32 to index
        %swap3A_569 = tpu.vector_load %arg14[%swap3A_568] {strides = array<i32>} : memref<2048xf32, #tpu.memory_space<vmem>>, vector<16xf32>,
        tpu.vector_store %arg14[%swap3A_568], %gather3A_563 {strides = array<i32>} : memref<2048xf32, #tpu.memory_space<vmem>>, vector<16xf32>,
        %add3A_570 = arith.constant 48 : i32
        %add3A_571 = vector.broadcast %add3A_570 : i32 to vector<16xi32>
        %add3A_572 = arith.addi %add3A_571, %iota3A_445 : vector<16xi32>
        %gather3A_573 = tpu.vector_load_idx %arg13[%add3A_572, %broadcast_in_dim3A_541] : memref<64x257xf32, #tpu.memory_space<vmem>>[vector<16xi32>, vector<16xi32>], vector<16xf32>,
        %mul3A_574 = arith.constant 128 : i32
        %mul3A_575 = arith.muli %and3A_540, %mul3A_574 : i32
        %add3A_576 = arith.constant 48 : i32
        %add3A_577 = arith.addi %mul3A_575, %add3A_576 : i32
        %swap3A_578 = arith.index_cast %add3A_577 : i32 to index
        %swap3A_579 = tpu.vector_load %arg14[%swap3A_578] {strides = array<i32>} : memref<2048xf32, #tpu.memory_space<vmem>>, vector<16xf32>,
        tpu.vector_store %arg14[%swap3A_578], %gather3A_573 {strides = array<i32>} : memref<2048xf32, #tpu.memory_space<vmem>>, vector<16xf32>,
        %mul3A_580 = arith.constant 128 : i32
        %mul3A_581 = arith.muli %and3A_540, %mul3A_580 : i32
        %dma_start3A_582 = tpu.memref_slice %arg14[%mul3A_581] : memref<2048xf32, #tpu.memory_space<vmem>> -> memref<128xf32, #tpu.memory_space<vmem>>
        %dma_start3A_583 = arith.constant 0 : i32
        %dma_start3A_584 = tpu.memref_slice %arg7[%shift_right_arithmetic3A_538, %dma_start3A_583] : memref<16384x128xf32, #tpu.memory_space<hbm>> -> memref<1x128xf32, #tpu.memory_space<hbm>>
        %dma_start3A_585 = tpu.memref_squeeze %dma_start3A_584 : memref<1x128xf32, #tpu.memory_space<hbm>> -> memref<128xf32, #tpu.memory_space<hbm>>
        %dma_start3A_586 = arith.constant 0 : i32
        %dma_start3A_587 = tpu.memref_slice %arg7[%shift_right_arithmetic3A_538, %dma_start3A_586] : memref<16384x128xf32, #tpu.memory_space<hbm>> -> memref<1x128xf32, #tpu.memory_space<hbm>>
        %dma_start3A_588 = tpu.memref_squeeze %dma_start3A_587 : memref<1x128xf32, #tpu.memory_space<hbm>> -> memref<128xf32, #tpu.memory_space<hbm>>
        %dma_start3A_589 = tpu.memref_slice %arg14[%mul3A_581] : memref<2048xf32, #tpu.memory_space<vmem>> -> memref<128xf32, #tpu.memory_space<vmem>>
        tpu.enqueue_dma source(%dma_start3A_589 : memref<128xf32, #tpu.memory_space<vmem>>) target(%dma_start3A_588 : memref<128xf32, #tpu.memory_space<hbm>>) target_semaphore(%arg18 : memref<!tpu.dma_semaphore, #tpu.memory_space<semaphore_mem>>)
        %add3A_590 = arith.constant 1 : i32
        %add3A_591 = arith.addi %while3A_533, %add3A_590 : i32
        %ge3A = arith.constant 16 : i32
        %ge3A_592 = arith.cmpi sge, %add3A_591, %ge3A : i32
        %convert_element_type3A = arith.extui %ge3A_592 : i1 to i32
        %cond3A = arith.constant 0 : i32
        %cond3A_593 = arith.cmpi ne, %convert_element_type3A, %cond3A : i32
        scf.if %cond3A_593 {
          %dma_wait3A_594 = arith.constant 0 : i32
          %dma_wait3A_595 = arith.constant 0 : i32
          %dma_wait3A_596 = tpu.memref_slice %arg14[%dma_wait3A_595] : memref<2048xf32, #tpu.memory_space<vmem>> -> memref<128xf32, #tpu.memory_space<vmem>>
          %dma_wait3A_597 = arith.constant 0 : i32
          %dma_wait3A_598 = tpu.memref_slice %arg7[%dma_wait3A_594, %dma_wait3A_597] : memref<16384x128xf32, #tpu.memory_space<hbm>> -> memref<1x128xf32, #tpu.memory_space<hbm>>
          %dma_wait3A_599 = tpu.memref_squeeze %dma_wait3A_598 : memref<1x128xf32, #tpu.memory_space<hbm>> -> memref<128xf32, #tpu.memory_space<hbm>>
          %dma_wait3A_600 = arith.constant 0 : i32
          %dma_wait3A_601 = tpu.memref_slice %arg14[%dma_wait3A_600] : memref<2048xf32, #tpu.memory_space<vmem>> -> memref<128xf32, #tpu.memory_space<vmem>>
          %dma_wait3A_602 = arith.constant 0 : i32
          %dma_wait3A_603 = tpu.memref_slice %arg7[%dma_wait3A_594, %dma_wait3A_602] : memref<16384x128xf32, #tpu.memory_space<hbm>> -> memref<1x128xf32, #tpu.memory_space<hbm>>
          %dma_wait3A_604 = tpu.memref_squeeze %dma_wait3A_603 : memref<1x128xf32, #tpu.memory_space<hbm>> -> memref<128xf32, #tpu.memory_space<hbm>>
          tpu.wait_dma2 semaphore(%arg18 : memref<!tpu.dma_semaphore, #tpu.memory_space<semaphore_mem>>) src(%dma_wait3A_604 : memref<128xf32, #tpu.memory_space<hbm>>) dst(%dma_wait3A_601 : memref<128xf32, #tpu.memory_space<vmem>>)
        } else {
        }
        scf.yield %add3A_591 : i32
      }
      %mul3A_517 = arith.constant 256 : i32
      %mul3A_518 = arith.muli %add3A_444, %mul3A_517 : i32
      %min3A_519 = arith.constant 999808 : i32
      %min3A_520 = arith.minsi %mul3A_518, %min3A_519 : i32
      %multiple_of3A_521 = tpu.assume_multiple %min3A_520, 128 : i32
      %dma_start3A_522 = arith.constant 0 : i32
      %dma_start3A_523 = arith.constant 0 : i32
      %dma_start3A_524 = tpu.memref_slice %arg13[%dma_start3A_522, %dma_start3A_523] : memref<64x257xf32, #tpu.memory_space<vmem>> -> memref<64x256xf32, #tpu.memory_space<vmem>>
      %dma_start3A_525 = arith.constant 0 : i32
      %dma_start3A_526 = tpu.memref_slice %arg5[%dma_start3A_525, %multiple_of3A_521] : memref<64x1000000xf32, #tpu.memory_space<hbm>> -> memref<64x256xf32, #tpu.memory_space<hbm>>
      %dma_start3A_527 = arith.constant 0 : i32
      %dma_start3A_528 = arith.constant 0 : i32
      %dma_start3A_529 = tpu.memref_slice %arg13[%dma_start3A_527, %dma_start3A_528] : memref<64x257xf32, #tpu.memory_space<vmem>> -> memref<64x256xf32, #tpu.memory_space<vmem>>
      %dma_start3A_530 = arith.constant 0 : i32
      %dma_start3A_531 = tpu.memref_slice %arg5[%dma_start3A_530, %multiple_of3A_521] : memref<64x1000000xf32, #tpu.memory_space<hbm>> -> memref<64x256xf32, #tpu.memory_space<hbm>>
      tpu.enqueue_dma source(%dma_start3A_531 : memref<64x256xf32, #tpu.memory_space<hbm>>) target(%dma_start3A_529 : memref<64x256xf32, #tpu.memory_space<vmem>>) target_semaphore(%arg17 : memref<!tpu.dma_semaphore, #tpu.memory_space<semaphore_mem>>)
      scf.yield %while3A_516 : i32
    }
    %scan3A_180 = arith.constant 41 : i32
    %dma_wait3A_181 = arith.constant 0 : i32
    %dma_wait3A_182 = arith.constant 0 : i32
    %dma_wait3A_183 = tpu.memref_slice %arg11[%dma_wait3A_181, %dma_wait3A_182] : memref<64x257xf32, #tpu.memory_space<vmem>> -> memref<64x256xf32, #tpu.memory_space<vmem>>
    %dma_wait3A_184 = arith.constant 0 : i32
    %dma_wait3A_185 = arith.constant 0 : i32
    %dma_wait3A_186 = tpu.memref_slice %arg5[%dma_wait3A_184, %dma_wait3A_185] : memref<64x1000000xf32, #tpu.memory_space<hbm>> -> memref<64x256xf32, #tpu.memory_space<hbm>>
    %dma_wait3A_187 = arith.constant 0 : i32
    %dma_wait3A_188 = arith.constant 0 : i32
    %dma_wait3A_189 = tpu.memref_slice %arg11[%dma_wait3A_187, %dma_wait3A_188] : memref<64x257xf32, #tpu.memory_space<vmem>> -> memref<64x256xf32, #tpu.memory_space<vmem>>
    %dma_wait3A_190 = arith.constant 0 : i32
    %dma_wait3A_191 = arith.constant 0 : i32
    %dma_wait3A_192 = tpu.memref_slice %arg5[%dma_wait3A_190, %dma_wait3A_191] : memref<64x1000000xf32, #tpu.memory_space<hbm>> -> memref<64x256xf32, #tpu.memory_space<hbm>>
    tpu.wait_dma2 semaphore(%arg15 : memref<!tpu.dma_semaphore, #tpu.memory_space<semaphore_mem>>) src(%dma_wait3A_192 : memref<64x256xf32, #tpu.memory_space<hbm>>) dst(%dma_wait3A_189 : memref<64x256xf32, #tpu.memory_space<vmem>>)
    %dma_wait3A_193 = arith.constant 0 : i32
    %dma_wait3A_194 = arith.constant 0 : i32
    %dma_wait3A_195 = tpu.memref_slice %arg12[%dma_wait3A_193, %dma_wait3A_194] : memref<64x257xf32, #tpu.memory_space<vmem>> -> memref<64x256xf32, #tpu.memory_space<vmem>>
    %dma_wait3A_196 = arith.constant 0 : i32
    %dma_wait3A_197 = arith.constant 0 : i32
    %dma_wait3A_198 = tpu.memref_slice %arg5[%dma_wait3A_196, %dma_wait3A_197] : memref<64x1000000xf32, #tpu.memory_space<hbm>> -> memref<64x256xf32, #tpu.memory_space<hbm>>
    %dma_wait3A_199 = arith.constant 0 : i32
    %dma_wait3A_200 = arith.constant 0 : i32
    %dma_wait3A_201 = tpu.memref_slice %arg12[%dma_wait3A_199, %dma_wait3A_200] : memref<64x257xf32, #tpu.memory_space<vmem>> -> memref<64x256xf32, #tpu.memory_space<vmem>>
    %dma_wait3A_202 = arith.constant 0 : i32
    %dma_wait3A_203 = arith.constant 0 : i32
    %dma_wait3A_204 = tpu.memref_slice %arg5[%dma_wait3A_202, %dma_wait3A_203] : memref<64x1000000xf32, #tpu.memory_space<hbm>> -> memref<64x256xf32, #tpu.memory_space<hbm>>
    tpu.wait_dma2 semaphore(%arg16 : memref<!tpu.dma_semaphore, #tpu.memory_space<semaphore_mem>>) src(%dma_wait3A_204 : memref<64x256xf32, #tpu.memory_space<hbm>>) dst(%dma_wait3A_201 : memref<64x256xf32, #tpu.memory_space<vmem>>)
    %dma_wait3A_205 = arith.constant 0 : i32
    %dma_wait3A_206 = arith.constant 0 : i32
    %dma_wait3A_207 = tpu.memref_slice %arg13[%dma_wait3A_205, %dma_wait3A_206] : memref<64x257xf32, #tpu.memory_space<vmem>> -> memref<64x256xf32, #tpu.memory_space<vmem>>
    %dma_wait3A_208 = arith.constant 0 : i32
    %dma_wait3A_209 = arith.constant 0 : i32
    %dma_wait3A_210 = tpu.memref_slice %arg5[%dma_wait3A_208, %dma_wait3A_209] : memref<64x1000000xf32, #tpu.memory_space<hbm>> -> memref<64x256xf32, #tpu.memory_space<hbm>>
    %dma_wait3A_211 = arith.constant 0 : i32
    %dma_wait3A_212 = arith.constant 0 : i32
    %dma_wait3A_213 = tpu.memref_slice %arg13[%dma_wait3A_211, %dma_wait3A_212] : memref<64x257xf32, #tpu.memory_space<vmem>> -> memref<64x256xf32, #tpu.memory_space<vmem>>
    %dma_wait3A_214 = arith.constant 0 : i32
    %dma_wait3A_215 = arith.constant 0 : i32
    %dma_wait3A_216 = tpu.memref_slice %arg5[%dma_wait3A_214, %dma_wait3A_215] : memref<64x1000000xf32, #tpu.memory_space<hbm>> -> memref<64x256xf32, #tpu.memory_space<hbm>>
    tpu.wait_dma2 semaphore(%arg17 : memref<!tpu.dma_semaphore, #tpu.memory_space<semaphore_mem>>) src(%dma_wait3A_216 : memref<64x256xf32, #tpu.memory_space<hbm>>) dst(%dma_wait3A_213 : memref<64x256xf32, #tpu.memory_space<vmem>>)
    %min3A_217 = arith.constant 15 : i32
    %min3A_218 = arith.minsi %scan3A_179, %min3A_217 : i32
    %while3A_219 = arith.constant 0 : i32
    %while3A_220 = arith.constant 0 : i32
    %while3A_221 = arith.subi %min3A_218, %while3A_220 : i32
    %while3A_222 = arith.addi %while3A_220, %while3A_221 : i32
    %while3A_223 = arith.constant 1 : i32
    %while3A_224 = arith.divsi %while3A_221, %while3A_223 : i32
    %while3A_225 = arith.muli %while3A_224, %while3A_223 : i32
    %while3A_226 = arith.addi %while3A_220, %while3A_225 : i32
    %while3A_227 = arith.constant 1 : i32
    scf.for %while3A_229 = %while3A_220 to %while3A_226 step %while3A_227  : i32 {
      %dma_wait3A_230 = arith.constant 0 : i32
      %dma_wait3A_231 = arith.constant 0 : i32
      %dma_wait3A_232 = tpu.memref_slice %arg14[%dma_wait3A_231] : memref<2048xf32, #tpu.memory_space<vmem>> -> memref<128xf32, #tpu.memory_space<vmem>>
      %dma_wait3A_233 = arith.constant 0 : i32
      %dma_wait3A_234 = tpu.memref_slice %arg7[%dma_wait3A_230, %dma_wait3A_233] : memref<16384x128xf32, #tpu.memory_space<hbm>> -> memref<1x128xf32, #tpu.memory_space<hbm>>
      %dma_wait3A_235 = tpu.memref_squeeze %dma_wait3A_234 : memref<1x128xf32, #tpu.memory_space<hbm>> -> memref<128xf32, #tpu.memory_space<hbm>>
      %dma_wait3A_236 = arith.constant 0 : i32
      %dma_wait3A_237 = tpu.memref_slice %arg14[%dma_wait3A_236] : memref<2048xf32, #tpu.memory_space<vmem>> -> memref<128xf32, #tpu.memory_space<vmem>>
      %dma_wait3A_238 = arith.constant 0 : i32
      %dma_wait3A_239 = tpu.memref_slice %arg7[%dma_wait3A_230, %dma_wait3A_238] : memref<16384x128xf32, #tpu.memory_space<hbm>> -> memref<1x128xf32, #tpu.memory_space<hbm>>
      %dma_wait3A_240 = tpu.memref_squeeze %dma_wait3A_239 : memref<1x128xf32, #tpu.memory_space<hbm>> -> memref<128xf32, #tpu.memory_space<hbm>>
      tpu.wait_dma2 semaphore(%arg18 : memref<!tpu.dma_semaphore, #tpu.memory_space<semaphore_mem>>) src(%dma_wait3A_240 : memref<128xf32, #tpu.memory_space<hbm>>) dst(%dma_wait3A_237 : memref<128xf32, #tpu.memory_space<vmem>>)
    }
    %while3A_228 = arith.constant 1 : i32
    scf.for %while3A_229 = %while3A_226 to %while3A_222 step %while3A_228  : i32 {
      %dma_wait3A_230 = arith.constant 0 : i32
      %dma_wait3A_231 = arith.constant 0 : i32
      %dma_wait3A_232 = tpu.memref_slice %arg14[%dma_wait3A_231] : memref<2048xf32, #tpu.memory_space<vmem>> -> memref<128xf32, #tpu.memory_space<vmem>>
      %dma_wait3A_233 = arith.constant 0 : i32
      %dma_wait3A_234 = tpu.memref_slice %arg7[%dma_wait3A_230, %dma_wait3A_233] : memref<16384x128xf32, #tpu.memory_space<hbm>> -> memref<1x128xf32, #tpu.memory_space<hbm>>
      %dma_wait3A_235 = tpu.memref_squeeze %dma_wait3A_234 : memref<1x128xf32, #tpu.memory_space<hbm>> -> memref<128xf32, #tpu.memory_space<hbm>>
      %dma_wait3A_236 = arith.constant 0 : i32
      %dma_wait3A_237 = tpu.memref_slice %arg14[%dma_wait3A_236] : memref<2048xf32, #tpu.memory_space<vmem>> -> memref<128xf32, #tpu.memory_space<vmem>>
      %dma_wait3A_238 = arith.constant 0 : i32
      %dma_wait3A_239 = tpu.memref_slice %arg7[%dma_wait3A_230, %dma_wait3A_238] : memref<16384x128xf32, #tpu.memory_space<hbm>> -> memref<1x128xf32, #tpu.memory_space<hbm>>
      %dma_wait3A_240 = tpu.memref_squeeze %dma_wait3A_239 : memref<1x128xf32, #tpu.memory_space<hbm>> -> memref<128xf32, #tpu.memory_space<hbm>>
      tpu.wait_dma2 semaphore(%arg18 : memref<!tpu.dma_semaphore, #tpu.memory_space<semaphore_mem>>) src(%dma_wait3A_240 : memref<128xf32, #tpu.memory_space<hbm>>) dst(%dma_wait3A_237 : memref<128xf32, #tpu.memory_space<vmem>>)
    }
    return
  }
}

#map = affine_map<(d0, d1) -> (0, 0)>
#map1 = affine_map<(d0, d1) -> (0)>
module attributes {stable_mosaic.version = 14 : i64} {
  func.func @_finish_body(%arg0: i32, %arg1: i32, %arg2: memref<16384x128xf32, #tpu.memory_space<hbm>>, %arg3: memref<16384x128xf32, #tpu.memory_space<hbm>>, %arg4: memref<64xf32, #tpu.memory_space<hbm>>, %arg5: memref<16384xf32, #tpu.memory_space<hbm>>, %arg6: memref<512x64xf32, #tpu.memory_space<vmem>>, %arg7: memref<512x64xf32, #tpu.memory_space<vmem>>, %arg8: memref<64xf32, #tpu.memory_space<vmem>>, %arg9: memref<512xf32, #tpu.memory_space<vmem>>, %arg10: memref<!tpu.dma_semaphore, #tpu.memory_space<semaphore_mem>>) attributes {dimension_semantics = [#tpu.dimension_semantics<core_parallel>, #tpu.dimension_semantics<subcore_parallel>], iteration_bounds = array<i64: 2, 16>, scalar_prefetch = 0 : i64, scratch_operands = 5 : i64, tpu.core_type = #tpu.core_type<sc_vector_subcore>, window_params = [{transform_indices = #map}, {transform_indices = #map}, {transform_indices = #map1}, {transform_indices = #map1}]} {
    %mul3A = arith.constant 2 : i32
    %mul3A_0 = arith.muli %arg1, %mul3A : i32
    %add3A = arith.addi %mul3A_0, %arg0 : i32
    %mul3A_1 = arith.constant 512 : i32
    %mul3A_2 = arith.muli %add3A, %mul3A_1 : i32
    %dma_start3A = arith.constant 0 : i32
    %dma_start3A_3 = tpu.memref_slice %arg2[%mul3A_2, %dma_start3A] : memref<16384x128xf32, #tpu.memory_space<hbm>> -> memref<512x64xf32, #tpu.memory_space<hbm>>
    %dma_start3A_4 = arith.constant 0 : i32
    %dma_start3A_5 = tpu.memref_slice %arg2[%mul3A_2, %dma_start3A_4] : memref<16384x128xf32, #tpu.memory_space<hbm>> -> memref<512x64xf32, #tpu.memory_space<hbm>>
    tpu.enqueue_dma source(%dma_start3A_5 : memref<512x64xf32, #tpu.memory_space<hbm>>) target(%arg6 : memref<512x64xf32, #tpu.memory_space<vmem>>) target_semaphore(%arg10 : memref<!tpu.dma_semaphore, #tpu.memory_space<semaphore_mem>>)
    %dma_start3A_6 = arith.constant 0 : i32
    %dma_start3A_7 = tpu.memref_slice %arg3[%mul3A_2, %dma_start3A_6] : memref<16384x128xf32, #tpu.memory_space<hbm>> -> memref<512x64xf32, #tpu.memory_space<hbm>>
    %dma_start3A_8 = arith.constant 0 : i32
    %dma_start3A_9 = tpu.memref_slice %arg3[%mul3A_2, %dma_start3A_8] : memref<16384x128xf32, #tpu.memory_space<hbm>> -> memref<512x64xf32, #tpu.memory_space<hbm>>
    tpu.enqueue_dma source(%dma_start3A_9 : memref<512x64xf32, #tpu.memory_space<hbm>>) target(%arg7 : memref<512x64xf32, #tpu.memory_space<vmem>>) target_semaphore(%arg10 : memref<!tpu.dma_semaphore, #tpu.memory_space<semaphore_mem>>)
    "tpu.region"() ({
      %run_scoped3A = tpu.sem_alloc : memref<!tpu.dma_semaphore, #tpu.memory_space<semaphore_mem>>
      tpu.enqueue_dma source(%arg4 : memref<64xf32, #tpu.memory_space<hbm>>) target(%arg8 : memref<64xf32, #tpu.memory_space<vmem>>) target_semaphore(%run_scoped3A : memref<!tpu.dma_semaphore, #tpu.memory_space<semaphore_mem>>)
      tpu.wait_dma2 semaphore(%run_scoped3A : memref<!tpu.dma_semaphore, #tpu.memory_space<semaphore_mem>>) src(%arg4 : memref<64xf32, #tpu.memory_space<hbm>>) dst(%arg8 : memref<64xf32, #tpu.memory_space<vmem>>)
      tpu.yield
    }) : () -> ()
    %dma_wait3A = arith.constant 0 : i32
    %dma_wait3A_10 = tpu.memref_slice %arg2[%mul3A_2, %dma_wait3A] : memref<16384x128xf32, #tpu.memory_space<hbm>> -> memref<512x64xf32, #tpu.memory_space<hbm>>
    %dma_wait3A_11 = arith.constant 0 : i32
    %dma_wait3A_12 = tpu.memref_slice %arg2[%mul3A_2, %dma_wait3A_11] : memref<16384x128xf32, #tpu.memory_space<hbm>> -> memref<512x64xf32, #tpu.memory_space<hbm>>
    tpu.wait_dma2 semaphore(%arg10 : memref<!tpu.dma_semaphore, #tpu.memory_space<semaphore_mem>>) src(%dma_wait3A_12 : memref<512x64xf32, #tpu.memory_space<hbm>>) dst(%arg6 : memref<512x64xf32, #tpu.memory_space<vmem>>)
    %dma_wait3A_13 = arith.constant 0 : i32
    %dma_wait3A_14 = tpu.memref_slice %arg3[%mul3A_2, %dma_wait3A_13] : memref<16384x128xf32, #tpu.memory_space<hbm>> -> memref<512x64xf32, #tpu.memory_space<hbm>>
    %dma_wait3A_15 = arith.constant 0 : i32
    %dma_wait3A_16 = tpu.memref_slice %arg3[%mul3A_2, %dma_wait3A_15] : memref<16384x128xf32, #tpu.memory_space<hbm>> -> memref<512x64xf32, #tpu.memory_space<hbm>>
    tpu.wait_dma2 semaphore(%arg10 : memref<!tpu.dma_semaphore, #tpu.memory_space<semaphore_mem>>) src(%dma_wait3A_16 : memref<512x64xf32, #tpu.memory_space<hbm>>) dst(%arg7 : memref<512x64xf32, #tpu.memory_space<vmem>>)
    %get3A = arith.constant 0 : index
    %get3A_17 = tpu.vector_load %arg8[%get3A] {strides = array<i32>} : memref<64xf32, #tpu.memory_space<vmem>>, vector<16xf32>,
    %get3A_18 = arith.constant 16 : index
    %get3A_19 = tpu.vector_load %arg8[%get3A_18] {strides = array<i32>} : memref<64xf32, #tpu.memory_space<vmem>>, vector<16xf32>,
    %get3A_20 = arith.constant 32 : index
    %get3A_21 = tpu.vector_load %arg8[%get3A_20] {strides = array<i32>} : memref<64xf32, #tpu.memory_space<vmem>>, vector<16xf32>,
    %get3A_22 = arith.constant 48 : index
    %get3A_23 = tpu.vector_load %arg8[%get3A_22] {strides = array<i32>} : memref<64xf32, #tpu.memory_space<vmem>>, vector<16xf32>,
    %iota3A = tpu.iota {dimensions = array<i32: 0>} : vector<16xi32>
    %scan3A = arith.constant 0 : i32
    %scan3A_24 = arith.constant 0 : i32
    %scan3A_25 = arith.constant 512 : i32
    %scan3A_26 = arith.addi %scan3A_24, %scan3A_25 : i32
    %scan3A_27 = arith.constant 4 : i32
    scf.for %scan3A_35 = %scan3A_24 to %scan3A_26 step %scan3A_27  : i32 {
      %get3A_36 = arith.constant 0 : i32
      %get3A_37 = tpu.memref_slice %arg6[%scan3A_35, %get3A_36] : memref<512x64xf32, #tpu.memory_space<vmem>> -> memref<1x64xf32, #tpu.memory_space<vmem>>
      %get3A_38 = tpu.memref_squeeze %get3A_37 : memref<1x64xf32, #tpu.memory_space<vmem>> -> memref<64xf32, #tpu.memory_space<vmem>>
      %get3A_39 = arith.constant 0 : index
      %get3A_40 = tpu.vector_load %get3A_38[%get3A_39] {strides = array<i32>} : memref<64xf32, #tpu.memory_space<vmem>>, vector<16xf32>,
      %get3A_41 = arith.constant 0 : i32
      %get3A_42 = tpu.memref_slice %arg7[%scan3A_35, %get3A_41] : memref<512x64xf32, #tpu.memory_space<vmem>> -> memref<1x64xf32, #tpu.memory_space<vmem>>
      %get3A_43 = tpu.memref_squeeze %get3A_42 : memref<1x64xf32, #tpu.memory_space<vmem>> -> memref<64xf32, #tpu.memory_space<vmem>>
      %get3A_44 = arith.constant 0 : index
      %get3A_45 = tpu.vector_load %get3A_43[%get3A_44] {strides = array<i32>} : memref<64xf32, #tpu.memory_space<vmem>>, vector<16xf32>,
      %mul3A_46 = arith.mulf %get3A_40, %get3A_45 : vector<16xf32>
      %mul3A_47 = arith.mulf %mul3A_46, %get3A_17 : vector<16xf32>
      %get3A_48 = arith.constant 0 : i32
      %get3A_49 = tpu.memref_slice %arg6[%scan3A_35, %get3A_48] : memref<512x64xf32, #tpu.memory_space<vmem>> -> memref<1x64xf32, #tpu.memory_space<vmem>>
      %get3A_50 = tpu.memref_squeeze %get3A_49 : memref<1x64xf32, #tpu.memory_space<vmem>> -> memref<64xf32, #tpu.memory_space<vmem>>
      %get3A_51 = arith.constant 16 : index
      %get3A_52 = tpu.vector_load %get3A_50[%get3A_51] {strides = array<i32>} : memref<64xf32, #tpu.memory_space<vmem>>, vector<16xf32>,
      %get3A_53 = arith.constant 0 : i32
      %get3A_54 = tpu.memref_slice %arg7[%scan3A_35, %get3A_53] : memref<512x64xf32, #tpu.memory_space<vmem>> -> memref<1x64xf32, #tpu.memory_space<vmem>>
      %get3A_55 = tpu.memref_squeeze %get3A_54 : memref<1x64xf32, #tpu.memory_space<vmem>> -> memref<64xf32, #tpu.memory_space<vmem>>
      %get3A_56 = arith.constant 16 : index
      %get3A_57 = tpu.vector_load %get3A_55[%get3A_56] {strides = array<i32>} : memref<64xf32, #tpu.memory_space<vmem>>, vector<16xf32>,
      %mul3A_58 = arith.mulf %get3A_52, %get3A_57 : vector<16xf32>
      %mul3A_59 = arith.mulf %mul3A_58, %get3A_19 : vector<16xf32>
      %add3A_60 = arith.addf %mul3A_47, %mul3A_59 : vector<16xf32>
      %get3A_61 = arith.constant 0 : i32
      %get3A_62 = tpu.memref_slice %arg6[%scan3A_35, %get3A_61] : memref<512x64xf32, #tpu.memory_space<vmem>> -> memref<1x64xf32, #tpu.memory_space<vmem>>
      %get3A_63 = tpu.memref_squeeze %get3A_62 : memref<1x64xf32, #tpu.memory_space<vmem>> -> memref<64xf32, #tpu.memory_space<vmem>>
      %get3A_64 = arith.constant 32 : index
      %get3A_65 = tpu.vector_load %get3A_63[%get3A_64] {strides = array<i32>} : memref<64xf32, #tpu.memory_space<vmem>>, vector<16xf32>,
      %get3A_66 = arith.constant 0 : i32
      %get3A_67 = tpu.memref_slice %arg7[%scan3A_35, %get3A_66] : memref<512x64xf32, #tpu.memory_space<vmem>> -> memref<1x64xf32, #tpu.memory_space<vmem>>
      %get3A_68 = tpu.memref_squeeze %get3A_67 : memref<1x64xf32, #tpu.memory_space<vmem>> -> memref<64xf32, #tpu.memory_space<vmem>>
      %get3A_69 = arith.constant 32 : index
      %get3A_70 = tpu.vector_load %get3A_68[%get3A_69] {strides = array<i32>} : memref<64xf32, #tpu.memory_space<vmem>>, vector<16xf32>,
      %mul3A_71 = arith.mulf %get3A_65, %get3A_70 : vector<16xf32>
      %mul3A_72 = arith.mulf %mul3A_71, %get3A_21 : vector<16xf32>
      %add3A_73 = arith.addf %add3A_60, %mul3A_72 : vector<16xf32>
      %get3A_74 = arith.constant 0 : i32
      %get3A_75 = tpu.memref_slice %arg6[%scan3A_35, %get3A_74] : memref<512x64xf32, #tpu.memory_space<vmem>> -> memref<1x64xf32, #tpu.memory_space<vmem>>
      %get3A_76 = tpu.memref_squeeze %get3A_75 : memref<1x64xf32, #tpu.memory_space<vmem>> -> memref<64xf32, #tpu.memory_space<vmem>>
      %get3A_77 = arith.constant 48 : index
      %get3A_78 = tpu.vector_load %get3A_76[%get3A_77] {strides = array<i32>} : memref<64xf32, #tpu.memory_space<vmem>>, vector<16xf32>,
      %get3A_79 = arith.constant 0 : i32
      %get3A_80 = tpu.memref_slice %arg7[%scan3A_35, %get3A_79] : memref<512x64xf32, #tpu.memory_space<vmem>> -> memref<1x64xf32, #tpu.memory_space<vmem>>
      %get3A_81 = tpu.memref_squeeze %get3A_80 : memref<1x64xf32, #tpu.memory_space<vmem>> -> memref<64xf32, #tpu.memory_space<vmem>>
      %get3A_82 = arith.constant 48 : index
      %get3A_83 = tpu.vector_load %get3A_81[%get3A_82] {strides = array<i32>} : memref<64xf32, #tpu.memory_space<vmem>>, vector<16xf32>,
      %mul3A_84 = arith.mulf %get3A_78, %get3A_83 : vector<16xf32>
      %mul3A_85 = arith.mulf %mul3A_84, %get3A_23 : vector<16xf32>
      %add3A_86 = arith.addf %add3A_73, %mul3A_85 : vector<16xf32>
      %reduce_sum3A = arith.constant true
      %reduce_sum3A_87 = vector.broadcast %reduce_sum3A : i1 to vector<16xi1>
      %reduce_sum3A_88 = tpu.scan <sum>, %add3A_86 masked %reduce_sum3A_87 : vector<16xf32>, vector<16xi1> -> vector<16xf32>
      %reduce_sum3A_89 = vector.extract %reduce_sum3A_88[15] : f32 from vector<16xf32>
      %broadcast_in_dim3A = vector.broadcast %scan3A_35 : i32 to vector<16xi32>
      %broadcast_in_dim3A_90 = arith.constant 0.000000e+00 : f32
      %broadcast_in_dim3A_91 = vector.broadcast %broadcast_in_dim3A_90 : f32 to vector<16xf32>
      %add3A_92 = vector.broadcast %reduce_sum3A_89 : f32 to vector<16xf32>
      %add3A_93 = arith.addf %broadcast_in_dim3A_91, %add3A_92 : vector<16xf32>
      %lt3A = arith.constant 1 : i32
      %lt3A_94 = vector.broadcast %lt3A : i32 to vector<16xi32>
      %lt3A_95 = arith.cmpi slt, %iota3A, %lt3A_94 : vector<16xi32>
      tpu.vector_store_idx %arg9[%broadcast_in_dim3A], %add3A_93 masked %lt3A_95 : memref<512xf32, #tpu.memory_space<vmem>>[vector<16xi32>], vector<16xf32>, vector<16xi1>
      %scan3A_96 = arith.constant 1 : i32
      %scan3A_97 = arith.addi %scan3A_35, %scan3A_96 : i32
      %get3A_98 = arith.constant 0 : i32
      %get3A_99 = tpu.memref_slice %arg6[%scan3A_97, %get3A_98] : memref<512x64xf32, #tpu.memory_space<vmem>> -> memref<1x64xf32, #tpu.memory_space<vmem>>
      %get3A_100 = tpu.memref_squeeze %get3A_99 : memref<1x64xf32, #tpu.memory_space<vmem>> -> memref<64xf32, #tpu.memory_space<vmem>>
      %get3A_101 = arith.constant 0 : index
      %get3A_102 = tpu.vector_load %get3A_100[%get3A_101] {strides = array<i32>} : memref<64xf32, #tpu.memory_space<vmem>>, vector<16xf32>,
      %get3A_103 = arith.constant 0 : i32
      %get3A_104 = tpu.memref_slice %arg7[%scan3A_97, %get3A_103] : memref<512x64xf32, #tpu.memory_space<vmem>> -> memref<1x64xf32, #tpu.memory_space<vmem>>
      %get3A_105 = tpu.memref_squeeze %get3A_104 : memref<1x64xf32, #tpu.memory_space<vmem>> -> memref<64xf32, #tpu.memory_space<vmem>>
      %get3A_106 = arith.constant 0 : index
      %get3A_107 = tpu.vector_load %get3A_105[%get3A_106] {strides = array<i32>} : memref<64xf32, #tpu.memory_space<vmem>>, vector<16xf32>,
      %mul3A_108 = arith.mulf %get3A_102, %get3A_107 : vector<16xf32>
      %mul3A_109 = arith.mulf %mul3A_108, %get3A_17 : vector<16xf32>
      %get3A_110 = arith.constant 0 : i32
      %get3A_111 = tpu.memref_slice %arg6[%scan3A_97, %get3A_110] : memref<512x64xf32, #tpu.memory_space<vmem>> -> memref<1x64xf32, #tpu.memory_space<vmem>>
      %get3A_112 = tpu.memref_squeeze %get3A_111 : memref<1x64xf32, #tpu.memory_space<vmem>> -> memref<64xf32, #tpu.memory_space<vmem>>
      %get3A_113 = arith.constant 16 : index
      %get3A_114 = tpu.vector_load %get3A_112[%get3A_113] {strides = array<i32>} : memref<64xf32, #tpu.memory_space<vmem>>, vector<16xf32>,
      %get3A_115 = arith.constant 0 : i32
      %get3A_116 = tpu.memref_slice %arg7[%scan3A_97, %get3A_115] : memref<512x64xf32, #tpu.memory_space<vmem>> -> memref<1x64xf32, #tpu.memory_space<vmem>>
      %get3A_117 = tpu.memref_squeeze %get3A_116 : memref<1x64xf32, #tpu.memory_space<vmem>> -> memref<64xf32, #tpu.memory_space<vmem>>
      %get3A_118 = arith.constant 16 : index
      %get3A_119 = tpu.vector_load %get3A_117[%get3A_118] {strides = array<i32>} : memref<64xf32, #tpu.memory_space<vmem>>, vector<16xf32>,
      %mul3A_120 = arith.mulf %get3A_114, %get3A_119 : vector<16xf32>
      %mul3A_121 = arith.mulf %mul3A_120, %get3A_19 : vector<16xf32>
      %add3A_122 = arith.addf %mul3A_109, %mul3A_121 : vector<16xf32>
      %get3A_123 = arith.constant 0 : i32
      %get3A_124 = tpu.memref_slice %arg6[%scan3A_97, %get3A_123] : memref<512x64xf32, #tpu.memory_space<vmem>> -> memref<1x64xf32, #tpu.memory_space<vmem>>
      %get3A_125 = tpu.memref_squeeze %get3A_124 : memref<1x64xf32, #tpu.memory_space<vmem>> -> memref<64xf32, #tpu.memory_space<vmem>>
      %get3A_126 = arith.constant 32 : index
      %get3A_127 = tpu.vector_load %get3A_125[%get3A_126] {strides = array<i32>} : memref<64xf32, #tpu.memory_space<vmem>>, vector<16xf32>,
      %get3A_128 = arith.constant 0 : i32
      %get3A_129 = tpu.memref_slice %arg7[%scan3A_97, %get3A_128] : memref<512x64xf32, #tpu.memory_space<vmem>> -> memref<1x64xf32, #tpu.memory_space<vmem>>
      %get3A_130 = tpu.memref_squeeze %get3A_129 : memref<1x64xf32, #tpu.memory_space<vmem>> -> memref<64xf32, #tpu.memory_space<vmem>>
      %get3A_131 = arith.constant 32 : index
      %get3A_132 = tpu.vector_load %get3A_130[%get3A_131] {strides = array<i32>} : memref<64xf32, #tpu.memory_space<vmem>>, vector<16xf32>,
      %mul3A_133 = arith.mulf %get3A_127, %get3A_132 : vector<16xf32>
      %mul3A_134 = arith.mulf %mul3A_133, %get3A_21 : vector<16xf32>
      %add3A_135 = arith.addf %add3A_122, %mul3A_134 : vector<16xf32>
      %get3A_136 = arith.constant 0 : i32
      %get3A_137 = tpu.memref_slice %arg6[%scan3A_97, %get3A_136] : memref<512x64xf32, #tpu.memory_space<vmem>> -> memref<1x64xf32, #tpu.memory_space<vmem>>
      %get3A_138 = tpu.memref_squeeze %get3A_137 : memref<1x64xf32, #tpu.memory_space<vmem>> -> memref<64xf32, #tpu.memory_space<vmem>>
      %get3A_139 = arith.constant 48 : index
      %get3A_140 = tpu.vector_load %get3A_138[%get3A_139] {strides = array<i32>} : memref<64xf32, #tpu.memory_space<vmem>>, vector<16xf32>,
      %get3A_141 = arith.constant 0 : i32
      %get3A_142 = tpu.memref_slice %arg7[%scan3A_97, %get3A_141] : memref<512x64xf32, #tpu.memory_space<vmem>> -> memref<1x64xf32, #tpu.memory_space<vmem>>
      %get3A_143 = tpu.memref_squeeze %get3A_142 : memref<1x64xf32, #tpu.memory_space<vmem>> -> memref<64xf32, #tpu.memory_space<vmem>>
      %get3A_144 = arith.constant 48 : index
      %get3A_145 = tpu.vector_load %get3A_143[%get3A_144] {strides = array<i32>} : memref<64xf32, #tpu.memory_space<vmem>>, vector<16xf32>,
      %mul3A_146 = arith.mulf %get3A_140, %get3A_145 : vector<16xf32>
      %mul3A_147 = arith.mulf %mul3A_146, %get3A_23 : vector<16xf32>
      %add3A_148 = arith.addf %add3A_135, %mul3A_147 : vector<16xf32>
      %reduce_sum3A_149 = arith.constant true
      %reduce_sum3A_150 = vector.broadcast %reduce_sum3A_149 : i1 to vector<16xi1>
      %reduce_sum3A_151 = tpu.scan <sum>, %add3A_148 masked %reduce_sum3A_150 : vector<16xf32>, vector<16xi1> -> vector<16xf32>
      %reduce_sum3A_152 = vector.extract %reduce_sum3A_151[15] : f32 from vector<16xf32>
      %broadcast_in_dim3A_153 = vector.broadcast %scan3A_97 : i32 to vector<16xi32>
      %broadcast_in_dim3A_154 = arith.constant 0.000000e+00 : f32
      %broadcast_in_dim3A_155 = vector.broadcast %broadcast_in_dim3A_154 : f32 to vector<16xf32>
      %add3A_156 = vector.broadcast %reduce_sum3A_152 : f32 to vector<16xf32>
      %add3A_157 = arith.addf %broadcast_in_dim3A_155, %add3A_156 : vector<16xf32>
      %lt3A_158 = arith.constant 1 : i32
      %lt3A_159 = vector.broadcast %lt3A_158 : i32 to vector<16xi32>
      %lt3A_160 = arith.cmpi slt, %iota3A, %lt3A_159 : vector<16xi32>
      tpu.vector_store_idx %arg9[%broadcast_in_dim3A_153], %add3A_157 masked %lt3A_160 : memref<512xf32, #tpu.memory_space<vmem>>[vector<16xi32>], vector<16xf32>, vector<16xi1>
      %scan3A_161 = arith.constant 2 : i32
      %scan3A_162 = arith.addi %scan3A_35, %scan3A_161 : i32
      %get3A_163 = arith.constant 0 : i32
      %get3A_164 = tpu.memref_slice %arg6[%scan3A_162, %get3A_163] : memref<512x64xf32, #tpu.memory_space<vmem>> -> memref<1x64xf32, #tpu.memory_space<vmem>>
      %get3A_165 = tpu.memref_squeeze %get3A_164 : memref<1x64xf32, #tpu.memory_space<vmem>> -> memref<64xf32, #tpu.memory_space<vmem>>
      %get3A_166 = arith.constant 0 : index
      %get3A_167 = tpu.vector_load %get3A_165[%get3A_166] {strides = array<i32>} : memref<64xf32, #tpu.memory_space<vmem>>, vector<16xf32>,
      %get3A_168 = arith.constant 0 : i32
      %get3A_169 = tpu.memref_slice %arg7[%scan3A_162, %get3A_168] : memref<512x64xf32, #tpu.memory_space<vmem>> -> memref<1x64xf32, #tpu.memory_space<vmem>>
      %get3A_170 = tpu.memref_squeeze %get3A_169 : memref<1x64xf32, #tpu.memory_space<vmem>> -> memref<64xf32, #tpu.memory_space<vmem>>
      %get3A_171 = arith.constant 0 : index
      %get3A_172 = tpu.vector_load %get3A_170[%get3A_171] {strides = array<i32>} : memref<64xf32, #tpu.memory_space<vmem>>, vector<16xf32>,
      %mul3A_173 = arith.mulf %get3A_167, %get3A_172 : vector<16xf32>
      %mul3A_174 = arith.mulf %mul3A_173, %get3A_17 : vector<16xf32>
      %get3A_175 = arith.constant 0 : i32
      %get3A_176 = tpu.memref_slice %arg6[%scan3A_162, %get3A_175] : memref<512x64xf32, #tpu.memory_space<vmem>> -> memref<1x64xf32, #tpu.memory_space<vmem>>
      %get3A_177 = tpu.memref_squeeze %get3A_176 : memref<1x64xf32, #tpu.memory_space<vmem>> -> memref<64xf32, #tpu.memory_space<vmem>>
      %get3A_178 = arith.constant 16 : index
      %get3A_179 = tpu.vector_load %get3A_177[%get3A_178] {strides = array<i32>} : memref<64xf32, #tpu.memory_space<vmem>>, vector<16xf32>,
      %get3A_180 = arith.constant 0 : i32
      %get3A_181 = tpu.memref_slice %arg7[%scan3A_162, %get3A_180] : memref<512x64xf32, #tpu.memory_space<vmem>> -> memref<1x64xf32, #tpu.memory_space<vmem>>
      %get3A_182 = tpu.memref_squeeze %get3A_181 : memref<1x64xf32, #tpu.memory_space<vmem>> -> memref<64xf32, #tpu.memory_space<vmem>>
      %get3A_183 = arith.constant 16 : index
      %get3A_184 = tpu.vector_load %get3A_182[%get3A_183] {strides = array<i32>} : memref<64xf32, #tpu.memory_space<vmem>>, vector<16xf32>,
      %mul3A_185 = arith.mulf %get3A_179, %get3A_184 : vector<16xf32>
      %mul3A_186 = arith.mulf %mul3A_185, %get3A_19 : vector<16xf32>
      %add3A_187 = arith.addf %mul3A_174, %mul3A_186 : vector<16xf32>
      %get3A_188 = arith.constant 0 : i32
      %get3A_189 = tpu.memref_slice %arg6[%scan3A_162, %get3A_188] : memref<512x64xf32, #tpu.memory_space<vmem>> -> memref<1x64xf32, #tpu.memory_space<vmem>>
      %get3A_190 = tpu.memref_squeeze %get3A_189 : memref<1x64xf32, #tpu.memory_space<vmem>> -> memref<64xf32, #tpu.memory_space<vmem>>
      %get3A_191 = arith.constant 32 : index
      %get3A_192 = tpu.vector_load %get3A_190[%get3A_191] {strides = array<i32>} : memref<64xf32, #tpu.memory_space<vmem>>, vector<16xf32>,
      %get3A_193 = arith.constant 0 : i32
      %get3A_194 = tpu.memref_slice %arg7[%scan3A_162, %get3A_193] : memref<512x64xf32, #tpu.memory_space<vmem>> -> memref<1x64xf32, #tpu.memory_space<vmem>>
      %get3A_195 = tpu.memref_squeeze %get3A_194 : memref<1x64xf32, #tpu.memory_space<vmem>> -> memref<64xf32, #tpu.memory_space<vmem>>
      %get3A_196 = arith.constant 32 : index
      %get3A_197 = tpu.vector_load %get3A_195[%get3A_196] {strides = array<i32>} : memref<64xf32, #tpu.memory_space<vmem>>, vector<16xf32>,
      %mul3A_198 = arith.mulf %get3A_192, %get3A_197 : vector<16xf32>
      %mul3A_199 = arith.mulf %mul3A_198, %get3A_21 : vector<16xf32>
      %add3A_200 = arith.addf %add3A_187, %mul3A_199 : vector<16xf32>
      %get3A_201 = arith.constant 0 : i32
      %get3A_202 = tpu.memref_slice %arg6[%scan3A_162, %get3A_201] : memref<512x64xf32, #tpu.memory_space<vmem>> -> memref<1x64xf32, #tpu.memory_space<vmem>>
      %get3A_203 = tpu.memref_squeeze %get3A_202 : memref<1x64xf32, #tpu.memory_space<vmem>> -> memref<64xf32, #tpu.memory_space<vmem>>
      %get3A_204 = arith.constant 48 : index
      %get3A_205 = tpu.vector_load %get3A_203[%get3A_204] {strides = array<i32>} : memref<64xf32, #tpu.memory_space<vmem>>, vector<16xf32>,
      %get3A_206 = arith.constant 0 : i32
      %get3A_207 = tpu.memref_slice %arg7[%scan3A_162, %get3A_206] : memref<512x64xf32, #tpu.memory_space<vmem>> -> memref<1x64xf32, #tpu.memory_space<vmem>>
      %get3A_208 = tpu.memref_squeeze %get3A_207 : memref<1x64xf32, #tpu.memory_space<vmem>> -> memref<64xf32, #tpu.memory_space<vmem>>
      %get3A_209 = arith.constant 48 : index
      %get3A_210 = tpu.vector_load %get3A_208[%get3A_209] {strides = array<i32>} : memref<64xf32, #tpu.memory_space<vmem>>, vector<16xf32>,
      %mul3A_211 = arith.mulf %get3A_205, %get3A_210 : vector<16xf32>
      %mul3A_212 = arith.mulf %mul3A_211, %get3A_23 : vector<16xf32>
      %add3A_213 = arith.addf %add3A_200, %mul3A_212 : vector<16xf32>
      %reduce_sum3A_214 = arith.constant true
      %reduce_sum3A_215 = vector.broadcast %reduce_sum3A_214 : i1 to vector<16xi1>
      %reduce_sum3A_216 = tpu.scan <sum>, %add3A_213 masked %reduce_sum3A_215 : vector<16xf32>, vector<16xi1> -> vector<16xf32>
      %reduce_sum3A_217 = vector.extract %reduce_sum3A_216[15] : f32 from vector<16xf32>
      %broadcast_in_dim3A_218 = vector.broadcast %scan3A_162 : i32 to vector<16xi32>
      %broadcast_in_dim3A_219 = arith.constant 0.000000e+00 : f32
      %broadcast_in_dim3A_220 = vector.broadcast %broadcast_in_dim3A_219 : f32 to vector<16xf32>
      %add3A_221 = vector.broadcast %reduce_sum3A_217 : f32 to vector<16xf32>
      %add3A_222 = arith.addf %broadcast_in_dim3A_220, %add3A_221 : vector<16xf32>
      %lt3A_223 = arith.constant 1 : i32
      %lt3A_224 = vector.broadcast %lt3A_223 : i32 to vector<16xi32>
      %lt3A_225 = arith.cmpi slt, %iota3A, %lt3A_224 : vector<16xi32>
      tpu.vector_store_idx %arg9[%broadcast_in_dim3A_218], %add3A_222 masked %lt3A_225 : memref<512xf32, #tpu.memory_space<vmem>>[vector<16xi32>], vector<16xf32>, vector<16xi1>
      %scan3A_226 = arith.constant 3 : i32
      %scan3A_227 = arith.addi %scan3A_35, %scan3A_226 : i32
      %get3A_228 = arith.constant 0 : i32
      %get3A_229 = tpu.memref_slice %arg6[%scan3A_227, %get3A_228] : memref<512x64xf32, #tpu.memory_space<vmem>> -> memref<1x64xf32, #tpu.memory_space<vmem>>
      %get3A_230 = tpu.memref_squeeze %get3A_229 : memref<1x64xf32, #tpu.memory_space<vmem>> -> memref<64xf32, #tpu.memory_space<vmem>>
      %get3A_231 = arith.constant 0 : index
      %get3A_232 = tpu.vector_load %get3A_230[%get3A_231] {strides = array<i32>} : memref<64xf32, #tpu.memory_space<vmem>>, vector<16xf32>,
      %get3A_233 = arith.constant 0 : i32
      %get3A_234 = tpu.memref_slice %arg7[%scan3A_227, %get3A_233] : memref<512x64xf32, #tpu.memory_space<vmem>> -> memref<1x64xf32, #tpu.memory_space<vmem>>
      %get3A_235 = tpu.memref_squeeze %get3A_234 : memref<1x64xf32, #tpu.memory_space<vmem>> -> memref<64xf32, #tpu.memory_space<vmem>>
      %get3A_236 = arith.constant 0 : index
      %get3A_237 = tpu.vector_load %get3A_235[%get3A_236] {strides = array<i32>} : memref<64xf32, #tpu.memory_space<vmem>>, vector<16xf32>,
      %mul3A_238 = arith.mulf %get3A_232, %get3A_237 : vector<16xf32>
      %mul3A_239 = arith.mulf %mul3A_238, %get3A_17 : vector<16xf32>
      %get3A_240 = arith.constant 0 : i32
      %get3A_241 = tpu.memref_slice %arg6[%scan3A_227, %get3A_240] : memref<512x64xf32, #tpu.memory_space<vmem>> -> memref<1x64xf32, #tpu.memory_space<vmem>>
      %get3A_242 = tpu.memref_squeeze %get3A_241 : memref<1x64xf32, #tpu.memory_space<vmem>> -> memref<64xf32, #tpu.memory_space<vmem>>
      %get3A_243 = arith.constant 16 : index
      %get3A_244 = tpu.vector_load %get3A_242[%get3A_243] {strides = array<i32>} : memref<64xf32, #tpu.memory_space<vmem>>, vector<16xf32>,
      %get3A_245 = arith.constant 0 : i32
      %get3A_246 = tpu.memref_slice %arg7[%scan3A_227, %get3A_245] : memref<512x64xf32, #tpu.memory_space<vmem>> -> memref<1x64xf32, #tpu.memory_space<vmem>>
      %get3A_247 = tpu.memref_squeeze %get3A_246 : memref<1x64xf32, #tpu.memory_space<vmem>> -> memref<64xf32, #tpu.memory_space<vmem>>
      %get3A_248 = arith.constant 16 : index
      %get3A_249 = tpu.vector_load %get3A_247[%get3A_248] {strides = array<i32>} : memref<64xf32, #tpu.memory_space<vmem>>, vector<16xf32>,
      %mul3A_250 = arith.mulf %get3A_244, %get3A_249 : vector<16xf32>
      %mul3A_251 = arith.mulf %mul3A_250, %get3A_19 : vector<16xf32>
      %add3A_252 = arith.addf %mul3A_239, %mul3A_251 : vector<16xf32>
      %get3A_253 = arith.constant 0 : i32
      %get3A_254 = tpu.memref_slice %arg6[%scan3A_227, %get3A_253] : memref<512x64xf32, #tpu.memory_space<vmem>> -> memref<1x64xf32, #tpu.memory_space<vmem>>
      %get3A_255 = tpu.memref_squeeze %get3A_254 : memref<1x64xf32, #tpu.memory_space<vmem>> -> memref<64xf32, #tpu.memory_space<vmem>>
      %get3A_256 = arith.constant 32 : index
      %get3A_257 = tpu.vector_load %get3A_255[%get3A_256] {strides = array<i32>} : memref<64xf32, #tpu.memory_space<vmem>>, vector<16xf32>,
      %get3A_258 = arith.constant 0 : i32
      %get3A_259 = tpu.memref_slice %arg7[%scan3A_227, %get3A_258] : memref<512x64xf32, #tpu.memory_space<vmem>> -> memref<1x64xf32, #tpu.memory_space<vmem>>
      %get3A_260 = tpu.memref_squeeze %get3A_259 : memref<1x64xf32, #tpu.memory_space<vmem>> -> memref<64xf32, #tpu.memory_space<vmem>>
      %get3A_261 = arith.constant 32 : index
      %get3A_262 = tpu.vector_load %get3A_260[%get3A_261] {strides = array<i32>} : memref<64xf32, #tpu.memory_space<vmem>>, vector<16xf32>,
      %mul3A_263 = arith.mulf %get3A_257, %get3A_262 : vector<16xf32>
      %mul3A_264 = arith.mulf %mul3A_263, %get3A_21 : vector<16xf32>
      %add3A_265 = arith.addf %add3A_252, %mul3A_264 : vector<16xf32>
      %get3A_266 = arith.constant 0 : i32
      %get3A_267 = tpu.memref_slice %arg6[%scan3A_227, %get3A_266] : memref<512x64xf32, #tpu.memory_space<vmem>> -> memref<1x64xf32, #tpu.memory_space<vmem>>
      %get3A_268 = tpu.memref_squeeze %get3A_267 : memref<1x64xf32, #tpu.memory_space<vmem>> -> memref<64xf32, #tpu.memory_space<vmem>>
      %get3A_269 = arith.constant 48 : index
      %get3A_270 = tpu.vector_load %get3A_268[%get3A_269] {strides = array<i32>} : memref<64xf32, #tpu.memory_space<vmem>>, vector<16xf32>,
      %get3A_271 = arith.constant 0 : i32
      %get3A_272 = tpu.memref_slice %arg7[%scan3A_227, %get3A_271] : memref<512x64xf32, #tpu.memory_space<vmem>> -> memref<1x64xf32, #tpu.memory_space<vmem>>
      %get3A_273 = tpu.memref_squeeze %get3A_272 : memref<1x64xf32, #tpu.memory_space<vmem>> -> memref<64xf32, #tpu.memory_space<vmem>>
      %get3A_274 = arith.constant 48 : index
      %get3A_275 = tpu.vector_load %get3A_273[%get3A_274] {strides = array<i32>} : memref<64xf32, #tpu.memory_space<vmem>>, vector<16xf32>,
      %mul3A_276 = arith.mulf %get3A_270, %get3A_275 : vector<16xf32>
      %mul3A_277 = arith.mulf %mul3A_276, %get3A_23 : vector<16xf32>
      %add3A_278 = arith.addf %add3A_265, %mul3A_277 : vector<16xf32>
      %reduce_sum3A_279 = arith.constant true
      %reduce_sum3A_280 = vector.broadcast %reduce_sum3A_279 : i1 to vector<16xi1>
      %reduce_sum3A_281 = tpu.scan <sum>, %add3A_278 masked %reduce_sum3A_280 : vector<16xf32>, vector<16xi1> -> vector<16xf32>
      %reduce_sum3A_282 = vector.extract %reduce_sum3A_281[15] : f32 from vector<16xf32>
      %broadcast_in_dim3A_283 = vector.broadcast %scan3A_227 : i32 to vector<16xi32>
      %broadcast_in_dim3A_284 = arith.constant 0.000000e+00 : f32
      %broadcast_in_dim3A_285 = vector.broadcast %broadcast_in_dim3A_284 : f32 to vector<16xf32>
      %add3A_286 = vector.broadcast %reduce_sum3A_282 : f32 to vector<16xf32>
      %add3A_287 = arith.addf %broadcast_in_dim3A_285, %add3A_286 : vector<16xf32>
      %lt3A_288 = arith.constant 1 : i32
      %lt3A_289 = vector.broadcast %lt3A_288 : i32 to vector<16xi32>
      %lt3A_290 = arith.cmpi slt, %iota3A, %lt3A_289 : vector<16xi32>
      tpu.vector_store_idx %arg9[%broadcast_in_dim3A_283], %add3A_287 masked %lt3A_290 : memref<512xf32, #tpu.memory_space<vmem>>[vector<16xi32>], vector<16xf32>, vector<16xi1>
    }
    %scan3A_28 = arith.constant 512 : i32
    %scan3A_29 = arith.constant 0 : i32
    %scan3A_30 = arith.constant 0 : i32
    %scan3A_31 = arith.constant 32 : i32
    %scan3A_32 = arith.addi %scan3A_30, %scan3A_31 : i32
    %scan3A_33 = arith.constant 4 : i32
    scf.for %scan3A_35 = %scan3A_30 to %scan3A_32 step %scan3A_33  : i32 {
      %mul3A_36 = arith.constant 16 : i32
      %mul3A_37 = arith.muli %scan3A_35, %mul3A_36 : i32
      %get3A_38 = arith.index_cast %mul3A_37 : i32 to index
      %get3A_39 = tpu.vector_load %arg9[%get3A_38] {strides = array<i32>} : memref<512xf32, #tpu.memory_space<vmem>>, vector<16xf32>,
      %neg3A = arith.constant 0.000000e+00 : f32
      %neg3A_40 = vector.broadcast %neg3A : f32 to vector<16xf32>
      %neg3A_41 = arith.subf %neg3A_40, %get3A_39 : vector<16xf32>
      %exp3A = math.exp %neg3A_41 : vector<16xf32>
      %add3A_42 = arith.constant 1.000000e+00 : f32
      %add3A_43 = vector.broadcast %add3A_42 : f32 to vector<16xf32>
      %add3A_44 = arith.addf %add3A_43, %exp3A : vector<16xf32>
      %div3A = arith.constant 1.000000e+00 : f32
      %div3A_45 = vector.broadcast %div3A : f32 to vector<16xf32>
      %div3A_46 = arith.divf %div3A_45, %add3A_44 : vector<16xf32>
      %mul3A_47 = arith.constant 16 : i32
      %mul3A_48 = arith.muli %scan3A_35, %mul3A_47 : i32
      %swap3A = arith.index_cast %mul3A_48 : i32 to index
      %swap3A_49 = tpu.vector_load %arg9[%swap3A] {strides = array<i32>} : memref<512xf32, #tpu.memory_space<vmem>>, vector<16xf32>,
      tpu.vector_store %arg9[%swap3A], %div3A_46 {strides = array<i32>} : memref<512xf32, #tpu.memory_space<vmem>>, vector<16xf32>,
      %scan3A_50 = arith.constant 1 : i32
      %scan3A_51 = arith.addi %scan3A_35, %scan3A_50 : i32
      %mul3A_52 = arith.constant 16 : i32
      %mul3A_53 = arith.muli %scan3A_51, %mul3A_52 : i32
      %get3A_54 = arith.index_cast %mul3A_53 : i32 to index
      %get3A_55 = tpu.vector_load %arg9[%get3A_54] {strides = array<i32>} : memref<512xf32, #tpu.memory_space<vmem>>, vector<16xf32>,
      %neg3A_56 = arith.constant 0.000000e+00 : f32
      %neg3A_57 = vector.broadcast %neg3A_56 : f32 to vector<16xf32>
      %neg3A_58 = arith.subf %neg3A_57, %get3A_55 : vector<16xf32>
      %exp3A_59 = math.exp %neg3A_58 : vector<16xf32>
      %add3A_60 = arith.constant 1.000000e+00 : f32
      %add3A_61 = vector.broadcast %add3A_60 : f32 to vector<16xf32>
      %add3A_62 = arith.addf %add3A_61, %exp3A_59 : vector<16xf32>
      %div3A_63 = arith.constant 1.000000e+00 : f32
      %div3A_64 = vector.broadcast %div3A_63 : f32 to vector<16xf32>
      %div3A_65 = arith.divf %div3A_64, %add3A_62 : vector<16xf32>
      %mul3A_66 = arith.constant 16 : i32
      %mul3A_67 = arith.muli %scan3A_51, %mul3A_66 : i32
      %swap3A_68 = arith.index_cast %mul3A_67 : i32 to index
      %swap3A_69 = tpu.vector_load %arg9[%swap3A_68] {strides = array<i32>} : memref<512xf32, #tpu.memory_space<vmem>>, vector<16xf32>,
      tpu.vector_store %arg9[%swap3A_68], %div3A_65 {strides = array<i32>} : memref<512xf32, #tpu.memory_space<vmem>>, vector<16xf32>,
      %scan3A_70 = arith.constant 2 : i32
      %scan3A_71 = arith.addi %scan3A_35, %scan3A_70 : i32
      %mul3A_72 = arith.constant 16 : i32
      %mul3A_73 = arith.muli %scan3A_71, %mul3A_72 : i32
      %get3A_74 = arith.index_cast %mul3A_73 : i32 to index
      %get3A_75 = tpu.vector_load %arg9[%get3A_74] {strides = array<i32>} : memref<512xf32, #tpu.memory_space<vmem>>, vector<16xf32>,
      %neg3A_76 = arith.constant 0.000000e+00 : f32
      %neg3A_77 = vector.broadcast %neg3A_76 : f32 to vector<16xf32>
      %neg3A_78 = arith.subf %neg3A_77, %get3A_75 : vector<16xf32>
      %exp3A_79 = math.exp %neg3A_78 : vector<16xf32>
      %add3A_80 = arith.constant 1.000000e+00 : f32
      %add3A_81 = vector.broadcast %add3A_80 : f32 to vector<16xf32>
      %add3A_82 = arith.addf %add3A_81, %exp3A_79 : vector<16xf32>
      %div3A_83 = arith.constant 1.000000e+00 : f32
      %div3A_84 = vector.broadcast %div3A_83 : f32 to vector<16xf32>
      %div3A_85 = arith.divf %div3A_84, %add3A_82 : vector<16xf32>
      %mul3A_86 = arith.constant 16 : i32
      %mul3A_87 = arith.muli %scan3A_71, %mul3A_86 : i32
      %swap3A_88 = arith.index_cast %mul3A_87 : i32 to index
      %swap3A_89 = tpu.vector_load %arg9[%swap3A_88] {strides = array<i32>} : memref<512xf32, #tpu.memory_space<vmem>>, vector<16xf32>,
      tpu.vector_store %arg9[%swap3A_88], %div3A_85 {strides = array<i32>} : memref<512xf32, #tpu.memory_space<vmem>>, vector<16xf32>,
      %scan3A_90 = arith.constant 3 : i32
      %scan3A_91 = arith.addi %scan3A_35, %scan3A_90 : i32
      %mul3A_92 = arith.constant 16 : i32
      %mul3A_93 = arith.muli %scan3A_91, %mul3A_92 : i32
      %get3A_94 = arith.index_cast %mul3A_93 : i32 to index
      %get3A_95 = tpu.vector_load %arg9[%get3A_94] {strides = array<i32>} : memref<512xf32, #tpu.memory_space<vmem>>, vector<16xf32>,
      %neg3A_96 = arith.constant 0.000000e+00 : f32
      %neg3A_97 = vector.broadcast %neg3A_96 : f32 to vector<16xf32>
      %neg3A_98 = arith.subf %neg3A_97, %get3A_95 : vector<16xf32>
      %exp3A_99 = math.exp %neg3A_98 : vector<16xf32>
      %add3A_100 = arith.constant 1.000000e+00 : f32
      %add3A_101 = vector.broadcast %add3A_100 : f32 to vector<16xf32>
      %add3A_102 = arith.addf %add3A_101, %exp3A_99 : vector<16xf32>
      %div3A_103 = arith.constant 1.000000e+00 : f32
      %div3A_104 = vector.broadcast %div3A_103 : f32 to vector<16xf32>
      %div3A_105 = arith.divf %div3A_104, %add3A_102 : vector<16xf32>
      %mul3A_106 = arith.constant 16 : i32
      %mul3A_107 = arith.muli %scan3A_91, %mul3A_106 : i32
      %swap3A_108 = arith.index_cast %mul3A_107 : i32 to index
      %swap3A_109 = tpu.vector_load %arg9[%swap3A_108] {strides = array<i32>} : memref<512xf32, #tpu.memory_space<vmem>>, vector<16xf32>,
      tpu.vector_store %arg9[%swap3A_108], %div3A_105 {strides = array<i32>} : memref<512xf32, #tpu.memory_space<vmem>>, vector<16xf32>,
    }
    %scan3A_34 = arith.constant 32 : i32
    "tpu.region"() ({
      %run_scoped3A = tpu.sem_alloc : memref<!tpu.dma_semaphore, #tpu.memory_space<semaphore_mem>>
      %dma_start3A_35 = tpu.memref_slice %arg5[%mul3A_2] : memref<16384xf32, #tpu.memory_space<hbm>> -> memref<512xf32, #tpu.memory_space<hbm>>
      %dma_start3A_36 = tpu.memref_slice %arg5[%mul3A_2] : memref<16384xf32, #tpu.memory_space<hbm>> -> memref<512xf32, #tpu.memory_space<hbm>>
      tpu.enqueue_dma source(%arg9 : memref<512xf32, #tpu.memory_space<vmem>>) target(%dma_start3A_36 : memref<512xf32, #tpu.memory_space<hbm>>) target_semaphore(%run_scoped3A : memref<!tpu.dma_semaphore, #tpu.memory_space<semaphore_mem>>)
      %dma_wait3A_37 = tpu.memref_slice %arg5[%mul3A_2] : memref<16384xf32, #tpu.memory_space<hbm>> -> memref<512xf32, #tpu.memory_space<hbm>>
      %dma_wait3A_38 = tpu.memref_slice %arg5[%mul3A_2] : memref<16384xf32, #tpu.memory_space<hbm>> -> memref<512xf32, #tpu.memory_space<hbm>>
      tpu.wait_dma2 semaphore(%run_scoped3A : memref<!tpu.dma_semaphore, #tpu.memory_space<semaphore_mem>>) src(%arg9 : memref<512xf32, #tpu.memory_space<vmem>>) dst(%dma_wait3A_38 : memref<512xf32, #tpu.memory_space<hbm>>)
      tpu.yield
    }) : () -> ()
    return
  }
}

</mosaic_0001>

<sc_bundles>
// kernel: kernel.4.cloned.1.call-start
scs
__scs_entry_jumppad:
0x0: {  	(pc) =	sbr.rel $0x88, $3  }
0x1: {  	(tag) =	ssettag $0x0;
	lr =	simm.s32 $0x1  }
0x2: {  	[smem:$0x3F9C] =	sst lr;
	_ =	strace $0xD0000000  }
0x3: {  	_ = 	snop  }
0x4: {  	_ = 	snop  }
0x5: {  	_ = 	snop  }
0x6: {  	_ = 	snop  }
0x7: {  	_ = 	snop  }
__scs_overlays_trampoline_lowered:
0x8: {  	[smem:$0x3FAB] =	sst s0  }
0x9: {  	[smem:$0x3FAC] =	sst s1  }
0xa: {  	[smem:$0x3FAD] =	sst s2  }
0xb: {  	[smem:$0x3FAE] =	sst s3  }
0xc: {  	[smem:$0x3FAF] =	sst s4  }
0xd: {  	[smem:$0x3FB0] =	sst s5  }
0xe: {  	[smem:$0x3FB1] =	sst s6  }
0xf: {  	[smem:$0x3FB2] =	sst s7  }
0x10: {  	[smem:$0x3FB3] =	sst s8  }
0x11: {  	[smem:$0x3FB4] =	sst s9;
	s0 =	simm.s32 @!p0 $0x0  }
0x12: {  	s1 =	sld [smem:$0x3F9A];
	s0 =	simm.s32 @p0 $0x1  }
0x13: {  	[smem:$0x3FB5] =	sst s0;
	s0 =	simm.s32 @!p1 $0x0  }
0x14: {  	s2 =	sld [smem:$0x3F99];
	s0 =	simm.s32 @p1 $0x1  }
0x15: {  	[smem:$0x3FB6] =	sst s0;
	s0 =	simm.s32 @!p2 $0x0  }
0x16: {  	s3 =	sld [smem:$0x3FDB];
	s0 =	simm.s32 @p2 $0x1  }
0x17: {  	s4 =	simm.s32 $0x1BF5;
	[smem:$0x3FB8] =	sst s0  }
0x18: {  	s0 =	sld [smem:$0x3F9B];
	_ =	swait.ge [sflag:s4], $0x0  }
0x19: {  	s7 =	sld [smem:$0x3F9C]  }
0x1a: {  	s8 =	sadd.s32 $0xFFFFE003, lr  }
0x1b: {  	s9 =	sadd.s32 $0xFFFFFEF7, lr;
	s5 =	simm.s32 $0xFFFFFFFF;
	p2 =	slt.u32 s8, $0xFFFFF086  }
0x1c: {  	p1 =	slt.u32 s9, $0xF7A;
	s5 =	simm.s32 @!p2 $0x0  }
0x1d: {  	s5 =	simm.s32 @p1 $0x1;
	p0 =	seq.s32 s7, s2  }
0x1e: {  	s7 =	smul.u32 @!p0 $0xF7A, s2;
	p2 =	seq.s32 @!p0 s5, $0x0  }
0x1f: {  	s9 =	smul.u32 $0xF7A, s1;
	s8 =	simm.s32 @!p0 $0x1BF5;
	p2 =	por !p2, p0  }
0x20: {  	[sflag:s8] =	ssyncset.s32 @!p0 $0xFFFFF086;
	s6 =	sadd.s32 @!p0 s3, s7;
	s7 =	simm.s32 @!p0 $0x108  }
0x21: {  	s3 =	sadd.s32 s3, s9;
	s6 =	sadd.s32 @!p0 $0x88, s6;
	s7 =	simm.s32 @p2 $0x1082  }
0x22: {  	[simem:s7], [sflag:s8] =	dma.local @!p0 [hbm:s6], $0xF7A  }
0x23: {  	s9 =	sor.u32 $0xD0000000, s2;
	s6 =	simm.s32 $0x108;
	_ =	swait.ge @!p0 [sflag:s8], $0x0  }
0x24: {  	s3 =	sadd.s32 $0x88, s3;
	s6 =	simm.s32 @!p1 $0x1082;
	[sflag:s4] =	ssyncset.s32 $0xFFFFF086  }
0x25: {  	[simem:s6], [sflag:s4] =	dma.local [hbm:s3], $0xF7A  }
0x26: {  	[smem:$0x3F9C] =	sst s1;
	(tag) =	ssettag s2;
	_ =	strace s9  }
0x27: {  	s1 =	sld [smem:$0x3FAC]  }
0x28: {  	s2 =	sld [smem:$0x3FAD]  }
0x29: {  	s4 =	sld [smem:$0x3FAF]  }
0x2a: {  	p0 =	seq.s32 s5, $0x0;
	s5 =	sld [smem:$0x3FB0]  }
0x2b: {  	s6 =	sld [smem:$0x3FB1]  }
0x2c: {  	s7 =	sld [smem:$0x3FB2]  }
0x2d: {  	s3 =	simm.s32 $0x108;
	s8 =	sld [smem:$0x3FB3]  }
0x2e: {  	s3 =	simm.s32 @!p0 $0x1082;
	s9 =	sld [smem:$0x3FB4]  }
0x2f: {  	lr =	sadd.s32 s0, s3;
	s0 =	sld [smem:$0x3FAB]  }
0x30: {  	s3 =	sld [smem:$0x3FAE]  }
0x31: {  	[smem:$0x3FB7] =	sst s10  }
0x32: {  	s10 =	sld [smem:$0x3FB5];
	_ =	sdelay $0x3  }
0x33: {  	p0 =	seq.s32 s10, $0x1;
	s10 =	sld [smem:$0x3FB7];
	_ =	sdelay $0x3  }
0x34: {  	[smem:$0x3FB7] =	sst s10  }
0x35: {  	s10 =	sld [smem:$0x3FB6];
	_ =	sdelay $0x3  }
0x36: {  	p1 =	seq.s32 s10, $0x1;
	s10 =	sld [smem:$0x3FB7];
	_ =	sdelay $0x3  }
0x37: {  	[smem:$0x3FB7] =	sst s10  }
0x38: {  	s10 =	sld [smem:$0x3FB8]  }
0x39: {  	_ = 	snop;
	(pc) =	sbr.ind lr, $3  }
0x3a: {  	_ = 	snop  }
0x3b: {  	_ = 	snop  }
0x3c: {  	p2 =	seq.s32 s10, $0x1;
	s10 =	sld [smem:$0x3FB7]  }
0x3d: {  	_ =	shalt  }
0x3e: {  	_ =	shalt  }
0x3f: {  	_ =	shalt  }
0x40: {  	_ =	shalt  }
0x41: {  	_ =	shalt  }
0x42: {  	_ =	shalt  }
0x43: {  	_ =	shalt  }
0x44: {  	_ =	shalt  }
0x45: {  	_ =	shalt  }
0x46: {  	_ =	shalt  }
0x47: {  	_ =	shalt  }
0x48: {  	_ =	shalt  }
0x49: {  	_ =	shalt  }
0x4a: {  	_ =	shalt  }
0x4b: {  	_ =	shalt  }
0x4c: {  	_ =	shalt  }
0x4d: {  	_ =	shalt  }
0x4e: {  	_ =	shalt  }
0x4f: {  	_ =	shalt  }
0x50: {  	_ =	shalt  }
0x51: {  	_ =	shalt  }
0x52: {  	_ =	shalt  }
0x53: {  	_ =	shalt  }
0x54: {  	_ =	shalt  }
0x55: {  	_ =	shalt  }
0x56: {  	_ =	shalt  }
0x57: {  	_ =	shalt  }
0x58: {  	_ =	shalt  }
0x59: {  	_ =	shalt  }
0x5a: {  	_ =	shalt  }
0x5b: {  	_ =	shalt  }
0x5c: {  	_ =	shalt  }
0x5d: {  	_ =	shalt  }
0x5e: {  	_ =	shalt  }
0x5f: {  	_ =	shalt  }
0x60: {  	_ =	shalt  }
0x61: {  	_ =	shalt  }
0x62: {  	_ =	shalt  }
0x63: {  	_ =	shalt  }
0x64: {  	_ =	shalt  }
0x65: {  	_ =	shalt  }
0x66: {  	_ =	shalt  }
0x67: {  	_ =	shalt  }
0x68: {  	_ =	shalt  }
0x69: {  	_ =	shalt  }
0x6a: {  	_ =	shalt  }
0x6b: {  	_ =	shalt  }
0x6c: {  	_ =	shalt  }
0x6d: {  	_ =	shalt  }
0x6e: {  	_ =	shalt  }
0x6f: {  	_ =	shalt  }
0x70: {  	_ =	shalt  }
0x71: {  	_ =	shalt  }
0x72: {  	_ =	shalt  }
0x73: {  	_ =	shalt  }
0x74: {  	_ =	shalt  }
0x75: {  	_ =	shalt  }
0x76: {  	_ =	shalt  }
0x77: {  	_ =	shalt  }
0x78: {  	_ =	shalt  }
0x79: {  	_ =	shalt  }
0x7a: {  	_ =	shalt  }
0x7b: {  	_ =	shalt  }
0x7c: {  	_ =	shalt  }
0x7d: {  	_ =	shalt  }
0x7e: {  	_ =	shalt  }
0x7f: {  	_ =	shalt  }
0x80: {  	_ =	shalt  }
0x81: {  	_ =	shalt  }
0x82: {  	_ =	shalt  }
0x83: {  	_ =	shalt  }
0x84: {  	_ =	shalt  }
0x85: {  	_ =	shalt  }
0x86: {  	_ =	shalt  }
0x87: {  	_ =	shalt  }
.Lfunc_end0:
.L_simem_size_0:
called_computation_lowered:
.L_overlay_start_0:
0x88: {  	s2 =	sld [smem:$0x3FD9]  }
0x89: {  	s3 =	sld [smem:$0x3FFE];
	_ =	sdelay $0x1  }
0x8a: {  	s1 =	srdreg.scid  }
0x8b: {  	s0 =	sand.u32 $0x1, s1  }
0x8c: {  	s17 =	sshll.u32 s0, $0xA;
	s2 =	sadd.s32 s3, s2  }
0x8d: {  	s2 =	sadd.s32 s2, s17  }
0x8e: {  	[smem:$0x3FC3] =	sst s2  }
0x8f: {  	_ = 	snop  }
0x90: {  	s2 =	sld [smem:$0x3FC9]  }
0x91: {  	s18 =	sld [smem:$0x3FC8]  }
0x92: {  	s4 =	sld [smem:$0x3FC7]  }
0x93: {  	s5 =	sld [smem:$0x3FC6];
	(tm) =	ssettm $0x1  }
0x94: {  	s6 =	sld [smem:$0x3FFB];
	_ =	sdelay $0x3  }
0x95: {  	_ =	strace s6  }
0x96: {  	s6 =	sld [smem:$0x3FFC];
	_ =	sdelay $0x3  }
0x97: {  	_ =	strace s6  }
0x98: {  	s6 =	sld [smem:$0x3FFD];
	_ =	sdelay $0x3  }
0x99: {  	_ =	strace s6  }
0x9a: {  	_ =	strace $0x8FFFFFFF  }
0x9b: {  	s19 =	sld [smem:$0x3FDB];
	_ =	sdelay $0x1  }
0x9c: {  	s7 =	simm.s32 $_scs_section_size  }
0x9d: {  	s8 =	simm.s32 $_size__tile_overlayer_lowered;
	s9 =	simm.s32 $_tile_overlayer_lowered  }
0x9e: {  	s22 =	simm.s32 $0x1BFF;
	s21 =	sshll.u32 s9, $0x1;
	s6 =	sadd.s32 s7, s19  }
0x9f: {  	s10 =	simm.s32 $0x0;
	s20 =	sshll.u32 s8, $0x1;
	s8 =	sadd.s32 s21, s6  }
0xa0: {  	[timem:s10], [sflag:s22] =	dma.local [hbm:s8], s20  }
0xa1: {  	_ =	swait.ge [sflag:s22], s20  }
0xa2: {  	s7 =	ssub.s32 $0x0, s20;
	[sflag:s22] =	ssyncset.done $0x0  }
0xa3: {  	[sflag:s22] =	ssyncadd.s32 s7;
	_ =	sdelay $0x1  }
0xa4: {  	s23 =	simm.s32 $0x1B8B  }
0xa5: {  	_ =	swait.ge [sflag:s23], $0x1  }
0xa6: {  	[sflag:s23] =	ssyncset.done $0x0  }
0xa7: {  	s25 =	simm.s32 $0x1B8E;
	s24 =	sld [smem:$0x3FFE];
	[sflag:s23] =	ssyncadd.s32 $0xFFFFFFFF  }
0xa8: {  	s26 =	simm.s32 $execute0_lowered;
	[smem:$0x3FD2] =	sst s25  }
0xa9: {  	s8 =	sshll.u32 s26, $0x1;
	_ =	strace $0x80000046;
	[dreg:$0x1] =	wrdreg $0xFFFFFFFF  }
0xaa: {  	s28 =	simm.s32 $_size_execute0_lowered;
	s6 =	sadd.s32 s6, s8;
	[dreg:$0x0] =	wrdreg $0x0  }
0xab: {  	s8 =	sshll.u32 s28, $0x1;
	[dreg:$0x2] =	wrdreg s6  }
0xac: {  	[dreg:$0x3] =	wrdreg s8  }
0xad: {  	[dreg:$0x4] =	wrdreg $0xC0  }
0xae: {  	_ =	task [dreg:s10], $0x5FFFF  }
0xaf: {  	[dreg:$0x1] =	wrdreg $0xFFFFFFFF  }
0xb0: {  	[dreg:$0x0] =	wrdreg $0x60  }
0xb1: {  	[dreg:$0x2] =	wrdreg s2  }
0xb2: {  	[dreg:$0x3] =	wrdreg s18  }
0xb3: {  	[dreg:$0x4] =	wrdreg s4  }
0xb4: {  	[dreg:$0x5] =	wrdreg s5  }
0xb5: {  	[dreg:$0x6] =	wrdreg s24  }
0xb6: {  	[dreg:$0x7] =	wrdreg $0x9  }
0xb7: {  	_ =	task.clear_ibuf [dreg:s10], $0x8FFFF;
	_ =	strace $0x90000046  }
0xb8: {  	s29 =	simm.s32 $0x9;
	_ =	strace $0x80000048  }
0xb9: {  	_ =	swait.ge [sflag:s29], $0x1  }
0xba: {  	[sflag:s29] =	ssyncadd.s32 $0xFFFFFFFF  }
0xbb: {  	_ =	strace $0x90000048  }
0xbc: {  	_ =	sfence  }
0xbd: {  	s30 =	sld [smem:$0x0];
	_ =	sdelay $0x2  }
0xbe: {  	s31 =	sshll.u32 s1, $0xD;
	s1 =	sshrl.u32 s1, $0x2  }
0xbf: {  	s3 =	sand.u32 $0x4000, s31;
	s1 =	sadd.s32 s1, s30  }
0xc0: {  	s0 =	sor.u32 s3, s0;
	s1 =	sshll.u32 s1, $0x11  }
0xc1: {  	s0 =	sor.u32 s1, s0  }
0xc2: {  	s0 =	sadd.s32 $0x8F2B, s0  }
0xc3: {  	[sflag:s0] =	ssyncadd.remote.s32 $0x1  }
0xc4: {  	_ =	sfence.sel $0xFFFF  }
0xc5: {  	[dreg:$0x0] =	wrdreg $0xFFFFFFFF;
	(pc) =	sbr.abs _section_cstart, $3  }
0xc6: {  	[dreg:$0x1] =	wrdreg $0xFFFFFFFF  }
0xc7: {  	_ =	task.clear_ibuf [dreg:s10], $0x2FFFF;
	_ =	strace $0x9FFFFFFF  }
0xc8: {  	(tm) =	ssettm $0x7FFFFFFF  }
0xc9: {  	_ =	shalt  }
tec
execute0_lowered:
.L_overlay_start_1:
0x0: {  	(tag) =	ssettag $0x1  }
0x1: {  	v0 =	vimm.s32 $0xF80;
	vm14 =	vcmask $0x300;
	vm13 =	vcmask $0x704  }
0x2: {  	vm12 =	vcmask $0xB08;
	vm11 =	vcmask $0xF0C;
	vm10 =	vcmask $0x1310  }
0x3: {  	vm9 =	vcmask $0x1714;
	vm8 =	vcmask $0x1B18;
	vm7 =	vcmask $0x1F1C  }
0x4: {  	vm6 =	vcmask $0x2320;
	vm5 =	vcmask $0x2724;
	vm4 =	vcmask $0x2B28  }
0x5: {  	vm3 =	vcmask $0x2F2C;
	vm2 =	vcmask $0x3330;
	vm1 =	vcmask $0x3734  }
0x6: {  	vm0 =	vcmask $0x3B38;
	v4 =	vimm.s32 $0x7FFFFFF;
	v6 =	vimm.s32 $0x2780  }
0x7: {  	v7 =	vimm.s32 $0x3F80;
	v8 =	vimm.s32 $0x5780;
	v0 =	vsel vm14, $0x0, v0  }
0x8: {  	v6 =	vsel vm14, $0x1800, v6;
	v7 =	vsel vm14, $0x3000, v7;
	v8 =	vsel vm14, $0x4800, v8  }
0x9: {  	v0 =	vsel vm13, $0x80, v0;
	v6 =	vsel vm13, $0x1880, v6;
	v7 =	vsel vm13, $0x3080, v7  }
0xa: {  	v8 =	vsel vm13, $0x4880, v8;
	v0 =	vsel vm12, $0x100, v0;
	v6 =	vsel vm12, $0x1900, v6  }
0xb: {  	s3 =	rddreg [dreg:$0x2];
	v7 =	vsel vm12, $0x3100, v7;
	v8 =	vsel vm12, $0x4900, v8;
	v0 =	vsel vm11, $0x180, v0  }
0xc: {  	s0 =	srdreg.scid;
	s4 =	rddreg [dreg:$0x3];
	v6 =	vsel vm11, $0x1980, v6;
	v7 =	vsel vm11, $0x3180, v7;
	v8 =	vsel vm11, $0x4980, v8  }
0xd: {  	s1 =	stileid.u32;
	s2 =	rddreg [dreg:$0x4];
	s7 =	simm.s32 $0x0;
	v0 =	vsel vm10, $0x200, v0;
	v6 =	vsel vm10, $0x1A00, v6;
	v7 =	vsel vm10, $0x3200, v7  }
0xe: {  	s18 =	simm.s32 $0x18180;
	s31 =	simm.s32 $0x1;
	s21 =	simm.s32 $0x4;
	v8 =	vsel vm10, $0x4A00, v8;
	v0 =	vsel vm9, $0x280, v0;
	v6 =	vsel vm9, $0x1A80, v6  }
0xf: {  	s0 =	sand.u32 $0x1, s0;
	s1 =	sshll.u32 s1, $0x1;
	[smem:$0x7FF] =	sst s7;
	v7 =	vsel vm9, $0x3280, v7;
	v8 =	vsel vm9, $0x4A80, v8;
	v0 =	vsel vm8, $0x300, v0  }
0x10: {  	s8 =	sadd.s32 $0xC00, s2;
	s9 =	sadd.s32 $0x40C00, s2;
	s2 =	simm.s32 $0x12180;
	v6 =	vsel vm8, $0x1B00, v6;
	v7 =	vsel vm8, $0x3300, v7;
	v8 =	vsel vm8, $0x4B00, v8  }
0x11: {  	s6 =	sor.u32 s0, s1;
	_ =	strace $0x80000047;
	s0 =	ssub.s32 $0x2, s0;
	v0 =	vsel vm7, $0x380, v0;
	v6 =	vsel vm7, $0x1B80, v6;
	v7 =	vsel vm7, $0x3380, v7  }
0x12: {  	s23 =	sshrl.u32 s0, $0x1;
	s5 =	sshll.u32 s6, $0x8;
	s13 =	sor.u32 $0x60, s6;
	v8 =	vsel vm7, $0x4B80, v8;
	v0 =	vsel vm6, $0xC00, v0;
	v6 =	vsel vm6, $0x2400, v6  }
0x13: {  	s29 =	sor.u32 $0x20, s6;
	s15 =	sor.u32 $0x80, s6;
	s16 =	sor.u32 $0x40, s6;
	v7 =	vsel vm6, $0x3C00, v7;
	v8 =	vsel vm6, $0x5400, v8;
	v0 =	vsel vm5, $0xC80, v0  }
0x14: {  	s24 =	sor.u32 $0x2000, s5;
	s25 =	sadd.s32 s3, s5;
	[dreg:$0x9] =	wrdreg s29;
	v6 =	vsel vm5, $0x2480, v6;
	v7 =	vsel vm5, $0x3C80, v7;
	v8 =	vsel vm5, $0x5480, v8  }
0x15: {  	s28 =	sor.u32 $0x4000, s5;
	s5 =	sadd.s32 s4, s5;
	[dreg:$0x6] =	wrdreg s25;
	v1 =	vsel vm4, $0xD00, v0;
	v0 =	vmov s6;
	v6 =	vsel vm4, $0x2500, v6  }
0x16: {  	s14 =	smov.u32 s6;
	s26 =	sadd.s32 s3, s24;
	[dreg:$0xa] =	wrdreg s5;
	v7 =	vsel vm4, $0x3D00, v7;
	v8 =	vsel vm4, $0x5500, v8;
	v2 =	vsel vm3, $0xD80, v1  }
0x17: {  	s17 =	sor.u32 $0xA0, s6;
	s10 =	sadd.s32 s3, s28;
	[dreg:$0x7] =	wrdreg s26;
	v1 =	vlaneseq.u32;
	v6 =	vsel vm3, $0x2580, v6;
	v7 =	vsel vm3, $0x3D80, v7  }
.Ltmp0:
0x18: {  	s1 =	sadd.s32 s4, s24;
	[dreg:$0x8] =	wrdreg s10;
	v8 =	vsel vm3, $0x5580, v8;
	v3 =	vsel vm2, $0xE00, v2;
	v2 =	vmul.u32 $0x100, v1;
	(pc) =	sbr.rel .LBB2_1-.Ltmp0, $4  }
0x19: {  	s0 =	ssub.s32 s0, s23;
	s30 =	sadd.s32 s4, s28;
	[dreg:$0xb] =	wrdreg s1;
	v6 =	vsel vm2, $0x2600, v6;
	v7 =	vsel vm2, $0x3E00, v7;
	v8 =	vsel vm2, $0x5600, v8  }
0x1a: {  	s23 =	simm.s32 $0x4080;
	s0 =	smax.u32 s0, $0x1;
	[dreg:$0xc] =	wrdreg s30;
	v5 =	vsel vm1, $0xE80, v3;
	v3 =	vimm.s32 $0x0;
	v6 =	vsel vm1, $0x2680, v6  }
0x1b: {  	s24 =	simm.s32 $0xC180;
	s5 =	simm.s32 $0x8100;
	[dreg:$0xd] =	wrdreg s0;
	v7 =	vsel vm1, $0x3E80, v7;
	v8 =	vsel vm1, $0x5680, v8;
	v5 =	vsel vm0, $0xF00, v5  }
0x1c: {  	s0 =	simm.s32 $0x2;
	s1 =	simm.s32 $0x3;
	s10 =	simm.s32 $0x0;
	v6 =	vsel vm0, $0x2700, v6;
	v7 =	vsel vm0, $0x3F00, v7;
	v8 =	vsel vm0, $0x5700, v8  }
.LBB2_82:
0x1d: {  	[sflag:s21] =	ssyncadd.s32 $0xFFFFFF80;
	s10 =	rddreg [dreg:$0xe]  }
.LBB2_83:
0x1e: {  	s10 =	sadd.s32 $0x1, s10;
	s6 =	rddreg [dreg:$0xd]  }
0x1f: {  	p0 =	sne.s32 s10, s6  }
.Ltmp1:
0x20: {  	_ = 	snop;
	(pc) =	sbr.rel @!p0 .LBB2_84-.Ltmp1, $1  }
0x21: {  	_ =	sdelay $0x3  }
.LBB2_1:
0x22: {  	[dreg:$0xe] =	wrdreg s10  }
0x23: {  	s6 =	rddreg [dreg:$0x0];
	s30 =	simm.s32 $0x5  }
0x24: {  	[tilespmem:s5], [sflag:$0x5] =	stream.linear.gather [hbm4b:s6+s7], $0x4000, $0x38;
	[tilespmem:$0x1E980] =	vst v63  }
0x25: {  	_ =	swait.ge [sflag:s30], $0x4000  }
0x26: {  	[sflag:s30] =	ssyncset.done $0x0  }
0x27: {  	[sflag:s30] =	ssyncadd.s32 $0xFFFFC000  }
0x28: {  	v9 =	vld [tilespmem:s5+$0x0];
	_ =	sdelay $0x4  }
0x29: {  	v10 =	vshra.s32 v9, $0x8  }
0x2a: {  	v11 =	vand.u32 $0x1F, v10  }
0x2b: {  	vm0 =	veq.s32 v11, v0  }
0x2c: {  	v11 =	vsel vm0, $0x1, v3  }
0x2d: {  	(xrf0) =	vadd.scan.msk.s32 $0xffff, v11;
	_ =	sdelay $0x2  }
0x2e: {  	v11 =	vmov s7  }
0x2f: {  	v11 =	vadd.s32 $0xFFFFFFFF, v11  }
0x30: {  	v11 =	vbroadcast v11, $0x0  }
0x31: {  	v12, _, _ =	vpop (xrf0)  }
0x32: {  	v11 =	vadd.s32 v12, v11;
	(v2sf) =	vpush v12, $0xF  }
0x33: {  	v13 =	vmov s7  }
0x34: {  	v13 =	vshll.u32 v13, $0x8  }
0x35: {  	v13 =	vor.u32 v2, v13;
	v9 =	vand.u32 $0xFF, v9  }
0x36: {  	v9 =	vor.u32 v13, v9  }
0x37: {  	[tilespmem:v11+s7+$0x0] =	vst.idx.msk vm0, v9  }
0x38: {  	s12 =	simm.s32 $0x8110;
	[tilespmem:v11+s23+$0x0] =	vst.idx.msk vm0, v10  }
0x39: {  	s10 =	simm.s32 $0x10;
	s19 =	simm.s32 $0x20;
	s11 =	simm.s32 $0x0;
	v9 =	vld [tilespmem:s12+$0x0]  }
.LBB2_2:
0x3a: {  	p0 =	sne.s32 s19, $0x3FF0;
	_ =	sdelay $0x3  }
0x3b: {  	v10 =	vshra.s32 v9, $0x8;
	v9 =	vand.u32 $0xFF, v9  }
0x3c: {  	v11 =	vand.u32 $0x1F, v10  }
0x3d: {  	vm0 =	veq.s32 v11, v0  }
0x3e: {  	v11 =	vsel vm0, $0x1, v3;
	s20 =	spop (v2sf)  }
0x3f: {  	(xrf0) =	vadd.scan.msk.s32 $0xffff, v11;
	s11 =	sadd.s32 s11, s20  }
0x40: {  	v11 =	vmov s11  }
0x41: {  	v11 =	vadd.s32 $0xFFFFFFFF, v11  }
0x42: {  	v11 =	vbroadcast v11, $0x0;
	_ =	sdelay $0x2  }
0x43: {  	v12, _, _ =	vpop (xrf0)  }
0x44: {  	v11 =	vadd.s32 v12, v11;
	(v2sf) =	vpush v12, $0xF  }
0x45: {  	v12 =	vmov s10;
	s10 =	smov.u32 s19  }
0x46: {  	v12 =	vshll.u32 v12, $0x8  }
.Ltmp2:
0x47: {  	v12 =	vor.u32 v2, v12;
	(pc) =	sbr.rel @p0 .LBB2_2-.Ltmp2, $4  }
0x48: {  	v9 =	vor.u32 v12, v9  }
0x49: {  	[tilespmem:v11+s7+$0x0] =	vst.idx.msk vm0, v9  }
0x4a: {  	s12 =	sadd.s32 $0x10, s12;
	[tilespmem:v11+s23+$0x0] =	vst.idx.msk vm0, v10  }
0x4b: {  	s19 =	sadd.s32 $0x10, s19;
	v9 =	vld [tilespmem:s12+$0x0]  }
0x4c: {  	_ =	sdelay $0x3  }
0x4d: {  	v10 =	vshra.s32 v9, $0x8  }
0x4e: {  	v11 =	vand.u32 $0x1F, v10  }
0x4f: {  	vm0 =	veq.s32 v11, v0  }
0x50: {  	v11 =	vsel vm0, $0x1, v3  }
0x51: {  	(xrf0) =	vadd.scan.msk.s32 $0xffff, v11;
	_ =	sdelay $0x5  }
0x52: {  	v11, _, _ =	vpop (xrf0)  }
0x53: {  	(v2sf) =	vpush v11, $0xF;
	_ =	sdelay $0x8  }
0x54: {  	s12 =	spop (v2sf)  }
0x55: {  	s11 =	sadd.s32 s11, s12  }
0x56: {  	v12 =	vmov s11  }
0x57: {  	v12 =	vadd.s32 $0xFFFFFFFF, v12  }
0x58: {  	v12 =	vbroadcast v12, $0x0;
	_ =	sdelay $0x1  }
0x59: {  	v11 =	vadd.s32 v11, v12;
	s25 =	spop (v2sf)  }
0x5a: {  	v63 =	vmov s10;
	s10 =	sadd.s32 s11, s25  }
0x5b: {  	v12 =	vshll.u32 v63, $0x8;
	v13 =	vadd.s32 s10, v1  }
0x5c: {  	v9 =	vand.u32 $0xFF, v9;
	v12 =	vor.u32 v2, v12  }
0x5d: {  	v9 =	vor.u32 v12, v9  }
0x5e: {  	[tilespmem:v11+s7+$0x0] =	vst.idx.msk vm0, v9  }
0x5f: {  	[tilespmem:v11+s23+$0x0] =	vst.idx.msk vm0, v10  }
0x60: {  	s22 =	simm.s32 $0x0;
	s6 =	rddreg [dreg:$0x6];
	[tilespmem:v13+s23+$0x0] =	vst.idx.msk $0xffff, v4  }
0x61: {  	[tilespmem:s24], [sflag:$0x1] =	stream.linear.gather [hbm4b:s6+s22], $0x800, $0x38;
	[tilespmem:$0x1E980] =	vst v63  }
0x62: {  	s28 =	simm.s32 $0xCD80;
	s26 =	sadd.s32 $0xF4280, s6  }
0x63: {  	[tilespmem:s28], [sflag:$0x1] =	stream.linear.gather [hbm4b:s26+s22], $0x800, $0x38;
	[tilespmem:$0x1E980] =	vst v63  }
0x64: {  	s30 =	simm.s32 $0xD980;
	s29 =	sadd.s32 $0x1E8500, s6  }
0x65: {  	[tilespmem:s30], [sflag:$0x1] =	stream.linear.gather [hbm4b:s29+s22], $0x800, $0x38;
	[tilespmem:$0x1E980] =	vst v63  }
0x66: {  	s19 =	simm.s32 $0xE580;
	s12 =	sadd.s32 $0x2DC780, s6  }
0x67: {  	[tilespmem:s19], [sflag:$0x1] =	stream.linear.gather [hbm4b:s12+s22], $0x800, $0x38;
	[tilespmem:$0x1E980] =	vst v63  }
0x68: {  	s20 =	sadd.s32 $0x3D0A00, s6;
	s25 =	simm.s32 $0xF180  }
0x69: {  	[tilespmem:s25], [sflag:$0x1] =	stream.linear.gather [hbm4b:s20+s22], $0x800, $0x38;
	[tilespmem:$0x1E980] =	vst v63  }
0x6a: {  	s26 =	sadd.s32 $0x4C4C80, s6;
	s28 =	simm.s32 $0xFD80  }
0x6b: {  	[tilespmem:s28], [sflag:$0x1] =	stream.linear.gather [hbm4b:s26+s22], $0x800, $0x38;
	[tilespmem:$0x1E980] =	vst v63  }
0x6c: {  	s29 =	sadd.s32 $0x5B8F00, s6;
	s30 =	simm.s32 $0x10980  }
0x6d: {  	[tilespmem:s30], [sflag:$0x1] =	stream.linear.gather [hbm4b:s29+s22], $0x800, $0x38;
	[tilespmem:$0x1E980] =	vst v63  }
0x6e: {  	s12 =	sadd.s32 $0x6AD180, s6;
	s19 =	simm.s32 $0x11580  }
0x6f: {  	[tilespmem:s19], [sflag:$0x1] =	stream.linear.gather [hbm4b:s12+s22], $0x800, $0x38;
	[tilespmem:$0x1E980] =	vst v63  }
0x70: {  	s6 =	rddreg [dreg:$0x7]  }
0x71: {  	[tilespmem:s2], [sflag:$0x2] =	stream.linear.gather [hbm4b:s6+s22], $0x800, $0x38;
	[tilespmem:$0x1E980] =	vst v63  }
0x72: {  	s20 =	sadd.s32 $0xF4280, s6;
	s25 =	simm.s32 $0x12D80  }
0x73: {  	[tilespmem:s25], [sflag:$0x2] =	stream.linear.gather [hbm4b:s20+s22], $0x800, $0x38;
	[tilespmem:$0x1E980] =	vst v63  }
0x74: {  	s26 =	sadd.s32 $0x1E8500, s6;
	s28 =	simm.s32 $0x13980  }
0x75: {  	[tilespmem:s28], [sflag:$0x2] =	stream.linear.gather [hbm4b:s26+s22], $0x800, $0x38;
	[tilespmem:$0x1E980] =	vst v63  }
0x76: {  	s29 =	sadd.s32 $0x2DC780, s6;
	s30 =	simm.s32 $0x14580  }
0x77: {  	[tilespmem:s30], [sflag:$0x2] =	stream.linear.gather [hbm4b:s29+s22], $0x800, $0x38;
	[tilespmem:$0x1E980] =	vst v63  }
0x78: {  	s12 =	sadd.s32 $0x3D0A00, s6;
	s19 =	simm.s32 $0x15180  }
0x79: {  	[tilespmem:s19], [sflag:$0x2] =	stream.linear.gather [hbm4b:s12+s22], $0x800, $0x38;
	[tilespmem:$0x1E980] =	vst v63  }
0x7a: {  	s20 =	sadd.s32 $0x4C4C80, s6;
	s25 =	simm.s32 $0x15D80  }
0x7b: {  	[tilespmem:s25], [sflag:$0x2] =	stream.linear.gather [hbm4b:s20+s22], $0x800, $0x38;
	[tilespmem:$0x1E980] =	vst v63  }
0x7c: {  	s26 =	sadd.s32 $0x5B8F00, s6;
	s28 =	simm.s32 $0x16980  }
0x7d: {  	[tilespmem:s28], [sflag:$0x2] =	stream.linear.gather [hbm4b:s26+s22], $0x800, $0x38;
	[tilespmem:$0x1E980] =	vst v63  }
0x7e: {  	s29 =	sadd.s32 $0x6AD180, s6;
	s30 =	simm.s32 $0x17580  }
0x7f: {  	[tilespmem:s30], [sflag:$0x2] =	stream.linear.gather [hbm4b:s29+s22], $0x800, $0x38;
	[tilespmem:$0x1E980] =	vst v63  }
0x80: {  	s6 =	rddreg [dreg:$0x8]  }
0x81: {  	[tilespmem:s18], [sflag:$0x3] =	stream.linear.gather [hbm4b:s6+s22], $0x800, $0x38;
	[tilespmem:$0x1E980] =	vst v63  }
0x82: {  	s12 =	sadd.s32 $0xF4280, s6;
	s19 =	simm.s32 $0x18D80;
	s20 =	sadd.s32 $0x1E8500, s6  }
0x83: {  	[tilespmem:s19], [sflag:$0x3] =	stream.linear.gather [hbm4b:s12+s22], $0x800, $0x38;
	[tilespmem:$0x1E980] =	vst v63  }
0x84: {  	s25 =	simm.s32 $0x19980;
	s26 =	sadd.s32 $0x2DC780, s6  }
0x85: {  	[tilespmem:s25], [sflag:$0x3] =	stream.linear.gather [hbm4b:s20+s22], $0x800, $0x38;
	[tilespmem:$0x1E980] =	vst v63  }
0x86: {  	s10 =	sadd.s32 $0xF, s10;
	s28 =	simm.s32 $0x1A580;
	s29 =	sadd.s32 $0x3D0A00, s6  }
0x87: {  	[tilespmem:s28], [sflag:$0x3] =	stream.linear.gather [hbm4b:s26+s22], $0x800, $0x38;
	[tilespmem:$0x1E980] =	vst v63  }
0x88: {  	p1 =	slt.s32 s10, $0x1;
	s30 =	simm.s32 $0x1B180;
	s12 =	sadd.s32 $0x4C4C80, s6  }
0x89: {  	[tilespmem:s30], [sflag:$0x3] =	stream.linear.gather [hbm4b:s29+s22], $0x800, $0x38;
	[tilespmem:$0x1E980] =	vst v63  }
0x8a: {  	s19 =	simm.s32 $0x1BD80;
	s29 =	sand.u32 $0xF, s10;
	s30 =	sshra.s32 s10, $0x1F  }
0x8b: {  	s20 =	sadd.s32 $0x5B8F00, s6;
	p0 =	sne.s32 s29, $0x0;
	s11 =	sshrl.u32 s30, $0x1C  }
0x8c: {  	[tilespmem:s19], [sflag:$0x3] =	stream.linear.gather [hbm4b:s12+s22], $0x800, $0x38;
	[tilespmem:$0x1E980] =	vst v63  }
0x8d: {  	s25 =	simm.s32 $0x1C980;
	p0 =	por !p1, !p0;
	s10 =	sadd.s32 s11, s10  }
0x8e: {  	[tilespmem:s25], [sflag:$0x3] =	stream.linear.gather [hbm4b:s20+s22], $0x800, $0x38;
	[tilespmem:$0x1E980] =	vst v63  }
.Ltmp3:
0x8f: {  	s11 =	simm.s32 $0x1;
	p0 =	por !p0, !p0;
	(pc) =	sbr.rel .LBB2_4-.Ltmp3, $4  }
0x90: {  	s10 =	sshra.s32 s10, $0x4;
	s11 =	simm.s32 @!p0 $0x0  }
0x91: {  	s26 =	sadd.s32 $0x6AD180, s6;
	s28 =	simm.s32 $0x1D580;
	s10 =	ssub.s32 s10, s11  }
0x92: {  	[tilespmem:s28], [sflag:$0x3] =	stream.linear.gather [hbm4b:s26+s22], $0x800, $0x38;
	[tilespmem:$0x1E980] =	vst v63  }
0x93: {  	s11 =	simm.s32 $0x0;
	p0 =	slt.s32 s10, $0x1  }
.LBB2_36:
0x94: {  	[sflag:s28] =	ssyncset.done @!p2 $0x0  }
0x95: {  	[sflag:s28] =	ssyncadd.s32 @!p2 $0xFFFFFF80  }
.LBB2_37:
0x96: {  	s6 =	sadd.s32 s17, s12  }
0x97: {  	s6 =	sshll.u32 s6, $0x8  }
0x98: {  	s6 =	smin.u32 s6, $0xF4180  }
0x99: {  	s6 =	sadd.s32 s3, s6  }
0x9a: {  	[tilespmem:s18], [sflag:$0x3] =	stream.linear.gather [hbm4b:s6+s7], $0x800, $0x38;
	[tilespmem:$0x1E980] =	vst v63  }
0x9b: {  	s19 =	simm.s32 $0x18D80;
	s25 =	sadd.s32 $0xF4280, s6  }
0x9c: {  	[tilespmem:s19], [sflag:$0x3] =	stream.linear.gather [hbm4b:s25+s7], $0x800, $0x38;
	[tilespmem:$0x1E980] =	vst v63  }
0x9d: {  	s28 =	simm.s32 $0x19980;
	s26 =	sadd.s32 $0x1E8500, s6  }
0x9e: {  	[tilespmem:s28], [sflag:$0x3] =	stream.linear.gather [hbm4b:s26+s7], $0x800, $0x38;
	[tilespmem:$0x1E980] =	vst v63  }
0x9f: {  	s30 =	simm.s32 $0x1A580;
	s29 =	sadd.s32 $0x2DC780, s6  }
0xa0: {  	[tilespmem:s30], [sflag:$0x3] =	stream.linear.gather [hbm4b:s29+s7], $0x800, $0x38;
	[tilespmem:$0x1E980] =	vst v63  }
0xa1: {  	s20 =	simm.s32 $0x1B180;
	s11 =	sadd.s32 $0x1, s11;
	s19 =	sadd.s32 $0x3D0A00, s6  }
0xa2: {  	[tilespmem:s20], [sflag:$0x3] =	stream.linear.gather [hbm4b:s19+s7], $0x800, $0x38;
	[tilespmem:$0x1E980] =	vst v63  }
0xa3: {  	p1 =	sne.s32 s11, $0x29;
	s25 =	sadd.s32 $0x4C4C80, s6;
	s26 =	simm.s32 $0x1BD80  }
0xa4: {  	[tilespmem:s26], [sflag:$0x3] =	stream.linear.gather [hbm4b:s25+s7], $0x800, $0x38;
	[tilespmem:$0x1E980] =	vst v63  }
.Ltmp4:
0xa5: {  	_ = 	snop;
	(pc) =	sbr.rel @!p1 .LBB2_38-.Ltmp4, $4  }
0xa6: {  	s28 =	sadd.s32 $0x5B8F00, s6;
	s29 =	simm.s32 $0x1C980  }
0xa7: {  	[tilespmem:s29], [sflag:$0x3] =	stream.linear.gather [hbm4b:s28+s7], $0x800, $0x38;
	[tilespmem:$0x1E980] =	vst v63  }
0xa8: {  	s6 =	sadd.s32 $0x6AD180, s6;
	s30 =	simm.s32 $0x1D580  }
0xa9: {  	[tilespmem:s30], [sflag:$0x3] =	stream.linear.gather [hbm4b:s6+s7], $0x800, $0x38;
	[tilespmem:$0x1E980] =	vst v63  }
.LBB2_4:
.Ltmp5:
0xaa: {  	(pc) =	sbr.rel @p0 .LBB2_11-.Ltmp5, $2  }
0xab: {  	_ =	sdelay $0x2  }
0xac: {  	s12 =	smul.u32 $0x60, s11;
	s20 =	simm.s32 $0x0  }
0xad: {  	p2 =	sne.s32 s10, $0x1  }
.Ltmp6:
0xae: {  	_ = 	snop;
	(pc) =	sbr.rel @!p2 .LBB2_6-.Ltmp6, $3  }
0xaf: {  	_ =	sdelay $0x1  }
0xb0: {  	s20 =	simm.s32 $0x4080;
	s19 =	sor.u32 s14, s12  }
0xb1: {  	p1 =	por $0x0, $0x0;
	v10 =	vld [tilespmem:s20+$0x0];
	s20 =	sadd.s32 $0xFFFFFFFF, s10;
	v9 =	vmov s19;
	s19 =	simm.s32 $0x0  }
0xb2: {  	_ =	sdelay $0x3  }
0xb3: {  	vm0 =	veq.s32 v10, v9  }
0xb4: {  	v10 =	vsel vm0, $0x1, v3  }
0xb5: {  	(xrf0) =	vadd.scan.msk.s32 $0xffff, v10;
	_ =	sdelay $0x3  }
0xb6: {  	v10 =	vmov s19  }
0xb7: {  	v10 =	vadd.s32 $0xFFFFFFFF, v10  }
0xb8: {  	v10 =	vbroadcast v10, $0x0;
	v11, _, _ =	vpop (xrf0)  }
0xb9: {  	(v2sf) =	vpush v11, $0xF  }
0xba: {  	v12 =	vld [tilespmem:s19+$0x0];
	v10 =	vadd.s32 v11, v10  }
0xbb: {  	p2 =	sne.s32 s20, $0x1  }
.Ltmp7:
0xbc: {  	_ = 	snop;
	(pc) =	sbr.rel @!p2 .LBB2_8-.Ltmp7, $3  }
0xbd: {  	_ =	sdelay $0x1  }
0xbe: {  	s26 =	simm.s32 $0x4090;
	s28 =	sadd.s32 $0xFFFFFFFF, s20;
	[tilespmem:v10+s5+$0x0] =	vst.idx.msk vm0, v12  }
0xbf: {  	p1 =	por $0x1, $0x1;
	s25 =	simm.s32 $0x0;
	s20 =	simm.s32 $0x0;
	v10 =	vld [tilespmem:s26+$0x0]  }
.LBB2_9:
0xc0: {  	p2 =	sne.s32 s28, $0x1;
	_ =	sdelay $0x3  }
0xc1: {  	vm0 =	veq.s32 v10, v9  }
0xc2: {  	v10 =	vsel vm0, $0x1, v3  }
0xc3: {  	(xrf0) =	vadd.scan.msk.s32 $0xffff, v10  }
0xc4: {  	s29 =	spop (v2sf)  }
0xc5: {  	s25 =	sadd.s32 s25, s29  }
0xc6: {  	v10 =	vmov s25  }
0xc7: {  	v10 =	vadd.s32 $0xFFFFFFFF, v10  }
0xc8: {  	v10 =	vbroadcast v10, $0x0  }
0xc9: {  	s20 =	sadd.s32 $0x10, s20;
	v11, _, _ =	vpop (xrf0)  }
0xca: {  	v10 =	vadd.s32 v11, v10;
	v12 =	vld [tilespmem:s20+$0x0];
	(v2sf) =	vpush v11, $0xF;
	_ =	sdelay $0x2  }
.Ltmp8:
0xcb: {  	(pc) =	sbr.rel @p2 .LBB2_9-.Ltmp8, $4  }
0xcc: {  	_ = 	snop  }
0xcd: {  	[tilespmem:v10+s5+$0x0] =	vst.idx.msk vm0, v12  }
0xce: {  	s26 =	sadd.s32 $0x10, s26  }
0xcf: {  	s28 =	sadd.s32 $0xFFFFFFFF, s28;
	v10 =	vld [tilespmem:s26+$0x0]  }
.LBB2_10:
0xd0: {  	_ =	sdelay $0x3  }
0xd1: {  	vm0 =	veq.s32 v10, v9  }
0xd2: {  	v9 =	vsel vm0, $0x1, v3  }
0xd3: {  	(xrf0) =	vadd.scan.msk.s32 $0xffff, v9;
	_ =	sdelay $0x5  }
0xd4: {  	v9, _, _ =	vpop (xrf0)  }
0xd5: {  	(v2sf) =	vpush v9, $0xF;
	_ =	sdelay $0x3  }
0xd6: {  	s26 =	spop @p1 (v2sf)  }
0xd7: {  	s25 =	sadd.s32 @p1 s25, s26;
	s26 =	simm.s32 $0x0  }
0xd8: {  	s26 =	smov.u32 @p1 s25  }
0xd9: {  	v10 =	vmov s26  }
0xda: {  	v10 =	vadd.s32 $0xFFFFFFFF, v10  }
0xdb: {  	s20 =	sadd.s32 @p1 $0x10, s20;
	v10 =	vbroadcast v10, $0x0  }
0xdc: {  	s19 =	smov.u32 @p1 s20  }
0xdd: {  	v9 =	vadd.s32 v9, v10;
	v10 =	vld [tilespmem:s19+$0x0];
	_ =	sdelay $0x3  }
0xde: {  	s30 =	spop (v2sf)  }
0xdf: {  	[tilespmem:v9+s5+$0x0] =	vst.idx.msk vm0, v10;
	s20 =	sadd.s32 s26, s30  }
.LBB2_11:
0xe0: {  	p1 =	slt.s32 s20, $0x1  }
.Ltmp9:
0xe1: {  	_ = 	snop;
	(pc) =	sbr.rel @p1 .LBB2_15-.Ltmp9, $4  }
0xe2: {  	_ = 	snop  }
0xe3: {  	_ =	swait.ge [sflag:s31], $0x4000  }
0xe4: {  	[sflag:s31] =	ssyncset.done $0x0  }
0xe5: {  	[sflag:s31] =	ssyncadd.s32 $0xFFFFC000  }
0xe6: {  	s19 =	simm.s32 $0x8100  }
0xe7: {  	v9 =	vld [tilespmem:s19+$0x0];
	_ =	sdelay $0x4  }
0xe8: {  	(v2sf) =	vpush v9, $0x0;
	_ =	sdelay $0xe  }
0xe9: {  	s25 =	spop (v2sf)  }
0xea: {  	s30 =	sand.u32 $0xFF, s25  }
0xeb: {  	v9 =	vmov s30  }
0xec: {  	v10 =	vshll.u32 v9, $0x3  }
0xed: {  	v9 =	vand.u32 $0x7F, v9;
	v10 =	vand.u32 $0x400, v10  }
0xee: {  	v9 =	vor.u32 v9, v10  }
0xef: {  	v10 =	vadd.s32 v5, v9;
	_ =	sdelay $0x4  }
0xf0: {  	v10 =	vld.idx.msk [tilespmem:v10+s24+$0x0], $0xffff  }
0xf1: {  	v11 =	vadd.s32 v6, v9;
	_ =	sdelay $0x1  }
0xf2: {  	s19 =	sshll.u32 s22, $0x7  }
0xf3: {  	s26 =	sand.u32 $0x780, s19  }
0xf4: {  	[tilespmem:s26+$0x1E180] =	vst v10  }
0xf5: {  	v10 =	vld.idx.msk [tilespmem:v11+s24+$0x0], $0xffff  }
0xf6: {  	v11 =	vadd.s32 v7, v9;
	_ =	sdelay $0x3  }
0xf7: {  	[tilespmem:s26+$0x1E190] =	vst v10  }
0xf8: {  	v10 =	vld.idx.msk [tilespmem:v11+s24+$0x0], $0xffff  }
0xf9: {  	v9 =	vadd.s32 v8, v9;
	_ =	sdelay $0x3  }
0xfa: {  	[tilespmem:s26+$0x1E1A0] =	vst v10  }
0xfb: {  	v9 =	vld.idx.msk [tilespmem:v9+s24+$0x0], $0xffff  }
0xfc: {  	s20 =	sadd.s32 $0xFFFFFFFF, s20  }
0xfd: {  	p1 =	sne.s32 s20, $0x0  }
.Ltmp10:
0xfe: {  	s22 =	sadd.s32 $0x1, s22;
	s25 =	sshra.s32 s25, $0x4;
	(pc) =	sbr.rel @!p1 .LBB2_14-.Ltmp10, $4  }
0xff: {  	p2 =	slt.s32 s22, $0x10;
	s25 =	sand.u32 $0x1FFFFFF0, s25  }
0x100: {  	s28 =	sadd.s32 $0x1E180, s26;
	s25 =	sadd.s32 s8, s25;
	[tilespmem:s26+$0x1E1B0] =	vst v9;
	s26 =	simm.s32 @!p2 $0x4  }
0x101: {  	[hbm4b:s25+s7] =	stream.linear.scatter [tilespmem:s28], [sflag:$0x4], $0x80, $0x38;
	[tilespmem:$0x1E980] =	vst v63  }
0x102: {  	s25 =	simm.s32 $0x8101;
	_ =	swait.ge @!p2 [sflag:s26], $0x80  }
.LBB2_13:
0x103: {  	s20 =	sadd.s32 $0xFFFFFFFF, s20;
	[sflag:s26] =	ssyncset.done @!p2 $0x0;
	s19 =	sadd.s32 $0x80, s19  }
0x104: {  	p1 =	sne.s32 s20, $0x0;
	[sflag:s26] =	ssyncadd.s32 @!p2 $0xFFFFFF80  }
0x105: {  	v9 =	vld [tilespmem:s25+$0x0];
	_ =	sdelay $0x4  }
0x106: {  	(v2sf) =	vpush v9, $0x0;
	_ =	sdelay $0xe  }
0x107: {  	s26 =	spop (v2sf)  }
0x108: {  	s28 =	sand.u32 $0xFF, s26;
	s26 =	sshra.s32 s26, $0x4  }
0x109: {  	v9 =	vmov s28  }
0x10a: {  	v10 =	vand.u32 $0x7F, v9;
	v9 =	vshll.u32 v9, $0x3  }
0x10b: {  	v9 =	vand.u32 $0x400, v9  }
0x10c: {  	v9 =	vor.u32 v10, v9  }
0x10d: {  	v10 =	vadd.s32 v5, v9;
	_ =	sdelay $0x4  }
0x10e: {  	v10 =	vld.idx.msk [tilespmem:v10+s24+$0x0], $0xffff  }
0x10f: {  	v11 =	vadd.s32 v6, v9;
	_ =	sdelay $0x2  }
0x110: {  	s28 =	sand.u32 $0x780, s19;
	_ =	sdelay $0x1  }
0x111: {  	[tilespmem:s28+$0x1E180] =	vst v10  }
0x112: {  	v10 =	vld.idx.msk [tilespmem:v11+s24+$0x0], $0xffff  }
0x113: {  	v11 =	vadd.s32 v7, v9;
	_ =	sdelay $0x4  }
0x114: {  	[tilespmem:s28+$0x1E190] =	vst v10  }
0x115: {  	v10 =	vld.idx.msk [tilespmem:v11+s24+$0x0], $0xffff  }
0x116: {  	v9 =	vadd.s32 v8, v9;
	_ =	sdelay $0x4  }
0x117: {  	[tilespmem:s28+$0x1E1A0] =	vst v10  }
0x118: {  	v9 =	vld.idx.msk [tilespmem:v9+s24+$0x0], $0xffff;
	_ =	sdelay $0x3  }
.Ltmp11:
0x119: {  	s22 =	sadd.s32 $0x1, s22;
	s26 =	sand.u32 $0x1FFFFFF0, s26;
	(pc) =	sbr.rel @p1 .LBB2_13-.Ltmp11, $4  }
0x11a: {  	p2 =	slt.s32 s22, $0x10;
	s29 =	sadd.s32 $0x1E180, s28;
	s30 =	sadd.s32 s8, s26  }
0x11b: {  	s26 =	simm.s32 @!p2 $0x4;
	[tilespmem:s28+$0x1E1B0] =	vst v9  }
0x11c: {  	[hbm4b:s30+s7] =	stream.linear.scatter [tilespmem:s29], [sflag:$0x4], $0x80, $0x38;
	[tilespmem:$0x1E980] =	vst v63  }
0x11d: {  	s25 =	sadd.s32 $0x1, s25;
	_ =	swait.ge @!p2 [sflag:s26], $0x80  }
.LBB2_14:
0x11e: {  	[sflag:s26] =	ssyncset.done @!p2 $0x0  }
0x11f: {  	[sflag:s26] =	ssyncadd.s32 @!p2 $0xFFFFFF80  }
.LBB2_15:
0x120: {  	s19 =	sadd.s32 s13, s12  }
0x121: {  	s19 =	sshll.u32 s19, $0x8  }
0x122: {  	s19 =	smin.u32 s19, $0xF4180  }
0x123: {  	s20 =	simm.s32 $0x0;
	s19 =	sadd.s32 s3, s19  }
0x124: {  	[tilespmem:s24], [sflag:$0x1] =	stream.linear.gather [hbm4b:s19+s20], $0x800, $0x38;
	[tilespmem:$0x1E980] =	vst v63  }
0x125: {  	s6 =	simm.s32 $0xCD80;
	s25 =	sadd.s32 $0xF4280, s19  }
0x126: {  	[tilespmem:s6], [sflag:$0x1] =	stream.linear.gather [hbm4b:s25+s20], $0x800, $0x38;
	[tilespmem:$0x1E980] =	vst v63  }
0x127: {  	s30 =	simm.s32 $0xD980;
	s29 =	sadd.s32 $0x1E8500, s19  }
0x128: {  	[tilespmem:s30], [sflag:$0x1] =	stream.linear.gather [hbm4b:s29+s20], $0x800, $0x38;
	[tilespmem:$0x1E980] =	vst v63  }
0x129: {  	s28 =	simm.s32 $0xE580;
	s26 =	sadd.s32 $0x2DC780, s19  }
0x12a: {  	[tilespmem:s28], [sflag:$0x1] =	stream.linear.gather [hbm4b:s26+s20], $0x800, $0x38;
	[tilespmem:$0x1E980] =	vst v63  }
0x12b: {  	s29 =	sadd.s32 $0x3D0A00, s19;
	s30 =	simm.s32 $0xF180  }
0x12c: {  	[tilespmem:s30], [sflag:$0x1] =	stream.linear.gather [hbm4b:s29+s20], $0x800, $0x38;
	[tilespmem:$0x1E980] =	vst v63  }
0x12d: {  	s6 =	sadd.s32 $0x4C4C80, s19;
	s26 =	simm.s32 $0xFD80  }
0x12e: {  	[tilespmem:s26], [sflag:$0x1] =	stream.linear.gather [hbm4b:s6+s20], $0x800, $0x38;
	[tilespmem:$0x1E980] =	vst v63  }
.Ltmp12:
0x12f: {  	_ = 	snop;
	(pc) =	sbr.rel @p0 .LBB2_22-.Ltmp12, $4  }
0x130: {  	s28 =	sadd.s32 $0x5B8F00, s19;
	s29 =	simm.s32 $0x10980  }
0x131: {  	[tilespmem:s29], [sflag:$0x1] =	stream.linear.gather [hbm4b:s28+s20], $0x800, $0x38;
	[tilespmem:$0x1E980] =	vst v63  }
0x132: {  	s19 =	sadd.s32 $0x6AD180, s19;
	s30 =	simm.s32 $0x11580  }
0x133: {  	[tilespmem:s30], [sflag:$0x1] =	stream.linear.gather [hbm4b:s19+s20], $0x800, $0x38;
	[tilespmem:$0x1E980] =	vst v63  }
0x134: {  	p2 =	sne.s32 s10, $0x1  }
.Ltmp13:
0x135: {  	_ = 	snop;
	(pc) =	sbr.rel @!p2 .LBB2_17-.Ltmp13, $4  }
0x136: {  	_ = 	snop  }
0x137: {  	s6 =	rddreg [dreg:$0x9]  }
0x138: {  	s20 =	simm.s32 $0x4080;
	s19 =	sadd.s32 s6, s12  }
0x139: {  	p1 =	por $0x0, $0x0;
	v10 =	vld [tilespmem:s20+$0x0];
	s20 =	sadd.s32 $0xFFFFFFFF, s10;
	v9 =	vmov s19;
	s19 =	simm.s32 $0x0  }
0x13a: {  	_ =	sdelay $0x3  }
0x13b: {  	vm0 =	veq.s32 v10, v9  }
0x13c: {  	v10 =	vsel vm0, $0x1, v3  }
0x13d: {  	(xrf0) =	vadd.scan.msk.s32 $0xffff, v10;
	_ =	sdelay $0x3  }
0x13e: {  	v10 =	vmov s19  }
0x13f: {  	v10 =	vadd.s32 $0xFFFFFFFF, v10  }
0x140: {  	v10 =	vbroadcast v10, $0x0;
	v11, _, _ =	vpop (xrf0)  }
0x141: {  	(v2sf) =	vpush v11, $0xF  }
0x142: {  	v12 =	vld [tilespmem:s19+$0x0];
	v10 =	vadd.s32 v11, v10  }
0x143: {  	p2 =	sne.s32 s20, $0x1  }
.Ltmp14:
0x144: {  	_ = 	snop;
	(pc) =	sbr.rel @!p2 .LBB2_19-.Ltmp14, $3  }
0x145: {  	_ =	sdelay $0x1  }
0x146: {  	s26 =	simm.s32 $0x4090;
	s28 =	sadd.s32 $0xFFFFFFFF, s20;
	[tilespmem:v10+s5+$0x0] =	vst.idx.msk vm0, v12  }
0x147: {  	p1 =	por $0x1, $0x1;
	s25 =	simm.s32 $0x0;
	s20 =	simm.s32 $0x0;
	v10 =	vld [tilespmem:s26+$0x0]  }
.LBB2_20:
0x148: {  	p2 =	sne.s32 s28, $0x1;
	_ =	sdelay $0x3  }
0x149: {  	vm0 =	veq.s32 v10, v9  }
0x14a: {  	v10 =	vsel vm0, $0x1, v3  }
0x14b: {  	(xrf0) =	vadd.scan.msk.s32 $0xffff, v10  }
0x14c: {  	s29 =	spop (v2sf)  }
0x14d: {  	s25 =	sadd.s32 s25, s29  }
0x14e: {  	v10 =	vmov s25  }
0x14f: {  	v10 =	vadd.s32 $0xFFFFFFFF, v10  }
0x150: {  	v10 =	vbroadcast v10, $0x0  }
0x151: {  	s20 =	sadd.s32 $0x10, s20;
	v11, _, _ =	vpop (xrf0)  }
0x152: {  	v10 =	vadd.s32 v11, v10;
	v12 =	vld [tilespmem:s20+$0x0];
	(v2sf) =	vpush v11, $0xF;
	_ =	sdelay $0x2  }
.Ltmp15:
0x153: {  	(pc) =	sbr.rel @p2 .LBB2_20-.Ltmp15, $4  }
0x154: {  	_ = 	snop  }
0x155: {  	[tilespmem:v10+s5+$0x0] =	vst.idx.msk vm0, v12  }
0x156: {  	s26 =	sadd.s32 $0x10, s26  }
0x157: {  	s28 =	sadd.s32 $0xFFFFFFFF, s28;
	v10 =	vld [tilespmem:s26+$0x0]  }
.LBB2_21:
0x158: {  	_ =	sdelay $0x3  }
0x159: {  	vm0 =	veq.s32 v10, v9  }
0x15a: {  	v9 =	vsel vm0, $0x1, v3  }
0x15b: {  	(xrf0) =	vadd.scan.msk.s32 $0xffff, v9;
	_ =	sdelay $0x5  }
0x15c: {  	v9, _, _ =	vpop (xrf0)  }
0x15d: {  	(v2sf) =	vpush v9, $0xF;
	_ =	sdelay $0x3  }
0x15e: {  	s26 =	spop @p1 (v2sf)  }
0x15f: {  	s25 =	sadd.s32 @p1 s25, s26;
	s26 =	simm.s32 $0x0  }
0x160: {  	s26 =	smov.u32 @p1 s25  }
0x161: {  	v10 =	vmov s26  }
0x162: {  	v10 =	vadd.s32 $0xFFFFFFFF, v10  }
0x163: {  	s20 =	sadd.s32 @p1 $0x10, s20;
	v10 =	vbroadcast v10, $0x0  }
0x164: {  	s19 =	smov.u32 @p1 s20  }
0x165: {  	v9 =	vadd.s32 v9, v10;
	v10 =	vld [tilespmem:s19+$0x0];
	_ =	sdelay $0x3  }
0x166: {  	s30 =	spop (v2sf)  }
0x167: {  	[tilespmem:v9+s5+$0x0] =	vst.idx.msk vm0, v10;
	s20 =	sadd.s32 s26, s30  }
.LBB2_22:
0x168: {  	p1 =	slt.s32 s20, $0x1  }
.Ltmp16:
0x169: {  	_ = 	snop;
	(pc) =	sbr.rel @p1 .LBB2_26-.Ltmp16, $4  }
0x16a: {  	_ = 	snop  }
0x16b: {  	_ =	swait.ge [sflag:s0], $0x4000  }
0x16c: {  	[sflag:s0] =	ssyncset.done $0x0  }
0x16d: {  	[sflag:s0] =	ssyncadd.s32 $0xFFFFC000  }
0x16e: {  	s19 =	simm.s32 $0x8100  }
0x16f: {  	v9 =	vld [tilespmem:s19+$0x0];
	_ =	sdelay $0x4  }
0x170: {  	(v2sf) =	vpush v9, $0x0;
	_ =	sdelay $0xe  }
0x171: {  	s25 =	spop (v2sf)  }
0x172: {  	s30 =	sand.u32 $0xFF, s25  }
0x173: {  	v9 =	vmov s30  }
0x174: {  	v10 =	vshll.u32 v9, $0x3  }
0x175: {  	v9 =	vand.u32 $0x7F, v9;
	v10 =	vand.u32 $0x400, v10  }
0x176: {  	v9 =	vor.u32 v9, v10  }
0x177: {  	v10 =	vadd.s32 v5, v9;
	_ =	sdelay $0x4  }
0x178: {  	v10 =	vld.idx.msk [tilespmem:v10+s2+$0x0], $0xffff  }
0x179: {  	v11 =	vadd.s32 v6, v9;
	_ =	sdelay $0x1  }
0x17a: {  	s19 =	sshll.u32 s22, $0x7  }
0x17b: {  	s26 =	sand.u32 $0x780, s19  }
0x17c: {  	[tilespmem:s26+$0x1E180] =	vst v10  }
0x17d: {  	v10 =	vld.idx.msk [tilespmem:v11+s2+$0x0], $0xffff  }
0x17e: {  	v11 =	vadd.s32 v7, v9;
	_ =	sdelay $0x3  }
0x17f: {  	[tilespmem:s26+$0x1E190] =	vst v10  }
0x180: {  	v10 =	vld.idx.msk [tilespmem:v11+s2+$0x0], $0xffff  }
0x181: {  	v9 =	vadd.s32 v8, v9;
	_ =	sdelay $0x3  }
0x182: {  	[tilespmem:s26+$0x1E1A0] =	vst v10  }
0x183: {  	v9 =	vld.idx.msk [tilespmem:v9+s2+$0x0], $0xffff  }
0x184: {  	s20 =	sadd.s32 $0xFFFFFFFF, s20  }
0x185: {  	p1 =	sne.s32 s20, $0x0  }
.Ltmp17:
0x186: {  	s22 =	sadd.s32 $0x1, s22;
	s25 =	sshra.s32 s25, $0x4;
	(pc) =	sbr.rel @!p1 .LBB2_25-.Ltmp17, $4  }
0x187: {  	p2 =	slt.s32 s22, $0x10;
	s25 =	sand.u32 $0x1FFFFFF0, s25  }
0x188: {  	s28 =	sadd.s32 $0x1E180, s26;
	s25 =	sadd.s32 s8, s25;
	[tilespmem:s26+$0x1E1B0] =	vst v9;
	s26 =	simm.s32 @!p2 $0x4  }
0x189: {  	[hbm4b:s25+s7] =	stream.linear.scatter [tilespmem:s28], [sflag:$0x4], $0x80, $0x38;
	[tilespmem:$0x1E980] =	vst v63  }
0x18a: {  	s25 =	simm.s32 $0x8101;
	_ =	swait.ge @!p2 [sflag:s26], $0x80  }
.LBB2_24:
0x18b: {  	s20 =	sadd.s32 $0xFFFFFFFF, s20;
	[sflag:s26] =	ssyncset.done @!p2 $0x0;
	s19 =	sadd.s32 $0x80, s19  }
0x18c: {  	p1 =	sne.s32 s20, $0x0;
	[sflag:s26] =	ssyncadd.s32 @!p2 $0xFFFFFF80  }
0x18d: {  	v9 =	vld [tilespmem:s25+$0x0];
	_ =	sdelay $0x4  }
0x18e: {  	(v2sf) =	vpush v9, $0x0;
	_ =	sdelay $0xe  }
0x18f: {  	s26 =	spop (v2sf)  }
0x190: {  	s28 =	sand.u32 $0xFF, s26;
	s26 =	sshra.s32 s26, $0x4  }
0x191: {  	v9 =	vmov s28  }
0x192: {  	v10 =	vand.u32 $0x7F, v9;
	v9 =	vshll.u32 v9, $0x3  }
0x193: {  	v9 =	vand.u32 $0x400, v9  }
0x194: {  	v9 =	vor.u32 v10, v9  }
0x195: {  	v10 =	vadd.s32 v5, v9;
	_ =	sdelay $0x4  }
0x196: {  	v10 =	vld.idx.msk [tilespmem:v10+s2+$0x0], $0xffff  }
0x197: {  	v11 =	vadd.s32 v6, v9;
	_ =	sdelay $0x2  }
0x198: {  	s28 =	sand.u32 $0x780, s19;
	_ =	sdelay $0x1  }
0x199: {  	[tilespmem:s28+$0x1E180] =	vst v10  }
0x19a: {  	v10 =	vld.idx.msk [tilespmem:v11+s2+$0x0], $0xffff  }
0x19b: {  	v11 =	vadd.s32 v7, v9;
	_ =	sdelay $0x4  }
0x19c: {  	[tilespmem:s28+$0x1E190] =	vst v10  }
0x19d: {  	v10 =	vld.idx.msk [tilespmem:v11+s2+$0x0], $0xffff  }
0x19e: {  	v9 =	vadd.s32 v8, v9;
	_ =	sdelay $0x4  }
0x19f: {  	[tilespmem:s28+$0x1E1A0] =	vst v10  }
0x1a0: {  	v9 =	vld.idx.msk [tilespmem:v9+s2+$0x0], $0xffff;
	_ =	sdelay $0x3  }
.Ltmp18:
0x1a1: {  	s22 =	sadd.s32 $0x1, s22;
	s26 =	sand.u32 $0x1FFFFFF0, s26;
	(pc) =	sbr.rel @p1 .LBB2_24-.Ltmp18, $4  }
0x1a2: {  	p2 =	slt.s32 s22, $0x10;
	s29 =	sadd.s32 $0x1E180, s28;
	s30 =	sadd.s32 s8, s26  }
0x1a3: {  	s26 =	simm.s32 @!p2 $0x4;
	[tilespmem:s28+$0x1E1B0] =	vst v9  }
0x1a4: {  	[hbm4b:s30+s7] =	stream.linear.scatter [tilespmem:s29], [sflag:$0x4], $0x80, $0x38;
	[tilespmem:$0x1E980] =	vst v63  }
0x1a5: {  	s25 =	sadd.s32 $0x1, s25;
	_ =	swait.ge @!p2 [sflag:s26], $0x80  }
.LBB2_25:
0x1a6: {  	[sflag:s26] =	ssyncset.done @!p2 $0x0  }
0x1a7: {  	[sflag:s26] =	ssyncadd.s32 @!p2 $0xFFFFFF80  }
.LBB2_26:
0x1a8: {  	s19 =	sadd.s32 s15, s12  }
0x1a9: {  	s19 =	sshll.u32 s19, $0x8  }
0x1aa: {  	s19 =	smin.u32 s19, $0xF4180  }
0x1ab: {  	s25 =	simm.s32 $0x0;
	s19 =	sadd.s32 s3, s19  }
0x1ac: {  	[tilespmem:s2], [sflag:$0x2] =	stream.linear.gather [hbm4b:s19+s25], $0x800, $0x38;
	[tilespmem:$0x1E980] =	vst v63  }
0x1ad: {  	s6 =	simm.s32 $0x12D80;
	s20 =	sadd.s32 $0xF4280, s19  }
0x1ae: {  	[tilespmem:s6], [sflag:$0x2] =	stream.linear.gather [hbm4b:s20+s25], $0x800, $0x38;
	[tilespmem:$0x1E980] =	vst v63  }
0x1af: {  	s30 =	simm.s32 $0x13980;
	s29 =	sadd.s32 $0x1E8500, s19  }
0x1b0: {  	[tilespmem:s30], [sflag:$0x2] =	stream.linear.gather [hbm4b:s29+s25], $0x800, $0x38;
	[tilespmem:$0x1E980] =	vst v63  }
0x1b1: {  	s28 =	simm.s32 $0x14580;
	s26 =	sadd.s32 $0x2DC780, s19  }
0x1b2: {  	[tilespmem:s28], [sflag:$0x2] =	stream.linear.gather [hbm4b:s26+s25], $0x800, $0x38;
	[tilespmem:$0x1E980] =	vst v63  }
0x1b3: {  	s29 =	sadd.s32 $0x3D0A00, s19;
	s30 =	simm.s32 $0x15180  }
0x1b4: {  	[tilespmem:s30], [sflag:$0x2] =	stream.linear.gather [hbm4b:s29+s25], $0x800, $0x38;
	[tilespmem:$0x1E980] =	vst v63  }
0x1b5: {  	s6 =	sadd.s32 $0x4C4C80, s19;
	s26 =	simm.s32 $0x15D80  }
0x1b6: {  	[tilespmem:s26], [sflag:$0x2] =	stream.linear.gather [hbm4b:s6+s25], $0x800, $0x38;
	[tilespmem:$0x1E980] =	vst v63  }
.Ltmp19:
0x1b7: {  	s28 =	sadd.s32 $0x5B8F00, s19;
	s29 =	simm.s32 $0x16980;
	(pc) =	sbr.rel @p0 .LBB2_33-.Ltmp19, $4  }
0x1b8: {  	[tilespmem:s29], [sflag:$0x2] =	stream.linear.gather [hbm4b:s28+s25], $0x800, $0x38;
	[tilespmem:$0x1E980] =	vst v63  }
0x1b9: {  	s19 =	sadd.s32 $0x6AD180, s19;
	s30 =	simm.s32 $0x17580  }
0x1ba: {  	[tilespmem:s30], [sflag:$0x2] =	stream.linear.gather [hbm4b:s19+s25], $0x800, $0x38;
	[tilespmem:$0x1E980] =	vst v63  }
0x1bb: {  	s19 =	sadd.s32 s16, s12  }
0x1bc: {  	p2 =	sne.s32 s10, $0x1  }
.Ltmp20:
0x1bd: {  	_ = 	snop;
	(pc) =	sbr.rel @!p2 .LBB2_28-.Ltmp20, $3  }
0x1be: {  	_ =	sdelay $0x1  }
0x1bf: {  	s25 =	simm.s32 $0x4080  }
0x1c0: {  	v9 =	vmov s19;
	s20 =	simm.s32 $0x0;
	p1 =	por $0x0, $0x0;
	v10 =	vld [tilespmem:s25+$0x0];
	s25 =	sadd.s32 $0xFFFFFFFF, s10  }
0x1c1: {  	_ =	sdelay $0x3  }
0x1c2: {  	vm0 =	veq.s32 v10, v9  }
0x1c3: {  	v10 =	vsel vm0, $0x1, v3  }
0x1c4: {  	(xrf0) =	vadd.scan.msk.s32 $0xffff, v10;
	_ =	sdelay $0x3  }
0x1c5: {  	v10 =	vmov s20  }
0x1c6: {  	v10 =	vadd.s32 $0xFFFFFFFF, v10  }
0x1c7: {  	v10 =	vbroadcast v10, $0x0;
	v11, _, _ =	vpop (xrf0)  }
0x1c8: {  	(v2sf) =	vpush v11, $0xF  }
0x1c9: {  	v12 =	vld [tilespmem:s20+$0x0];
	v10 =	vadd.s32 v11, v10  }
0x1ca: {  	p2 =	sne.s32 s25, $0x1  }
.Ltmp21:
0x1cb: {  	_ = 	snop;
	(pc) =	sbr.rel @!p2 .LBB2_30-.Ltmp21, $3  }
0x1cc: {  	_ =	sdelay $0x1  }
0x1cd: {  	s28 =	simm.s32 $0x4090;
	s29 =	sadd.s32 $0xFFFFFFFF, s25;
	[tilespmem:v10+s5+$0x0] =	vst.idx.msk vm0, v12  }
0x1ce: {  	p1 =	por $0x1, $0x1;
	s26 =	simm.s32 $0x0;
	s25 =	simm.s32 $0x0;
	v10 =	vld [tilespmem:s28+$0x0]  }
.LBB2_31:
0x1cf: {  	p2 =	sne.s32 s29, $0x1;
	_ =	sdelay $0x3  }
0x1d0: {  	vm0 =	veq.s32 v10, v9  }
0x1d1: {  	v10 =	vsel vm0, $0x1, v3  }
0x1d2: {  	(xrf0) =	vadd.scan.msk.s32 $0xffff, v10  }
0x1d3: {  	s30 =	spop (v2sf)  }
0x1d4: {  	s26 =	sadd.s32 s26, s30  }
0x1d5: {  	v10 =	vmov s26  }
0x1d6: {  	v10 =	vadd.s32 $0xFFFFFFFF, v10  }
0x1d7: {  	v10 =	vbroadcast v10, $0x0  }
0x1d8: {  	s25 =	sadd.s32 $0x10, s25;
	v11, _, _ =	vpop (xrf0)  }
0x1d9: {  	v10 =	vadd.s32 v11, v10;
	v12 =	vld [tilespmem:s25+$0x0];
	(v2sf) =	vpush v11, $0xF;
	_ =	sdelay $0x2  }
.Ltmp22:
0x1da: {  	(pc) =	sbr.rel @p2 .LBB2_31-.Ltmp22, $4  }
0x1db: {  	_ = 	snop  }
0x1dc: {  	[tilespmem:v10+s5+$0x0] =	vst.idx.msk vm0, v12  }
0x1dd: {  	s28 =	sadd.s32 $0x10, s28  }
0x1de: {  	s29 =	sadd.s32 $0xFFFFFFFF, s29;
	v10 =	vld [tilespmem:s28+$0x0]  }
.LBB2_32:
0x1df: {  	_ =	sdelay $0x3  }
0x1e0: {  	vm0 =	veq.s32 v10, v9  }
0x1e1: {  	v9 =	vsel vm0, $0x1, v3  }
0x1e2: {  	(xrf0) =	vadd.scan.msk.s32 $0xffff, v9;
	_ =	sdelay $0x5  }
0x1e3: {  	v9, _, _ =	vpop (xrf0)  }
0x1e4: {  	(v2sf) =	vpush v9, $0xF;
	_ =	sdelay $0x3  }
0x1e5: {  	s28 =	spop @p1 (v2sf)  }
0x1e6: {  	s26 =	sadd.s32 @p1 s26, s28;
	s28 =	simm.s32 $0x0  }
0x1e7: {  	s28 =	smov.u32 @p1 s26  }
0x1e8: {  	v10 =	vmov s28  }
0x1e9: {  	v10 =	vadd.s32 $0xFFFFFFFF, v10  }
0x1ea: {  	s25 =	sadd.s32 @p1 $0x10, s25;
	v10 =	vbroadcast v10, $0x0  }
0x1eb: {  	s20 =	smov.u32 @p1 s25  }
0x1ec: {  	v9 =	vadd.s32 v9, v10;
	v10 =	vld [tilespmem:s20+$0x0];
	_ =	sdelay $0x3  }
0x1ed: {  	s30 =	spop (v2sf)  }
0x1ee: {  	[tilespmem:v9+s5+$0x0] =	vst.idx.msk vm0, v10;
	s25 =	sadd.s32 s28, s30  }
.LBB2_33:
0x1ef: {  	p1 =	slt.s32 s25, $0x1  }
.Ltmp23:
0x1f0: {  	_ = 	snop;
	(pc) =	sbr.rel @p1 .LBB2_37-.Ltmp23, $4  }
0x1f1: {  	_ = 	snop  }
0x1f2: {  	_ =	swait.ge [sflag:s1], $0x4000  }
0x1f3: {  	[sflag:s1] =	ssyncset.done $0x0  }
0x1f4: {  	[sflag:s1] =	ssyncadd.s32 $0xFFFFC000  }
0x1f5: {  	s20 =	simm.s32 $0x8100  }
0x1f6: {  	v9 =	vld [tilespmem:s20+$0x0];
	_ =	sdelay $0x4  }
0x1f7: {  	(v2sf) =	vpush v9, $0x0;
	_ =	sdelay $0xd  }
0x1f8: {  	s19 =	sshll.u32 s19, $0x8  }
0x1f9: {  	s19 =	smax.u32 s19, $0xF4180;
	s26 =	spop (v2sf)  }
0x1fa: {  	s19 =	sadd.s32 $0xFFF0BE80, s19;
	s30 =	sand.u32 $0xFF, s26  }
0x1fb: {  	s20 =	sadd.s32 s30, s19  }
0x1fc: {  	v9 =	vmov s20  }
0x1fd: {  	v10 =	vshll.u32 v9, $0x3  }
0x1fe: {  	v9 =	vand.u32 $0x7F, v9;
	v10 =	vand.u32 $0xFFFFFC00, v10  }
0x1ff: {  	v9 =	vor.u32 v9, v10  }
0x200: {  	v10 =	vadd.s32 v5, v9;
	_ =	sdelay $0x4  }
0x201: {  	v10 =	vld.idx.msk [tilespmem:v10+s18+$0x0], $0xffff  }
0x202: {  	v11 =	vadd.s32 v6, v9;
	_ =	sdelay $0x1  }
0x203: {  	s20 =	sshll.u32 s22, $0x7  }
0x204: {  	s28 =	sand.u32 $0x780, s20  }
0x205: {  	[tilespmem:s28+$0x1E180] =	vst v10  }
0x206: {  	v10 =	vld.idx.msk [tilespmem:v11+s18+$0x0], $0xffff  }
0x207: {  	v11 =	vadd.s32 v7, v9;
	_ =	sdelay $0x3  }
0x208: {  	[tilespmem:s28+$0x1E190] =	vst v10  }
0x209: {  	v10 =	vld.idx.msk [tilespmem:v11+s18+$0x0], $0xffff  }
0x20a: {  	v9 =	vadd.s32 v8, v9;
	_ =	sdelay $0x3  }
0x20b: {  	[tilespmem:s28+$0x1E1A0] =	vst v10  }
0x20c: {  	v9 =	vld.idx.msk [tilespmem:v9+s18+$0x0], $0xffff  }
0x20d: {  	s25 =	sadd.s32 $0xFFFFFFFF, s25  }
0x20e: {  	p1 =	sne.s32 s25, $0x0  }
.Ltmp24:
0x20f: {  	s26 =	sshra.s32 s26, $0x4;
	s22 =	sadd.s32 $0x1, s22;
	(pc) =	sbr.rel @!p1 .LBB2_36-.Ltmp24, $4  }
0x210: {  	s26 =	sand.u32 $0x1FFFFFF0, s26;
	p2 =	slt.s32 s22, $0x10  }
0x211: {  	s26 =	sadd.s32 s8, s26;
	s29 =	sadd.s32 $0x1E180, s28;
	[tilespmem:s28+$0x1E1B0] =	vst v9;
	s28 =	simm.s32 @!p2 $0x4  }
0x212: {  	[hbm4b:s26+s7] =	stream.linear.scatter [tilespmem:s29], [sflag:$0x4], $0x80, $0x38;
	[tilespmem:$0x1E980] =	vst v63  }
0x213: {  	s26 =	simm.s32 $0x8101;
	_ =	swait.ge @!p2 [sflag:s28], $0x80  }
.LBB2_35:
0x214: {  	s25 =	sadd.s32 $0xFFFFFFFF, s25;
	[sflag:s28] =	ssyncset.done @!p2 $0x0;
	s20 =	sadd.s32 $0x80, s20  }
0x215: {  	p1 =	sne.s32 s25, $0x0;
	[sflag:s28] =	ssyncadd.s32 @!p2 $0xFFFFFF80  }
0x216: {  	v9 =	vld [tilespmem:s26+$0x0];
	_ =	sdelay $0x4  }
0x217: {  	(v2sf) =	vpush v9, $0x0;
	_ =	sdelay $0xe  }
0x218: {  	s28 =	spop (v2sf)  }
0x219: {  	s29 =	sand.u32 $0xFF, s28;
	s28 =	sshra.s32 s28, $0x4  }
0x21a: {  	s29 =	sadd.s32 s29, s19  }
0x21b: {  	v9 =	vmov s29  }
0x21c: {  	v10 =	vand.u32 $0x7F, v9;
	v9 =	vshll.u32 v9, $0x3  }
0x21d: {  	v9 =	vand.u32 $0xFFFFFC00, v9  }
0x21e: {  	v9 =	vor.u32 v10, v9  }
0x21f: {  	v10 =	vadd.s32 v5, v9;
	_ =	sdelay $0x4  }
0x220: {  	v10 =	vld.idx.msk [tilespmem:v10+s18+$0x0], $0xffff  }
0x221: {  	v11 =	vadd.s32 v6, v9;
	_ =	sdelay $0x2  }
0x222: {  	s29 =	sand.u32 $0x780, s20;
	_ =	sdelay $0x1  }
0x223: {  	[tilespmem:s29+$0x1E180] =	vst v10  }
0x224: {  	v10 =	vld.idx.msk [tilespmem:v11+s18+$0x0], $0xffff  }
0x225: {  	v11 =	vadd.s32 v7, v9;
	_ =	sdelay $0x4  }
0x226: {  	[tilespmem:s29+$0x1E190] =	vst v10  }
0x227: {  	v10 =	vld.idx.msk [tilespmem:v11+s18+$0x0], $0xffff  }
0x228: {  	v9 =	vadd.s32 v8, v9;
	_ =	sdelay $0x4  }
0x229: {  	[tilespmem:s29+$0x1E1A0] =	vst v10  }
0x22a: {  	v9 =	vld.idx.msk [tilespmem:v9+s18+$0x0], $0xffff;
	_ =	sdelay $0x3  }
.Ltmp25:
0x22b: {  	s22 =	sadd.s32 $0x1, s22;
	s28 =	sand.u32 $0x1FFFFFF0, s28;
	(pc) =	sbr.rel @p1 .LBB2_35-.Ltmp25, $4  }
0x22c: {  	p2 =	slt.s32 s22, $0x10;
	s6 =	sadd.s32 s8, s28;
	s30 =	sadd.s32 $0x1E180, s29  }
0x22d: {  	s28 =	simm.s32 @!p2 $0x4;
	[tilespmem:s29+$0x1E1B0] =	vst v9  }
0x22e: {  	[hbm4b:s6+s7] =	stream.linear.scatter [tilespmem:s30], [sflag:$0x4], $0x80, $0x38;
	[tilespmem:$0x1E980] =	vst v63  }
0x22f: {  	s26 =	sadd.s32 $0x1, s26;
	_ =	swait.ge @!p2 [sflag:s28], $0x80  }
.Ltmp26:
0x230: {  	_ = 	snop;
	(pc) =	sbr.rel .LBB2_36-.Ltmp26, $1  }
0x231: {  	_ =	sdelay $0x3  }
.LBB2_6:
.Ltmp27:
0x232: {  	(pc) =	sbr.rel .LBB2_10-.Ltmp27, $2  }
0x233: {  	_ =	sdelay $0x2  }
0x234: {  	s25 =	simm.s32 $0x0;
	s20 =	simm.s32 $0x0  }
.LBB2_17:
.Ltmp28:
0x235: {  	(pc) =	sbr.rel .LBB2_21-.Ltmp28, $2  }
0x236: {  	_ =	sdelay $0x2  }
0x237: {  	s25 =	simm.s32 $0x0;
	s20 =	simm.s32 $0x0  }
.LBB2_28:
.Ltmp29:
0x238: {  	(pc) =	sbr.rel .LBB2_32-.Ltmp29, $2  }
0x239: {  	_ =	sdelay $0x2  }
0x23a: {  	s26 =	simm.s32 $0x0;
	s25 =	simm.s32 $0x0  }
.LBB2_8:
.Ltmp30:
0x23b: {  	(pc) =	sbr.rel .LBB2_10-.Ltmp30, $2  }
0x23c: {  	_ =	sdelay $0x2  }
0x23d: {  	s25 =	simm.s32 $0x0;
	s20 =	simm.s32 $0x0  }
.LBB2_19:
.Ltmp31:
0x23e: {  	(pc) =	sbr.rel .LBB2_21-.Ltmp31, $2  }
0x23f: {  	_ =	sdelay $0x2  }
0x240: {  	s25 =	simm.s32 $0x0;
	s20 =	simm.s32 $0x0  }
.LBB2_30:
.Ltmp32:
0x241: {  	(pc) =	sbr.rel .LBB2_32-.Ltmp32, $2  }
0x242: {  	_ =	sdelay $0x2  }
0x243: {  	s26 =	simm.s32 $0x0;
	s25 =	simm.s32 $0x0  }
.LBB2_38:
0x244: {  	_ =	swait.ge [sflag:s31], $0x4000  }
0x245: {  	[sflag:s31] =	ssyncset.done $0x0  }
0x246: {  	[sflag:s31] =	ssyncadd.s32 $0xFFFFC000  }
0x247: {  	p0 =	slt.s32 s22, $0x1;
	_ =	swait.ge [sflag:s0], $0x4000  }
.Ltmp33:
0x248: {  	[sflag:s0] =	ssyncset.done $0x0;
	(pc) =	sbr.rel @p0 .LBB2_42-.Ltmp33, $4  }
0x249: {  	[sflag:s0] =	ssyncadd.s32 $0xFFFFC000  }
0x24a: {  	_ =	swait.ge [sflag:s1], $0x4000  }
0x24b: {  	[sflag:s1] =	ssyncset.done $0x0  }
0x24c: {  	[sflag:s1] =	ssyncadd.s32 $0xFFFFC000  }
0x24d: {  	p0 =	slt.s32 s22, $0xF  }
0x24e: {  	s22 =	simm.s32 @!p0 $0xF  }
0x24f: {  	p0 =	sne.s32 s22, $0x1  }
.Ltmp34:
0x250: {  	_ = 	snop;
	(pc) =	sbr.rel @!p0 .LBB2_41-.Ltmp34, $3  }
0x251: {  	_ =	sdelay $0x1  }
0x252: {  	_ =	swait.ge [sflag:s21], $0x80  }
0x253: {  	[sflag:s21] =	ssyncset.done $0x0;
	s10 =	sadd.s32 $0xFFFFFFFF, s22  }
.LBB2_40:
0x254: {  	p0 =	sne.s32 s10, $0x1;
	s10 =	sadd.s32 $0xFFFFFFFF, s10;
	[sflag:s21] =	ssyncadd.s32 $0xFFFFFF80  }
.Ltmp35:
0x255: {  	(pc) =	sbr.rel @p0 .LBB2_40-.Ltmp35, $3  }
0x256: {  	_ =	sdelay $0x1  }
0x257: {  	_ =	swait.ge [sflag:s21], $0x80  }
0x258: {  	[sflag:s21] =	ssyncset.done $0x0  }
.LBB2_41:
0x259: {  	[sflag:s21] =	ssyncadd.s32 $0xFFFFFF80  }
.LBB2_42:
0x25a: {  	s10 =	simm.s32 $0x0  }
0x25b: {  	s6 =	simm.s32 $0x8100;
	s11 =	rddreg [dreg:$0x1];
	s30 =	simm.s32 $0x5  }
0x25c: {  	[tilespmem:s6], [sflag:$0x5] =	stream.linear.gather [hbm4b:s11+s10], $0x4000, $0x38;
	[tilespmem:$0x1E980] =	vst v63  }
0x25d: {  	_ =	swait.ge [sflag:s30], $0x4000  }
0x25e: {  	[sflag:s30] =	ssyncset.done $0x0  }
0x25f: {  	[sflag:s30] =	ssyncadd.s32 $0xFFFFC000  }
0x260: {  	v9 =	vld [tilespmem:s6+$0x0];
	_ =	sdelay $0x4  }
0x261: {  	v10 =	vshra.s32 v9, $0x8  }
0x262: {  	v11 =	vand.u32 $0x1F, v10  }
0x263: {  	vm0 =	veq.s32 v11, v0  }
0x264: {  	v11 =	vsel vm0, $0x1, v3  }
0x265: {  	(xrf0) =	vadd.scan.msk.s32 $0xffff, v11;
	_ =	sdelay $0x2  }
0x266: {  	v11 =	vmov s10  }
0x267: {  	v11 =	vadd.s32 $0xFFFFFFFF, v11  }
0x268: {  	v11 =	vbroadcast v11, $0x0  }
0x269: {  	v12, _, _ =	vpop (xrf0)  }
0x26a: {  	v11 =	vadd.s32 v12, v11;
	(v2sf) =	vpush v12, $0xF  }
0x26b: {  	v13 =	vmov s10  }
0x26c: {  	v13 =	vshll.u32 v13, $0x8  }
0x26d: {  	v13 =	vor.u32 v2, v13;
	v9 =	vand.u32 $0xFF, v9  }
0x26e: {  	v9 =	vor.u32 v13, v9  }
0x26f: {  	[tilespmem:v11+s7+$0x0] =	vst.idx.msk vm0, v9  }
0x270: {  	s12 =	simm.s32 $0x8110;
	[tilespmem:v11+s23+$0x0] =	vst.idx.msk vm0, v10  }
0x271: {  	s19 =	simm.s32 $0x20;
	s11 =	simm.s32 $0x10;
	v9 =	vld [tilespmem:s12+$0x0]  }
.LBB2_43:
0x272: {  	p0 =	sne.s32 s19, $0x3FF0;
	_ =	sdelay $0x3  }
0x273: {  	v10 =	vshra.s32 v9, $0x8;
	v9 =	vand.u32 $0xFF, v9  }
0x274: {  	v11 =	vand.u32 $0x1F, v10  }
0x275: {  	vm0 =	veq.s32 v11, v0  }
0x276: {  	v11 =	vsel vm0, $0x1, v3;
	s6 =	spop (v2sf)  }
0x277: {  	(xrf0) =	vadd.scan.msk.s32 $0xffff, v11;
	s10 =	sadd.s32 s10, s6  }
0x278: {  	v11 =	vmov s10  }
0x279: {  	v11 =	vadd.s32 $0xFFFFFFFF, v11  }
0x27a: {  	v11 =	vbroadcast v11, $0x0;
	_ =	sdelay $0x2  }
0x27b: {  	v12, _, _ =	vpop (xrf0)  }
0x27c: {  	v11 =	vadd.s32 v12, v11;
	(v2sf) =	vpush v12, $0xF  }
0x27d: {  	v12 =	vmov s11;
	s11 =	smov.u32 s19  }
0x27e: {  	v12 =	vshll.u32 v12, $0x8  }
.Ltmp36:
0x27f: {  	v12 =	vor.u32 v2, v12;
	(pc) =	sbr.rel @p0 .LBB2_43-.Ltmp36, $4  }
0x280: {  	v9 =	vor.u32 v12, v9  }
0x281: {  	[tilespmem:v11+s7+$0x0] =	vst.idx.msk vm0, v9  }
0x282: {  	s12 =	sadd.s32 $0x10, s12;
	[tilespmem:v11+s23+$0x0] =	vst.idx.msk vm0, v10  }
0x283: {  	s19 =	sadd.s32 $0x10, s19;
	v9 =	vld [tilespmem:s12+$0x0]  }
0x284: {  	_ =	sdelay $0x3  }
0x285: {  	v10 =	vshra.s32 v9, $0x8  }
0x286: {  	v11 =	vand.u32 $0x1F, v10  }
0x287: {  	vm0 =	veq.s32 v11, v0  }
0x288: {  	v11 =	vsel vm0, $0x1, v3  }
0x289: {  	(xrf0) =	vadd.scan.msk.s32 $0xffff, v11;
	_ =	sdelay $0x5  }
0x28a: {  	v11, _, _ =	vpop (xrf0)  }
0x28b: {  	(v2sf) =	vpush v11, $0xF;
	_ =	sdelay $0x8  }
0x28c: {  	s6 =	spop (v2sf)  }
0x28d: {  	s6 =	sadd.s32 s10, s6  }
0x28e: {  	v12 =	vmov s6  }
0x28f: {  	v12 =	vadd.s32 $0xFFFFFFFF, v12  }
0x290: {  	v12 =	vbroadcast v12, $0x0;
	_ =	sdelay $0x1  }
0x291: {  	v11 =	vadd.s32 v11, v12;
	s26 =	spop (v2sf)  }
0x292: {  	v63 =	vmov s11;
	s6 =	sadd.s32 s6, s26  }
0x293: {  	v12 =	vshll.u32 v63, $0x8;
	v13 =	vadd.s32 s6, v1  }
0x294: {  	v9 =	vand.u32 $0xFF, v9;
	v12 =	vor.u32 v2, v12  }
0x295: {  	v9 =	vor.u32 v12, v9  }
0x296: {  	[tilespmem:v11+s7+$0x0] =	vst.idx.msk vm0, v9  }
0x297: {  	[tilespmem:v11+s23+$0x0] =	vst.idx.msk vm0, v10  }
0x298: {  	s22 =	simm.s32 $0x0;
	s11 =	rddreg [dreg:$0xa];
	[tilespmem:v13+s23+$0x0] =	vst.idx.msk $0xffff, v4  }
0x299: {  	[tilespmem:s24], [sflag:$0x1] =	stream.linear.gather [hbm4b:s11+s22], $0x800, $0x38;
	[tilespmem:$0x1E980] =	vst v63  }
0x29a: {  	s12 =	simm.s32 $0xCD80;
	s28 =	sadd.s32 $0xF4280, s11  }
0x29b: {  	[tilespmem:s12], [sflag:$0x1] =	stream.linear.gather [hbm4b:s28+s22], $0x800, $0x38;
	[tilespmem:$0x1E980] =	vst v63  }
0x29c: {  	s30 =	simm.s32 $0xD980;
	s29 =	sadd.s32 $0x1E8500, s11  }
0x29d: {  	[tilespmem:s30], [sflag:$0x1] =	stream.linear.gather [hbm4b:s29+s22], $0x800, $0x38;
	[tilespmem:$0x1E980] =	vst v63  }
0x29e: {  	s19 =	simm.s32 $0xE580;
	s12 =	sadd.s32 $0x2DC780, s11  }
0x29f: {  	[tilespmem:s19], [sflag:$0x1] =	stream.linear.gather [hbm4b:s12+s22], $0x800, $0x38;
	[tilespmem:$0x1E980] =	vst v63  }
0x2a0: {  	s25 =	simm.s32 $0xF180;
	s20 =	sadd.s32 $0x3D0A00, s11  }
0x2a1: {  	[tilespmem:s25], [sflag:$0x1] =	stream.linear.gather [hbm4b:s20+s22], $0x800, $0x38;
	[tilespmem:$0x1E980] =	vst v63  }
0x2a2: {  	s26 =	sadd.s32 $0x4C4C80, s11;
	s28 =	simm.s32 $0xFD80  }
0x2a3: {  	[tilespmem:s28], [sflag:$0x1] =	stream.linear.gather [hbm4b:s26+s22], $0x800, $0x38;
	[tilespmem:$0x1E980] =	vst v63  }
0x2a4: {  	s29 =	sadd.s32 $0x5B8F00, s11;
	s30 =	simm.s32 $0x10980  }
0x2a5: {  	[tilespmem:s30], [sflag:$0x1] =	stream.linear.gather [hbm4b:s29+s22], $0x800, $0x38;
	[tilespmem:$0x1E980] =	vst v63  }
0x2a6: {  	s12 =	sadd.s32 $0x6AD180, s11;
	s19 =	simm.s32 $0x11580  }
0x2a7: {  	[tilespmem:s19], [sflag:$0x1] =	stream.linear.gather [hbm4b:s12+s22], $0x800, $0x38;
	[tilespmem:$0x1E980] =	vst v63  }
0x2a8: {  	s11 =	rddreg [dreg:$0xb]  }
0x2a9: {  	[tilespmem:s2], [sflag:$0x2] =	stream.linear.gather [hbm4b:s11+s22], $0x800, $0x38;
	[tilespmem:$0x1E980] =	vst v63  }
0x2aa: {  	s20 =	sadd.s32 $0xF4280, s11;
	s25 =	simm.s32 $0x12D80  }
0x2ab: {  	[tilespmem:s25], [sflag:$0x2] =	stream.linear.gather [hbm4b:s20+s22], $0x800, $0x38;
	[tilespmem:$0x1E980] =	vst v63  }
0x2ac: {  	s26 =	sadd.s32 $0x1E8500, s11;
	s28 =	simm.s32 $0x13980  }
0x2ad: {  	[tilespmem:s28], [sflag:$0x2] =	stream.linear.gather [hbm4b:s26+s22], $0x800, $0x38;
	[tilespmem:$0x1E980] =	vst v63  }
0x2ae: {  	s29 =	sadd.s32 $0x2DC780, s11;
	s30 =	simm.s32 $0x14580  }
0x2af: {  	[tilespmem:s30], [sflag:$0x2] =	stream.linear.gather [hbm4b:s29+s22], $0x800, $0x38;
	[tilespmem:$0x1E980] =	vst v63  }
0x2b0: {  	s12 =	sadd.s32 $0x3D0A00, s11;
	s19 =	simm.s32 $0x15180  }
0x2b1: {  	[tilespmem:s19], [sflag:$0x2] =	stream.linear.gather [hbm4b:s12+s22], $0x800, $0x38;
	[tilespmem:$0x1E980] =	vst v63  }
0x2b2: {  	s20 =	sadd.s32 $0x4C4C80, s11;
	s25 =	simm.s32 $0x15D80  }
0x2b3: {  	[tilespmem:s25], [sflag:$0x2] =	stream.linear.gather [hbm4b:s20+s22], $0x800, $0x38;
	[tilespmem:$0x1E980] =	vst v63  }
0x2b4: {  	s26 =	sadd.s32 $0x5B8F00, s11;
	s28 =	simm.s32 $0x16980  }
0x2b5: {  	[tilespmem:s28], [sflag:$0x2] =	stream.linear.gather [hbm4b:s26+s22], $0x800, $0x38;
	[tilespmem:$0x1E980] =	vst v63  }
0x2b6: {  	s29 =	sadd.s32 $0x6AD180, s11;
	s30 =	simm.s32 $0x17580  }
0x2b7: {  	[tilespmem:s30], [sflag:$0x2] =	stream.linear.gather [hbm4b:s29+s22], $0x800, $0x38;
	[tilespmem:$0x1E980] =	vst v63  }
0x2b8: {  	s11 =	rddreg [dreg:$0xc]  }
0x2b9: {  	[tilespmem:s18], [sflag:$0x3] =	stream.linear.gather [hbm4b:s11+s22], $0x800, $0x38;
	[tilespmem:$0x1E980] =	vst v63  }
0x2ba: {  	s12 =	sadd.s32 $0xF4280, s11;
	s19 =	simm.s32 $0x18D80;
	s20 =	sadd.s32 $0x1E8500, s11  }
0x2bb: {  	[tilespmem:s19], [sflag:$0x3] =	stream.linear.gather [hbm4b:s12+s22], $0x800, $0x38;
	[tilespmem:$0x1E980] =	vst v63  }
0x2bc: {  	s25 =	simm.s32 $0x19980;
	s26 =	sadd.s32 $0x2DC780, s11  }
0x2bd: {  	[tilespmem:s25], [sflag:$0x3] =	stream.linear.gather [hbm4b:s20+s22], $0x800, $0x38;
	[tilespmem:$0x1E980] =	vst v63  }
0x2be: {  	s6 =	sadd.s32 $0xF, s6;
	s28 =	simm.s32 $0x1A580;
	s29 =	sadd.s32 $0x3D0A00, s11  }
0x2bf: {  	[tilespmem:s28], [sflag:$0x3] =	stream.linear.gather [hbm4b:s26+s22], $0x800, $0x38;
	[tilespmem:$0x1E980] =	vst v63  }
0x2c0: {  	p1 =	slt.s32 s6, $0x1;
	s30 =	simm.s32 $0x1B180;
	s12 =	sadd.s32 $0x4C4C80, s11  }
0x2c1: {  	[tilespmem:s30], [sflag:$0x3] =	stream.linear.gather [hbm4b:s29+s22], $0x800, $0x38;
	[tilespmem:$0x1E980] =	vst v63  }
0x2c2: {  	s19 =	simm.s32 $0x1BD80;
	s29 =	sand.u32 $0xF, s6;
	s30 =	sshra.s32 s6, $0x1F  }
0x2c3: {  	s20 =	sadd.s32 $0x5B8F00, s11;
	p0 =	sne.s32 s29, $0x0;
	s10 =	sshrl.u32 s30, $0x1C  }
0x2c4: {  	[tilespmem:s19], [sflag:$0x3] =	stream.linear.gather [hbm4b:s12+s22], $0x800, $0x38;
	[tilespmem:$0x1E980] =	vst v63  }
0x2c5: {  	s25 =	simm.s32 $0x1C980;
	p0 =	por !p1, !p0;
	s6 =	sadd.s32 s10, s6  }
0x2c6: {  	[tilespmem:s25], [sflag:$0x3] =	stream.linear.gather [hbm4b:s20+s22], $0x800, $0x38;
	[tilespmem:$0x1E980] =	vst v63  }
.Ltmp37:
0x2c7: {  	s10 =	simm.s32 $0x1;
	p0 =	por !p0, !p0;
	(pc) =	sbr.rel .LBB2_45-.Ltmp37, $4  }
0x2c8: {  	s6 =	sshra.s32 s6, $0x4;
	s10 =	simm.s32 @!p0 $0x0  }
0x2c9: {  	s26 =	sadd.s32 $0x6AD180, s11;
	s28 =	simm.s32 $0x1D580;
	s10 =	ssub.s32 s6, s10  }
0x2ca: {  	[tilespmem:s28], [sflag:$0x3] =	stream.linear.gather [hbm4b:s26+s22], $0x800, $0x38;
	[tilespmem:$0x1E980] =	vst v63  }
0x2cb: {  	s11 =	simm.s32 $0x0;
	p0 =	slt.s32 s10, $0x1  }
.LBB2_77:
0x2cc: {  	[sflag:s28] =	ssyncset.done @!p2 $0x0  }
0x2cd: {  	[sflag:s28] =	ssyncadd.s32 @!p2 $0xFFFFFF80  }
.LBB2_78:
0x2ce: {  	s6 =	sadd.s32 s17, s12  }
0x2cf: {  	s6 =	sshll.u32 s6, $0x8  }
0x2d0: {  	s6 =	smin.u32 s6, $0xF4180  }
0x2d1: {  	s6 =	sadd.s32 s4, s6  }
0x2d2: {  	[tilespmem:s18], [sflag:$0x3] =	stream.linear.gather [hbm4b:s6+s7], $0x800, $0x38;
	[tilespmem:$0x1E980] =	vst v63  }
0x2d3: {  	s19 =	simm.s32 $0x18D80;
	s25 =	sadd.s32 $0xF4280, s6  }
0x2d4: {  	[tilespmem:s19], [sflag:$0x3] =	stream.linear.gather [hbm4b:s25+s7], $0x800, $0x38;
	[tilespmem:$0x1E980] =	vst v63  }
0x2d5: {  	s28 =	simm.s32 $0x19980;
	s26 =	sadd.s32 $0x1E8500, s6  }
0x2d6: {  	[tilespmem:s28], [sflag:$0x3] =	stream.linear.gather [hbm4b:s26+s7], $0x800, $0x38;
	[tilespmem:$0x1E980] =	vst v63  }
0x2d7: {  	s30 =	simm.s32 $0x1A580;
	s29 =	sadd.s32 $0x2DC780, s6  }
0x2d8: {  	[tilespmem:s30], [sflag:$0x3] =	stream.linear.gather [hbm4b:s29+s7], $0x800, $0x38;
	[tilespmem:$0x1E980] =	vst v63  }
0x2d9: {  	s20 =	simm.s32 $0x1B180;
	s11 =	sadd.s32 $0x1, s11;
	s19 =	sadd.s32 $0x3D0A00, s6  }
0x2da: {  	[tilespmem:s20], [sflag:$0x3] =	stream.linear.gather [hbm4b:s19+s7], $0x800, $0x38;
	[tilespmem:$0x1E980] =	vst v63  }
0x2db: {  	p1 =	sne.s32 s11, $0x29;
	s25 =	sadd.s32 $0x4C4C80, s6;
	s26 =	simm.s32 $0x1BD80  }
0x2dc: {  	[tilespmem:s26], [sflag:$0x3] =	stream.linear.gather [hbm4b:s25+s7], $0x800, $0x38;
	[tilespmem:$0x1E980] =	vst v63  }
.Ltmp38:
0x2dd: {  	_ = 	snop;
	(pc) =	sbr.rel @!p1 .LBB2_79-.Ltmp38, $4  }
0x2de: {  	s28 =	sadd.s32 $0x5B8F00, s6;
	s29 =	simm.s32 $0x1C980  }
0x2df: {  	[tilespmem:s29], [sflag:$0x3] =	stream.linear.gather [hbm4b:s28+s7], $0x800, $0x38;
	[tilespmem:$0x1E980] =	vst v63  }
0x2e0: {  	s6 =	sadd.s32 $0x6AD180, s6;
	s30 =	simm.s32 $0x1D580  }
0x2e1: {  	[tilespmem:s30], [sflag:$0x3] =	stream.linear.gather [hbm4b:s6+s7], $0x800, $0x38;
	[tilespmem:$0x1E980] =	vst v63  }
.LBB2_45:
.Ltmp39:
0x2e2: {  	(pc) =	sbr.rel @p0 .LBB2_52-.Ltmp39, $2  }
0x2e3: {  	_ =	sdelay $0x2  }
0x2e4: {  	s12 =	smul.u32 $0x60, s11;
	s20 =	simm.s32 $0x0  }
0x2e5: {  	p2 =	sne.s32 s10, $0x1  }
.Ltmp40:
0x2e6: {  	_ = 	snop;
	(pc) =	sbr.rel @!p2 .LBB2_47-.Ltmp40, $3  }
0x2e7: {  	_ =	sdelay $0x1  }
0x2e8: {  	s20 =	simm.s32 $0x4080;
	s6 =	sor.u32 s14, s12  }
0x2e9: {  	s19 =	simm.s32 $0x0;
	p1 =	por $0x0, $0x0;
	v10 =	vld [tilespmem:s20+$0x0];
	s20 =	sadd.s32 $0xFFFFFFFF, s10;
	v9 =	vmov s6  }
0x2ea: {  	_ =	sdelay $0x3  }
0x2eb: {  	vm0 =	veq.s32 v10, v9  }
0x2ec: {  	v10 =	vsel vm0, $0x1, v3  }
0x2ed: {  	(xrf0) =	vadd.scan.msk.s32 $0xffff, v10;
	_ =	sdelay $0x3  }
0x2ee: {  	v10 =	vmov s19  }
0x2ef: {  	v10 =	vadd.s32 $0xFFFFFFFF, v10  }
0x2f0: {  	v10 =	vbroadcast v10, $0x0;
	v11, _, _ =	vpop (xrf0)  }
0x2f1: {  	(v2sf) =	vpush v11, $0xF  }
0x2f2: {  	v12 =	vld [tilespmem:s19+$0x0];
	v10 =	vadd.s32 v11, v10  }
0x2f3: {  	p2 =	sne.s32 s20, $0x1  }
.Ltmp41:
0x2f4: {  	_ = 	snop;
	(pc) =	sbr.rel @!p2 .LBB2_49-.Ltmp41, $3  }
0x2f5: {  	_ =	sdelay $0x1  }
0x2f6: {  	s26 =	simm.s32 $0x4090;
	s28 =	sadd.s32 $0xFFFFFFFF, s20;
	[tilespmem:v10+s5+$0x0] =	vst.idx.msk vm0, v12  }
0x2f7: {  	p1 =	por $0x1, $0x1;
	s25 =	simm.s32 $0x0;
	s20 =	simm.s32 $0x0;
	v10 =	vld [tilespmem:s26+$0x0]  }
.LBB2_50:
0x2f8: {  	p2 =	sne.s32 s28, $0x1;
	_ =	sdelay $0x3  }
0x2f9: {  	vm0 =	veq.s32 v10, v9  }
0x2fa: {  	v10 =	vsel vm0, $0x1, v3  }
0x2fb: {  	(xrf0) =	vadd.scan.msk.s32 $0xffff, v10  }
0x2fc: {  	s6 =	spop (v2sf)  }
0x2fd: {  	s25 =	sadd.s32 s25, s6  }
0x2fe: {  	v10 =	vmov s25  }
0x2ff: {  	v10 =	vadd.s32 $0xFFFFFFFF, v10  }
0x300: {  	v10 =	vbroadcast v10, $0x0  }
0x301: {  	s20 =	sadd.s32 $0x10, s20;
	v11, _, _ =	vpop (xrf0)  }
0x302: {  	v10 =	vadd.s32 v11, v10;
	v12 =	vld [tilespmem:s20+$0x0];
	(v2sf) =	vpush v11, $0xF;
	_ =	sdelay $0x2  }
.Ltmp42:
0x303: {  	(pc) =	sbr.rel @p2 .LBB2_50-.Ltmp42, $4  }
0x304: {  	_ = 	snop  }
0x305: {  	[tilespmem:v10+s5+$0x0] =	vst.idx.msk vm0, v12  }
0x306: {  	s26 =	sadd.s32 $0x10, s26  }
0x307: {  	s28 =	sadd.s32 $0xFFFFFFFF, s28;
	v10 =	vld [tilespmem:s26+$0x0]  }
.LBB2_51:
0x308: {  	_ =	sdelay $0x3  }
0x309: {  	vm0 =	veq.s32 v10, v9  }
0x30a: {  	v9 =	vsel vm0, $0x1, v3  }
0x30b: {  	(xrf0) =	vadd.scan.msk.s32 $0xffff, v9;
	_ =	sdelay $0x5  }
0x30c: {  	v9, _, _ =	vpop (xrf0)  }
0x30d: {  	(v2sf) =	vpush v9, $0xF;
	_ =	sdelay $0x3  }
0x30e: {  	s6 =	spop @p1 (v2sf)  }
0x30f: {  	s6 =	sadd.s32 @p1 s25, s6;
	s25 =	simm.s32 $0x0  }
0x310: {  	s25 =	smov.u32 @p1 s6  }
0x311: {  	v10 =	vmov s25  }
0x312: {  	v10 =	vadd.s32 $0xFFFFFFFF, v10  }
0x313: {  	s6 =	sadd.s32 @p1 $0x10, s20;
	v10 =	vbroadcast v10, $0x0  }
0x314: {  	s19 =	smov.u32 @p1 s6  }
0x315: {  	v9 =	vadd.s32 v9, v10;
	v10 =	vld [tilespmem:s19+$0x0];
	_ =	sdelay $0x3  }
0x316: {  	s30 =	spop (v2sf)  }
0x317: {  	[tilespmem:v9+s5+$0x0] =	vst.idx.msk vm0, v10;
	s20 =	sadd.s32 s25, s30  }
.LBB2_52:
0x318: {  	p1 =	slt.s32 s20, $0x1  }
.Ltmp43:
0x319: {  	_ = 	snop;
	(pc) =	sbr.rel @p1 .LBB2_56-.Ltmp43, $4  }
0x31a: {  	_ = 	snop  }
0x31b: {  	_ =	swait.ge [sflag:s31], $0x4000  }
0x31c: {  	[sflag:s31] =	ssyncset.done $0x0  }
0x31d: {  	[sflag:s31] =	ssyncadd.s32 $0xFFFFC000  }
0x31e: {  	s6 =	simm.s32 $0x8100  }
0x31f: {  	v9 =	vld [tilespmem:s6+$0x0];
	_ =	sdelay $0x4  }
0x320: {  	(v2sf) =	vpush v9, $0x0;
	_ =	sdelay $0xe  }
0x321: {  	s30 =	spop (v2sf)  }
0x322: {  	s19 =	sand.u32 $0xFF, s30  }
0x323: {  	v9 =	vmov s19  }
0x324: {  	v10 =	vshll.u32 v9, $0x3  }
0x325: {  	v9 =	vand.u32 $0x7F, v9;
	v10 =	vand.u32 $0x400, v10  }
0x326: {  	v9 =	vor.u32 v9, v10  }
0x327: {  	v10 =	vadd.s32 v5, v9;
	_ =	sdelay $0x4  }
0x328: {  	v10 =	vld.idx.msk [tilespmem:v10+s24+$0x0], $0xffff  }
0x329: {  	v11 =	vadd.s32 v6, v9;
	_ =	sdelay $0x1  }
0x32a: {  	s19 =	sshll.u32 s22, $0x7  }
0x32b: {  	s25 =	sand.u32 $0x780, s19  }
0x32c: {  	[tilespmem:s25+$0x1E180] =	vst v10  }
0x32d: {  	v10 =	vld.idx.msk [tilespmem:v11+s24+$0x0], $0xffff  }
0x32e: {  	v11 =	vadd.s32 v7, v9;
	_ =	sdelay $0x3  }
0x32f: {  	[tilespmem:s25+$0x1E190] =	vst v10  }
0x330: {  	v10 =	vld.idx.msk [tilespmem:v11+s24+$0x0], $0xffff  }
0x331: {  	v9 =	vadd.s32 v8, v9;
	_ =	sdelay $0x3  }
0x332: {  	[tilespmem:s25+$0x1E1A0] =	vst v10  }
0x333: {  	v9 =	vld.idx.msk [tilespmem:v9+s24+$0x0], $0xffff;
	_ =	sdelay $0x1  }
0x334: {  	s20 =	sadd.s32 $0xFFFFFFFF, s20  }
0x335: {  	p1 =	sne.s32 s20, $0x0;
	s6 =	sshra.s32 s30, $0x4  }
.Ltmp44:
0x336: {  	s6 =	sand.u32 $0x1FFFFFF0, s6;
	s22 =	sadd.s32 $0x1, s22;
	(pc) =	sbr.rel @!p1 .LBB2_55-.Ltmp44, $4  }
0x337: {  	s6 =	sadd.s32 s9, s6;
	p2 =	slt.s32 s22, $0x10;
	s26 =	sadd.s32 $0x1E180, s25;
	[tilespmem:s25+$0x1E1B0] =	vst v9  }
0x338: {  	[hbm4b:s6+s7] =	stream.linear.scatter [tilespmem:s26], [sflag:$0x4], $0x80, $0x38;
	[tilespmem:$0x1E980] =	vst v63  }
0x339: {  	s26 =	simm.s32 @!p2 $0x4  }
0x33a: {  	s25 =	simm.s32 $0x8101;
	_ =	swait.ge @!p2 [sflag:s26], $0x80  }
.LBB2_54:
0x33b: {  	s20 =	sadd.s32 $0xFFFFFFFF, s20;
	[sflag:s26] =	ssyncset.done @!p2 $0x0;
	s19 =	sadd.s32 $0x80, s19  }
0x33c: {  	p1 =	sne.s32 s20, $0x0;
	[sflag:s26] =	ssyncadd.s32 @!p2 $0xFFFFFF80  }
0x33d: {  	v9 =	vld [tilespmem:s25+$0x0];
	_ =	sdelay $0x4  }
0x33e: {  	(v2sf) =	vpush v9, $0x0;
	_ =	sdelay $0xe  }
0x33f: {  	s6 =	spop (v2sf)  }
0x340: {  	s26 =	sand.u32 $0xFF, s6;
	s6 =	sshra.s32 s6, $0x4  }
0x341: {  	v9 =	vmov s26  }
0x342: {  	v10 =	vand.u32 $0x7F, v9;
	v9 =	vshll.u32 v9, $0x3  }
0x343: {  	v9 =	vand.u32 $0x400, v9  }
0x344: {  	v9 =	vor.u32 v10, v9  }
0x345: {  	v10 =	vadd.s32 v5, v9;
	_ =	sdelay $0x4  }
0x346: {  	v10 =	vld.idx.msk [tilespmem:v10+s24+$0x0], $0xffff  }
0x347: {  	v11 =	vadd.s32 v6, v9;
	_ =	sdelay $0x2  }
0x348: {  	s26 =	sand.u32 $0x780, s19;
	_ =	sdelay $0x1  }
0x349: {  	[tilespmem:s26+$0x1E180] =	vst v10  }
0x34a: {  	v10 =	vld.idx.msk [tilespmem:v11+s24+$0x0], $0xffff  }
0x34b: {  	v11 =	vadd.s32 v7, v9;
	_ =	sdelay $0x4  }
0x34c: {  	[tilespmem:s26+$0x1E190] =	vst v10  }
0x34d: {  	v10 =	vld.idx.msk [tilespmem:v11+s24+$0x0], $0xffff  }
0x34e: {  	v9 =	vadd.s32 v8, v9;
	_ =	sdelay $0x4  }
0x34f: {  	[tilespmem:s26+$0x1E1A0] =	vst v10  }
0x350: {  	v9 =	vld.idx.msk [tilespmem:v9+s24+$0x0], $0xffff;
	_ =	sdelay $0x3  }
.Ltmp45:
0x351: {  	s22 =	sadd.s32 $0x1, s22;
	s6 =	sand.u32 $0x1FFFFFF0, s6;
	(pc) =	sbr.rel @p1 .LBB2_54-.Ltmp45, $4  }
0x352: {  	p2 =	slt.s32 s22, $0x10;
	s28 =	sadd.s32 $0x1E180, s26;
	s6 =	sadd.s32 s9, s6  }
0x353: {  	[tilespmem:s26+$0x1E1B0] =	vst v9;
	s26 =	simm.s32 @!p2 $0x4  }
0x354: {  	[hbm4b:s6+s7] =	stream.linear.scatter [tilespmem:s28], [sflag:$0x4], $0x80, $0x38;
	[tilespmem:$0x1E980] =	vst v63  }
0x355: {  	s25 =	sadd.s32 $0x1, s25;
	_ =	swait.ge @!p2 [sflag:s26], $0x80  }
.LBB2_55:
0x356: {  	[sflag:s26] =	ssyncset.done @!p2 $0x0  }
0x357: {  	[sflag:s26] =	ssyncadd.s32 @!p2 $0xFFFFFF80  }
.LBB2_56:
0x358: {  	s6 =	sadd.s32 s13, s12  }
0x359: {  	s6 =	sshll.u32 s6, $0x8  }
0x35a: {  	s6 =	smin.u32 s6, $0xF4180  }
0x35b: {  	s20 =	simm.s32 $0x0;
	s6 =	sadd.s32 s4, s6  }
0x35c: {  	[tilespmem:s24], [sflag:$0x1] =	stream.linear.gather [hbm4b:s6+s20], $0x800, $0x38;
	[tilespmem:$0x1E980] =	vst v63  }
0x35d: {  	s25 =	simm.s32 $0xCD80;
	s19 =	sadd.s32 $0xF4280, s6  }
0x35e: {  	[tilespmem:s25], [sflag:$0x1] =	stream.linear.gather [hbm4b:s19+s20], $0x800, $0x38;
	[tilespmem:$0x1E980] =	vst v63  }
0x35f: {  	s30 =	simm.s32 $0xD980;
	s29 =	sadd.s32 $0x1E8500, s6  }
0x360: {  	[tilespmem:s30], [sflag:$0x1] =	stream.linear.gather [hbm4b:s29+s20], $0x800, $0x38;
	[tilespmem:$0x1E980] =	vst v63  }
0x361: {  	s28 =	simm.s32 $0xE580;
	s26 =	sadd.s32 $0x2DC780, s6  }
0x362: {  	[tilespmem:s28], [sflag:$0x1] =	stream.linear.gather [hbm4b:s26+s20], $0x800, $0x38;
	[tilespmem:$0x1E980] =	vst v63  }
0x363: {  	s29 =	sadd.s32 $0x3D0A00, s6;
	s30 =	simm.s32 $0xF180  }
0x364: {  	[tilespmem:s30], [sflag:$0x1] =	stream.linear.gather [hbm4b:s29+s20], $0x800, $0x38;
	[tilespmem:$0x1E980] =	vst v63  }
0x365: {  	s25 =	sadd.s32 $0x4C4C80, s6;
	s26 =	simm.s32 $0xFD80  }
0x366: {  	[tilespmem:s26], [sflag:$0x1] =	stream.linear.gather [hbm4b:s25+s20], $0x800, $0x38;
	[tilespmem:$0x1E980] =	vst v63  }
.Ltmp46:
0x367: {  	_ = 	snop;
	(pc) =	sbr.rel @p0 .LBB2_63-.Ltmp46, $4  }
0x368: {  	s28 =	sadd.s32 $0x5B8F00, s6;
	s29 =	simm.s32 $0x10980  }
0x369: {  	[tilespmem:s29], [sflag:$0x1] =	stream.linear.gather [hbm4b:s28+s20], $0x800, $0x38;
	[tilespmem:$0x1E980] =	vst v63  }
0x36a: {  	s6 =	sadd.s32 $0x6AD180, s6;
	s30 =	simm.s32 $0x11580  }
0x36b: {  	[tilespmem:s30], [sflag:$0x1] =	stream.linear.gather [hbm4b:s6+s20], $0x800, $0x38;
	[tilespmem:$0x1E980] =	vst v63  }
0x36c: {  	p2 =	sne.s32 s10, $0x1  }
.Ltmp47:
0x36d: {  	_ = 	snop;
	(pc) =	sbr.rel @!p2 .LBB2_58-.Ltmp47, $4  }
0x36e: {  	_ = 	snop  }
0x36f: {  	s6 =	rddreg [dreg:$0x9]  }
0x370: {  	s20 =	simm.s32 $0x4080;
	s6 =	sadd.s32 s6, s12  }
0x371: {  	s19 =	simm.s32 $0x0;
	p1 =	por $0x0, $0x0;
	v10 =	vld [tilespmem:s20+$0x0];
	s20 =	sadd.s32 $0xFFFFFFFF, s10;
	v9 =	vmov s6  }
0x372: {  	_ =	sdelay $0x3  }
0x373: {  	vm0 =	veq.s32 v10, v9  }
0x374: {  	v10 =	vsel vm0, $0x1, v3  }
0x375: {  	(xrf0) =	vadd.scan.msk.s32 $0xffff, v10;
	_ =	sdelay $0x3  }
0x376: {  	v10 =	vmov s19  }
0x377: {  	v10 =	vadd.s32 $0xFFFFFFFF, v10  }
0x378: {  	v10 =	vbroadcast v10, $0x0;
	v11, _, _ =	vpop (xrf0)  }
0x379: {  	(v2sf) =	vpush v11, $0xF  }
0x37a: {  	v12 =	vld [tilespmem:s19+$0x0];
	v10 =	vadd.s32 v11, v10  }
0x37b: {  	p2 =	sne.s32 s20, $0x1  }
.Ltmp48:
0x37c: {  	_ = 	snop;
	(pc) =	sbr.rel @!p2 .LBB2_60-.Ltmp48, $3  }
0x37d: {  	_ =	sdelay $0x1  }
0x37e: {  	s26 =	simm.s32 $0x4090;
	s28 =	sadd.s32 $0xFFFFFFFF, s20;
	[tilespmem:v10+s5+$0x0] =	vst.idx.msk vm0, v12  }
0x37f: {  	p1 =	por $0x1, $0x1;
	s25 =	simm.s32 $0x0;
	s20 =	simm.s32 $0x0;
	v10 =	vld [tilespmem:s26+$0x0]  }
.LBB2_61:
0x380: {  	p2 =	sne.s32 s28, $0x1;
	_ =	sdelay $0x3  }
0x381: {  	vm0 =	veq.s32 v10, v9  }
0x382: {  	v10 =	vsel vm0, $0x1, v3  }
0x383: {  	(xrf0) =	vadd.scan.msk.s32 $0xffff, v10  }
0x384: {  	s6 =	spop (v2sf)  }
0x385: {  	s25 =	sadd.s32 s25, s6  }
0x386: {  	v10 =	vmov s25  }
0x387: {  	v10 =	vadd.s32 $0xFFFFFFFF, v10  }
0x388: {  	v10 =	vbroadcast v10, $0x0  }
0x389: {  	s20 =	sadd.s32 $0x10, s20;
	v11, _, _ =	vpop (xrf0)  }
0x38a: {  	v10 =	vadd.s32 v11, v10;
	v12 =	vld [tilespmem:s20+$0x0];
	(v2sf) =	vpush v11, $0xF;
	_ =	sdelay $0x2  }
.Ltmp49:
0x38b: {  	(pc) =	sbr.rel @p2 .LBB2_61-.Ltmp49, $4  }
0x38c: {  	_ = 	snop  }
0x38d: {  	[tilespmem:v10+s5+$0x0] =	vst.idx.msk vm0, v12  }
0x38e: {  	s26 =	sadd.s32 $0x10, s26  }
0x38f: {  	s28 =	sadd.s32 $0xFFFFFFFF, s28;
	v10 =	vld [tilespmem:s26+$0x0]  }
.LBB2_62:
0x390: {  	_ =	sdelay $0x3  }
0x391: {  	vm0 =	veq.s32 v10, v9  }
0x392: {  	v9 =	vsel vm0, $0x1, v3  }
0x393: {  	(xrf0) =	vadd.scan.msk.s32 $0xffff, v9;
	_ =	sdelay $0x5  }
0x394: {  	v9, _, _ =	vpop (xrf0)  }
0x395: {  	(v2sf) =	vpush v9, $0xF;
	_ =	sdelay $0x3  }
0x396: {  	s6 =	spop @p1 (v2sf)  }
0x397: {  	s6 =	sadd.s32 @p1 s25, s6;
	s25 =	simm.s32 $0x0  }
0x398: {  	s25 =	smov.u32 @p1 s6  }
0x399: {  	v10 =	vmov s25  }
0x39a: {  	v10 =	vadd.s32 $0xFFFFFFFF, v10  }
0x39b: {  	s6 =	sadd.s32 @p1 $0x10, s20;
	v10 =	vbroadcast v10, $0x0  }
0x39c: {  	s19 =	smov.u32 @p1 s6  }
0x39d: {  	v9 =	vadd.s32 v9, v10;
	v10 =	vld [tilespmem:s19+$0x0];
	_ =	sdelay $0x3  }
0x39e: {  	s30 =	spop (v2sf)  }
0x39f: {  	[tilespmem:v9+s5+$0x0] =	vst.idx.msk vm0, v10;
	s20 =	sadd.s32 s25, s30  }
.LBB2_63:
0x3a0: {  	p1 =	slt.s32 s20, $0x1  }
.Ltmp50:
0x3a1: {  	_ = 	snop;
	(pc) =	sbr.rel @p1 .LBB2_67-.Ltmp50, $4  }
0x3a2: {  	_ = 	snop  }
0x3a3: {  	_ =	swait.ge [sflag:s0], $0x4000  }
0x3a4: {  	[sflag:s0] =	ssyncset.done $0x0  }
0x3a5: {  	[sflag:s0] =	ssyncadd.s32 $0xFFFFC000  }
0x3a6: {  	s6 =	simm.s32 $0x8100  }
0x3a7: {  	v9 =	vld [tilespmem:s6+$0x0];
	_ =	sdelay $0x4  }
0x3a8: {  	(v2sf) =	vpush v9, $0x0;
	_ =	sdelay $0xe  }
0x3a9: {  	s30 =	spop (v2sf)  }
0x3aa: {  	s19 =	sand.u32 $0xFF, s30  }
0x3ab: {  	v9 =	vmov s19  }
0x3ac: {  	v10 =	vshll.u32 v9, $0x3  }
0x3ad: {  	v9 =	vand.u32 $0x7F, v9;
	v10 =	vand.u32 $0x400, v10  }
0x3ae: {  	v9 =	vor.u32 v9, v10  }
0x3af: {  	v10 =	vadd.s32 v5, v9;
	_ =	sdelay $0x4  }
0x3b0: {  	v10 =	vld.idx.msk [tilespmem:v10+s2+$0x0], $0xffff  }
0x3b1: {  	v11 =	vadd.s32 v6, v9;
	_ =	sdelay $0x1  }
0x3b2: {  	s19 =	sshll.u32 s22, $0x7  }
0x3b3: {  	s25 =	sand.u32 $0x780, s19  }
0x3b4: {  	[tilespmem:s25+$0x1E180] =	vst v10  }
0x3b5: {  	v10 =	vld.idx.msk [tilespmem:v11+s2+$0x0], $0xffff  }
0x3b6: {  	v11 =	vadd.s32 v7, v9;
	_ =	sdelay $0x3  }
0x3b7: {  	[tilespmem:s25+$0x1E190] =	vst v10  }
0x3b8: {  	v10 =	vld.idx.msk [tilespmem:v11+s2+$0x0], $0xffff  }
0x3b9: {  	v9 =	vadd.s32 v8, v9;
	_ =	sdelay $0x3  }
0x3ba: {  	[tilespmem:s25+$0x1E1A0] =	vst v10  }
0x3bb: {  	v9 =	vld.idx.msk [tilespmem:v9+s2+$0x0], $0xffff;
	_ =	sdelay $0x1  }
0x3bc: {  	s20 =	sadd.s32 $0xFFFFFFFF, s20  }
0x3bd: {  	p1 =	sne.s32 s20, $0x0;
	s6 =	sshra.s32 s30, $0x4  }
.Ltmp51:
0x3be: {  	s6 =	sand.u32 $0x1FFFFFF0, s6;
	s22 =	sadd.s32 $0x1, s22;
	(pc) =	sbr.rel @!p1 .LBB2_66-.Ltmp51, $4  }
0x3bf: {  	s6 =	sadd.s32 s9, s6;
	p2 =	slt.s32 s22, $0x10;
	s26 =	sadd.s32 $0x1E180, s25;
	[tilespmem:s25+$0x1E1B0] =	vst v9  }
0x3c0: {  	[hbm4b:s6+s7] =	stream.linear.scatter [tilespmem:s26], [sflag:$0x4], $0x80, $0x38;
	[tilespmem:$0x1E980] =	vst v63  }
0x3c1: {  	s26 =	simm.s32 @!p2 $0x4  }
0x3c2: {  	s25 =	simm.s32 $0x8101;
	_ =	swait.ge @!p2 [sflag:s26], $0x80  }
.LBB2_65:
0x3c3: {  	s20 =	sadd.s32 $0xFFFFFFFF, s20;
	[sflag:s26] =	ssyncset.done @!p2 $0x0;
	s19 =	sadd.s32 $0x80, s19  }
0x3c4: {  	p1 =	sne.s32 s20, $0x0;
	[sflag:s26] =	ssyncadd.s32 @!p2 $0xFFFFFF80  }
0x3c5: {  	v9 =	vld [tilespmem:s25+$0x0];
	_ =	sdelay $0x4  }
0x3c6: {  	(v2sf) =	vpush v9, $0x0;
	_ =	sdelay $0xe  }
0x3c7: {  	s6 =	spop (v2sf)  }
0x3c8: {  	s26 =	sand.u32 $0xFF, s6;
	s6 =	sshra.s32 s6, $0x4  }
0x3c9: {  	v9 =	vmov s26  }
0x3ca: {  	v10 =	vand.u32 $0x7F, v9;
	v9 =	vshll.u32 v9, $0x3  }
0x3cb: {  	v9 =	vand.u32 $0x400, v9  }
0x3cc: {  	v9 =	vor.u32 v10, v9  }
0x3cd: {  	v10 =	vadd.s32 v5, v9;
	_ =	sdelay $0x4  }
0x3ce: {  	v10 =	vld.idx.msk [tilespmem:v10+s2+$0x0], $0xffff  }
0x3cf: {  	v11 =	vadd.s32 v6, v9;
	_ =	sdelay $0x2  }
0x3d0: {  	s26 =	sand.u32 $0x780, s19;
	_ =	sdelay $0x1  }
0x3d1: {  	[tilespmem:s26+$0x1E180] =	vst v10  }
0x3d2: {  	v10 =	vld.idx.msk [tilespmem:v11+s2+$0x0], $0xffff  }
0x3d3: {  	v11 =	vadd.s32 v7, v9;
	_ =	sdelay $0x4  }
0x3d4: {  	[tilespmem:s26+$0x1E190] =	vst v10  }
0x3d5: {  	v10 =	vld.idx.msk [tilespmem:v11+s2+$0x0], $0xffff  }
0x3d6: {  	v9 =	vadd.s32 v8, v9;
	_ =	sdelay $0x4  }
0x3d7: {  	[tilespmem:s26+$0x1E1A0] =	vst v10  }
0x3d8: {  	v9 =	vld.idx.msk [tilespmem:v9+s2+$0x0], $0xffff;
	_ =	sdelay $0x3  }
.Ltmp52:
0x3d9: {  	s22 =	sadd.s32 $0x1, s22;
	s6 =	sand.u32 $0x1FFFFFF0, s6;
	(pc) =	sbr.rel @p1 .LBB2_65-.Ltmp52, $4  }
0x3da: {  	p2 =	slt.s32 s22, $0x10;
	s28 =	sadd.s32 $0x1E180, s26;
	s6 =	sadd.s32 s9, s6  }
0x3db: {  	[tilespmem:s26+$0x1E1B0] =	vst v9;
	s26 =	simm.s32 @!p2 $0x4  }
0x3dc: {  	[hbm4b:s6+s7] =	stream.linear.scatter [tilespmem:s28], [sflag:$0x4], $0x80, $0x38;
	[tilespmem:$0x1E980] =	vst v63  }
0x3dd: {  	s25 =	sadd.s32 $0x1, s25;
	_ =	swait.ge @!p2 [sflag:s26], $0x80  }
.LBB2_66:
0x3de: {  	[sflag:s26] =	ssyncset.done @!p2 $0x0  }
0x3df: {  	[sflag:s26] =	ssyncadd.s32 @!p2 $0xFFFFFF80  }
.LBB2_67:
0x3e0: {  	s6 =	sadd.s32 s15, s12  }
0x3e1: {  	s6 =	sshll.u32 s6, $0x8  }
0x3e2: {  	s6 =	smin.u32 s6, $0xF4180  }
0x3e3: {  	s25 =	simm.s32 $0x0;
	s6 =	sadd.s32 s4, s6  }
0x3e4: {  	[tilespmem:s2], [sflag:$0x2] =	stream.linear.gather [hbm4b:s6+s25], $0x800, $0x38;
	[tilespmem:$0x1E980] =	vst v63  }
0x3e5: {  	s20 =	simm.s32 $0x12D80;
	s19 =	sadd.s32 $0xF4280, s6  }
0x3e6: {  	[tilespmem:s20], [sflag:$0x2] =	stream.linear.gather [hbm4b:s19+s25], $0x800, $0x38;
	[tilespmem:$0x1E980] =	vst v63  }
0x3e7: {  	s30 =	simm.s32 $0x13980;
	s29 =	sadd.s32 $0x1E8500, s6  }
0x3e8: {  	[tilespmem:s30], [sflag:$0x2] =	stream.linear.gather [hbm4b:s29+s25], $0x800, $0x38;
	[tilespmem:$0x1E980] =	vst v63  }
0x3e9: {  	s28 =	simm.s32 $0x14580;
	s26 =	sadd.s32 $0x2DC780, s6  }
0x3ea: {  	[tilespmem:s28], [sflag:$0x2] =	stream.linear.gather [hbm4b:s26+s25], $0x800, $0x38;
	[tilespmem:$0x1E980] =	vst v63  }
0x3eb: {  	s29 =	sadd.s32 $0x3D0A00, s6;
	s30 =	simm.s32 $0x15180  }
0x3ec: {  	[tilespmem:s30], [sflag:$0x2] =	stream.linear.gather [hbm4b:s29+s25], $0x800, $0x38;
	[tilespmem:$0x1E980] =	vst v63  }
0x3ed: {  	s20 =	sadd.s32 $0x4C4C80, s6;
	s26 =	simm.s32 $0x15D80  }
0x3ee: {  	[tilespmem:s26], [sflag:$0x2] =	stream.linear.gather [hbm4b:s20+s25], $0x800, $0x38;
	[tilespmem:$0x1E980] =	vst v63  }
.Ltmp53:
0x3ef: {  	_ = 	snop;
	(pc) =	sbr.rel @p0 .LBB2_74-.Ltmp53, $4  }
0x3f0: {  	s28 =	sadd.s32 $0x5B8F00, s6;
	s29 =	simm.s32 $0x16980  }
0x3f1: {  	[tilespmem:s29], [sflag:$0x2] =	stream.linear.gather [hbm4b:s28+s25], $0x800, $0x38;
	[tilespmem:$0x1E980] =	vst v63  }
0x3f2: {  	s19 =	sadd.s32 s16, s12;
	s6 =	sadd.s32 $0x6AD180, s6;
	s30 =	simm.s32 $0x17580  }
0x3f3: {  	[tilespmem:s30], [sflag:$0x2] =	stream.linear.gather [hbm4b:s6+s25], $0x800, $0x38;
	[tilespmem:$0x1E980] =	vst v63  }
0x3f4: {  	p2 =	sne.s32 s10, $0x1  }
.Ltmp54:
0x3f5: {  	_ = 	snop;
	(pc) =	sbr.rel @!p2 .LBB2_69-.Ltmp54, $3  }
0x3f6: {  	_ =	sdelay $0x1  }
0x3f7: {  	s6 =	simm.s32 $0x4080  }
0x3f8: {  	v9 =	vmov s19;
	s20 =	simm.s32 $0x0;
	s25 =	sadd.s32 $0xFFFFFFFF, s10;
	p1 =	por $0x0, $0x0;
	v10 =	vld [tilespmem:s6+$0x0]  }
0x3f9: {  	_ =	sdelay $0x3  }
0x3fa: {  	vm0 =	veq.s32 v10, v9  }
0x3fb: {  	v10 =	vsel vm0, $0x1, v3  }
0x3fc: {  	(xrf0) =	vadd.scan.msk.s32 $0xffff, v10;
	_ =	sdelay $0x3  }
0x3fd: {  	v10 =	vmov s20  }
0x3fe: {  	v10 =	vadd.s32 $0xFFFFFFFF, v10  }
0x3ff: {  	v10 =	vbroadcast v10, $0x0;
	v11, _, _ =	vpop (xrf0)  }
0x400: {  	(v2sf) =	vpush v11, $0xF  }
0x401: {  	v12 =	vld [tilespmem:s20+$0x0];
	v10 =	vadd.s32 v11, v10  }
0x402: {  	p2 =	sne.s32 s25, $0x1  }
.Ltmp55:
0x403: {  	_ = 	snop;
	(pc) =	sbr.rel @!p2 .LBB2_71-.Ltmp55, $3  }
0x404: {  	_ =	sdelay $0x1  }
0x405: {  	s28 =	simm.s32 $0x4090;
	s29 =	sadd.s32 $0xFFFFFFFF, s25;
	[tilespmem:v10+s5+$0x0] =	vst.idx.msk vm0, v12  }
0x406: {  	p1 =	por $0x1, $0x1;
	s26 =	simm.s32 $0x0;
	s25 =	simm.s32 $0x0;
	v10 =	vld [tilespmem:s28+$0x0]  }
.LBB2_72:
0x407: {  	p2 =	sne.s32 s29, $0x1;
	_ =	sdelay $0x3  }
0x408: {  	vm0 =	veq.s32 v10, v9  }
0x409: {  	v10 =	vsel vm0, $0x1, v3  }
0x40a: {  	(xrf0) =	vadd.scan.msk.s32 $0xffff, v10  }
0x40b: {  	s6 =	spop (v2sf)  }
0x40c: {  	s26 =	sadd.s32 s26, s6  }
0x40d: {  	v10 =	vmov s26  }
0x40e: {  	v10 =	vadd.s32 $0xFFFFFFFF, v10  }
0x40f: {  	v10 =	vbroadcast v10, $0x0  }
0x410: {  	s25 =	sadd.s32 $0x10, s25;
	v11, _, _ =	vpop (xrf0)  }
0x411: {  	v10 =	vadd.s32 v11, v10;
	v12 =	vld [tilespmem:s25+$0x0];
	(v2sf) =	vpush v11, $0xF;
	_ =	sdelay $0x2  }
.Ltmp56:
0x412: {  	(pc) =	sbr.rel @p2 .LBB2_72-.Ltmp56, $4  }
0x413: {  	_ = 	snop  }
0x414: {  	[tilespmem:v10+s5+$0x0] =	vst.idx.msk vm0, v12  }
0x415: {  	s28 =	sadd.s32 $0x10, s28  }
0x416: {  	s29 =	sadd.s32 $0xFFFFFFFF, s29;
	v10 =	vld [tilespmem:s28+$0x0]  }
.LBB2_73:
0x417: {  	_ =	sdelay $0x3  }
0x418: {  	vm0 =	veq.s32 v10, v9  }
0x419: {  	v9 =	vsel vm0, $0x1, v3  }
0x41a: {  	(xrf0) =	vadd.scan.msk.s32 $0xffff, v9;
	_ =	sdelay $0x5  }
0x41b: {  	v9, _, _ =	vpop (xrf0)  }
0x41c: {  	(v2sf) =	vpush v9, $0xF;
	_ =	sdelay $0x3  }
0x41d: {  	s6 =	spop @p1 (v2sf)  }
0x41e: {  	s6 =	sadd.s32 @p1 s26, s6;
	s26 =	simm.s32 $0x0  }
0x41f: {  	s26 =	smov.u32 @p1 s6  }
0x420: {  	v10 =	vmov s26  }
0x421: {  	v10 =	vadd.s32 $0xFFFFFFFF, v10  }
0x422: {  	s6 =	sadd.s32 @p1 $0x10, s25;
	v10 =	vbroadcast v10, $0x0  }
0x423: {  	s20 =	smov.u32 @p1 s6  }
0x424: {  	v9 =	vadd.s32 v9, v10;
	v10 =	vld [tilespmem:s20+$0x0];
	_ =	sdelay $0x3  }
0x425: {  	s30 =	spop (v2sf)  }
0x426: {  	[tilespmem:v9+s5+$0x0] =	vst.idx.msk vm0, v10;
	s25 =	sadd.s32 s26, s30  }
.LBB2_74:
0x427: {  	p1 =	slt.s32 s25, $0x1  }
.Ltmp57:
0x428: {  	_ = 	snop;
	(pc) =	sbr.rel @p1 .LBB2_78-.Ltmp57, $4  }
0x429: {  	_ = 	snop  }
0x42a: {  	_ =	swait.ge [sflag:s1], $0x4000  }
0x42b: {  	[sflag:s1] =	ssyncset.done $0x0  }
0x42c: {  	[sflag:s1] =	ssyncadd.s32 $0xFFFFC000  }
0x42d: {  	s6 =	simm.s32 $0x8100  }
0x42e: {  	v9 =	vld [tilespmem:s6+$0x0];
	_ =	sdelay $0x4  }
0x42f: {  	(v2sf) =	vpush v9, $0x0;
	_ =	sdelay $0xd  }
0x430: {  	s26 =	sshll.u32 s19, $0x8  }
0x431: {  	s6 =	smax.u32 s26, $0xF4180;
	s26 =	spop (v2sf)  }
0x432: {  	s19 =	sadd.s32 $0xFFF0BE80, s6;
	s29 =	sand.u32 $0xFF, s26  }
0x433: {  	s6 =	sadd.s32 s29, s19  }
0x434: {  	v9 =	vmov s6  }
0x435: {  	v10 =	vshll.u32 v9, $0x3  }
0x436: {  	v9 =	vand.u32 $0x7F, v9;
	v10 =	vand.u32 $0xFFFFFC00, v10  }
0x437: {  	v9 =	vor.u32 v9, v10  }
0x438: {  	v10 =	vadd.s32 v5, v9;
	_ =	sdelay $0x4  }
0x439: {  	v10 =	vld.idx.msk [tilespmem:v10+s18+$0x0], $0xffff  }
0x43a: {  	v11 =	vadd.s32 v6, v9;
	_ =	sdelay $0x1  }
0x43b: {  	s20 =	sshll.u32 s22, $0x7  }
0x43c: {  	s30 =	sand.u32 $0x780, s20  }
0x43d: {  	[tilespmem:s30+$0x1E180] =	vst v10  }
0x43e: {  	v10 =	vld.idx.msk [tilespmem:v11+s18+$0x0], $0xffff  }
0x43f: {  	v11 =	vadd.s32 v7, v9;
	_ =	sdelay $0x3  }
0x440: {  	[tilespmem:s30+$0x1E190] =	vst v10  }
0x441: {  	v10 =	vld.idx.msk [tilespmem:v11+s18+$0x0], $0xffff  }
0x442: {  	v9 =	vadd.s32 v8, v9;
	_ =	sdelay $0x3  }
0x443: {  	[tilespmem:s30+$0x1E1A0] =	vst v10  }
0x444: {  	v9 =	vld.idx.msk [tilespmem:v9+s18+$0x0], $0xffff;
	_ =	sdelay $0x1  }
0x445: {  	s25 =	sadd.s32 $0xFFFFFFFF, s25  }
0x446: {  	p1 =	sne.s32 s25, $0x0;
	s26 =	sshra.s32 s26, $0x4  }
.Ltmp58:
0x447: {  	s22 =	sadd.s32 $0x1, s22;
	s26 =	sand.u32 $0x1FFFFFF0, s26;
	(pc) =	sbr.rel @!p1 .LBB2_77-.Ltmp58, $4  }
0x448: {  	p2 =	slt.s32 s22, $0x10;
	s28 =	sadd.s32 $0x1E180, s30;
	s26 =	sadd.s32 s9, s26;
	[tilespmem:s30+$0x1E1B0] =	vst v9  }
0x449: {  	[hbm4b:s26+s7] =	stream.linear.scatter [tilespmem:s28], [sflag:$0x4], $0x80, $0x38;
	[tilespmem:$0x1E980] =	vst v63  }
0x44a: {  	s28 =	simm.s32 @!p2 $0x4  }
0x44b: {  	s26 =	simm.s32 $0x8101;
	_ =	swait.ge @!p2 [sflag:s28], $0x80  }
.LBB2_76:
0x44c: {  	s25 =	sadd.s32 $0xFFFFFFFF, s25;
	[sflag:s28] =	ssyncset.done @!p2 $0x0;
	s20 =	sadd.s32 $0x80, s20  }
0x44d: {  	p1 =	sne.s32 s25, $0x0;
	[sflag:s28] =	ssyncadd.s32 @!p2 $0xFFFFFF80  }
0x44e: {  	v9 =	vld [tilespmem:s26+$0x0];
	_ =	sdelay $0x4  }
0x44f: {  	(v2sf) =	vpush v9, $0x0;
	_ =	sdelay $0xe  }
0x450: {  	s6 =	spop (v2sf)  }
0x451: {  	s28 =	sand.u32 $0xFF, s6;
	s6 =	sshra.s32 s6, $0x4  }
0x452: {  	s28 =	sadd.s32 s28, s19  }
0x453: {  	v9 =	vmov s28  }
0x454: {  	v10 =	vand.u32 $0x7F, v9;
	v9 =	vshll.u32 v9, $0x3  }
0x455: {  	v9 =	vand.u32 $0xFFFFFC00, v9  }
0x456: {  	v9 =	vor.u32 v10, v9  }
0x457: {  	v10 =	vadd.s32 v5, v9;
	_ =	sdelay $0x4  }
0x458: {  	v10 =	vld.idx.msk [tilespmem:v10+s18+$0x0], $0xffff  }
0x459: {  	v11 =	vadd.s32 v6, v9;
	_ =	sdelay $0x2  }
0x45a: {  	s28 =	sand.u32 $0x780, s20;
	_ =	sdelay $0x1  }
0x45b: {  	[tilespmem:s28+$0x1E180] =	vst v10  }
0x45c: {  	v10 =	vld.idx.msk [tilespmem:v11+s18+$0x0], $0xffff  }
0x45d: {  	v11 =	vadd.s32 v7, v9;
	_ =	sdelay $0x4  }
0x45e: {  	[tilespmem:s28+$0x1E190] =	vst v10  }
0x45f: {  	v10 =	vld.idx.msk [tilespmem:v11+s18+$0x0], $0xffff  }
0x460: {  	v9 =	vadd.s32 v8, v9;
	_ =	sdelay $0x4  }
0x461: {  	[tilespmem:s28+$0x1E1A0] =	vst v10  }
0x462: {  	v9 =	vld.idx.msk [tilespmem:v9+s18+$0x0], $0xffff;
	_ =	sdelay $0x3  }
.Ltmp59:
0x463: {  	s22 =	sadd.s32 $0x1, s22;
	s6 =	sand.u32 $0x1FFFFFF0, s6;
	(pc) =	sbr.rel @p1 .LBB2_76-.Ltmp59, $4  }
0x464: {  	p2 =	slt.s32 s22, $0x10;
	s6 =	sadd.s32 s9, s6;
	s29 =	sadd.s32 $0x1E180, s28  }
0x465: {  	[tilespmem:s28+$0x1E1B0] =	vst v9;
	s28 =	simm.s32 @!p2 $0x4  }
0x466: {  	[hbm4b:s6+s7] =	stream.linear.scatter [tilespmem:s29], [sflag:$0x4], $0x80, $0x38;
	[tilespmem:$0x1E980] =	vst v63  }
0x467: {  	s26 =	sadd.s32 $0x1, s26;
	_ =	swait.ge @!p2 [sflag:s28], $0x80  }
.Ltmp60:
0x468: {  	_ = 	snop;
	(pc) =	sbr.rel .LBB2_77-.Ltmp60, $1  }
0x469: {  	_ =	sdelay $0x3  }
.LBB2_47:
.Ltmp61:
0x46a: {  	(pc) =	sbr.rel .LBB2_51-.Ltmp61, $2  }
0x46b: {  	_ =	sdelay $0x2  }
0x46c: {  	s25 =	simm.s32 $0x0;
	s20 =	simm.s32 $0x0  }
.LBB2_58:
.Ltmp62:
0x46d: {  	(pc) =	sbr.rel .LBB2_62-.Ltmp62, $2  }
0x46e: {  	_ =	sdelay $0x2  }
0x46f: {  	s25 =	simm.s32 $0x0;
	s20 =	simm.s32 $0x0  }
.LBB2_69:
.Ltmp63:
0x470: {  	(pc) =	sbr.rel .LBB2_73-.Ltmp63, $2  }
0x471: {  	_ =	sdelay $0x2  }
0x472: {  	s26 =	simm.s32 $0x0;
	s25 =	simm.s32 $0x0  }
.LBB2_49:
.Ltmp64:
0x473: {  	(pc) =	sbr.rel .LBB2_51-.Ltmp64, $2  }
0x474: {  	_ =	sdelay $0x2  }
0x475: {  	s25 =	simm.s32 $0x0;
	s20 =	simm.s32 $0x0  }
.LBB2_60:
.Ltmp65:
0x476: {  	(pc) =	sbr.rel .LBB2_62-.Ltmp65, $2  }
0x477: {  	_ =	sdelay $0x2  }
0x478: {  	s25 =	simm.s32 $0x0;
	s20 =	simm.s32 $0x0  }
.LBB2_71:
.Ltmp66:
0x479: {  	(pc) =	sbr.rel .LBB2_73-.Ltmp66, $2  }
0x47a: {  	_ =	sdelay $0x2  }
0x47b: {  	s26 =	simm.s32 $0x0;
	s25 =	simm.s32 $0x0  }
.LBB2_79:
0x47c: {  	_ =	swait.ge [sflag:s31], $0x4000  }
0x47d: {  	[sflag:s31] =	ssyncset.done $0x0  }
0x47e: {  	[sflag:s31] =	ssyncadd.s32 $0xFFFFC000  }
0x47f: {  	p0 =	slt.s32 s22, $0x1;
	_ =	swait.ge [sflag:s0], $0x4000  }
.Ltmp67:
0x480: {  	[sflag:s0] =	ssyncset.done $0x0;
	(pc) =	sbr.rel @p0 .LBB2_83-.Ltmp67, $4  }
0x481: {  	[sflag:s0] =	ssyncadd.s32 $0xFFFFC000  }
0x482: {  	_ =	swait.ge [sflag:s1], $0x4000  }
0x483: {  	[sflag:s1] =	ssyncset.done $0x0  }
0x484: {  	s10 =	rddreg [dreg:$0xe];
	[sflag:s1] =	ssyncadd.s32 $0xFFFFC000  }
0x485: {  	p0 =	slt.s32 s22, $0xF  }
0x486: {  	s22 =	simm.s32 @!p0 $0xF  }
0x487: {  	p0 =	sne.s32 s22, $0x1  }
.Ltmp68:
0x488: {  	_ = 	snop;
	(pc) =	sbr.rel @!p0 .LBB2_82-.Ltmp68, $3  }
0x489: {  	_ =	sdelay $0x1  }
0x48a: {  	_ =	swait.ge [sflag:s21], $0x80  }
0x48b: {  	[sflag:s21] =	ssyncset.done $0x0;
	s10 =	sadd.s32 $0xFFFFFFFF, s22  }
.LBB2_81:
0x48c: {  	p0 =	sne.s32 s10, $0x1;
	s10 =	sadd.s32 $0xFFFFFFFF, s10;
	[sflag:s21] =	ssyncadd.s32 $0xFFFFFF80  }
.Ltmp69:
0x48d: {  	(pc) =	sbr.rel @p0 .LBB2_81-.Ltmp69, $3  }
0x48e: {  	_ =	sdelay $0x1  }
0x48f: {  	_ =	swait.ge [sflag:s21], $0x80  }
0x490: {  	[sflag:s21] =	ssyncset.done $0x0  }
.Ltmp70:
0x491: {  	_ = 	snop;
	(pc) =	sbr.rel .LBB2_82-.Ltmp70, $1  }
0x492: {  	_ =	sdelay $0x3  }
.LBB2_84:
0x493: {  	_ =	sfence.sel $0x180000  }
0x494: {  	[bflag:$0x0] =	sbarrier.arrive $0xFFFF  }
0x495: {  	_ =	strace $0x90000047  }
0x496: {  	s0 =	stileid.u32;
	[bflag:$0x2] =	sbarrier.arrive $0xFFFF  }
0x497: {  	p0 =	sne.s32 s0, $0x0;
	s0 =	rddreg [dreg:$0x5]  }
0x498: {  	s0 =	sadd.s32 @!p0 $0x100000, s0  }
0x499: {  	[sflag:s0] =	ssyncadd.tile.s32 @!p0 $0x1;
	_ =	shalt  }
.Lfunc_end2:
_tile_overlayer_lowered:
.L_overlay_start_2:
0x49a: {  	(tag) =	ssettag $0x2  }
0x49b: {  	s0 =	rddreg [dreg:$0x0];
	s2 =	stileid.u32  }
0x49c: {  	s1 =	rddreg [dreg:$0x1];
	p0 =	sne.s32 s2, $0x0  }
0x49d: {  	s3 =	rddreg [dreg:$0x2];
	[bflag:$0x3] =	sbarrier.arrive $0xFFFF;
	s2 =	simm.s32 @!p0 $0x1C05  }
0x49e: {  	[timem:s3], [sflag:s2] =	dma.local @!p0 [hbm:s0], s1  }
0x49f: {  	s0 =	simm.s32 @!p0 $0x5  }
0x4a0: {  	_ =	swait.ge @!p0 [sflag:s0], s1  }
0x4a1: {  	s1 =	ssub.s32 @!p0 $0x0, s1;
	[sflag:s0] =	ssyncset.done @!p0 $0x0  }
0x4a2: {  	[sflag:s0] =	ssyncadd.s32 @!p0 s1  }
0x4a3: {  	[bflag:$0x3] =	sbarrier.arrive $0xFFFF  }
0x4a4: {  	_ =	shalt  }

// kernel: kernel.7.cloned.1.call-start
scs
__scs_entry_jumppad:
0x0: {  	(pc) =	sbr.rel $0x88, $3  }
0x1: {  	(tag) =	ssettag $0x0;
	lr =	simm.s32 $0x1  }
0x2: {  	[smem:$0x3F9C] =	sst lr;
	_ =	strace $0xD0000000  }
0x3: {  	_ = 	snop  }
0x4: {  	_ = 	snop  }
0x5: {  	_ = 	snop  }
0x6: {  	_ = 	snop  }
0x7: {  	_ = 	snop  }
__scs_overlays_trampoline_lowered:
0x8: {  	[smem:$0x3FAB] =	sst s0  }
0x9: {  	[smem:$0x3FAC] =	sst s1  }
0xa: {  	[smem:$0x3FAD] =	sst s2  }
0xb: {  	[smem:$0x3FAE] =	sst s3  }
0xc: {  	[smem:$0x3FAF] =	sst s4  }
0xd: {  	[smem:$0x3FB0] =	sst s5  }
0xe: {  	[smem:$0x3FB1] =	sst s6  }
0xf: {  	[smem:$0x3FB2] =	sst s7  }
0x10: {  	[smem:$0x3FB3] =	sst s8  }
0x11: {  	[smem:$0x3FB4] =	sst s9;
	s0 =	simm.s32 @!p0 $0x0  }
0x12: {  	s1 =	sld [smem:$0x3F9A];
	s0 =	simm.s32 @p0 $0x1  }
0x13: {  	[smem:$0x3FB5] =	sst s0;
	s0 =	simm.s32 @!p1 $0x0  }
0x14: {  	s2 =	sld [smem:$0x3F99];
	s0 =	simm.s32 @p1 $0x1  }
0x15: {  	[smem:$0x3FB6] =	sst s0;
	s0 =	simm.s32 @!p2 $0x0  }
0x16: {  	s3 =	sld [smem:$0x3FDB];
	s0 =	simm.s32 @p2 $0x1  }
0x17: {  	s4 =	simm.s32 $0x1BF5;
	[smem:$0x3FB8] =	sst s0  }
0x18: {  	s0 =	sld [smem:$0x3F9B];
	_ =	swait.ge [sflag:s4], $0x0  }
0x19: {  	s7 =	sld [smem:$0x3F9C]  }
0x1a: {  	s8 =	sadd.s32 $0xFFFFE003, lr  }
0x1b: {  	s9 =	sadd.s32 $0xFFFFFEF7, lr;
	s5 =	simm.s32 $0xFFFFFFFF;
	p2 =	slt.u32 s8, $0xFFFFF086  }
0x1c: {  	p1 =	slt.u32 s9, $0xF7A;
	s5 =	simm.s32 @!p2 $0x0  }
0x1d: {  	s5 =	simm.s32 @p1 $0x1;
	p0 =	seq.s32 s7, s2  }
0x1e: {  	s7 =	smul.u32 @!p0 $0xF7A, s2;
	p2 =	seq.s32 @!p0 s5, $0x0  }
0x1f: {  	s9 =	smul.u32 $0xF7A, s1;
	s8 =	simm.s32 @!p0 $0x1BF5;
	p2 =	por !p2, p0  }
0x20: {  	[sflag:s8] =	ssyncset.s32 @!p0 $0xFFFFF086;
	s6 =	sadd.s32 @!p0 s3, s7;
	s7 =	simm.s32 @!p0 $0x108  }
0x21: {  	s3 =	sadd.s32 s3, s9;
	s6 =	sadd.s32 @!p0 $0x88, s6;
	s7 =	simm.s32 @p2 $0x1082  }
0x22: {  	[simem:s7], [sflag:s8] =	dma.local @!p0 [hbm:s6], $0xF7A  }
0x23: {  	s9 =	sor.u32 $0xD0000000, s2;
	s6 =	simm.s32 $0x108;
	_ =	swait.ge @!p0 [sflag:s8], $0x0  }
0x24: {  	s3 =	sadd.s32 $0x88, s3;
	s6 =	simm.s32 @!p1 $0x1082;
	[sflag:s4] =	ssyncset.s32 $0xFFFFF086  }
0x25: {  	[simem:s6], [sflag:s4] =	dma.local [hbm:s3], $0xF7A  }
0x26: {  	[smem:$0x3F9C] =	sst s1;
	(tag) =	ssettag s2;
	_ =	strace s9  }
0x27: {  	s1 =	sld [smem:$0x3FAC]  }
0x28: {  	s2 =	sld [smem:$0x3FAD]  }
0x29: {  	s4 =	sld [smem:$0x3FAF]  }
0x2a: {  	p0 =	seq.s32 s5, $0x0;
	s5 =	sld [smem:$0x3FB0]  }
0x2b: {  	s6 =	sld [smem:$0x3FB1]  }
0x2c: {  	s7 =	sld [smem:$0x3FB2]  }
0x2d: {  	s3 =	simm.s32 $0x108;
	s8 =	sld [smem:$0x3FB3]  }
0x2e: {  	s3 =	simm.s32 @!p0 $0x1082;
	s9 =	sld [smem:$0x3FB4]  }
0x2f: {  	lr =	sadd.s32 s0, s3;
	s0 =	sld [smem:$0x3FAB]  }
0x30: {  	s3 =	sld [smem:$0x3FAE]  }
0x31: {  	[smem:$0x3FB7] =	sst s10  }
0x32: {  	s10 =	sld [smem:$0x3FB5];
	_ =	sdelay $0x3  }
0x33: {  	p0 =	seq.s32 s10, $0x1;
	s10 =	sld [smem:$0x3FB7];
	_ =	sdelay $0x3  }
0x34: {  	[smem:$0x3FB7] =	sst s10  }
0x35: {  	s10 =	sld [smem:$0x3FB6];
	_ =	sdelay $0x3  }
0x36: {  	p1 =	seq.s32 s10, $0x1;
	s10 =	sld [smem:$0x3FB7];
	_ =	sdelay $0x3  }
0x37: {  	[smem:$0x3FB7] =	sst s10  }
0x38: {  	s10 =	sld [smem:$0x3FB8]  }
0x39: {  	_ = 	snop;
	(pc) =	sbr.ind lr, $3  }
0x3a: {  	_ = 	snop  }
0x3b: {  	_ = 	snop  }
0x3c: {  	p2 =	seq.s32 s10, $0x1;
	s10 =	sld [smem:$0x3FB7]  }
0x3d: {  	_ =	shalt  }
0x3e: {  	_ =	shalt  }
0x3f: {  	_ =	shalt  }
0x40: {  	_ =	shalt  }
0x41: {  	_ =	shalt  }
0x42: {  	_ =	shalt  }
0x43: {  	_ =	shalt  }
0x44: {  	_ =	shalt  }
0x45: {  	_ =	shalt  }
0x46: {  	_ =	shalt  }
0x47: {  	_ =	shalt  }
0x48: {  	_ =	shalt  }
0x49: {  	_ =	shalt  }
0x4a: {  	_ =	shalt  }
0x4b: {  	_ =	shalt  }
0x4c: {  	_ =	shalt  }
0x4d: {  	_ =	shalt  }
0x4e: {  	_ =	shalt  }
0x4f: {  	_ =	shalt  }
0x50: {  	_ =	shalt  }
0x51: {  	_ =	shalt  }
0x52: {  	_ =	shalt  }
0x53: {  	_ =	shalt  }
0x54: {  	_ =	shalt  }
0x55: {  	_ =	shalt  }
0x56: {  	_ =	shalt  }
0x57: {  	_ =	shalt  }
0x58: {  	_ =	shalt  }
0x59: {  	_ =	shalt  }
0x5a: {  	_ =	shalt  }
0x5b: {  	_ =	shalt  }
0x5c: {  	_ =	shalt  }
0x5d: {  	_ =	shalt  }
0x5e: {  	_ =	shalt  }
0x5f: {  	_ =	shalt  }
0x60: {  	_ =	shalt  }
0x61: {  	_ =	shalt  }
0x62: {  	_ =	shalt  }
0x63: {  	_ =	shalt  }
0x64: {  	_ =	shalt  }
0x65: {  	_ =	shalt  }
0x66: {  	_ =	shalt  }
0x67: {  	_ =	shalt  }
0x68: {  	_ =	shalt  }
0x69: {  	_ =	shalt  }
0x6a: {  	_ =	shalt  }
0x6b: {  	_ =	shalt  }
0x6c: {  	_ =	shalt  }
0x6d: {  	_ =	shalt  }
0x6e: {  	_ =	shalt  }
0x6f: {  	_ =	shalt  }
0x70: {  	_ =	shalt  }
0x71: {  	_ =	shalt  }
0x72: {  	_ =	shalt  }
0x73: {  	_ =	shalt  }
0x74: {  	_ =	shalt  }
0x75: {  	_ =	shalt  }
0x76: {  	_ =	shalt  }
0x77: {  	_ =	shalt  }
0x78: {  	_ =	shalt  }
0x79: {  	_ =	shalt  }
0x7a: {  	_ =	shalt  }
0x7b: {  	_ =	shalt  }
0x7c: {  	_ =	shalt  }
0x7d: {  	_ =	shalt  }
0x7e: {  	_ =	shalt  }
0x7f: {  	_ =	shalt  }
0x80: {  	_ =	shalt  }
0x81: {  	_ =	shalt  }
0x82: {  	_ =	shalt  }
0x83: {  	_ =	shalt  }
0x84: {  	_ =	shalt  }
0x85: {  	_ =	shalt  }
0x86: {  	_ =	shalt  }
0x87: {  	_ =	shalt  }
.Lfunc_end0:
.L_simem_size_0:
called_computation.1_lowered:
.L_overlay_start_0:
0x88: {  	s2 =	sld [smem:$0x3FD9]  }
0x89: {  	s3 =	sld [smem:$0x3FFE];
	_ =	sdelay $0x1  }
0x8a: {  	s1 =	srdreg.scid  }
0x8b: {  	s0 =	sand.u32 $0x1, s1  }
0x8c: {  	s17 =	sshll.u32 s0, $0xA;
	s2 =	sadd.s32 s3, s2  }
0x8d: {  	s2 =	sadd.s32 s2, s17  }
0x8e: {  	[smem:$0x3FC3] =	sst s2  }
0x8f: {  	_ = 	snop  }
0x90: {  	s2 =	sld [smem:$0x3FC5]  }
0x91: {  	s18 =	sld [smem:$0x3FD0];
	(tm) =	ssettm $0x1  }
0x92: {  	s4 =	sld [smem:$0x3FFB];
	_ =	sdelay $0x3  }
0x93: {  	_ =	strace s4  }
0x94: {  	s4 =	sld [smem:$0x3FFC];
	_ =	sdelay $0x3  }
0x95: {  	_ =	strace s4  }
0x96: {  	s4 =	sld [smem:$0x3FFD];
	_ =	sdelay $0x3  }
0x97: {  	_ =	strace s4  }
0x98: {  	_ =	strace $0x8FFFFFFF  }
0x99: {  	s19 =	sld [smem:$0x3FDB];
	_ =	sdelay $0x1  }
0x9a: {  	s5 =	simm.s32 $_scs_section_size  }
0x9b: {  	s6 =	simm.s32 $_size__tile_overlayer_lowered;
	s7 =	simm.s32 $_tile_overlayer_lowered  }
0x9c: {  	s22 =	simm.s32 $0x1BFF;
	s21 =	sshll.u32 s7, $0x1;
	s4 =	sadd.s32 s5, s19  }
0x9d: {  	s8 =	simm.s32 $0x0;
	s20 =	sshll.u32 s6, $0x1;
	s6 =	sadd.s32 s21, s4  }
0x9e: {  	[timem:s8], [sflag:s22] =	dma.local [hbm:s6], s20  }
0x9f: {  	_ =	swait.ge [sflag:s22], s20  }
0xa0: {  	s5 =	ssub.s32 $0x0, s20;
	[sflag:s22] =	ssyncset.done $0x0  }
0xa1: {  	[sflag:s22] =	ssyncadd.s32 s5;
	_ =	sdelay $0x1  }
0xa2: {  	s23 =	simm.s32 $0x1B8B  }
0xa3: {  	_ =	swait.ge [sflag:s23], $0x1  }
0xa4: {  	[sflag:s23] =	ssyncset.done $0x0  }
0xa5: {  	s25 =	simm.s32 $0x1B8E;
	s24 =	sld [smem:$0x3FFE];
	[sflag:s23] =	ssyncadd.s32 $0xFFFFFFFF  }
0xa6: {  	s26 =	simm.s32 $execute0_lowered;
	[smem:$0x3FD2] =	sst s25  }
0xa7: {  	s6 =	sshll.u32 s26, $0x1;
	_ =	strace $0x80000049;
	[dreg:$0x1] =	wrdreg $0xFFFFFFFF  }
0xa8: {  	s28 =	simm.s32 $_size_execute0_lowered;
	s4 =	sadd.s32 s4, s6;
	[dreg:$0x0] =	wrdreg $0x0  }
0xa9: {  	s6 =	sshll.u32 s28, $0x1;
	[dreg:$0x2] =	wrdreg s4  }
0xaa: {  	[dreg:$0x3] =	wrdreg s6  }
0xab: {  	[dreg:$0x4] =	wrdreg $0xC0  }
0xac: {  	_ =	task [dreg:s8], $0x5FFFF  }
0xad: {  	[dreg:$0x1] =	wrdreg $0xFFFFFFFF  }
0xae: {  	[dreg:$0x0] =	wrdreg $0x60  }
0xaf: {  	[dreg:$0x2] =	wrdreg s24  }
0xb0: {  	[dreg:$0x3] =	wrdreg s2  }
0xb1: {  	[dreg:$0x4] =	wrdreg s18  }
0xb2: {  	[dreg:$0x5] =	wrdreg $0x9  }
0xb3: {  	_ =	task.clear_ibuf [dreg:s8], $0x6FFFF;
	_ =	strace $0x90000049  }
0xb4: {  	s29 =	simm.s32 $0x9;
	_ =	strace $0x8000004B  }
0xb5: {  	_ =	swait.ge [sflag:s29], $0x1  }
0xb6: {  	[sflag:s29] =	ssyncadd.s32 $0xFFFFFFFF  }
0xb7: {  	_ =	strace $0x9000004B  }
0xb8: {  	_ =	sfence  }
0xb9: {  	s30 =	sld [smem:$0x0];
	_ =	sdelay $0x2  }
0xba: {  	s31 =	sshll.u32 s1, $0xD;
	s1 =	sshrl.u32 s1, $0x2  }
0xbb: {  	s3 =	sand.u32 $0x4000, s31;
	s1 =	sadd.s32 s1, s30  }
0xbc: {  	s0 =	sor.u32 s3, s0;
	s1 =	sshll.u32 s1, $0x11  }
0xbd: {  	s0 =	sor.u32 s1, s0  }
0xbe: {  	s0 =	sadd.s32 $0x8F2B, s0  }
0xbf: {  	[sflag:s0] =	ssyncadd.remote.s32 $0x1  }
0xc0: {  	_ =	sfence.sel $0xFFFF  }
0xc1: {  	[dreg:$0x0] =	wrdreg $0xFFFFFFFF;
	(pc) =	sbr.abs _section_cstart, $3  }
0xc2: {  	[dreg:$0x1] =	wrdreg $0xFFFFFFFF  }
0xc3: {  	_ =	task.clear_ibuf [dreg:s8], $0x2FFFF;
	_ =	strace $0x9FFFFFFF  }
0xc4: {  	(tm) =	ssettm $0x7FFFFFFF  }
0xc5: {  	_ =	shalt  }
tec
execute0_lowered:
.L_overlay_start_1:
0x0: {  	(tag) =	ssettag $0x1  }
0x1: {  	s4 =	rddreg [dreg:$0x0]  }
0x2: {  	s2 =	rddreg [dreg:$0x1];
	s0 =	srdreg.scid  }
0x3: {  	s6 =	rddreg [dreg:$0x2];
	s1 =	stileid.u32;
	s3 =	simm.s32 $0x0  }
0x4: {  	s10 =	simm.s32 $0x10000;
	s11 =	simm.s32 $0x2;
	s12 =	simm.s32 $0x1  }
0x5: {  	s13 =	simm.s32 $0x10040;
	s14 =	simm.s32 $0x0;
	s5 =	sand.u32 $0x1, s0  }
0x6: {  	s0 =	rddreg [dreg:$0x3];
	s7 =	sshll.u32 s1, $0xA;
	s8 =	sshll.u32 s5, $0x9  }
0x7: {  	[smem:$0x7FF] =	sst s3;
	s5 =	ssub.s32 $0x2, s5;
	s7 =	sor.u32 s8, s7  }
0x8: {  	_ =	strace $0x8000004A;
	s9 =	sshrl.u32 s5, $0x1;
	s8 =	sshll.u32 s7, $0x4  }
0x9: {  	s9 =	ssub.s32 s5, s9;
	s7 =	sshrl.u32 s7, $0x3;
	s8 =	sadd.s32 s8, s4  }
0xa: {  	s6 =	sadd.s32 s6, s7;
	s7 =	smax.u32 s9, $0x1;
	s9 =	simm.s32 $0x8000  }
0xb: {  	s4 =	sadd.s32 $0xC00, s8;
	s5 =	sadd.s32 $0x40C00, s8;
	s8 =	simm.s32 $0x40  }
.LBB2_1:
0xc: {  	s15 =	simm.s32 $0x80  }
0xd: {  	[tilespmem:s3], [sflag:$0x1] =	stream.strided.gather [hbm4b:s4+s8], $0x8000, s15, s8, $0x38;
	[tilespmem:$0x10240] =	vst v63  }
0xe: {  	_ = 	snop  }
0xf: {  	[tilespmem:s9], [sflag:$0x1] =	stream.strided.gather [hbm4b:s5+s8], $0x8000, s15, s8, $0x38;
	[tilespmem:$0x10240] =	vst v63  }
0x10: {  	_ = 	snop  }
0x11: {  	[tilespmem:s10], [sflag:$0x2] =	stream.linear.gather [hbm4b:s2+s3], $0x40, $0x38;
	[tilespmem:$0x10240] =	vst v63  }
0x12: {  	_ =	swait.ge [sflag:s11], $0x40  }
0x13: {  	[sflag:s11] =	ssyncset.done $0x0  }
0x14: {  	[sflag:s11] =	ssyncadd.s32 $0xFFFFFFC0  }
0x15: {  	_ =	swait.ge [sflag:s12], $0x8000  }
0x16: {  	[sflag:s12] =	ssyncset.done $0x0  }
0x17: {  	[sflag:s12] =	ssyncadd.s32 $0xFFFF8000  }
0x18: {  	_ =	swait.ge [sflag:s12], $0x8000  }
0x19: {  	[sflag:s12] =	ssyncset.done $0x0  }
0x1a: {  	[sflag:s12] =	ssyncadd.s32 $0xFFFF8000  }
0x1b: {  	v0 =	vld [tilespmem:$0x10000]  }
0x1c: {  	v1 =	vld [tilespmem:$0x10010]  }
0x1d: {  	v3 =	vld [tilespmem:s15+$0xFFFFFF80]  }
0x1e: {  	s17 =	simm.s32 $0x8080;
	v4 =	vld [tilespmem:s15+$0xFFFFFF90]  }
0x1f: {  	v5 =	vld [tilespmem:s17+$0xFFFFFF90]  }
0x20: {  	v6 =	vld [tilespmem:s17+$0xFFFFFF80]  }
0x21: {  	v7 =	vld [tilespmem:s17+$0xFFFFFFA0]  }
0x22: {  	v8 =	vld [tilespmem:s15+$0xFFFFFFA0]  }
0x23: {  	v2 =	vld [tilespmem:$0x10020]  }
0x24: {  	v9 =	vld [tilespmem:s17+$0xFFFFFFB0]  }
0x25: {  	v4 =	vmul.f32 v5, v4;
	v5 =	vld [tilespmem:s15+$0xFFFFFFB0]  }
0x26: {  	v6 =	vmul.f32 v6, v3  }
0x27: {  	v3 =	vld [tilespmem:$0x10030];
	v7 =	vmul.f32 v7, v8  }
0x28: {  	v4 =	vmul.f32 v4, v1;
	v6 =	vmul.f32 v6, v0;
	_ =	sdelay $0x1  }
0x29: {  	v44 =	vmul.f32 v7, v2;
	v4 =	vadd.f32 v4, v6;
	v5 =	vmul.f32 v9, v5;
	_ =	sdelay $0x1  }
0x2a: {  	v4 =	vadd.f32 v44, v4;
	v5 =	vmul.f32 v5, v3;
	_ =	sdelay $0x1  }
0x2b: {  	v4 =	vadd.f32 v5, v4;
	_ =	sdelay $0x1  }
0x2c: {  	(xrf2) =	vadd.scan.msk.f32 $0xffff, v4;
	_ =	sdelay $0x6  }
0x2d: {  	v4 =	vmov s3  }
0x2e: {  	v4 =	vand.u32 $0xFFFFFFFC, v4  }
0x2f: {  	v4 =	vbroadcast v4, $0x0  }
0x30: {  	v5, _, _ =	vpop (xrf2)  }
0x31: {  	v5 =	vadd.f32 $0.0e+00, v5;
	_ =	sdelay $0x1  }
0x32: {  	v5 =	vbroadcast v5, $0xF;
	_ =	sdelay $0x1  }
0x33: {  	[tilespmem:v4+s13+$0x0] =	vst.idx.msk $0x1, v5  }
0x34: {  	v4 =	vld [tilespmem:s17+$0xFFFFFFE0]  }
0x35: {  	v5 =	vld [tilespmem:s15+$0xFFFFFFC0]  }
0x36: {  	v45 =	vld [tilespmem:s17+$0xFFFFFFD0]  }
0x37: {  	v46 =	vld [tilespmem:s15+$0xFFFFFFD0]  }
0x38: {  	v47 =	vld [tilespmem:s17+$0xFFFFFFC0]  }
0x39: {  	v48 =	vld [tilespmem:s15+$0xFFFFFFE0];
	_ =	sdelay $0x1  }
0x3a: {  	v10 =	vld [tilespmem:s17+$0xFFFFFFF0]  }
0x3b: {  	v11 =	vld [tilespmem:s15+$0xFFFFFFF0]  }
0x3c: {  	v6 =	vmul.f32 v45, v46;
	v5 =	vmul.f32 v47, v5  }
0x3d: {  	v4 =	vmul.f32 v4, v48  }
0x3e: {  	v5 =	vmul.f32 v5, v0;
	v6 =	vmul.f32 v6, v1;
	_ =	sdelay $0x1  }
0x3f: {  	v49 =	vmul.f32 v10, v11;
	v4 =	vmul.f32 v4, v2;
	v5 =	vadd.f32 v6, v5;
	_ =	sdelay $0x1  }
0x40: {  	v4 =	vadd.f32 v4, v5;
	v5 =	vmul.f32 v49, v3;
	_ =	sdelay $0x1  }
0x41: {  	v4 =	vadd.f32 v5, v4;
	_ =	sdelay $0x1  }
0x42: {  	(xrf2) =	vadd.scan.msk.f32 $0xffff, v4;
	_ =	sdelay $0x5  }
0x43: {  	s16 =	simm.s32 $0x1  }
0x44: {  	v4 =	vmov s16  }
0x45: {  	v4 =	vand.u32 $0xFFFFFFFD, v4  }
0x46: {  	v4 =	vbroadcast v4, $0x0  }
0x47: {  	v5, _, _ =	vpop (xrf2)  }
0x48: {  	v5 =	vadd.f32 $0.0e+00, v5;
	_ =	sdelay $0x1  }
0x49: {  	v5 =	vbroadcast v5, $0xF;
	_ =	sdelay $0x1  }
0x4a: {  	[tilespmem:v4+s13+$0x0] =	vst.idx.msk $0x1, v5  }
0x4b: {  	v4 =	vld [tilespmem:s15+$0x0]  }
0x4c: {  	v5 =	vld [tilespmem:s17+$0x0]  }
0x4d: {  	v50 =	vld [tilespmem:s17+$0x10]  }
0x4e: {  	v51 =	vld [tilespmem:s15+$0x10]  }
0x4f: {  	v52 =	vld [tilespmem:s17+$0x20]  }
0x50: {  	v53 =	vld [tilespmem:s15+$0x20];
	_ =	sdelay $0x1  }
0x51: {  	v54 =	vld [tilespmem:s17+$0x30]  }
0x52: {  	v4 =	vmul.f32 v5, v4;
	v5 =	vld [tilespmem:s15+$0x30]  }
0x53: {  	v6 =	vmul.f32 v50, v51  }
0x54: {  	v55 =	vmul.f32 v52, v53  }
0x55: {  	v4 =	vmul.f32 v4, v0;
	v6 =	vmul.f32 v6, v1;
	_ =	sdelay $0x1  }
0x56: {  	v56 =	vmul.f32 v55, v2;
	v4 =	vadd.f32 v6, v4;
	v5 =	vmul.f32 v54, v5;
	_ =	sdelay $0x1  }
0x57: {  	v4 =	vadd.f32 v56, v4;
	v5 =	vmul.f32 v5, v3;
	_ =	sdelay $0x1  }
0x58: {  	v4 =	vadd.f32 v5, v4;
	_ =	sdelay $0x1  }
0x59: {  	(xrf2) =	vadd.scan.msk.f32 $0xffff, v4;
	_ =	sdelay $0x5  }
0x5a: {  	s31 =	simm.s32 $0x2  }
0x5b: {  	v4 =	vmov s31  }
0x5c: {  	v4 =	vand.u32 $0xFFFFFFFE, v4  }
0x5d: {  	v4 =	vbroadcast v4, $0x0  }
0x5e: {  	v5, _, _ =	vpop (xrf2)  }
0x5f: {  	v5 =	vadd.f32 $0.0e+00, v5;
	_ =	sdelay $0x1  }
0x60: {  	v5 =	vbroadcast v5, $0xF;
	_ =	sdelay $0x1  }
0x61: {  	[tilespmem:v4+s13+$0x0] =	vst.idx.msk $0x1, v5  }
0x62: {  	v4 =	vld [tilespmem:s15+$0x40]  }
0x63: {  	v5 =	vld [tilespmem:s15+$0x50]  }
0x64: {  	v57 =	vld [tilespmem:s17+$0x50]  }
0x65: {  	v58 =	vld [tilespmem:s17+$0x40]  }
0x66: {  	v59 =	vld [tilespmem:s15+$0x60]  }
0x67: {  	v60 =	vld [tilespmem:s17+$0x60];
	_ =	sdelay $0x1  }
0x68: {  	v61 =	vld [tilespmem:s15+$0x70]  }
0x69: {  	v62 =	vld [tilespmem:s17+$0x70]  }
0x6a: {  	v5 =	vmul.f32 v57, v5;
	v4 =	vmul.f32 v58, v4  }
0x6b: {  	v63 =	vmul.f32 v60, v59  }
0x6c: {  	v5 =	vmul.f32 v5, v1;
	v4 =	vmul.f32 v4, v0;
	_ =	sdelay $0x1  }
0x6d: {  	v6 =	vmul.f32 v62, v61;
	v4 =	vadd.f32 v5, v4;
	v5 =	vmul.f32 v63, v2;
	_ =	sdelay $0x1  }
0x6e: {  	v4 =	vadd.f32 v5, v4;
	v5 =	vmul.f32 v6, v3;
	_ =	sdelay $0x1  }
0x6f: {  	v4 =	vadd.f32 v5, v4;
	_ =	sdelay $0x1  }
0x70: {  	(xrf2) =	vadd.scan.msk.f32 $0xffff, v4;
	_ =	sdelay $0x2  }
0x71: {  	s18 =	simm.s32 $0x4;
	s19 =	simm.s32 $0x0;
	s16 =	simm.s32 $0x10060  }
.LBB2_2:
0x72: {  	p0 =	slt.u32 s18, $0x1FC;
	s15 =	sadd.s32 $0x100, s15;
	s17 =	sadd.s32 $0x100, s17  }
0x73: {  	s20 =	smov.u32 s18;
	s18 =	sadd.s32 $0x4, s18;
	_ =	sdelay $0x3  }
0x74: {  	s21 =	sadd.s32 $0x3, s19;
	s19 =	smov.u32 s20  }
0x75: {  	v4 =	vmov s21;
	v5, _, _ =	vpop (xrf2)  }
0x76: {  	v5 =	vadd.f32 $0.0e+00, v5;
	_ =	sdelay $0x1  }
0x77: {  	v5 =	vbroadcast v5, $0xF;
	_ =	sdelay $0x1  }
0x78: {  	[tilespmem:v4+s13+$0x0] =	vst.idx.msk $0x1, v5  }
0x79: {  	v4 =	vld [tilespmem:s15+$0xFFFFFF80]  }
0x7a: {  	v5 =	vld [tilespmem:s15+$0xFFFFFF90]  }
0x7b: {  	v6 =	vld [tilespmem:s17+$0xFFFFFF90]  }
0x7c: {  	v7 =	vld [tilespmem:s17+$0xFFFFFF80]  }
0x7d: {  	v8 =	vld [tilespmem:s17+$0xFFFFFFA0]  }
0x7e: {  	v9 =	vld [tilespmem:s15+$0xFFFFFFA0]  }
0x7f: {  	v10 =	vld [tilespmem:s17+$0xFFFFFFB0]  }
0x80: {  	v5 =	vmul.f32 v6, v5;
	v6 =	vld [tilespmem:s15+$0xFFFFFFB0]  }
0x81: {  	v4 =	vmul.f32 v7, v4  }
0x82: {  	v5 =	vmul.f32 v5, v1  }
0x83: {  	v4 =	vmul.f32 v4, v0;
	v7 =	vmul.f32 v8, v9;
	_ =	sdelay $0x1  }
0x84: {  	v4 =	vadd.f32 v5, v4;
	v5 =	vmul.f32 v7, v2;
	v6 =	vmul.f32 v10, v6;
	_ =	sdelay $0x1  }
0x85: {  	v4 =	vadd.f32 v5, v4;
	v5 =	vmul.f32 v6, v3;
	_ =	sdelay $0x1  }
0x86: {  	v4 =	vadd.f32 v5, v4;
	_ =	sdelay $0x1  }
0x87: {  	(xrf2) =	vadd.scan.msk.f32 $0xffff, v4;
	_ =	sdelay $0x6  }
0x88: {  	v4 =	vmov s19  }
0x89: {  	v4 =	vand.u32 $0xFFFFFFFC, v4  }
0x8a: {  	v4 =	vbroadcast v4, $0x0  }
0x8b: {  	v5, _, _ =	vpop (xrf2)  }
0x8c: {  	v5 =	vadd.f32 $0.0e+00, v5;
	_ =	sdelay $0x1  }
0x8d: {  	v5 =	vbroadcast v5, $0xF;
	_ =	sdelay $0x1  }
0x8e: {  	[tilespmem:v4+s13+$0x0] =	vst.idx.msk $0x1, v5  }
0x8f: {  	v4 =	vld [tilespmem:s17+$0xFFFFFFE0]  }
0x90: {  	v5 =	vld [tilespmem:s15+$0xFFFFFFE0]  }
0x91: {  	v6 =	vld [tilespmem:s15+$0xFFFFFFC0]  }
0x92: {  	v7 =	vld [tilespmem:s17+$0xFFFFFFD0]  }
0x93: {  	v8 =	vld [tilespmem:s15+$0xFFFFFFD0]  }
0x94: {  	v9 =	vld [tilespmem:s17+$0xFFFFFFC0];
	_ =	sdelay $0x1  }
0x95: {  	v4 =	vmul.f32 v4, v5  }
0x96: {  	v5 =	vld [tilespmem:s17+$0xFFFFFFF0]  }
0x97: {  	v4 =	vmul.f32 v4, v2;
	v7 =	vmul.f32 v7, v8;
	v8 =	vld [tilespmem:s15+$0xFFFFFFF0]  }
0x98: {  	v6 =	vmul.f32 v9, v6;
	_ =	sdelay $0x1  }
0x99: {  	v7 =	vmul.f32 v7, v1;
	v6 =	vmul.f32 v6, v0;
	_ =	sdelay $0x1  }
0x9a: {  	v6 =	vadd.f32 v7, v6;
	v5 =	vmul.f32 v5, v8;
	_ =	sdelay $0x1  }
0x9b: {  	v4 =	vadd.f32 v4, v6;
	v5 =	vmul.f32 v5, v3;
	_ =	sdelay $0x1  }
0x9c: {  	v4 =	vadd.f32 v5, v4;
	_ =	sdelay $0x1  }
0x9d: {  	(xrf2) =	vadd.scan.msk.f32 $0xffff, v4;
	_ =	sdelay $0x5  }
0x9e: {  	s20 =	sadd.s32 $0x1, s19  }
0x9f: {  	v4 =	vmov s20  }
0xa0: {  	v4 =	vand.u32 $0xFFFFFFFD, v4  }
0xa1: {  	v4 =	vbroadcast v4, $0x0  }
0xa2: {  	v5, _, _ =	vpop (xrf2)  }
0xa3: {  	v5 =	vadd.f32 $0.0e+00, v5;
	_ =	sdelay $0x1  }
0xa4: {  	v5 =	vbroadcast v5, $0xF;
	_ =	sdelay $0x1  }
0xa5: {  	[tilespmem:v4+s13+$0x0] =	vst.idx.msk $0x1, v5  }
0xa6: {  	v4 =	vld [tilespmem:s15+$0x0]  }
0xa7: {  	v5 =	vld [tilespmem:s17+$0x0]  }
0xa8: {  	v6 =	vld [tilespmem:s17+$0x10]  }
0xa9: {  	v7 =	vld [tilespmem:s15+$0x10]  }
0xaa: {  	v8 =	vld [tilespmem:s17+$0x20]  }
0xab: {  	v9 =	vld [tilespmem:s15+$0x20]  }
0xac: {  	v4 =	vmul.f32 v5, v4;
	v5 =	vld [tilespmem:s17+$0x30]  }
0xad: {  	v10 =	vld [tilespmem:s15+$0x30]  }
0xae: {  	v6 =	vmul.f32 v6, v7  }
0xaf: {  	v4 =	vmul.f32 v4, v0  }
0xb0: {  	v6 =	vmul.f32 v6, v1;
	v7 =	vmul.f32 v8, v9;
	_ =	sdelay $0x1  }
0xb1: {  	v4 =	vadd.f32 v6, v4;
	v6 =	vmul.f32 v7, v2;
	v5 =	vmul.f32 v5, v10;
	_ =	sdelay $0x1  }
0xb2: {  	v4 =	vadd.f32 v6, v4;
	v5 =	vmul.f32 v5, v3;
	_ =	sdelay $0x1  }
0xb3: {  	v4 =	vadd.f32 v5, v4;
	_ =	sdelay $0x1  }
0xb4: {  	(xrf2) =	vadd.scan.msk.f32 $0xffff, v4;
	_ =	sdelay $0x5  }
0xb5: {  	s20 =	sadd.s32 $0x2, s19  }
0xb6: {  	v4 =	vmov s20  }
0xb7: {  	v4 =	vand.u32 $0xFFFFFFFE, v4  }
0xb8: {  	v4 =	vbroadcast v4, $0x0  }
0xb9: {  	v5, _, _ =	vpop (xrf2)  }
0xba: {  	v5 =	vadd.f32 $0.0e+00, v5;
	_ =	sdelay $0x1  }
0xbb: {  	v5 =	vbroadcast v5, $0xF;
	_ =	sdelay $0x1  }
0xbc: {  	[tilespmem:v4+s13+$0x0] =	vst.idx.msk $0x1, v5  }
0xbd: {  	v4 =	vld [tilespmem:s15+$0x40]  }
0xbe: {  	v5 =	vld [tilespmem:s15+$0x50]  }
0xbf: {  	v6 =	vld [tilespmem:s17+$0x50]  }
0xc0: {  	v7 =	vld [tilespmem:s17+$0x40]  }
0xc1: {  	v8 =	vld [tilespmem:s15+$0x60]  }
0xc2: {  	v9 =	vld [tilespmem:s17+$0x60]  }
0xc3: {  	v10 =	vld [tilespmem:s15+$0x70]  }
0xc4: {  	v5 =	vmul.f32 v6, v5;
	v6 =	vld [tilespmem:s17+$0x70]  }
0xc5: {  	v4 =	vmul.f32 v7, v4  }
0xc6: {  	v5 =	vmul.f32 v5, v1  }
0xc7: {  	v4 =	vmul.f32 v4, v0;
	v7 =	vmul.f32 v9, v8;
	_ =	sdelay $0x1  }
0xc8: {  	v4 =	vadd.f32 v5, v4;
	v5 =	vmul.f32 v7, v2;
	v6 =	vmul.f32 v6, v10;
	_ =	sdelay $0x1  }
0xc9: {  	v4 =	vadd.f32 v5, v4;
	v5 =	vmul.f32 v6, v3;
	_ =	sdelay $0x1  }
0xca: {  	v4 =	vadd.f32 v5, v4  }
.Ltmp0:
0xcb: {  	(pc) =	sbr.rel @p0 .LBB2_2-.Ltmp0, $1  }
0xcc: {  	(xrf2) =	vadd.scan.msk.f32 $0xffff, v4;
	_ =	sdelay $0x3  }
0xcd: {  	_ =	sdelay $0x4  }
0xce: {  	s15 =	sadd.s32 $0x3, s19  }
0xcf: {  	v0 =	vmov s15;
	v1, _, _ =	vpop (xrf2)  }
0xd0: {  	v1 =	vadd.f32 $0.0e+00, v1;
	_ =	sdelay $0x1  }
0xd1: {  	v1 =	vbroadcast v1, $0xF;
	_ =	sdelay $0x1  }
0xd2: {  	[tilespmem:v0+s13+$0x0] =	vst.idx.msk $0x1, v1  }
0xd3: {  	v0 =	vld [tilespmem:s16+$0xFFFFFFE0];
	_ =	sdelay $0x2  }
0xd4: {  	v1 =	vld [tilespmem:s16+$0x0];
	_ =	sdelay $0x1  }
0xd5: {  	v0 =	vsub.f32 $0.0e+00, v0;
	_ =	sdelay $0x1  }
0xd6: {  	v2 =	vld [tilespmem:s16+$0x10];
	v0 =	vmul.f32 $1.442695020e+00, v0  }
0xd7: {  	v1 =	vsub.f32 $0.0e+00, v1  }
0xd8: {  	(erf) = vpow2.f32 v0;
	v0 =	vld [tilespmem:s16+$0xFFFFFFF0]  }
0xd9: {  	v1 =	vmul.f32 $1.442695020e+00, v1;
	_ =	sdelay $0x1  }
0xda: {  	(erf) = vpow2.f32 v1;
	v1 =	vsub.f32 $0.0e+00, v2;
	_ =	sdelay $0x1  }
0xdb: {  	v1 =	vmul.f32 $1.442695020e+00, v1;
	v0 =	vsub.f32 $0.0e+00, v0;
	_ =	sdelay $0x1  }
0xdc: {  	v0 =	vmul.f32 $1.442695020e+00, v0  }
0xdd: {  	(erf) = vpow2.f32 v1  }
0xde: {  	v1 =	vpop (erf);
	(erf) = vpow2.f32 v0;
	_ =	sdelay $0x3  }
0xdf: {  	v0 =	vadd.f32 $1.000000000e+00, v1;
	v1 =	vpop (erf)  }
0xe0: {  	v1 =	vadd.f32 $1.000000000e+00, v1;
	_ =	sdelay $0x2  }
0xe1: {  	(erf) = vrcp.f32 v0;
	v0 =	vpop (erf)  }
0xe2: {  	(erf) = vrcp.f32 v1;
	v0 =	vadd.f32 $1.000000000e+00, v0;
	v1 =	vpop (erf)  }
0xe3: {  	v1 =	vadd.f32 $1.000000000e+00, v1  }
0xe4: {  	(erf) = vrcp.f32 v0  }
0xe5: {  	(erf) = vrcp.f32 v1;
	_ =	sdelay $0x5  }
0xe6: {  	v0 =	vpop (erf)  }
0xe7: {  	s17 =	simm.s32 $0x100A0;
	s15 =	simm.s32 $0x0;
	[tilespmem:s16+$0xFFFFFFE0] =	vst v0;
	v0 =	vpop (erf)  }
.LBB2_4:
0xe8: {  	v1 =	vld [tilespmem:s17+$0xFFFFFFE0];
	[tilespmem:s16+$0x0] =	vst v0;
	v0 =	vpop (erf)  }
0xe9: {  	v2 =	vld [tilespmem:s17+$0x0];
	[tilespmem:s16+$0x10] =	vst v0;
	v0 =	vpop (erf)  }
0xea: {  	s15 =	sadd.s32 $0x4, s15;
	v3 =	vld [tilespmem:s17+$0x10];
	[tilespmem:s16+$0xFFFFFFF0] =	vst v0;
	s16 =	smov.u32 s17  }
0xeb: {  	p0 =	slt.u32 s15, $0x1C;
	v0 =	vld [tilespmem:s17+$0xFFFFFFF0];
	_ =	sdelay $0x1  }
0xec: {  	v1 =	vsub.f32 $0.0e+00, v1  }
0xed: {  	v2 =	vsub.f32 $0.0e+00, v2  }
0xee: {  	v1 =	vmul.f32 $1.442695020e+00, v1;
	v3 =	vsub.f32 $0.0e+00, v3  }
0xef: {  	v0 =	vsub.f32 $0.0e+00, v0;
	v2 =	vmul.f32 $1.442695020e+00, v2  }
0xf0: {  	v3 =	vmul.f32 $1.442695020e+00, v3;
	(erf) = vpow2.f32 v1  }
0xf1: {  	v0 =	vmul.f32 $1.442695020e+00, v0;
	(erf) = vpow2.f32 v2  }
0xf2: {  	(erf) = vpow2.f32 v3  }
0xf3: {  	(erf) = vpow2.f32 v0;
	_ =	sdelay $0x5  }
0xf4: {  	v0 =	vpop (erf)  }
0xf5: {  	v3 =	vadd.f32 $1.000000000e+00, v0;
	v1 =	vpop (erf)  }
0xf6: {  	v1 =	vadd.f32 $1.000000000e+00, v1;
	v2 =	vpop (erf)  }
0xf7: {  	v2 =	vadd.f32 $1.000000000e+00, v2;
	(erf) = vrcp.f32 v3;
	v0 =	vpop (erf)  }
0xf8: {  	v0 =	vadd.f32 $1.000000000e+00, v0;
	(erf) = vrcp.f32 v1  }
0xf9: {  	(erf) = vrcp.f32 v2  }
0xfa: {  	(erf) = vrcp.f32 v0;
	_ =	sdelay $0x2  }
.Ltmp1:
0xfb: {  	(pc) =	sbr.rel @p0 .LBB2_4-.Ltmp1, $3  }
0xfc: {  	_ =	sdelay $0x1  }
0xfd: {  	v0 =	vpop (erf)  }
0xfe: {  	s17 =	sadd.s32 $0x40, s17;
	[tilespmem:s16+$0xFFFFFFE0] =	vst v0;
	v0 =	vpop (erf)  }
0xff: {  	[tilespmem:s16+$0x0] =	vst v0;
	v62 =	vpop (erf);
	s14 =	sadd.s32 $0x1, s14  }
0x100: {  	[tilespmem:s16+$0x10] =	vst v62;
	v63 =	vpop (erf);
	p0 =	sne.s32 s14, s7  }
.Ltmp2:
0x101: {  	[tilespmem:s16+$0xFFFFFFF0] =	vst v63;
	(pc) =	sbr.rel @p0 .LBB2_1-.Ltmp2, $4  }
0x102: {  	[hbm4b:s6+s3] =	stream.linear.scatter [tilespmem:s13], [sflag:$0x2], $0x200, $0x38;
	[tilespmem:$0x10240] =	vst v63  }
0x103: {  	_ =	swait.ge [sflag:s11], $0x200  }
0x104: {  	[sflag:s11] =	ssyncset.done $0x0  }
0x105: {  	[sflag:s11] =	ssyncadd.s32 $0xFFFFFE00  }
0x106: {  	_ =	sfence.sel $0x180000  }
0x107: {  	[bflag:$0x0] =	sbarrier.arrive $0xFFFF  }
0x108: {  	p0 =	sne.s32 s1, $0x0;
	_ =	strace $0x9000004A  }
0x109: {  	s0 =	sadd.s32 @!p0 $0x100000, s0;
	[bflag:$0x2] =	sbarrier.arrive $0xFFFF  }
0x10a: {  	[sflag:s0] =	ssyncadd.tile.s32 @!p0 $0x1;
	_ =	shalt  }
.Lfunc_end2:
_tile_overlayer_lowered:
.L_overlay_start_2:
0x10b: {  	(tag) =	ssettag $0x2  }
0x10c: {  	s0 =	rddreg [dreg:$0x0];
	s2 =	stileid.u32  }
0x10d: {  	s1 =	rddreg [dreg:$0x1];
	p0 =	sne.s32 s2, $0x0  }
0x10e: {  	s3 =	rddreg [dreg:$0x2];
	[bflag:$0x3] =	sbarrier.arrive $0xFFFF;
	s2 =	simm.s32 @!p0 $0x1C02  }
0x10f: {  	[timem:s3], [sflag:s2] =	dma.local @!p0 [hbm:s0], s1  }
0x110: {  	s0 =	simm.s32 @!p0 $0x2  }
0x111: {  	_ =	swait.ge @!p0 [sflag:s0], s1  }
0x112: {  	s1 =	ssub.s32 @!p0 $0x0, s1;
	[sflag:s0] =	ssyncset.done @!p0 $0x0  }
0x113: {  	[sflag:s0] =	ssyncadd.s32 @!p0 s1  }
0x114: {  	[bflag:$0x3] =	sbarrier.arrive $0xFFFF  }
0x115: {  	_ =	shalt  }

</sc_bundles>
